<compile_context>
chip_gen: v7x
topology: tpu7x:2x2x1
jax: 0.10.2.dev20260603
libtpu: 0.0.44.dev20260713+nightly
codegen_flags: <defaults>
</compile_context>

<pallas_src>
import functools

import jax
import jax.numpy as jnp
from jax import lax
from jax.experimental import pallas as pl
from jax.experimental.pallas import tpu as pltpu
from jax.experimental.pallas import tpu_sc as plsc

_N = 10000
_D = 128
_TAU = 0.8
_LAM = 0.5
_ALPHA = 1.0
_BETA = 1.0


def _pos_tile_kernel(n, bj, pos_ref, p1i_ref, p2i_ref, p1j_ref, p2j_ref,
                     deg_ref, r_ref, a_ref, c_ref, b_ref):
    j = pl.program_id(1)
    col0 = j * bj
    col_ids = col0 + jax.lax.broadcasted_iota(jnp.int32, (1, bj), 1)
    valid = col_ids < n

    pos_t = jnp.where(valid, pos_ref[...], 0.0)
    p1i = p1i_ref[...]
    p2i = p2i_ref[...]
    p1j = p1j_ref[...]
    p2j = p2j_ref[...]

    dn = (((1,), (1,)), ((), ()))
    sim_ij = jnp.exp(
        jax.lax.dot_general(p1i, p2j, dn, preferred_element_type=jnp.float32)
        / _TAU)
    sim_ti = jnp.exp(
        jax.lax.dot_general(p2i, p1j, dn, preferred_element_type=jnp.float32)
        / _TAU)
    sim_ij = jnp.where(valid, sim_ij, 0.0)
    sim_ti = jnp.where(valid, sim_ti, 0.0)

    deg_c = jnp.sum(pos_t, axis=1, keepdims=True)
    r_c = jnp.sum(sim_ij, axis=1, keepdims=True)
    a_c = jnp.sum(sim_ij * pos_t, axis=1, keepdims=True)
    c_c = jnp.sum(sim_ti, axis=1, keepdims=True)
    b_c = jnp.sum(sim_ti * pos_t, axis=1, keepdims=True)

    @pl.when(j == 0)
    def _():
        deg_ref[...] = jnp.zeros_like(deg_ref)
        r_ref[...] = jnp.zeros_like(r_ref)
        a_ref[...] = jnp.zeros_like(a_ref)
        c_ref[...] = jnp.zeros_like(c_ref)
        b_ref[...] = jnp.zeros_like(b_ref)

    deg_ref[...] += deg_c
    r_ref[...] += r_c
    a_ref[...] += a_c
    c_ref[...] += c_c
    b_ref[...] += b_c


def _contrast_sums(pos, p1n, p2n, n, bi, bj):
    grid = (pl.cdiv(n, bi), pl.cdiv(n, bj))
    out_shape = [jax.ShapeDtypeStruct((n, 1), jnp.float32)] * 5
    kern = functools.partial(_pos_tile_kernel, n, bj)
    return pl.pallas_call(
        kern,
        grid=grid,
        in_specs=[
            pl.BlockSpec((bi, bj), lambda i, j: (i, j)),
            pl.BlockSpec((bi, _D), lambda i, j: (i, 0)),
            pl.BlockSpec((bi, _D), lambda i, j: (i, 0)),
            pl.BlockSpec((bj, _D), lambda i, j: (j, 0)),
            pl.BlockSpec((bj, _D), lambda i, j: (j, 0)),
        ],
        out_specs=[pl.BlockSpec((bi, 1), lambda i, j: (i, 0))] * 5,
        out_shape=out_shape,
    )(pos, p1n, p2n, p1n, p2n)


_E = 320000
_SC_CORES = 2
_SC_SUBCORES = 16
_CH = 128


def _gcn_pair_sc_body(hs1_ref, hs2_ref, s1_ref, d1_ref, s2_ref, d2_ref,
                      zrow_ref, out_ref, src_v, dst_v, rows_v, acc_sh, sem):
    c = lax.axis_index("c")
    s = lax.axis_index("s")

    n_rows = 1000
    row0 = s * n_rows

    @pl.when(s < 10)
    def _():
        pltpu.sync_copy(zrow_ref.at[pl.ds(0, n_rows)],
                        acc_sh.at[pl.ds(row0, n_rows)])

    plsc.subcore_barrier()

    e_per_sub = _E // _SC_SUBCORES
    base = s * e_per_sub
    n_chunks = e_per_sub // _CH
    rem = e_per_sub - n_chunks * _CH

    def run(src_hbm, dst_hbm, tab_hbm):
        def chunk(start, sz):
            pltpu.sync_copy(src_hbm.at[pl.ds(start, sz)],
                            src_v.at[pl.ds(0, sz)])
            pltpu.sync_copy(dst_hbm.at[pl.ds(start, sz)],
                            dst_v.at[pl.ds(0, sz)])
            pltpu.async_copy(tab_hbm.at[src_v.at[pl.ds(0, sz)]],
                             rows_v.at[pl.ds(0, sz)], sem).wait()
            pltpu.sync_copy(rows_v.at[pl.ds(0, sz)],
                            acc_sh.at[dst_v.at[pl.ds(0, sz)]], add=True)

        def body(i, carry):
            chunk(base + i * _CH, _CH)
            return carry

        lax.fori_loop(0, n_chunks, body, 0)
        if rem:
            chunk(base + n_chunks * _CH, rem)

    @pl.when(c == 0)
    def _():
        run(s1_ref, d1_ref, hs1_ref)

    @pl.when(c == 1)
    def _():
        run(s2_ref, d2_ref, hs2_ref)

    plsc.subcore_barrier()

    @pl.when(s < 10)
    def _():
        pltpu.sync_copy(acc_sh.at[pl.ds(row0, n_rows)],
                        out_ref.at[c, pl.ds(row0, n_rows)])


def _gcn_pair_sc(hs1, hs2, src1, dst1, src2, dst2):
    zrow = jnp.zeros((1000, _D), jnp.float32)
    mesh = plsc.VectorSubcoreMesh(core_axis_name="c", subcore_axis_name="s")
    f = pl.kernel(
        _gcn_pair_sc_body,
        out_type=jax.ShapeDtypeStruct((_SC_CORES, _N, _D), jnp.float32),
        mesh=mesh,
        scratch_types=[
            pltpu.VMEM((_CH,), jnp.int32),
            pltpu.VMEM((_CH,), jnp.int32),
            pltpu.VMEM((_CH, _D), jnp.float32),
            pltpu.VMEM_SHARED((_N, _D), jnp.float32),
            pltpu.SemaphoreType.DMA,
        ],
    )
    out = f(hs1, hs2, src1, dst1, src2, dst2, zrow)
    return out[0], out[1]


def _layernorm(x, g, b):
    mu = x.mean(-1, keepdims=True)
    var = ((x - mu) ** 2).mean(-1, keepdims=True)
    return (x - mu) / jnp.sqrt(var + 1e-5) * g + b


def _sce_loss(x, y, alpha=3):
    xn = x / (jnp.linalg.norm(x, axis=-1, keepdims=True) + 1e-8)
    yn = y / (jnp.linalg.norm(y, axis=-1, keepdims=True) + 1e-8)
    return jnp.mean((1.0 - (xn * yn).sum(-1)) ** alpha)


def _gcn(h, ei, W):
    src, dst = ei[0], ei[1]
    deg = jax.ops.segment_sum(jnp.ones((ei.shape[1],), dtype=h.dtype), dst,
                              num_segments=_N)
    deg = jnp.maximum(deg, 1.0)
    norm = 1.0 / jnp.sqrt(deg[src] * deg[dst])
    m = h[src] * norm[:, None]
    agg = jax.ops.segment_sum(m, dst, num_segments=_N)
    return jax.nn.elu(agg @ W)


def kernel(feats, pos, edge_index_g, edge_index_mp1, edge_index_mp2,
           W_adapt, b_adapt, W_T, W_A, ln_g, ln_b, W_mp1, W_mp2,
           Ws1, bs1, Ws2, Wc1, bc1, Wc2, bc2):
    h = jax.nn.gelu(feats @ W_adapt + b_adapt)

    src, dst = edge_index_g[0], edge_index_g[1]
    t_h = h @ W_T
    x_e = t_h[src] * h[dst]
    a_e = jnp.exp(x_e @ W_A)[:, 0]
    att = jax.ops.segment_sum(a_e, dst, num_segments=_N)
    a_norm = a_e / (att[dst] + 1e-8)
    m = h[src] * a_norm[:, None]
    h1 = jax.ops.segment_sum(m, dst, num_segments=_N)
    h1 = _layernorm(jax.nn.elu(h1), ln_g, ln_b)

    s1, d1 = edge_index_mp1[0], edge_index_mp1[1]
    s2, d2 = edge_index_mp2[0], edge_index_mp2[1]
    ones_e = jnp.ones((_E,), jnp.float32)
    deg1 = jnp.maximum(jax.ops.segment_sum(ones_e, d1, num_segments=_N), 1.0)
    deg2 = jnp.maximum(jax.ops.segment_sum(ones_e, d2, num_segments=_N), 1.0)
    di1 = jax.lax.rsqrt(deg1)
    di2 = jax.lax.rsqrt(deg2)
    agg1, agg2 = _gcn_pair_sc(h * di1[:, None], h * di2[:, None],
                              s1, d1, s2, d2)
    z1 = jax.nn.elu((agg1 * di1[:, None]) @ W_mp1)
    z2 = jax.nn.elu((agg2 * di2[:, None]) @ W_mp2)

    zstack = jnp.stack([z1, z2], axis=1)
    w = (jnp.tanh(zstack @ Ws1 + bs1) @ Ws2).mean(0)
    beta_w = jax.nn.softmax(w, axis=0)
    h2 = (beta_w[None, :, :] * zstack).sum(1)

    def proj(x):
        return jax.nn.elu(x @ Wc1 + bc1) @ Wc2 + bc2

    p1 = proj(h1)
    p2 = proj(h2)
    p1n = p1 / (jnp.linalg.norm(p1, axis=1, keepdims=True) + 1e-8)
    p2n = p2 / (jnp.linalg.norm(p2, axis=1, keepdims=True) + 1e-8)

    deg, r, a, c, b = _contrast_sums(pos, p1n, p2n, _N, 1024, 1024)
    degree = deg[:, 0]

    k = _N // 2
    _, idx = jax.lax.top_k(degree, k)
    intra_loss = _sce_loss(z1[idx], z2[idx])

    l1 = -jnp.log(a[:, 0] / (r[:, 0] + 1e-8) + 1e-8).mean()
    l2 = -jnp.log(b[:, 0] / (c[:, 0] + 1e-8) + 1e-8).mean()
    inter_loss = _LAM * l1 + (1.0 - _LAM) * l2
    return _ALPHA * inter_loss + _BETA * intra_loss

# --- scband reference (transcript-rebuilt; emitter-appended) ---
"""Pipeline reference for scband-hgcl-79233556676639 (READ-ONLY COPY).

The authoritative reference and input builder live on the scoring server;
editing this copy changes nothing except your own understanding.
"""

import jax, jax.numpy as jnp
import numpy as np

N = 10000
E = 320000
D = 128
TAU = 0.8
LAM = 0.5
ALPHA = 1.0
BETA = 1.0


def setup_inputs(seed: int = 0) -> dict:
    key = jax.random.key(seed)
    ks = jax.random.split(key, 24)
    s = 0.02
    inp = {}
    inp['feats'] = jax.random.normal(ks[0], (N, D), dtype=jnp.float32)
    inp['pos'] = jax.random.uniform(ks[1], (N, N), dtype=jnp.float32)
    inp['edge_index_g'] = jax.random.randint(ks[2], (2, E), 0, N, dtype=jnp.int32)
    inp['edge_index_mp1'] = jax.random.randint(ks[3], (2, E), 0, N, dtype=jnp.int32)
    inp['edge_index_mp2'] = jax.random.randint(ks[4], (2, E), 0, N, dtype=jnp.int32)
    inp['W_adapt'] = jax.random.normal(ks[5], (D, D), dtype=jnp.float32) * s
    inp['b_adapt'] = jnp.zeros((D,), dtype=jnp.float32)
    inp['W_T'] = jax.random.normal(ks[6], (D, D), dtype=jnp.float32) * s
    inp['W_A'] = jax.random.normal(ks[7], (D, 1), dtype=jnp.float32) * s
    inp['ln_g'] = jnp.ones((D,), dtype=jnp.float32)
    inp['ln_b'] = jnp.zeros((D,), dtype=jnp.float32)
    inp['W_mp1'] = jax.random.normal(ks[8], (D, D), dtype=jnp.float32) * s
    inp['W_mp2'] = jax.random.normal(ks[9], (D, D), dtype=jnp.float32) * s
    inp['Ws1'] = jax.random.normal(ks[10], (D, D), dtype=jnp.float32) * s
    inp['bs1'] = jnp.zeros((D,), dtype=jnp.float32)
    inp['Ws2'] = jax.random.normal(ks[11], (D, 1), dtype=jnp.float32) * s
    inp['Wc1'] = jax.random.normal(ks[12], (D, D), dtype=jnp.float32) * s
    inp['bc1'] = jnp.zeros((D,), dtype=jnp.float32)
    inp['Wc2'] = jax.random.normal(ks[13], (D, D), dtype=jnp.float32) * s
    inp['bc2'] = jnp.zeros((D,), dtype=jnp.float32)
    return inp


def _layernorm(x, g, b):
    mu = x.mean(-1, keepdims=True)
    var = ((x - mu) ** 2).mean(-1, keepdims=True)
    return (x - mu) / jnp.sqrt(var + 1e-5) * g + b


def _sce_loss(x, y, alpha=3):
    xn = x / (jnp.linalg.norm(x, axis=-1, keepdims=True) + 1e-8)
    yn = y / (jnp.linalg.norm(y, axis=-1, keepdims=True) + 1e-8)
    return jnp.mean((1.0 - (xn * yn).sum(-1)) ** alpha)


def _gcn(h, ei, W):
    src, dst = ei[0], ei[1]
    deg = jax.ops.segment_sum(jnp.ones((ei.shape[1],), dtype=h.dtype), dst, num_segments=N)
    deg = jnp.maximum(deg, 1.0)
    norm = 1.0 / jnp.sqrt(deg[src] * deg[dst])
    m = h[src] * norm[:, None]
    agg = jax.ops.segment_sum(m, dst, num_segments=N)
    return jax.nn.elu(agg @ W)


def reference(feats, pos, edge_index_g, edge_index_mp1, edge_index_mp2,
              W_adapt, b_adapt, W_T, W_A, ln_g, ln_b, W_mp1, W_mp2,
              Ws1, bs1, Ws2, Wc1, bc1, Wc2, bc2):
    # adapt + gelu
    h = jax.nn.gelu(feats @ W_adapt + b_adapt)
    # RelationalAGG (homogeneous, single etype): edge attention exp(W_A(u_t_h * v_h))
    src, dst = edge_index_g[0], edge_index_g[1]
    t_h = h @ W_T
    x_e = t_h[src] * h[dst]
    a_e = jnp.exp(x_e @ W_A)[:, 0]
    att = jax.ops.segment_sum(a_e, dst, num_segments=N)
    a_norm = a_e / (att[dst] + 1e-8)
    m = h[src] * a_norm[:, None]
    h1 = jax.ops.segment_sum(m, dst, num_segments=N)
    h1 = _layernorm(jax.nn.elu(h1), ln_g, ln_b)
    # HANLayer: per meta-path graph encoder (GCN stand-in for Autoencoder)
    z1 = _gcn(h, edge_index_mp1, W_mp1)
    z2 = _gcn(h, edge_index_mp2, W_mp2)
    # get_intra_pos: topk by degree of pos
    degree = pos.sum(1)
    k = N // 2
    _, idx = jax.lax.top_k(degree, k)
    intra_loss = _sce_loss(z1[idx], z2[idx])
    # semantic attention
    zstack = jnp.stack([z1, z2], axis=1)  # (N, 2, D)
    w = (jnp.tanh(zstack @ Ws1 + bs1) @ Ws2).mean(0)  # (2, 1)
    beta_w = jax.nn.softmax(w, axis=0)
    h2 = (beta_w[None, :, :] * zstack).sum(1)  # (N, D)
    # Contrast (HeCo-style)
    def proj(x):
        return jax.nn.elu(x @ Wc1 + bc1) @ Wc2 + bc2
    p1 = proj(h1)
    p2 = proj(h2)
    p1n = p1 / (jnp.linalg.norm(p1, axis=1, keepdims=True) + 1e-8)
    p2n = p2 / (jnp.linalg.norm(p2, axis=1, keepdims=True) + 1e-8)
    sim = jnp.exp((p1n @ p2n.T) / TAU)
    m12 = sim / (sim.sum(1, keepdims=True) + 1e-8)
    l1 = -jnp.log((m12 * pos).sum(1) + 1e-8).mean()
    simT = sim.T
    m21 = simT / (simT.sum(1, keepdims=True) + 1e-8)
    l2 = -jnp.log((m21 * pos).sum(1) + 1e-8).mean()
    inter_loss = LAM * l1 + (1.0 - LAM) * l2
    return ALPHA * inter_loss + BETA * intra_loss

if __name__ == "__main__":
    import jax
    _d = setup_inputs()
    print(jax.jit(kernel)(*tuple(_d.values())))

</pallas_src>

<mosaic_0001>
#map = affine_map<(d0, d1) -> (0, 0)>
#map1 = affine_map<(d0, d1) -> (0)>
#map2 = affine_map<(d0, d1) -> (0, 0, 0)>
module attributes {stable_mosaic.version = 14 : i64} {
  func.func @_gcn_pair_sc_body(%arg0: i32, %arg1: i32, %arg2: memref<10000x128xf32, #tpu.memory_space<hbm>>, %arg3: memref<10000x128xf32, #tpu.memory_space<hbm>>, %arg4: memref<320000xi32, #tpu.memory_space<hbm>>, %arg5: memref<320000xi32, #tpu.memory_space<hbm>>, %arg6: memref<320000xi32, #tpu.memory_space<hbm>>, %arg7: memref<320000xi32, #tpu.memory_space<hbm>>, %arg8: memref<1000x128xf32, #tpu.memory_space<hbm>>, %arg9: memref<2x10000x128xf32, #tpu.memory_space<hbm>>, %arg10: memref<128xi32, #tpu.memory_space<vmem>>, %arg11: memref<128xi32, #tpu.memory_space<vmem>>, %arg12: memref<128x128xf32, #tpu.memory_space<vmem>>, %arg13: memref<10000x128xf32, #tpu.memory_space<vmem_shared>>, %arg14: memref<!tpu.dma_semaphore, #tpu.memory_space<semaphore_mem>>) attributes {dimension_semantics = [#tpu.dimension_semantics<core_parallel>, #tpu.dimension_semantics<subcore_parallel>], iteration_bounds = array<i64: 2, 16>, scalar_prefetch = 0 : i64, scratch_operands = 5 : i64, tpu.core_type = #tpu.core_type<sc_vector_subcore>, window_params = [{transform_indices = #map}, {transform_indices = #map}, {transform_indices = #map1}, {transform_indices = #map1}, {transform_indices = #map1}, {transform_indices = #map1}, {transform_indices = #map}, {transform_indices = #map2}]} {
    %mul3A = arith.constant 1000 : i32
    %mul3A_0 = arith.muli %arg1, %mul3A : i32
    %lt3A = arith.constant 10 : i32
    %lt3A_1 = arith.cmpi slt, %arg1, %lt3A : i32
    %convert_element_type3A = arith.extui %lt3A_1 : i1 to i32
    %cond3A = arith.constant 0 : i32
    %cond3A_2 = arith.cmpi ne, %convert_element_type3A, %cond3A : i32
    scf.if %cond3A_2 {
      "tpu.region"() ({
        %run_scoped3A = tpu.sem_alloc : memref<!tpu.dma_semaphore, #tpu.memory_space<semaphore_mem>>
        %dma_start3A = arith.constant 0 : i32
        %dma_start3A_20 = tpu.memref_slice %arg13[%mul3A_0, %dma_start3A] : memref<10000x128xf32, #tpu.memory_space<vmem_shared>> -> memref<1000x128xf32, #tpu.memory_space<vmem_shared>>
        %dma_start3A_21 = arith.constant 0 : i32
        %dma_start3A_22 = arith.constant 0 : i32
        %dma_start3A_23 = tpu.memref_slice %arg8[%dma_start3A_21, %dma_start3A_22] : memref<1000x128xf32, #tpu.memory_space<hbm>> -> memref<1000x128xf32, #tpu.memory_space<hbm>>
        tpu.enqueue_dma source(%dma_start3A_23 : memref<1000x128xf32, #tpu.memory_space<hbm>>) target(%dma_start3A_20 : memref<1000x128xf32, #tpu.memory_space<vmem_shared>>) target_semaphore(%run_scoped3A : memref<!tpu.dma_semaphore, #tpu.memory_space<semaphore_mem>>)
        %dma_wait3A = arith.constant 0 : i32
        %dma_wait3A_24 = tpu.memref_slice %arg13[%mul3A_0, %dma_wait3A] : memref<10000x128xf32, #tpu.memory_space<vmem_shared>> -> memref<1000x128xf32, #tpu.memory_space<vmem_shared>>
        %dma_wait3A_25 = arith.constant 0 : i32
        %dma_wait3A_26 = arith.constant 0 : i32
        %dma_wait3A_27 = tpu.memref_slice %arg8[%dma_wait3A_25, %dma_wait3A_26] : memref<1000x128xf32, #tpu.memory_space<hbm>> -> memref<1000x128xf32, #tpu.memory_space<hbm>>
        tpu.wait_dma2 semaphore(%run_scoped3A : memref<!tpu.dma_semaphore, #tpu.memory_space<semaphore_mem>>) src(%dma_wait3A_27 : memref<1000x128xf32, #tpu.memory_space<hbm>>) dst(%dma_wait3A_24 : memref<1000x128xf32, #tpu.memory_space<vmem_shared>>)
        tpu.yield
      }) : () -> ()
    } else {
    }
    %barrier3A = arith.constant 0 : index
    tpu.barrier barrier_id(%barrier3A)
    %mul3A_3 = arith.constant 20000 : i32
    %mul3A_4 = arith.muli %arg1, %mul3A_3 : i32
    %eq3A = arith.constant 0 : i32
    %eq3A_5 = arith.cmpi eq, %arg0, %eq3A : i32
    %convert_element_type3A_6 = arith.extui %eq3A_5 : i1 to i32
    %cond3A_7 = arith.constant 0 : i32
    %cond3A_8 = arith.cmpi ne, %convert_element_type3A_6, %cond3A_7 : i32
    scf.if %cond3A_8 {
      %scan3A = arith.constant 0 : i32
      %scan3A_20 = arith.constant 0 : i32
      %scan3A_21 = arith.constant 156 : i32
      %scan3A_22 = arith.addi %scan3A_20, %scan3A_21 : i32
      %scan3A_23 = arith.constant 1 : i32
      scf.for %scan3A_40 = %scan3A_20 to %scan3A_22 step %scan3A_23  : i32 {
        %mul3A_41 = arith.constant 128 : i32
        %mul3A_42 = arith.muli %scan3A_40, %mul3A_41 : i32
        %add3A_43 = arith.addi %mul3A_4, %mul3A_42 : i32
        "tpu.region"() ({
          %run_scoped3A = tpu.sem_alloc : memref<!tpu.dma_semaphore, #tpu.memory_space<semaphore_mem>>
          %dma_start3A_60 = arith.constant 0 : i32
          %dma_start3A_61 = tpu.memref_slice %arg10[%dma_start3A_60] : memref<128xi32, #tpu.memory_space<vmem>> -> memref<128xi32, #tpu.memory_space<vmem>>
          %dma_start3A_62 = tpu.memref_slice %arg4[%add3A_43] : memref<320000xi32, #tpu.memory_space<hbm>> -> memref<128xi32, #tpu.memory_space<hbm>>
          %dma_start3A_63 = arith.constant 0 : i32
          %dma_start3A_64 = tpu.memref_slice %arg10[%dma_start3A_63] : memref<128xi32, #tpu.memory_space<vmem>> -> memref<128xi32, #tpu.memory_space<vmem>>
          %dma_start3A_65 = tpu.memref_slice %arg4[%add3A_43] : memref<320000xi32, #tpu.memory_space<hbm>> -> memref<128xi32, #tpu.memory_space<hbm>>
          tpu.enqueue_dma source(%dma_start3A_65 : memref<128xi32, #tpu.memory_space<hbm>>) target(%dma_start3A_64 : memref<128xi32, #tpu.memory_space<vmem>>) target_semaphore(%run_scoped3A : memref<!tpu.dma_semaphore, #tpu.memory_space<semaphore_mem>>)
          %dma_wait3A_66 = arith.constant 0 : i32
          %dma_wait3A_67 = tpu.memref_slice %arg10[%dma_wait3A_66] : memref<128xi32, #tpu.memory_space<vmem>> -> memref<128xi32, #tpu.memory_space<vmem>>
          %dma_wait3A_68 = tpu.memref_slice %arg4[%add3A_43] : memref<320000xi32, #tpu.memory_space<hbm>> -> memref<128xi32, #tpu.memory_space<hbm>>
          %dma_wait3A_69 = arith.constant 0 : i32
          %dma_wait3A_70 = tpu.memref_slice %arg10[%dma_wait3A_69] : memref<128xi32, #tpu.memory_space<vmem>> -> memref<128xi32, #tpu.memory_space<vmem>>
          %dma_wait3A_71 = tpu.memref_slice %arg4[%add3A_43] : memref<320000xi32, #tpu.memory_space<hbm>> -> memref<128xi32, #tpu.memory_space<hbm>>
          tpu.wait_dma2 semaphore(%run_scoped3A : memref<!tpu.dma_semaphore, #tpu.memory_space<semaphore_mem>>) src(%dma_wait3A_71 : memref<128xi32, #tpu.memory_space<hbm>>) dst(%dma_wait3A_70 : memref<128xi32, #tpu.memory_space<vmem>>)
          tpu.yield
        }) : () -> ()
        "tpu.region"() ({
          %run_scoped3A = tpu.sem_alloc : memref<!tpu.dma_semaphore, #tpu.memory_space<semaphore_mem>>
          %dma_start3A_60 = arith.constant 0 : i32
          %dma_start3A_61 = tpu.memref_slice %arg11[%dma_start3A_60] : memref<128xi32, #tpu.memory_space<vmem>> -> memref<128xi32, #tpu.memory_space<vmem>>
          %dma_start3A_62 = tpu.memref_slice %arg5[%add3A_43] : memref<320000xi32, #tpu.memory_space<hbm>> -> memref<128xi32, #tpu.memory_space<hbm>>
          %dma_start3A_63 = arith.constant 0 : i32
          %dma_start3A_64 = tpu.memref_slice %arg11[%dma_start3A_63] : memref<128xi32, #tpu.memory_space<vmem>> -> memref<128xi32, #tpu.memory_space<vmem>>
          %dma_start3A_65 = tpu.memref_slice %arg5[%add3A_43] : memref<320000xi32, #tpu.memory_space<hbm>> -> memref<128xi32, #tpu.memory_space<hbm>>
          tpu.enqueue_dma source(%dma_start3A_65 : memref<128xi32, #tpu.memory_space<hbm>>) target(%dma_start3A_64 : memref<128xi32, #tpu.memory_space<vmem>>) target_semaphore(%run_scoped3A : memref<!tpu.dma_semaphore, #tpu.memory_space<semaphore_mem>>)
          %dma_wait3A_66 = arith.constant 0 : i32
          %dma_wait3A_67 = tpu.memref_slice %arg11[%dma_wait3A_66] : memref<128xi32, #tpu.memory_space<vmem>> -> memref<128xi32, #tpu.memory_space<vmem>>
          %dma_wait3A_68 = tpu.memref_slice %arg5[%add3A_43] : memref<320000xi32, #tpu.memory_space<hbm>> -> memref<128xi32, #tpu.memory_space<hbm>>
          %dma_wait3A_69 = arith.constant 0 : i32
          %dma_wait3A_70 = tpu.memref_slice %arg11[%dma_wait3A_69] : memref<128xi32, #tpu.memory_space<vmem>> -> memref<128xi32, #tpu.memory_space<vmem>>
          %dma_wait3A_71 = tpu.memref_slice %arg5[%add3A_43] : memref<320000xi32, #tpu.memory_space<hbm>> -> memref<128xi32, #tpu.memory_space<hbm>>
          tpu.wait_dma2 semaphore(%run_scoped3A : memref<!tpu.dma_semaphore, #tpu.memory_space<semaphore_mem>>) src(%dma_wait3A_71 : memref<128xi32, #tpu.memory_space<hbm>>) dst(%dma_wait3A_70 : memref<128xi32, #tpu.memory_space<vmem>>)
          tpu.yield
        }) : () -> ()
        %dma_start3A_44 = arith.constant 0 : i32
        %dma_start3A_45 = arith.constant 0 : i32
        %dma_start3A_46 = tpu.memref_slice %arg12[%dma_start3A_44, %dma_start3A_45] : memref<128x128xf32, #tpu.memory_space<vmem>> -> memref<128x128xf32, #tpu.memory_space<vmem>>
        %dma_start3A_47 = arith.constant 0 : i32
        %dma_start3A_48 = tpu.memref_slice %arg10[%dma_start3A_47] : memref<128xi32, #tpu.memory_space<vmem>> -> memref<128xi32, #tpu.memory_space<vmem>>
        %dma_start3A_49 = arith.constant 0 : i32
        %dma_start3A_50 = arith.constant 0 : i32
        %dma_start3A_51 = tpu.memref_slice %arg2[%dma_start3A_49, %dma_start3A_50] : memref<10000x128xf32, #tpu.memory_space<hbm>> -> memref<10000x128xf32, #tpu.memory_space<hbm>>
        tpu.enqueue_indirect_dma source(%dma_start3A_51 : memref<10000x128xf32, #tpu.memory_space<hbm>>) target(%dma_start3A_46 : memref<128x128xf32, #tpu.memory_space<vmem>>) offsets(%dma_start3A_48 : memref<128xi32, #tpu.memory_space<vmem>>) semaphore(%arg14 : memref<!tpu.dma_semaphore, #tpu.memory_space<semaphore_mem>>)
        %dma_wait3A_52 = arith.constant 0 : i32
        %dma_wait3A_53 = arith.constant 0 : i32
        %dma_wait3A_54 = tpu.memref_slice %arg12[%dma_wait3A_52, %dma_wait3A_53] : memref<128x128xf32, #tpu.memory_space<vmem>> -> memref<128x128xf32, #tpu.memory_space<vmem>>
        %dma_wait3A_55 = arith.constant 0 : i32
        %dma_wait3A_56 = tpu.memref_slice %arg10[%dma_wait3A_55] : memref<128xi32, #tpu.memory_space<vmem>> -> memref<128xi32, #tpu.memory_space<vmem>>
        %dma_wait3A_57 = arith.constant 0 : i32
        %dma_wait3A_58 = arith.constant 0 : i32
        %dma_wait3A_59 = tpu.memref_slice %arg2[%dma_wait3A_57, %dma_wait3A_58] : memref<10000x128xf32, #tpu.memory_space<hbm>> -> memref<10000x128xf32, #tpu.memory_space<hbm>>
        tpu.wait_indirect_dma semaphore(%arg14 : memref<!tpu.dma_semaphore, #tpu.memory_space<semaphore_mem>>) src(%dma_wait3A_59 : memref<10000x128xf32, #tpu.memory_space<hbm>>) dst(%dma_wait3A_54 : memref<128x128xf32, #tpu.memory_space<vmem>>)
        "tpu.region"() ({
          %run_scoped3A = tpu.sem_alloc : memref<!tpu.dma_semaphore, #tpu.memory_space<semaphore_mem>>
          %dma_start3A_60 = arith.constant 0 : i32
          %dma_start3A_61 = arith.constant 0 : i32
          %dma_start3A_62 = tpu.memref_slice %arg12[%dma_start3A_60, %dma_start3A_61] : memref<128x128xf32, #tpu.memory_space<vmem>> -> memref<128x128xf32, #tpu.memory_space<vmem>>
          %dma_start3A_63 = arith.constant 0 : i32
          %dma_start3A_64 = tpu.memref_slice %arg11[%dma_start3A_63] : memref<128xi32, #tpu.memory_space<vmem>> -> memref<128xi32, #tpu.memory_space<vmem>>
          %dma_start3A_65 = arith.constant 0 : i32
          %dma_start3A_66 = arith.constant 0 : i32
          %dma_start3A_67 = tpu.memref_slice %arg13[%dma_start3A_65, %dma_start3A_66] : memref<10000x128xf32, #tpu.memory_space<vmem_shared>> -> memref<10000x128xf32, #tpu.memory_space<vmem_shared>>
          tpu.enqueue_indirect_dma source(%dma_start3A_62 : memref<128x128xf32, #tpu.memory_space<vmem>>) target(%dma_start3A_67 : memref<10000x128xf32, #tpu.memory_space<vmem_shared>>) offsets(%dma_start3A_64 : memref<128xi32, #tpu.memory_space<vmem>>) semaphore(%run_scoped3A : memref<!tpu.dma_semaphore, #tpu.memory_space<semaphore_mem>>) {add = true}
          %dma_wait3A_68 = arith.constant 0 : i32
          %dma_wait3A_69 = arith.constant 0 : i32
          %dma_wait3A_70 = tpu.memref_slice %arg12[%dma_wait3A_68, %dma_wait3A_69] : memref<128x128xf32, #tpu.memory_space<vmem>> -> memref<128x128xf32, #tpu.memory_space<vmem>>
          %dma_wait3A_71 = arith.constant 0 : i32
          %dma_wait3A_72 = tpu.memref_slice %arg11[%dma_wait3A_71] : memref<128xi32, #tpu.memory_space<vmem>> -> memref<128xi32, #tpu.memory_space<vmem>>
          %dma_wait3A_73 = arith.constant 0 : i32
          %dma_wait3A_74 = arith.constant 0 : i32
          %dma_wait3A_75 = tpu.memref_slice %arg13[%dma_wait3A_73, %dma_wait3A_74] : memref<10000x128xf32, #tpu.memory_space<vmem_shared>> -> memref<10000x128xf32, #tpu.memory_space<vmem_shared>>
          tpu.wait_indirect_dma semaphore(%run_scoped3A : memref<!tpu.dma_semaphore, #tpu.memory_space<semaphore_mem>>) src(%dma_wait3A_70 : memref<128x128xf32, #tpu.memory_space<vmem>>) dst(%dma_wait3A_75 : memref<10000x128xf32, #tpu.memory_space<vmem_shared>>)
          tpu.yield
        }) : () -> ()
      }
      %scan3A_24 = arith.constant 156 : i32
      %add3A = arith.constant 19968 : i32
      %add3A_25 = arith.addi %mul3A_4, %add3A : i32
      "tpu.region"() ({
        %run_scoped3A = tpu.sem_alloc : memref<!tpu.dma_semaphore, #tpu.memory_space<semaphore_mem>>
        %dma_start3A_40 = arith.constant 0 : i32
        %dma_start3A_41 = tpu.memref_slice %arg10[%dma_start3A_40] : memref<128xi32, #tpu.memory_space<vmem>> -> memref<32xi32, #tpu.memory_space<vmem>>
        %dma_start3A_42 = tpu.memref_slice %arg4[%add3A_25] : memref<320000xi32, #tpu.memory_space<hbm>> -> memref<32xi32, #tpu.memory_space<hbm>>
        %dma_start3A_43 = arith.constant 0 : i32
        %dma_start3A_44 = tpu.memref_slice %arg10[%dma_start3A_43] : memref<128xi32, #tpu.memory_space<vmem>> -> memref<32xi32, #tpu.memory_space<vmem>>
        %dma_start3A_45 = tpu.memref_slice %arg4[%add3A_25] : memref<320000xi32, #tpu.memory_space<hbm>> -> memref<32xi32, #tpu.memory_space<hbm>>
        tpu.enqueue_dma source(%dma_start3A_45 : memref<32xi32, #tpu.memory_space<hbm>>) target(%dma_start3A_44 : memref<32xi32, #tpu.memory_space<vmem>>) target_semaphore(%run_scoped3A : memref<!tpu.dma_semaphore, #tpu.memory_space<semaphore_mem>>)
        %dma_wait3A_46 = arith.constant 0 : i32
        %dma_wait3A_47 = tpu.memref_slice %arg10[%dma_wait3A_46] : memref<128xi32, #tpu.memory_space<vmem>> -> memref<32xi32, #tpu.memory_space<vmem>>
        %dma_wait3A_48 = tpu.memref_slice %arg4[%add3A_25] : memref<320000xi32, #tpu.memory_space<hbm>> -> memref<32xi32, #tpu.memory_space<hbm>>
        %dma_wait3A_49 = arith.constant 0 : i32
        %dma_wait3A_50 = tpu.memref_slice %arg10[%dma_wait3A_49] : memref<128xi32, #tpu.memory_space<vmem>> -> memref<32xi32, #tpu.memory_space<vmem>>
        %dma_wait3A_51 = tpu.memref_slice %arg4[%add3A_25] : memref<320000xi32, #tpu.memory_space<hbm>> -> memref<32xi32, #tpu.memory_space<hbm>>
        tpu.wait_dma2 semaphore(%run_scoped3A : memref<!tpu.dma_semaphore, #tpu.memory_space<semaphore_mem>>) src(%dma_wait3A_51 : memref<32xi32, #tpu.memory_space<hbm>>) dst(%dma_wait3A_50 : memref<32xi32, #tpu.memory_space<vmem>>)
        tpu.yield
      }) : () -> ()
      "tpu.region"() ({
        %run_scoped3A = tpu.sem_alloc : memref<!tpu.dma_semaphore, #tpu.memory_space<semaphore_mem>>
        %dma_start3A_40 = arith.constant 0 : i32
        %dma_start3A_41 = tpu.memref_slice %arg11[%dma_start3A_40] : memref<128xi32, #tpu.memory_space<vmem>> -> memref<32xi32, #tpu.memory_space<vmem>>
        %dma_start3A_42 = tpu.memref_slice %arg5[%add3A_25] : memref<320000xi32, #tpu.memory_space<hbm>> -> memref<32xi32, #tpu.memory_space<hbm>>
        %dma_start3A_43 = arith.constant 0 : i32
        %dma_start3A_44 = tpu.memref_slice %arg11[%dma_start3A_43] : memref<128xi32, #tpu.memory_space<vmem>> -> memref<32xi32, #tpu.memory_space<vmem>>
        %dma_start3A_45 = tpu.memref_slice %arg5[%add3A_25] : memref<320000xi32, #tpu.memory_space<hbm>> -> memref<32xi32, #tpu.memory_space<hbm>>
        tpu.enqueue_dma source(%dma_start3A_45 : memref<32xi32, #tpu.memory_space<hbm>>) target(%dma_start3A_44 : memref<32xi32, #tpu.memory_space<vmem>>) target_semaphore(%run_scoped3A : memref<!tpu.dma_semaphore, #tpu.memory_space<semaphore_mem>>)
        %dma_wait3A_46 = arith.constant 0 : i32
        %dma_wait3A_47 = tpu.memref_slice %arg11[%dma_wait3A_46] : memref<128xi32, #tpu.memory_space<vmem>> -> memref<32xi32, #tpu.memory_space<vmem>>
        %dma_wait3A_48 = tpu.memref_slice %arg5[%add3A_25] : memref<320000xi32, #tpu.memory_space<hbm>> -> memref<32xi32, #tpu.memory_space<hbm>>
        %dma_wait3A_49 = arith.constant 0 : i32
        %dma_wait3A_50 = tpu.memref_slice %arg11[%dma_wait3A_49] : memref<128xi32, #tpu.memory_space<vmem>> -> memref<32xi32, #tpu.memory_space<vmem>>
        %dma_wait3A_51 = tpu.memref_slice %arg5[%add3A_25] : memref<320000xi32, #tpu.memory_space<hbm>> -> memref<32xi32, #tpu.memory_space<hbm>>
        tpu.wait_dma2 semaphore(%run_scoped3A : memref<!tpu.dma_semaphore, #tpu.memory_space<semaphore_mem>>) src(%dma_wait3A_51 : memref<32xi32, #tpu.memory_space<hbm>>) dst(%dma_wait3A_50 : memref<32xi32, #tpu.memory_space<vmem>>)
        tpu.yield
      }) : () -> ()
      %dma_start3A = arith.constant 0 : i32
      %dma_start3A_26 = arith.constant 0 : i32
      %dma_start3A_27 = tpu.memref_slice %arg12[%dma_start3A, %dma_start3A_26] : memref<128x128xf32, #tpu.memory_space<vmem>> -> memref<32x128xf32, #tpu.memory_space<vmem>>
      %dma_start3A_28 = arith.constant 0 : i32
      %dma_start3A_29 = tpu.memref_slice %arg10[%dma_start3A_28] : memref<128xi32, #tpu.memory_space<vmem>> -> memref<32xi32, #tpu.memory_space<vmem>>
      %dma_start3A_30 = arith.constant 0 : i32
      %dma_start3A_31 = arith.constant 0 : i32
      %dma_start3A_32 = tpu.memref_slice %arg2[%dma_start3A_30, %dma_start3A_31] : memref<10000x128xf32, #tpu.memory_space<hbm>> -> memref<10000x128xf32, #tpu.memory_space<hbm>>
      tpu.enqueue_indirect_dma source(%dma_start3A_32 : memref<10000x128xf32, #tpu.memory_space<hbm>>) target(%dma_start3A_27 : memref<32x128xf32, #tpu.memory_space<vmem>>) offsets(%dma_start3A_29 : memref<32xi32, #tpu.memory_space<vmem>>) semaphore(%arg14 : memref<!tpu.dma_semaphore, #tpu.memory_space<semaphore_mem>>)
      %dma_wait3A = arith.constant 0 : i32
      %dma_wait3A_33 = arith.constant 0 : i32
      %dma_wait3A_34 = tpu.memref_slice %arg12[%dma_wait3A, %dma_wait3A_33] : memref<128x128xf32, #tpu.memory_space<vmem>> -> memref<32x128xf32, #tpu.memory_space<vmem>>
      %dma_wait3A_35 = arith.constant 0 : i32
      %dma_wait3A_36 = tpu.memref_slice %arg10[%dma_wait3A_35] : memref<128xi32, #tpu.memory_space<vmem>> -> memref<32xi32, #tpu.memory_space<vmem>>
      %dma_wait3A_37 = arith.constant 0 : i32
      %dma_wait3A_38 = arith.constant 0 : i32
      %dma_wait3A_39 = tpu.memref_slice %arg2[%dma_wait3A_37, %dma_wait3A_38] : memref<10000x128xf32, #tpu.memory_space<hbm>> -> memref<10000x128xf32, #tpu.memory_space<hbm>>
      tpu.wait_indirect_dma semaphore(%arg14 : memref<!tpu.dma_semaphore, #tpu.memory_space<semaphore_mem>>) src(%dma_wait3A_39 : memref<10000x128xf32, #tpu.memory_space<hbm>>) dst(%dma_wait3A_34 : memref<32x128xf32, #tpu.memory_space<vmem>>)
      "tpu.region"() ({
        %run_scoped3A = tpu.sem_alloc : memref<!tpu.dma_semaphore, #tpu.memory_space<semaphore_mem>>
        %dma_start3A_40 = arith.constant 0 : i32
        %dma_start3A_41 = arith.constant 0 : i32
        %dma_start3A_42 = tpu.memref_slice %arg12[%dma_start3A_40, %dma_start3A_41] : memref<128x128xf32, #tpu.memory_space<vmem>> -> memref<32x128xf32, #tpu.memory_space<vmem>>
        %dma_start3A_43 = arith.constant 0 : i32
        %dma_start3A_44 = tpu.memref_slice %arg11[%dma_start3A_43] : memref<128xi32, #tpu.memory_space<vmem>> -> memref<32xi32, #tpu.memory_space<vmem>>
        %dma_start3A_45 = arith.constant 0 : i32
        %dma_start3A_46 = arith.constant 0 : i32
        %dma_start3A_47 = tpu.memref_slice %arg13[%dma_start3A_45, %dma_start3A_46] : memref<10000x128xf32, #tpu.memory_space<vmem_shared>> -> memref<10000x128xf32, #tpu.memory_space<vmem_shared>>
        tpu.enqueue_indirect_dma source(%dma_start3A_42 : memref<32x128xf32, #tpu.memory_space<vmem>>) target(%dma_start3A_47 : memref<10000x128xf32, #tpu.memory_space<vmem_shared>>) offsets(%dma_start3A_44 : memref<32xi32, #tpu.memory_space<vmem>>) semaphore(%run_scoped3A : memref<!tpu.dma_semaphore, #tpu.memory_space<semaphore_mem>>) {add = true}
        %dma_wait3A_48 = arith.constant 0 : i32
        %dma_wait3A_49 = arith.constant 0 : i32
        %dma_wait3A_50 = tpu.memref_slice %arg12[%dma_wait3A_48, %dma_wait3A_49] : memref<128x128xf32, #tpu.memory_space<vmem>> -> memref<32x128xf32, #tpu.memory_space<vmem>>
        %dma_wait3A_51 = arith.constant 0 : i32
        %dma_wait3A_52 = tpu.memref_slice %arg11[%dma_wait3A_51] : memref<128xi32, #tpu.memory_space<vmem>> -> memref<32xi32, #tpu.memory_space<vmem>>
        %dma_wait3A_53 = arith.constant 0 : i32
        %dma_wait3A_54 = arith.constant 0 : i32
        %dma_wait3A_55 = tpu.memref_slice %arg13[%dma_wait3A_53, %dma_wait3A_54] : memref<10000x128xf32, #tpu.memory_space<vmem_shared>> -> memref<10000x128xf32, #tpu.memory_space<vmem_shared>>
        tpu.wait_indirect_dma semaphore(%run_scoped3A : memref<!tpu.dma_semaphore, #tpu.memory_space<semaphore_mem>>) src(%dma_wait3A_50 : memref<32x128xf32, #tpu.memory_space<vmem>>) dst(%dma_wait3A_55 : memref<10000x128xf32, #tpu.memory_space<vmem_shared>>)
        tpu.yield
      }) : () -> ()
    } else {
    }
    %eq3A_9 = arith.constant 1 : i32
    %eq3A_10 = arith.cmpi eq, %arg0, %eq3A_9 : i32
    %convert_element_type3A_11 = arith.extui %eq3A_10 : i1 to i32
    %cond3A_12 = arith.constant 0 : i32
    %cond3A_13 = arith.cmpi ne, %convert_element_type3A_11, %cond3A_12 : i32
    scf.if %cond3A_13 {
      %scan3A = arith.constant 0 : i32
      %scan3A_20 = arith.constant 0 : i32
      %scan3A_21 = arith.constant 156 : i32
      %scan3A_22 = arith.addi %scan3A_20, %scan3A_21 : i32
      %scan3A_23 = arith.constant 1 : i32
      scf.for %scan3A_40 = %scan3A_20 to %scan3A_22 step %scan3A_23  : i32 {
        %mul3A_41 = arith.constant 128 : i32
        %mul3A_42 = arith.muli %scan3A_40, %mul3A_41 : i32
        %add3A_43 = arith.addi %mul3A_4, %mul3A_42 : i32
        "tpu.region"() ({
          %run_scoped3A = tpu.sem_alloc : memref<!tpu.dma_semaphore, #tpu.memory_space<semaphore_mem>>
          %dma_start3A_60 = arith.constant 0 : i32
          %dma_start3A_61 = tpu.memref_slice %arg10[%dma_start3A_60] : memref<128xi32, #tpu.memory_space<vmem>> -> memref<128xi32, #tpu.memory_space<vmem>>
          %dma_start3A_62 = tpu.memref_slice %arg6[%add3A_43] : memref<320000xi32, #tpu.memory_space<hbm>> -> memref<128xi32, #tpu.memory_space<hbm>>
          %dma_start3A_63 = arith.constant 0 : i32
          %dma_start3A_64 = tpu.memref_slice %arg10[%dma_start3A_63] : memref<128xi32, #tpu.memory_space<vmem>> -> memref<128xi32, #tpu.memory_space<vmem>>
          %dma_start3A_65 = tpu.memref_slice %arg6[%add3A_43] : memref<320000xi32, #tpu.memory_space<hbm>> -> memref<128xi32, #tpu.memory_space<hbm>>
          tpu.enqueue_dma source(%dma_start3A_65 : memref<128xi32, #tpu.memory_space<hbm>>) target(%dma_start3A_64 : memref<128xi32, #tpu.memory_space<vmem>>) target_semaphore(%run_scoped3A : memref<!tpu.dma_semaphore, #tpu.memory_space<semaphore_mem>>)
          %dma_wait3A_66 = arith.constant 0 : i32
          %dma_wait3A_67 = tpu.memref_slice %arg10[%dma_wait3A_66] : memref<128xi32, #tpu.memory_space<vmem>> -> memref<128xi32, #tpu.memory_space<vmem>>
          %dma_wait3A_68 = tpu.memref_slice %arg6[%add3A_43] : memref<320000xi32, #tpu.memory_space<hbm>> -> memref<128xi32, #tpu.memory_space<hbm>>
          %dma_wait3A_69 = arith.constant 0 : i32
          %dma_wait3A_70 = tpu.memref_slice %arg10[%dma_wait3A_69] : memref<128xi32, #tpu.memory_space<vmem>> -> memref<128xi32, #tpu.memory_space<vmem>>
          %dma_wait3A_71 = tpu.memref_slice %arg6[%add3A_43] : memref<320000xi32, #tpu.memory_space<hbm>> -> memref<128xi32, #tpu.memory_space<hbm>>
          tpu.wait_dma2 semaphore(%run_scoped3A : memref<!tpu.dma_semaphore, #tpu.memory_space<semaphore_mem>>) src(%dma_wait3A_71 : memref<128xi32, #tpu.memory_space<hbm>>) dst(%dma_wait3A_70 : memref<128xi32, #tpu.memory_space<vmem>>)
          tpu.yield
        }) : () -> ()
        "tpu.region"() ({
          %run_scoped3A = tpu.sem_alloc : memref<!tpu.dma_semaphore, #tpu.memory_space<semaphore_mem>>
          %dma_start3A_60 = arith.constant 0 : i32
          %dma_start3A_61 = tpu.memref_slice %arg11[%dma_start3A_60] : memref<128xi32, #tpu.memory_space<vmem>> -> memref<128xi32, #tpu.memory_space<vmem>>
          %dma_start3A_62 = tpu.memref_slice %arg7[%add3A_43] : memref<320000xi32, #tpu.memory_space<hbm>> -> memref<128xi32, #tpu.memory_space<hbm>>
          %dma_start3A_63 = arith.constant 0 : i32
          %dma_start3A_64 = tpu.memref_slice %arg11[%dma_start3A_63] : memref<128xi32, #tpu.memory_space<vmem>> -> memref<128xi32, #tpu.memory_space<vmem>>
          %dma_start3A_65 = tpu.memref_slice %arg7[%add3A_43] : memref<320000xi32, #tpu.memory_space<hbm>> -> memref<128xi32, #tpu.memory_space<hbm>>
          tpu.enqueue_dma source(%dma_start3A_65 : memref<128xi32, #tpu.memory_space<hbm>>) target(%dma_start3A_64 : memref<128xi32, #tpu.memory_space<vmem>>) target_semaphore(%run_scoped3A : memref<!tpu.dma_semaphore, #tpu.memory_space<semaphore_mem>>)
          %dma_wait3A_66 = arith.constant 0 : i32
          %dma_wait3A_67 = tpu.memref_slice %arg11[%dma_wait3A_66] : memref<128xi32, #tpu.memory_space<vmem>> -> memref<128xi32, #tpu.memory_space<vmem>>
          %dma_wait3A_68 = tpu.memref_slice %arg7[%add3A_43] : memref<320000xi32, #tpu.memory_space<hbm>> -> memref<128xi32, #tpu.memory_space<hbm>>
          %dma_wait3A_69 = arith.constant 0 : i32
          %dma_wait3A_70 = tpu.memref_slice %arg11[%dma_wait3A_69] : memref<128xi32, #tpu.memory_space<vmem>> -> memref<128xi32, #tpu.memory_space<vmem>>
          %dma_wait3A_71 = tpu.memref_slice %arg7[%add3A_43] : memref<320000xi32, #tpu.memory_space<hbm>> -> memref<128xi32, #tpu.memory_space<hbm>>
          tpu.wait_dma2 semaphore(%run_scoped3A : memref<!tpu.dma_semaphore, #tpu.memory_space<semaphore_mem>>) src(%dma_wait3A_71 : memref<128xi32, #tpu.memory_space<hbm>>) dst(%dma_wait3A_70 : memref<128xi32, #tpu.memory_space<vmem>>)
          tpu.yield
        }) : () -> ()
        %dma_start3A_44 = arith.constant 0 : i32
        %dma_start3A_45 = arith.constant 0 : i32
        %dma_start3A_46 = tpu.memref_slice %arg12[%dma_start3A_44, %dma_start3A_45] : memref<128x128xf32, #tpu.memory_space<vmem>> -> memref<128x128xf32, #tpu.memory_space<vmem>>
        %dma_start3A_47 = arith.constant 0 : i32
        %dma_start3A_48 = tpu.memref_slice %arg10[%dma_start3A_47] : memref<128xi32, #tpu.memory_space<vmem>> -> memref<128xi32, #tpu.memory_space<vmem>>
        %dma_start3A_49 = arith.constant 0 : i32
        %dma_start3A_50 = arith.constant 0 : i32
        %dma_start3A_51 = tpu.memref_slice %arg3[%dma_start3A_49, %dma_start3A_50] : memref<10000x128xf32, #tpu.memory_space<hbm>> -> memref<10000x128xf32, #tpu.memory_space<hbm>>
        tpu.enqueue_indirect_dma source(%dma_start3A_51 : memref<10000x128xf32, #tpu.memory_space<hbm>>) target(%dma_start3A_46 : memref<128x128xf32, #tpu.memory_space<vmem>>) offsets(%dma_start3A_48 : memref<128xi32, #tpu.memory_space<vmem>>) semaphore(%arg14 : memref<!tpu.dma_semaphore, #tpu.memory_space<semaphore_mem>>)
        %dma_wait3A_52 = arith.constant 0 : i32
        %dma_wait3A_53 = arith.constant 0 : i32
        %dma_wait3A_54 = tpu.memref_slice %arg12[%dma_wait3A_52, %dma_wait3A_53] : memref<128x128xf32, #tpu.memory_space<vmem>> -> memref<128x128xf32, #tpu.memory_space<vmem>>
        %dma_wait3A_55 = arith.constant 0 : i32
        %dma_wait3A_56 = tpu.memref_slice %arg10[%dma_wait3A_55] : memref<128xi32, #tpu.memory_space<vmem>> -> memref<128xi32, #tpu.memory_space<vmem>>
        %dma_wait3A_57 = arith.constant 0 : i32
        %dma_wait3A_58 = arith.constant 0 : i32
        %dma_wait3A_59 = tpu.memref_slice %arg3[%dma_wait3A_57, %dma_wait3A_58] : memref<10000x128xf32, #tpu.memory_space<hbm>> -> memref<10000x128xf32, #tpu.memory_space<hbm>>
        tpu.wait_indirect_dma semaphore(%arg14 : memref<!tpu.dma_semaphore, #tpu.memory_space<semaphore_mem>>) src(%dma_wait3A_59 : memref<10000x128xf32, #tpu.memory_space<hbm>>) dst(%dma_wait3A_54 : memref<128x128xf32, #tpu.memory_space<vmem>>)
        "tpu.region"() ({
          %run_scoped3A = tpu.sem_alloc : memref<!tpu.dma_semaphore, #tpu.memory_space<semaphore_mem>>
          %dma_start3A_60 = arith.constant 0 : i32
          %dma_start3A_61 = arith.constant 0 : i32
          %dma_start3A_62 = tpu.memref_slice %arg12[%dma_start3A_60, %dma_start3A_61] : memref<128x128xf32, #tpu.memory_space<vmem>> -> memref<128x128xf32, #tpu.memory_space<vmem>>
          %dma_start3A_63 = arith.constant 0 : i32
          %dma_start3A_64 = tpu.memref_slice %arg11[%dma_start3A_63] : memref<128xi32, #tpu.memory_space<vmem>> -> memref<128xi32, #tpu.memory_space<vmem>>
          %dma_start3A_65 = arith.constant 0 : i32
          %dma_start3A_66 = arith.constant 0 : i32
          %dma_start3A_67 = tpu.memref_slice %arg13[%dma_start3A_65, %dma_start3A_66] : memref<10000x128xf32, #tpu.memory_space<vmem_shared>> -> memref<10000x128xf32, #tpu.memory_space<vmem_shared>>
          tpu.enqueue_indirect_dma source(%dma_start3A_62 : memref<128x128xf32, #tpu.memory_space<vmem>>) target(%dma_start3A_67 : memref<10000x128xf32, #tpu.memory_space<vmem_shared>>) offsets(%dma_start3A_64 : memref<128xi32, #tpu.memory_space<vmem>>) semaphore(%run_scoped3A : memref<!tpu.dma_semaphore, #tpu.memory_space<semaphore_mem>>) {add = true}
          %dma_wait3A_68 = arith.constant 0 : i32
          %dma_wait3A_69 = arith.constant 0 : i32
          %dma_wait3A_70 = tpu.memref_slice %arg12[%dma_wait3A_68, %dma_wait3A_69] : memref<128x128xf32, #tpu.memory_space<vmem>> -> memref<128x128xf32, #tpu.memory_space<vmem>>
          %dma_wait3A_71 = arith.constant 0 : i32
          %dma_wait3A_72 = tpu.memref_slice %arg11[%dma_wait3A_71] : memref<128xi32, #tpu.memory_space<vmem>> -> memref<128xi32, #tpu.memory_space<vmem>>
          %dma_wait3A_73 = arith.constant 0 : i32
          %dma_wait3A_74 = arith.constant 0 : i32
          %dma_wait3A_75 = tpu.memref_slice %arg13[%dma_wait3A_73, %dma_wait3A_74] : memref<10000x128xf32, #tpu.memory_space<vmem_shared>> -> memref<10000x128xf32, #tpu.memory_space<vmem_shared>>
          tpu.wait_indirect_dma semaphore(%run_scoped3A : memref<!tpu.dma_semaphore, #tpu.memory_space<semaphore_mem>>) src(%dma_wait3A_70 : memref<128x128xf32, #tpu.memory_space<vmem>>) dst(%dma_wait3A_75 : memref<10000x128xf32, #tpu.memory_space<vmem_shared>>)
          tpu.yield
        }) : () -> ()
      }
      %scan3A_24 = arith.constant 156 : i32
      %add3A = arith.constant 19968 : i32
      %add3A_25 = arith.addi %mul3A_4, %add3A : i32
      "tpu.region"() ({
        %run_scoped3A = tpu.sem_alloc : memref<!tpu.dma_semaphore, #tpu.memory_space<semaphore_mem>>
        %dma_start3A_40 = arith.constant 0 : i32
        %dma_start3A_41 = tpu.memref_slice %arg10[%dma_start3A_40] : memref<128xi32, #tpu.memory_space<vmem>> -> memref<32xi32, #tpu.memory_space<vmem>>
        %dma_start3A_42 = tpu.memref_slice %arg6[%add3A_25] : memref<320000xi32, #tpu.memory_space<hbm>> -> memref<32xi32, #tpu.memory_space<hbm>>
        %dma_start3A_43 = arith.constant 0 : i32
        %dma_start3A_44 = tpu.memref_slice %arg10[%dma_start3A_43] : memref<128xi32, #tpu.memory_space<vmem>> -> memref<32xi32, #tpu.memory_space<vmem>>
        %dma_start3A_45 = tpu.memref_slice %arg6[%add3A_25] : memref<320000xi32, #tpu.memory_space<hbm>> -> memref<32xi32, #tpu.memory_space<hbm>>
        tpu.enqueue_dma source(%dma_start3A_45 : memref<32xi32, #tpu.memory_space<hbm>>) target(%dma_start3A_44 : memref<32xi32, #tpu.memory_space<vmem>>) target_semaphore(%run_scoped3A : memref<!tpu.dma_semaphore, #tpu.memory_space<semaphore_mem>>)
        %dma_wait3A_46 = arith.constant 0 : i32
        %dma_wait3A_47 = tpu.memref_slice %arg10[%dma_wait3A_46] : memref<128xi32, #tpu.memory_space<vmem>> -> memref<32xi32, #tpu.memory_space<vmem>>
        %dma_wait3A_48 = tpu.memref_slice %arg6[%add3A_25] : memref<320000xi32, #tpu.memory_space<hbm>> -> memref<32xi32, #tpu.memory_space<hbm>>
        %dma_wait3A_49 = arith.constant 0 : i32
        %dma_wait3A_50 = tpu.memref_slice %arg10[%dma_wait3A_49] : memref<128xi32, #tpu.memory_space<vmem>> -> memref<32xi32, #tpu.memory_space<vmem>>
        %dma_wait3A_51 = tpu.memref_slice %arg6[%add3A_25] : memref<320000xi32, #tpu.memory_space<hbm>> -> memref<32xi32, #tpu.memory_space<hbm>>
        tpu.wait_dma2 semaphore(%run_scoped3A : memref<!tpu.dma_semaphore, #tpu.memory_space<semaphore_mem>>) src(%dma_wait3A_51 : memref<32xi32, #tpu.memory_space<hbm>>) dst(%dma_wait3A_50 : memref<32xi32, #tpu.memory_space<vmem>>)
        tpu.yield
      }) : () -> ()
      "tpu.region"() ({
        %run_scoped3A = tpu.sem_alloc : memref<!tpu.dma_semaphore, #tpu.memory_space<semaphore_mem>>
        %dma_start3A_40 = arith.constant 0 : i32
        %dma_start3A_41 = tpu.memref_slice %arg11[%dma_start3A_40] : memref<128xi32, #tpu.memory_space<vmem>> -> memref<32xi32, #tpu.memory_space<vmem>>
        %dma_start3A_42 = tpu.memref_slice %arg7[%add3A_25] : memref<320000xi32, #tpu.memory_space<hbm>> -> memref<32xi32, #tpu.memory_space<hbm>>
        %dma_start3A_43 = arith.constant 0 : i32
        %dma_start3A_44 = tpu.memref_slice %arg11[%dma_start3A_43] : memref<128xi32, #tpu.memory_space<vmem>> -> memref<32xi32, #tpu.memory_space<vmem>>
        %dma_start3A_45 = tpu.memref_slice %arg7[%add3A_25] : memref<320000xi32, #tpu.memory_space<hbm>> -> memref<32xi32, #tpu.memory_space<hbm>>
        tpu.enqueue_dma source(%dma_start3A_45 : memref<32xi32, #tpu.memory_space<hbm>>) target(%dma_start3A_44 : memref<32xi32, #tpu.memory_space<vmem>>) target_semaphore(%run_scoped3A : memref<!tpu.dma_semaphore, #tpu.memory_space<semaphore_mem>>)
        %dma_wait3A_46 = arith.constant 0 : i32
        %dma_wait3A_47 = tpu.memref_slice %arg11[%dma_wait3A_46] : memref<128xi32, #tpu.memory_space<vmem>> -> memref<32xi32, #tpu.memory_space<vmem>>
        %dma_wait3A_48 = tpu.memref_slice %arg7[%add3A_25] : memref<320000xi32, #tpu.memory_space<hbm>> -> memref<32xi32, #tpu.memory_space<hbm>>
        %dma_wait3A_49 = arith.constant 0 : i32
        %dma_wait3A_50 = tpu.memref_slice %arg11[%dma_wait3A_49] : memref<128xi32, #tpu.memory_space<vmem>> -> memref<32xi32, #tpu.memory_space<vmem>>
        %dma_wait3A_51 = tpu.memref_slice %arg7[%add3A_25] : memref<320000xi32, #tpu.memory_space<hbm>> -> memref<32xi32, #tpu.memory_space<hbm>>
        tpu.wait_dma2 semaphore(%run_scoped3A : memref<!tpu.dma_semaphore, #tpu.memory_space<semaphore_mem>>) src(%dma_wait3A_51 : memref<32xi32, #tpu.memory_space<hbm>>) dst(%dma_wait3A_50 : memref<32xi32, #tpu.memory_space<vmem>>)
        tpu.yield
      }) : () -> ()
      %dma_start3A = arith.constant 0 : i32
      %dma_start3A_26 = arith.constant 0 : i32
      %dma_start3A_27 = tpu.memref_slice %arg12[%dma_start3A, %dma_start3A_26] : memref<128x128xf32, #tpu.memory_space<vmem>> -> memref<32x128xf32, #tpu.memory_space<vmem>>
      %dma_start3A_28 = arith.constant 0 : i32
      %dma_start3A_29 = tpu.memref_slice %arg10[%dma_start3A_28] : memref<128xi32, #tpu.memory_space<vmem>> -> memref<32xi32, #tpu.memory_space<vmem>>
      %dma_start3A_30 = arith.constant 0 : i32
      %dma_start3A_31 = arith.constant 0 : i32
      %dma_start3A_32 = tpu.memref_slice %arg3[%dma_start3A_30, %dma_start3A_31] : memref<10000x128xf32, #tpu.memory_space<hbm>> -> memref<10000x128xf32, #tpu.memory_space<hbm>>
      tpu.enqueue_indirect_dma source(%dma_start3A_32 : memref<10000x128xf32, #tpu.memory_space<hbm>>) target(%dma_start3A_27 : memref<32x128xf32, #tpu.memory_space<vmem>>) offsets(%dma_start3A_29 : memref<32xi32, #tpu.memory_space<vmem>>) semaphore(%arg14 : memref<!tpu.dma_semaphore, #tpu.memory_space<semaphore_mem>>)
      %dma_wait3A = arith.constant 0 : i32
      %dma_wait3A_33 = arith.constant 0 : i32
      %dma_wait3A_34 = tpu.memref_slice %arg12[%dma_wait3A, %dma_wait3A_33] : memref<128x128xf32, #tpu.memory_space<vmem>> -> memref<32x128xf32, #tpu.memory_space<vmem>>
      %dma_wait3A_35 = arith.constant 0 : i32
      %dma_wait3A_36 = tpu.memref_slice %arg10[%dma_wait3A_35] : memref<128xi32, #tpu.memory_space<vmem>> -> memref<32xi32, #tpu.memory_space<vmem>>
      %dma_wait3A_37 = arith.constant 0 : i32
      %dma_wait3A_38 = arith.constant 0 : i32
      %dma_wait3A_39 = tpu.memref_slice %arg3[%dma_wait3A_37, %dma_wait3A_38] : memref<10000x128xf32, #tpu.memory_space<hbm>> -> memref<10000x128xf32, #tpu.memory_space<hbm>>
      tpu.wait_indirect_dma semaphore(%arg14 : memref<!tpu.dma_semaphore, #tpu.memory_space<semaphore_mem>>) src(%dma_wait3A_39 : memref<10000x128xf32, #tpu.memory_space<hbm>>) dst(%dma_wait3A_34 : memref<32x128xf32, #tpu.memory_space<vmem>>)
      "tpu.region"() ({
        %run_scoped3A = tpu.sem_alloc : memref<!tpu.dma_semaphore, #tpu.memory_space<semaphore_mem>>
        %dma_start3A_40 = arith.constant 0 : i32
        %dma_start3A_41 = arith.constant 0 : i32
        %dma_start3A_42 = tpu.memref_slice %arg12[%dma_start3A_40, %dma_start3A_41] : memref<128x128xf32, #tpu.memory_space<vmem>> -> memref<32x128xf32, #tpu.memory_space<vmem>>
        %dma_start3A_43 = arith.constant 0 : i32
        %dma_start3A_44 = tpu.memref_slice %arg11[%dma_start3A_43] : memref<128xi32, #tpu.memory_space<vmem>> -> memref<32xi32, #tpu.memory_space<vmem>>
        %dma_start3A_45 = arith.constant 0 : i32
        %dma_start3A_46 = arith.constant 0 : i32
        %dma_start3A_47 = tpu.memref_slice %arg13[%dma_start3A_45, %dma_start3A_46] : memref<10000x128xf32, #tpu.memory_space<vmem_shared>> -> memref<10000x128xf32, #tpu.memory_space<vmem_shared>>
        tpu.enqueue_indirect_dma source(%dma_start3A_42 : memref<32x128xf32, #tpu.memory_space<vmem>>) target(%dma_start3A_47 : memref<10000x128xf32, #tpu.memory_space<vmem_shared>>) offsets(%dma_start3A_44 : memref<32xi32, #tpu.memory_space<vmem>>) semaphore(%run_scoped3A : memref<!tpu.dma_semaphore, #tpu.memory_space<semaphore_mem>>) {add = true}
        %dma_wait3A_48 = arith.constant 0 : i32
        %dma_wait3A_49 = arith.constant 0 : i32
        %dma_wait3A_50 = tpu.memref_slice %arg12[%dma_wait3A_48, %dma_wait3A_49] : memref<128x128xf32, #tpu.memory_space<vmem>> -> memref<32x128xf32, #tpu.memory_space<vmem>>
        %dma_wait3A_51 = arith.constant 0 : i32
        %dma_wait3A_52 = tpu.memref_slice %arg11[%dma_wait3A_51] : memref<128xi32, #tpu.memory_space<vmem>> -> memref<32xi32, #tpu.memory_space<vmem>>
        %dma_wait3A_53 = arith.constant 0 : i32
        %dma_wait3A_54 = arith.constant 0 : i32
        %dma_wait3A_55 = tpu.memref_slice %arg13[%dma_wait3A_53, %dma_wait3A_54] : memref<10000x128xf32, #tpu.memory_space<vmem_shared>> -> memref<10000x128xf32, #tpu.memory_space<vmem_shared>>
        tpu.wait_indirect_dma semaphore(%run_scoped3A : memref<!tpu.dma_semaphore, #tpu.memory_space<semaphore_mem>>) src(%dma_wait3A_50 : memref<32x128xf32, #tpu.memory_space<vmem>>) dst(%dma_wait3A_55 : memref<10000x128xf32, #tpu.memory_space<vmem_shared>>)
        tpu.yield
      }) : () -> ()
    } else {
    }
    %barrier3A_14 = arith.constant 0 : index
    tpu.barrier barrier_id(%barrier3A_14)
    %lt3A_15 = arith.constant 10 : i32
    %lt3A_16 = arith.cmpi slt, %arg1, %lt3A_15 : i32
    %convert_element_type3A_17 = arith.extui %lt3A_16 : i1 to i32
    %cond3A_18 = arith.constant 0 : i32
    %cond3A_19 = arith.cmpi ne, %convert_element_type3A_17, %cond3A_18 : i32
    scf.if %cond3A_19 {
      "tpu.region"() ({
        %run_scoped3A = tpu.sem_alloc : memref<!tpu.dma_semaphore, #tpu.memory_space<semaphore_mem>>
        %dma_start3A = arith.constant 0 : i32
        %dma_start3A_20 = tpu.memref_slice %arg9[%arg0, %mul3A_0, %dma_start3A] : memref<2x10000x128xf32, #tpu.memory_space<hbm>> -> memref<1x1000x128xf32, #tpu.memory_space<hbm>>
        %dma_start3A_21 = tpu.memref_squeeze %dma_start3A_20 : memref<1x1000x128xf32, #tpu.memory_space<hbm>> -> memref<1000x128xf32, #tpu.memory_space<hbm>>
        %dma_start3A_22 = arith.constant 0 : i32
        %dma_start3A_23 = tpu.memref_slice %arg13[%mul3A_0, %dma_start3A_22] : memref<10000x128xf32, #tpu.memory_space<vmem_shared>> -> memref<1000x128xf32, #tpu.memory_space<vmem_shared>>
        tpu.enqueue_dma source(%dma_start3A_23 : memref<1000x128xf32, #tpu.memory_space<vmem_shared>>) target(%dma_start3A_21 : memref<1000x128xf32, #tpu.memory_space<hbm>>) target_semaphore(%run_scoped3A : memref<!tpu.dma_semaphore, #tpu.memory_space<semaphore_mem>>)
        %dma_wait3A = arith.constant 0 : i32
        %dma_wait3A_24 = tpu.memref_slice %arg9[%arg0, %mul3A_0, %dma_wait3A] : memref<2x10000x128xf32, #tpu.memory_space<hbm>> -> memref<1x1000x128xf32, #tpu.memory_space<hbm>>
        %dma_wait3A_25 = tpu.memref_squeeze %dma_wait3A_24 : memref<1x1000x128xf32, #tpu.memory_space<hbm>> -> memref<1000x128xf32, #tpu.memory_space<hbm>>
        %dma_wait3A_26 = arith.constant 0 : i32
        %dma_wait3A_27 = tpu.memref_slice %arg13[%mul3A_0, %dma_wait3A_26] : memref<10000x128xf32, #tpu.memory_space<vmem_shared>> -> memref<1000x128xf32, #tpu.memory_space<vmem_shared>>
        tpu.wait_dma2 semaphore(%run_scoped3A : memref<!tpu.dma_semaphore, #tpu.memory_space<semaphore_mem>>) src(%dma_wait3A_27 : memref<1000x128xf32, #tpu.memory_space<vmem_shared>>) dst(%dma_wait3A_25 : memref<1000x128xf32, #tpu.memory_space<hbm>>)
        tpu.yield
      }) : () -> ()
    } else {
    }
    return
  }
}

module attributes {stable_mosaic.version = 14 : i64} {
  func.func @_pos_tile_kernel(%arg0: i32, %arg1: i32, %arg2: memref<1024x1024xf32, #tpu.memory_space<vmem>>, %arg3: memref<1024x128xf32, #tpu.memory_space<vmem>>, %arg4: memref<1024x128xf32, #tpu.memory_space<vmem>>, %arg5: memref<1024x128xf32, #tpu.memory_space<vmem>>, %arg6: memref<1024x128xf32, #tpu.memory_space<vmem>>, %arg7: memref<1024x1xf32, #tpu.memory_space<vmem>>, %arg8: memref<1024x1xf32, #tpu.memory_space<vmem>>, %arg9: memref<1024x1xf32, #tpu.memory_space<vmem>>, %arg10: memref<1024x1xf32, #tpu.memory_space<vmem>>, %arg11: memref<1024x1xf32, #tpu.memory_space<vmem>>) attributes {dimension_semantics = [#tpu.dimension_semantics<arbitrary>, #tpu.dimension_semantics<arbitrary>], iteration_bounds = array<i64: 10, 10>, scalar_prefetch = 0 : i64, scratch_operands = 0 : i64, tpu.core_type = #tpu.core_type<tc>, window_params = [{transform_indices = @transform_0, window_bounds = array<i64: 1024, 1024>}, {transform_indices = @transform_1, window_bounds = array<i64: 1024, 128>}, {transform_indices = @transform_2, window_bounds = array<i64: 1024, 128>}, {transform_indices = @transform_3, window_bounds = array<i64: 1024, 128>}, {transform_indices = @transform_4, window_bounds = array<i64: 1024, 128>}, {transform_indices = @transform_5, window_bounds = array<i64: 1024, 1>}, {transform_indices = @transform_6, window_bounds = array<i64: 1024, 1>}, {transform_indices = @transform_7, window_bounds = array<i64: 1024, 1>}, {transform_indices = @transform_8, window_bounds = array<i64: 1024, 1>}, {transform_indices = @transform_9, window_bounds = array<i64: 1024, 1>}]} {
    %mul3A = arith.constant 1024 : i32
    %mul3A_0 = arith.muli %arg1, %mul3A : i32
    %iota3A = tpu.iota {dimensions = array<i32: 1>} : vector<1x1024xi32>
    %add3A = vector.broadcast %mul3A_0 : i32 to vector<1x1024xi32>
    %add3A_1 = arith.addi %add3A, %iota3A : vector<1x1024xi32>
    %lt3A = arith.constant 10000 : i32
    %lt3A_2 = vector.broadcast %lt3A : i32 to vector<1x1024xi32>
    %lt3A_3 = arith.cmpi slt, %add3A_1, %lt3A_2 : vector<1x1024xi32>
    %get3A = arith.constant 0 : index
    %get3A_4 = arith.constant 0 : index
    %get3A_5 = vector.load %arg2[%get3A, %get3A_4] : memref<1024x1024xf32, #tpu.memory_space<vmem>>, vector<1024x1024xf32>
    %jit3A = arith.constant 0.000000e+00 : f32
    %broadcast_in_dim3A = vector.shape_cast %lt3A_3 : vector<1x1024xi1> to vector<1x1024xi1>
    %broadcast_in_dim3A_6 = vector.broadcast %broadcast_in_dim3A : vector<1x1024xi1> to vector<1024x1024xi1>
    %broadcast_in_dim3A_7 = vector.broadcast %jit3A : f32 to vector<1024x1024xf32>
    %select_n3A = arith.select %broadcast_in_dim3A_6, %get3A_5, %broadcast_in_dim3A_7 : vector<1024x1024xi1>, vector<1024x1024xf32>
    %get3A_8 = arith.constant 0 : index
    %get3A_9 = arith.constant 0 : index
    %get3A_10 = vector.load %arg3[%get3A_8, %get3A_9] : memref<1024x128xf32, #tpu.memory_space<vmem>>, vector<1024x128xf32>
    %get3A_11 = arith.constant 0 : index
    %get3A_12 = arith.constant 0 : index
    %get3A_13 = vector.load %arg4[%get3A_11, %get3A_12] : memref<1024x128xf32, #tpu.memory_space<vmem>>, vector<1024x128xf32>
    %get3A_14 = arith.constant 0 : index
    %get3A_15 = arith.constant 0 : index
    %get3A_16 = vector.load %arg5[%get3A_14, %get3A_15] : memref<1024x128xf32, #tpu.memory_space<vmem>>, vector<1024x128xf32>
    %get3A_17 = arith.constant 0 : index
    %get3A_18 = arith.constant 0 : index
    %get3A_19 = vector.load %arg6[%get3A_17, %get3A_18] : memref<1024x128xf32, #tpu.memory_space<vmem>>, vector<1024x128xf32>
    %dot_general3A = arith.constant dense<0.000000e+00> : vector<1024x1024xf32>
    %dot_general3A_20 = tpu.matmul %get3A_10, %get3A_19, %dot_general3A {dimension_numbers = #tpu.dot_dimension_numbers<[1], [1], [0], [0], [0, 0, 1, 0], [], []>, transpose_lhs_hint = false} : vector<1024x128xf32>, vector<1024x128xf32>, vector<1024x1024xf32> -> vector<1024x1024xf32>
    %div3A = arith.constant 8.000000e-01 : f32
    %div3A_21 = vector.broadcast %div3A : f32 to vector<1024x1024xf32>
    %div3A_22 = arith.divf %dot_general3A_20, %div3A_21 : vector<1024x1024xf32>
    %exp3A = math.exp %div3A_22 : vector<1024x1024xf32>
    %dot_general3A_23 = arith.constant dense<0.000000e+00> : vector<1024x1024xf32>
    %dot_general3A_24 = tpu.matmul %get3A_13, %get3A_16, %dot_general3A_23 {dimension_numbers = #tpu.dot_dimension_numbers<[1], [1], [0], [0], [0, 0, 1, 0], [], []>, transpose_lhs_hint = false} : vector<1024x128xf32>, vector<1024x128xf32>, vector<1024x1024xf32> -> vector<1024x1024xf32>
    %div3A_25 = arith.constant 8.000000e-01 : f32
    %div3A_26 = vector.broadcast %div3A_25 : f32 to vector<1024x1024xf32>
    %div3A_27 = arith.divf %dot_general3A_24, %div3A_26 : vector<1024x1024xf32>
    %exp3A_28 = math.exp %div3A_27 : vector<1024x1024xf32>
    %jit3A_29 = arith.constant 0.000000e+00 : f32
    %broadcast_in_dim3A_30 = vector.shape_cast %lt3A_3 : vector<1x1024xi1> to vector<1x1024xi1>
    %broadcast_in_dim3A_31 = vector.broadcast %broadcast_in_dim3A_30 : vector<1x1024xi1> to vector<1024x1024xi1>
    %broadcast_in_dim3A_32 = vector.broadcast %jit3A_29 : f32 to vector<1024x1024xf32>
    %select_n3A_33 = arith.select %broadcast_in_dim3A_31, %exp3A, %broadcast_in_dim3A_32 : vector<1024x1024xi1>, vector<1024x1024xf32>
    %jit3A_34 = arith.constant 0.000000e+00 : f32
    %broadcast_in_dim3A_35 = vector.shape_cast %lt3A_3 : vector<1x1024xi1> to vector<1x1024xi1>
    %broadcast_in_dim3A_36 = vector.broadcast %broadcast_in_dim3A_35 : vector<1x1024xi1> to vector<1024x1024xi1>
    %broadcast_in_dim3A_37 = vector.broadcast %jit3A_34 : f32 to vector<1024x1024xf32>
    %select_n3A_38 = arith.select %broadcast_in_dim3A_36, %exp3A_28, %broadcast_in_dim3A_37 : vector<1024x1024xi1>, vector<1024x1024xf32>
    %reduce_sum3A = arith.constant dense<0.000000e+00> : vector<1024xf32>
    %reduce_sum3A_39 = vector.multi_reduction <add>, %select_n3A, %reduce_sum3A [1] : vector<1024x1024xf32> to vector<1024xf32>
    %broadcast_in_dim3A_40 = vector.shape_cast %reduce_sum3A_39 : vector<1024xf32> to vector<1024x1xf32>
    %reduce_sum3A_41 = arith.constant dense<0.000000e+00> : vector<1024xf32>
    %reduce_sum3A_42 = vector.multi_reduction <add>, %select_n3A_33, %reduce_sum3A_41 [1] : vector<1024x1024xf32> to vector<1024xf32>
    %broadcast_in_dim3A_43 = vector.shape_cast %reduce_sum3A_42 : vector<1024xf32> to vector<1024x1xf32>
    %mul3A_44 = arith.mulf %select_n3A_33, %select_n3A : vector<1024x1024xf32>
    %reduce_sum3A_45 = arith.constant dense<0.000000e+00> : vector<1024xf32>
    %reduce_sum3A_46 = vector.multi_reduction <add>, %mul3A_44, %reduce_sum3A_45 [1] : vector<1024x1024xf32> to vector<1024xf32>
    %broadcast_in_dim3A_47 = vector.shape_cast %reduce_sum3A_46 : vector<1024xf32> to vector<1024x1xf32>
    %reduce_sum3A_48 = arith.constant dense<0.000000e+00> : vector<1024xf32>
    %reduce_sum3A_49 = vector.multi_reduction <add>, %select_n3A_38, %reduce_sum3A_48 [1] : vector<1024x1024xf32> to vector<1024xf32>
    %broadcast_in_dim3A_50 = vector.shape_cast %reduce_sum3A_49 : vector<1024xf32> to vector<1024x1xf32>
    %mul3A_51 = arith.mulf %select_n3A_38, %select_n3A : vector<1024x1024xf32>
    %reduce_sum3A_52 = arith.constant dense<0.000000e+00> : vector<1024xf32>
    %reduce_sum3A_53 = vector.multi_reduction <add>, %mul3A_51, %reduce_sum3A_52 [1] : vector<1024x1024xf32> to vector<1024xf32>
    %broadcast_in_dim3A_54 = vector.shape_cast %reduce_sum3A_53 : vector<1024xf32> to vector<1024x1xf32>
    %eq3A = arith.constant 0 : i32
    %eq3A_55 = arith.cmpi eq, %arg1, %eq3A : i32
    %convert_element_type3A = arith.extui %eq3A_55 : i1 to i32
    %cond3A = arith.constant 0 : i32
    %cond3A_56 = arith.cmpi ne, %convert_element_type3A, %cond3A : i32
    scf.if %cond3A_56 {
      %broadcast_in_dim3A_91 = arith.constant 0.000000e+00 : f32
      %broadcast_in_dim3A_92 = vector.broadcast %broadcast_in_dim3A_91 : f32 to vector<1024x1xf32>
      %swap3A_93 = arith.constant 0 : index
      %swap3A_94 = arith.constant 0 : index
      %swap3A_95 = vector.load %arg7[%swap3A_93, %swap3A_94] : memref<1024x1xf32, #tpu.memory_space<vmem>>, vector<1024x1xf32>
      tpu.vector_store %arg7[%swap3A_93, %swap3A_94], %broadcast_in_dim3A_92 {strides = array<i32>} : memref<1024x1xf32, #tpu.memory_space<vmem>>, vector<1024x1xf32>,
      %broadcast_in_dim3A_96 = arith.constant 0.000000e+00 : f32
      %broadcast_in_dim3A_97 = vector.broadcast %broadcast_in_dim3A_96 : f32 to vector<1024x1xf32>
      %swap3A_98 = arith.constant 0 : index
      %swap3A_99 = arith.constant 0 : index
      %swap3A_100 = vector.load %arg8[%swap3A_98, %swap3A_99] : memref<1024x1xf32, #tpu.memory_space<vmem>>, vector<1024x1xf32>
      tpu.vector_store %arg8[%swap3A_98, %swap3A_99], %broadcast_in_dim3A_97 {strides = array<i32>} : memref<1024x1xf32, #tpu.memory_space<vmem>>, vector<1024x1xf32>,
      %broadcast_in_dim3A_101 = arith.constant 0.000000e+00 : f32
      %broadcast_in_dim3A_102 = vector.broadcast %broadcast_in_dim3A_101 : f32 to vector<1024x1xf32>
      %swap3A_103 = arith.constant 0 : index
      %swap3A_104 = arith.constant 0 : index
      %swap3A_105 = vector.load %arg9[%swap3A_103, %swap3A_104] : memref<1024x1xf32, #tpu.memory_space<vmem>>, vector<1024x1xf32>
      tpu.vector_store %arg9[%swap3A_103, %swap3A_104], %broadcast_in_dim3A_102 {strides = array<i32>} : memref<1024x1xf32, #tpu.memory_space<vmem>>, vector<1024x1xf32>,
      %broadcast_in_dim3A_106 = arith.constant 0.000000e+00 : f32
      %broadcast_in_dim3A_107 = vector.broadcast %broadcast_in_dim3A_106 : f32 to vector<1024x1xf32>
      %swap3A_108 = arith.constant 0 : index
      %swap3A_109 = arith.constant 0 : index
      %swap3A_110 = vector.load %arg10[%swap3A_108, %swap3A_109] : memref<1024x1xf32, #tpu.memory_space<vmem>>, vector<1024x1xf32>
      tpu.vector_store %arg10[%swap3A_108, %swap3A_109], %broadcast_in_dim3A_107 {strides = array<i32>} : memref<1024x1xf32, #tpu.memory_space<vmem>>, vector<1024x1xf32>,
      %broadcast_in_dim3A_111 = arith.constant 0.000000e+00 : f32
      %broadcast_in_dim3A_112 = vector.broadcast %broadcast_in_dim3A_111 : f32 to vector<1024x1xf32>
      %swap3A_113 = arith.constant 0 : index
      %swap3A_114 = arith.constant 0 : index
      %swap3A_115 = vector.load %arg11[%swap3A_113, %swap3A_114] : memref<1024x1xf32, #tpu.memory_space<vmem>>, vector<1024x1xf32>
      tpu.vector_store %arg11[%swap3A_113, %swap3A_114], %broadcast_in_dim3A_112 {strides = array<i32>} : memref<1024x1xf32, #tpu.memory_space<vmem>>, vector<1024x1xf32>,
    } else {
    }
    %get3A_57 = arith.constant 0 : index
    %get3A_58 = arith.constant 0 : index
    %get3A_59 = vector.load %arg7[%get3A_57, %get3A_58] : memref<1024x1xf32, #tpu.memory_space<vmem>>, vector<1024x1xf32>
    %add3A_60 = arith.addf %get3A_59, %broadcast_in_dim3A_40 : vector<1024x1xf32>
    %swap3A = arith.constant 0 : index
    %swap3A_61 = arith.constant 0 : index
    %swap3A_62 = vector.load %arg7[%swap3A, %swap3A_61] : memref<1024x1xf32, #tpu.memory_space<vmem>>, vector<1024x1xf32>
    tpu.vector_store %arg7[%swap3A, %swap3A_61], %add3A_60 {strides = array<i32>} : memref<1024x1xf32, #tpu.memory_space<vmem>>, vector<1024x1xf32>,
    %get3A_63 = arith.constant 0 : index
    %get3A_64 = arith.constant 0 : index
    %get3A_65 = vector.load %arg8[%get3A_63, %get3A_64] : memref<1024x1xf32, #tpu.memory_space<vmem>>, vector<1024x1xf32>
    %add3A_66 = arith.addf %get3A_65, %broadcast_in_dim3A_43 : vector<1024x1xf32>
    %swap3A_67 = arith.constant 0 : index
    %swap3A_68 = arith.constant 0 : index
    %swap3A_69 = vector.load %arg8[%swap3A_67, %swap3A_68] : memref<1024x1xf32, #tpu.memory_space<vmem>>, vector<1024x1xf32>
    tpu.vector_store %arg8[%swap3A_67, %swap3A_68], %add3A_66 {strides = array<i32>} : memref<1024x1xf32, #tpu.memory_space<vmem>>, vector<1024x1xf32>,
    %get3A_70 = arith.constant 0 : index
    %get3A_71 = arith.constant 0 : index
    %get3A_72 = vector.load %arg9[%get3A_70, %get3A_71] : memref<1024x1xf32, #tpu.memory_space<vmem>>, vector<1024x1xf32>
    %add3A_73 = arith.addf %get3A_72, %broadcast_in_dim3A_47 : vector<1024x1xf32>
    %swap3A_74 = arith.constant 0 : index
    %swap3A_75 = arith.constant 0 : index
    %swap3A_76 = vector.load %arg9[%swap3A_74, %swap3A_75] : memref<1024x1xf32, #tpu.memory_space<vmem>>, vector<1024x1xf32>
    tpu.vector_store %arg9[%swap3A_74, %swap3A_75], %add3A_73 {strides = array<i32>} : memref<1024x1xf32, #tpu.memory_space<vmem>>, vector<1024x1xf32>,
    %get3A_77 = arith.constant 0 : index
    %get3A_78 = arith.constant 0 : index
    %get3A_79 = vector.load %arg10[%get3A_77, %get3A_78] : memref<1024x1xf32, #tpu.memory_space<vmem>>, vector<1024x1xf32>
    %add3A_80 = arith.addf %get3A_79, %broadcast_in_dim3A_50 : vector<1024x1xf32>
    %swap3A_81 = arith.constant 0 : index
    %swap3A_82 = arith.constant 0 : index
    %swap3A_83 = vector.load %arg10[%swap3A_81, %swap3A_82] : memref<1024x1xf32, #tpu.memory_space<vmem>>, vector<1024x1xf32>
    tpu.vector_store %arg10[%swap3A_81, %swap3A_82], %add3A_80 {strides = array<i32>} : memref<1024x1xf32, #tpu.memory_space<vmem>>, vector<1024x1xf32>,
    %get3A_84 = arith.constant 0 : index
    %get3A_85 = arith.constant 0 : index
    %get3A_86 = vector.load %arg11[%get3A_84, %get3A_85] : memref<1024x1xf32, #tpu.memory_space<vmem>>, vector<1024x1xf32>
    %add3A_87 = arith.addf %get3A_86, %broadcast_in_dim3A_54 : vector<1024x1xf32>
    %swap3A_88 = arith.constant 0 : index
    %swap3A_89 = arith.constant 0 : index
    %swap3A_90 = vector.load %arg11[%swap3A_88, %swap3A_89] : memref<1024x1xf32, #tpu.memory_space<vmem>>, vector<1024x1xf32>
    tpu.vector_store %arg11[%swap3A_88, %swap3A_89], %add3A_87 {strides = array<i32>} : memref<1024x1xf32, #tpu.memory_space<vmem>>, vector<1024x1xf32>,
    return
  }
  func.func @transform_0(%arg0: i32, %arg1: i32) -> (i32, i32) {
    %c0_i32 = arith.constant 0 : i32
    return %arg0, %arg1 : i32, i32
  }
  func.func @transform_1(%arg0: i32, %arg1: i32) -> (i32, i32) {
    %c0_i32 = arith.constant 0 : i32
    %c0_i32_0 = arith.constant 0 : i32
    return %arg0, %c0_i32 : i32, i32
  }
  func.func @transform_2(%arg0: i32, %arg1: i32) -> (i32, i32) {
    %c0_i32 = arith.constant 0 : i32
    %c0_i32_0 = arith.constant 0 : i32
    return %arg0, %c0_i32 : i32, i32
  }
  func.func @transform_3(%arg0: i32, %arg1: i32) -> (i32, i32) {
    %c0_i32 = arith.constant 0 : i32
    %c0_i32_0 = arith.constant 0 : i32
    return %arg1, %c0_i32 : i32, i32
  }
  func.func @transform_4(%arg0: i32, %arg1: i32) -> (i32, i32) {
    %c0_i32 = arith.constant 0 : i32
    %c0_i32_0 = arith.constant 0 : i32
    return %arg1, %c0_i32 : i32, i32
  }
  func.func @transform_5(%arg0: i32, %arg1: i32) -> (i32, i32) {
    %c0_i32 = arith.constant 0 : i32
    %c0_i32_0 = arith.constant 0 : i32
    return %arg0, %c0_i32 : i32, i32
  }
  func.func @transform_6(%arg0: i32, %arg1: i32) -> (i32, i32) {
    %c0_i32 = arith.constant 0 : i32
    %c0_i32_0 = arith.constant 0 : i32
    return %arg0, %c0_i32 : i32, i32
  }
  func.func @transform_7(%arg0: i32, %arg1: i32) -> (i32, i32) {
    %c0_i32 = arith.constant 0 : i32
    %c0_i32_0 = arith.constant 0 : i32
    return %arg0, %c0_i32 : i32, i32
  }
  func.func @transform_8(%arg0: i32, %arg1: i32) -> (i32, i32) {
    %c0_i32 = arith.constant 0 : i32
    %c0_i32_0 = arith.constant 0 : i32
    return %arg0, %c0_i32 : i32, i32
  }
  func.func @transform_9(%arg0: i32, %arg1: i32) -> (i32, i32) {
    %c0_i32 = arith.constant 0 : i32
    %c0_i32_0 = arith.constant 0 : i32
    return %arg0, %c0_i32 : i32, i32
  }
}

</mosaic_0001>

<sc_bundles>
// kernel: gather_offload_async_start.1
scs
__scs_entry_jumppad:
0x0: {  	(pc) =	sbr.rel $0x88, $3  }
0x1: {  	(tag) =	ssettag $0x0;
	lr =	simm.s32 $0x1  }
0x2: {  	[smem:$0x3F8D] =	sst lr;
	_ =	strace $0xD0000000  }
0x3: {  	_ = 	snop  }
0x4: {  	_ = 	snop  }
0x5: {  	_ = 	snop  }
0x6: {  	_ = 	snop  }
0x7: {  	_ = 	snop  }
__scs_overlays_trampoline_lowered:
0x8: {  	[smem:$0x3F9C] =	sst s0  }
0x9: {  	[smem:$0x3F9D] =	sst s1  }
0xa: {  	[smem:$0x3F9E] =	sst s2  }
0xb: {  	[smem:$0x3F9F] =	sst s3  }
0xc: {  	[smem:$0x3FA0] =	sst s4  }
0xd: {  	[smem:$0x3FA1] =	sst s5  }
0xe: {  	[smem:$0x3FA2] =	sst s6  }
0xf: {  	[smem:$0x3FA3] =	sst s7  }
0x10: {  	[smem:$0x3FA4] =	sst s8  }
0x11: {  	[smem:$0x3FA5] =	sst s9;
	s0 =	simm.s32 @!p0 $0x0  }
0x12: {  	s1 =	sld [smem:$0x3F8B];
	s0 =	simm.s32 @p0 $0x1  }
0x13: {  	[smem:$0x3FA6] =	sst s0;
	s0 =	simm.s32 @!p1 $0x0  }
0x14: {  	s2 =	sld [smem:$0x3F8A];
	s0 =	simm.s32 @p1 $0x1  }
0x15: {  	[smem:$0x3FA7] =	sst s0;
	s0 =	simm.s32 @!p2 $0x0  }
0x16: {  	s3 =	sld [smem:$0x3FDB];
	s0 =	simm.s32 @p2 $0x1  }
0x17: {  	s4 =	simm.s32 $0x1BF5;
	[smem:$0x3FA9] =	sst s0  }
0x18: {  	s0 =	sld [smem:$0x3F8C];
	_ =	swait.ge [sflag:s4], $0x0  }
0x19: {  	s7 =	sld [smem:$0x3F8D]  }
0x1a: {  	s8 =	sadd.s32 $0xFFFFE003, lr  }
0x1b: {  	s9 =	sadd.s32 $0xFFFFFEF7, lr;
	s5 =	simm.s32 $0xFFFFFFFF;
	p2 =	slt.u32 s8, $0xFFFFF086  }
0x1c: {  	p1 =	slt.u32 s9, $0xF7A;
	s5 =	simm.s32 @!p2 $0x0  }
0x1d: {  	s5 =	simm.s32 @p1 $0x1;
	p0 =	seq.s32 s7, s2  }
0x1e: {  	s7 =	smul.u32 @!p0 $0xF7A, s2;
	p2 =	seq.s32 @!p0 s5, $0x0  }
0x1f: {  	s9 =	smul.u32 $0xF7A, s1;
	s8 =	simm.s32 @!p0 $0x1BF5;
	p2 =	por !p2, p0  }
0x20: {  	[sflag:s8] =	ssyncset.s32 @!p0 $0xFFFFF086;
	s6 =	sadd.s32 @!p0 s3, s7;
	s7 =	simm.s32 @!p0 $0x108  }
0x21: {  	s3 =	sadd.s32 s3, s9;
	s6 =	sadd.s32 @!p0 $0x88, s6;
	s7 =	simm.s32 @p2 $0x1082  }
0x22: {  	[simem:s7], [sflag:s8] =	dma.local @!p0 [hbm:s6], $0xF7A  }
0x23: {  	s9 =	sor.u32 $0xD0000000, s2;
	s6 =	simm.s32 $0x108;
	_ =	swait.ge @!p0 [sflag:s8], $0x0  }
0x24: {  	s3 =	sadd.s32 $0x88, s3;
	s6 =	simm.s32 @!p1 $0x1082;
	[sflag:s4] =	ssyncset.s32 $0xFFFFF086  }
0x25: {  	[simem:s6], [sflag:s4] =	dma.local [hbm:s3], $0xF7A  }
0x26: {  	[smem:$0x3F8D] =	sst s1;
	(tag) =	ssettag s2;
	_ =	strace s9  }
0x27: {  	s1 =	sld [smem:$0x3F9D]  }
0x28: {  	s2 =	sld [smem:$0x3F9E]  }
0x29: {  	s4 =	sld [smem:$0x3FA0]  }
0x2a: {  	p0 =	seq.s32 s5, $0x0;
	s5 =	sld [smem:$0x3FA1]  }
0x2b: {  	s6 =	sld [smem:$0x3FA2]  }
0x2c: {  	s7 =	sld [smem:$0x3FA3]  }
0x2d: {  	s3 =	simm.s32 $0x108;
	s8 =	sld [smem:$0x3FA4]  }
0x2e: {  	s3 =	simm.s32 @!p0 $0x1082;
	s9 =	sld [smem:$0x3FA5]  }
0x2f: {  	lr =	sadd.s32 s0, s3;
	s0 =	sld [smem:$0x3F9C]  }
0x30: {  	s3 =	sld [smem:$0x3F9F]  }
0x31: {  	[smem:$0x3FA8] =	sst s10  }
0x32: {  	s10 =	sld [smem:$0x3FA6];
	_ =	sdelay $0x3  }
0x33: {  	p0 =	seq.s32 s10, $0x1;
	s10 =	sld [smem:$0x3FA8];
	_ =	sdelay $0x3  }
0x34: {  	[smem:$0x3FA8] =	sst s10  }
0x35: {  	s10 =	sld [smem:$0x3FA7];
	_ =	sdelay $0x3  }
0x36: {  	p1 =	seq.s32 s10, $0x1;
	s10 =	sld [smem:$0x3FA8];
	_ =	sdelay $0x3  }
0x37: {  	[smem:$0x3FA8] =	sst s10  }
0x38: {  	s10 =	sld [smem:$0x3FA9]  }
0x39: {  	_ = 	snop;
	(pc) =	sbr.ind lr, $3  }
0x3a: {  	_ = 	snop  }
0x3b: {  	_ = 	snop  }
0x3c: {  	p2 =	seq.s32 s10, $0x1;
	s10 =	sld [smem:$0x3FA8]  }
0x3d: {  	_ =	shalt  }
0x3e: {  	_ =	shalt  }
0x3f: {  	_ =	shalt  }
0x40: {  	_ =	shalt  }
0x41: {  	_ =	shalt  }
0x42: {  	_ =	shalt  }
0x43: {  	_ =	shalt  }
0x44: {  	_ =	shalt  }
0x45: {  	_ =	shalt  }
0x46: {  	_ =	shalt  }
0x47: {  	_ =	shalt  }
0x48: {  	_ =	shalt  }
0x49: {  	_ =	shalt  }
0x4a: {  	_ =	shalt  }
0x4b: {  	_ =	shalt  }
0x4c: {  	_ =	shalt  }
0x4d: {  	_ =	shalt  }
0x4e: {  	_ =	shalt  }
0x4f: {  	_ =	shalt  }
0x50: {  	_ =	shalt  }
0x51: {  	_ =	shalt  }
0x52: {  	_ =	shalt  }
0x53: {  	_ =	shalt  }
0x54: {  	_ =	shalt  }
0x55: {  	_ =	shalt  }
0x56: {  	_ =	shalt  }
0x57: {  	_ =	shalt  }
0x58: {  	_ =	shalt  }
0x59: {  	_ =	shalt  }
0x5a: {  	_ =	shalt  }
0x5b: {  	_ =	shalt  }
0x5c: {  	_ =	shalt  }
0x5d: {  	_ =	shalt  }
0x5e: {  	_ =	shalt  }
0x5f: {  	_ =	shalt  }
0x60: {  	_ =	shalt  }
0x61: {  	_ =	shalt  }
0x62: {  	_ =	shalt  }
0x63: {  	_ =	shalt  }
0x64: {  	_ =	shalt  }
0x65: {  	_ =	shalt  }
0x66: {  	_ =	shalt  }
0x67: {  	_ =	shalt  }
0x68: {  	_ =	shalt  }
0x69: {  	_ =	shalt  }
0x6a: {  	_ =	shalt  }
0x6b: {  	_ =	shalt  }
0x6c: {  	_ =	shalt  }
0x6d: {  	_ =	shalt  }
0x6e: {  	_ =	shalt  }
0x6f: {  	_ =	shalt  }
0x70: {  	_ =	shalt  }
0x71: {  	_ =	shalt  }
0x72: {  	_ =	shalt  }
0x73: {  	_ =	shalt  }
0x74: {  	_ =	shalt  }
0x75: {  	_ =	shalt  }
0x76: {  	_ =	shalt  }
0x77: {  	_ =	shalt  }
0x78: {  	_ =	shalt  }
0x79: {  	_ =	shalt  }
0x7a: {  	_ =	shalt  }
0x7b: {  	_ =	shalt  }
0x7c: {  	_ =	shalt  }
0x7d: {  	_ =	shalt  }
0x7e: {  	_ =	shalt  }
0x7f: {  	_ =	shalt  }
0x80: {  	_ =	shalt  }
0x81: {  	_ =	shalt  }
0x82: {  	_ =	shalt  }
0x83: {  	_ =	shalt  }
0x84: {  	_ =	shalt  }
0x85: {  	_ =	shalt  }
0x86: {  	_ =	shalt  }
0x87: {  	_ =	shalt  }
.Lfunc_end0:
.L_simem_size_0:
called_computation.5_lowered:
.L_overlay_start_0:
0x88: {  	s0 =	sld [smem:$0x3FD9]  }
0x89: {  	s1 =	sld [smem:$0x3FFE];
	_ =	sdelay $0x3  }
0x8a: {  	s0 =	sadd.s32 s1, s0  }
0x8b: {  	[smem:$0x3FB4] =	sst s0  }
0x8c: {  	_ = 	snop  }
0x8d: {  	(tm) =	ssettm $0x1  }
0x8e: {  	s15 =	sld [smem:$0x3FFB];
	_ =	sdelay $0x3  }
0x8f: {  	_ =	strace s15  }
0x90: {  	s0 =	sld [smem:$0x3FFC];
	_ =	sdelay $0x3  }
0x91: {  	_ =	strace s0  }
0x92: {  	s0 =	sld [smem:$0x3FFD];
	_ =	sdelay $0x3  }
0x93: {  	_ =	strace s0  }
0x94: {  	_ =	strace $0x8FFFFFFF  }
0x95: {  	s16 =	sld [smem:$0x3FDB];
	_ =	sdelay $0x1  }
0x96: {  	s17 =	simm.s32 $_scs_section_size  }
0x97: {  	s2 =	simm.s32 $_size__tile_overlayer_lowered;
	s3 =	simm.s32 $_tile_overlayer_lowered  }
0x98: {  	s20 =	simm.s32 $0x1BFF;
	s19 =	sshll.u32 s3, $0x1;
	s0 =	sadd.s32 s17, s16  }
0x99: {  	s4 =	simm.s32 $0x0;
	s18 =	sshll.u32 s2, $0x1;
	s2 =	sadd.s32 s19, s0  }
0x9a: {  	[timem:s4], [sflag:s20] =	dma.local [hbm:s2], s18  }
0x9b: {  	_ =	swait.ge [sflag:s20], s18  }
0x9c: {  	s1 =	ssub.s32 $0x0, s18;
	[sflag:s20] =	ssyncset.done $0x0  }
0x9d: {  	[sflag:s20] =	ssyncadd.s32 s1;
	_ =	sdelay $0x1  }
0x9e: {  	s21 =	simm.s32 $0x1B8B  }
0x9f: {  	_ =	swait.ge [sflag:s21], $0x1  }
0xa0: {  	[sflag:s21] =	ssyncset.done $0x0  }
0xa1: {  	s23 =	simm.s32 $0x1B8E;
	s22 =	sld [smem:$0x3FFE];
	[sflag:s21] =	ssyncadd.s32 $0xFFFFFFFF  }
0xa2: {  	s24 =	simm.s32 $execute0_lowered;
	[smem:$0x3FD2] =	sst s23  }
0xa3: {  	s2 =	sshll.u32 s24, $0x1;
	_ =	strace $0x8000005E;
	[dreg:$0x1] =	wrdreg $0xFFFFFFFF  }
0xa4: {  	s25 =	simm.s32 $_size_execute0_lowered;
	s0 =	sadd.s32 s0, s2;
	[dreg:$0x0] =	wrdreg $0x0  }
0xa5: {  	s2 =	sshll.u32 s25, $0x1;
	[dreg:$0x2] =	wrdreg s0  }
0xa6: {  	[dreg:$0x3] =	wrdreg s2  }
0xa7: {  	[dreg:$0x4] =	wrdreg $0xC0  }
0xa8: {  	_ =	task [dreg:s4], $0x5FFFF  }
0xa9: {  	[dreg:$0x1] =	wrdreg $0xFFFFFFFF  }
0xaa: {  	[dreg:$0x0] =	wrdreg $0x60  }
0xab: {  	[dreg:$0x2] =	wrdreg s22  }
0xac: {  	[dreg:$0x3] =	wrdreg $0xA  }
0xad: {  	_ =	task.clear_ibuf [dreg:s4], $0x4FFFF;
	_ =	strace $0x9000005E  }
0xae: {  	s26 =	simm.s32 $0xA;
	_ =	strace $0x80000060  }
0xaf: {  	_ =	swait.ge [sflag:s26], $0x1  }
0xb0: {  	[sflag:s26] =	ssyncadd.s32 $0xFFFFFFFF  }
0xb1: {  	_ =	strace $0x90000060  }
0xb2: {  	_ =	sfence  }
0xb3: {  	s28 =	sld [smem:$0x0];
	_ =	sdelay $0x1  }
0xb4: {  	s29 =	srdreg.scid  }
0xb5: {  	s30 =	sshll.u32 s29, $0xD;
	s31 =	sshrl.u32 s29, $0x2  }
0xb6: {  	s1 =	sand.u32 $0x1, s29;
	s2 =	sand.u32 $0x4000, s30;
	s0 =	sadd.s32 s31, s28  }
0xb7: {  	s1 =	sor.u32 s2, s1;
	s0 =	sshll.u32 s0, $0x11  }
0xb8: {  	s0 =	sor.u32 s0, s1  }
0xb9: {  	s0 =	sadd.s32 $0x8F2B, s0  }
0xba: {  	[sflag:s0] =	ssyncadd.remote.s32 $0x1  }
0xbb: {  	_ =	sfence.sel $0xFFFF  }
0xbc: {  	[dreg:$0x0] =	wrdreg $0xFFFFFFFF;
	(pc) =	sbr.abs _section_cstart, $3  }
0xbd: {  	[dreg:$0x1] =	wrdreg $0xFFFFFFFF  }
0xbe: {  	_ =	task.clear_ibuf [dreg:s4], $0x2FFFF;
	_ =	strace $0x9FFFFFFF  }
0xbf: {  	(tm) =	ssettm $0x7FFFFFFF  }
tec
execute0_lowered:
.L_overlay_start_1:
0x0: {  	(tag) =	ssettag $0x1  }
0x1: {  	s0 =	stileid.u32  }
0x2: {  	s1 =	smin.u32 s0, $0x9  }
0x3: {  	s1 =	sadd.s32 s0, s1  }
0x4: {  	s2 =	simm.s32 $0x190;
	p0 =	slt.u32 s0, $0x9;
	s1 =	smul.u32 $0xC8, s1  }
0x5: {  	s2 =	simm.s32 @!p0 $0xC8  }
0x6: {  	s2 =	sadd.s32 s2, s1  }
0x7: {  	s3 =	smin.u32 s2, $0x1388  }
0x8: {  	s7 =	ssub.s32 s3, s1  }
0x9: {  	p0 =	sgt.s32 s7, $0x0  }
0xa: {  	s7 =	simm.s32 @!p0 $0x0  }
0xb: {  	s31 =	sand.u32 $0xFFF8, s7  }
0xc: {  	s2 =	sshrl.u32 s31, $0x3  }
0xd: {  	s2 =	smul.u32 $0x147B, s2  }
0xe: {  	s9 =	rddreg [dreg:$0x0];
	s6 =	simm.s32 $0x1;
	s11 =	simm.s32 $0x3  }
0xf: {  	s13 =	simm.s32 $0x0;
	s12 =	simm.s32 $0x0;
	s8 =	sshrl.u32 s2, $0x11  }
0x10: {  	s4 =	sadd.s32 $0x62000, s9;
	s5 =	sadd.s32 $0x89200, s9;
	s10 =	smul.u32 $0xC8, s8  }
.Ltmp0:
0x11: {  	s9 =	sadd.s32 $0x200, s9;
	s2 =	rddreg [dreg:$0x1];
	(pc) =	sbr.rel .LBB2_1-.Ltmp0, $4  }
0x12: {  	_ =	strace $0x8000005F;
	p0 =	sne.s32 s7, s10;
	s10 =	simm.s32 $0x1  }
0x13: {  	[sflag:s6] =	ssyncpa.u1 $0x0;
	s7 =	simm.s32 $0x2;
	s10 =	simm.s32 @!p0 $0x0  }
0x14: {  	[sflag:s7] =	ssyncpa.u1 $0x0;
	p0 =	por $0x0, $0x0;
	s8 =	sadd.s32 s8, s10  }
0x15: {  	vm0 =	vmmov $0xff;
	vm1 =	vcmask $0x3F20;
	[sflag:s11] =	ssyncpa.u1 $0x0;
	s11 =	smov.u32 s1;
	s10 =	sadd.s32 $0x1, s8  }
.LBB2_6:
0x16: {  	[hbm:s17] =	stream.linear.scatter [tilespmem:s14], [sflag:$0x3], $0x400, $0x38;
	[tilespmem:$0xC990] =	vst v63  }
.LBB2_7:
0x17: {  	s13 =	sadd.s32 $0xC8, s11  }
0x18: {  	s15 =	smov.u32 s1;
	p2 =	slt.s32 s13, s3  }
0x19: {  	s15 =	smov.u32 @p2 s13;
	p2 =	sne.s32 s12, s10  }
.Ltmp1:
0x1a: {  	p1 =	slt.u32 s12, $0x2;
	(pc) =	sbr.rel @!p2 .LBB2_8-.Ltmp1, $4  }
0x1b: {  	s14 =	simm.s32 @!p1 $0x3  }
0x1c: {  	s16 =	sadd.s32 $0x1, s12;
	_ =	swait.ge @!p1 [sflag:s14], $0x6400  }
0x1d: {  	p0 =	por !p0, !p0;
	s13 =	smov.u32 s11;
	[sflag:s14] =	ssyncset.done @!p1 $0x0  }
0x1e: {  	s12 =	smov.u32 s16;
	s11 =	smov.u32 s15;
	[sflag:s14] =	ssyncadd.s32 @!p1 $0xFFFF9C00  }
.LBB2_1:
0x1f: {  	p1 =	sge.u32 s12, s8  }
0x20: {  	s14 =	sxor.u32 @!p1 $0xFFFFFFFF, s12  }
0x21: {  	s14 =	sand.u32 @!p1 $0x1, s14  }
0x22: {  	s14 =	smul.u32 @!p1 $0x320, s14  }
0x23: {  	s31 =	sadd.s32 $0xFFFFFFFF, s12;
	s15 =	sshrl.u32 @!p1 s11, $0x3  }
0x24: {  	s16 =	sand.u32 @!p1 $0x7, s11;
	s15 =	sadd.s32 @!p1 s5, s15;
	s14 =	sshrl.u32 @!p1 s14, $0x2  }
0x25: {  	[tilespmem:s14], [sflag:$0x2] =	stream.linear.gather @!p1 [hbm4b:s15+s16], $0xC8, $0x38;
	[tilespmem:$0xC990] =	vst v63  }
0x26: {  	p1 =	sge.u32 s31, s8  }
.Ltmp2:
0x27: {  	_ = 	snop;
	(pc) =	sbr.rel @p1 .LBB2_7-.Ltmp2, $1  }
0x28: {  	_ =	sdelay $0x3  }
0x29: {  	s14 =	simm.s32 $0x1  }
0x2a: {  	s14 =	simm.s32 @!p0 $0x0  }
0x2b: {  	s15 =	smul.u32 $0x320, s14  }
0x2c: {  	_ =	swait.ge [sflag:s7], $0xC8  }
0x2d: {  	[sflag:s7] =	ssyncset.done $0x0;
	s16 =	sshrl.u32 s15, $0x2  }
0x2e: {  	[sflag:s7] =	ssyncadd.s32 $0xFFFFFF38;
	s15 =	sadd.s32 $0x0, s16  }
0x2f: {  	v0 =	vld.msk [tilespmem:s15+$0x0 ss:$0x1], $0xffff;
	_ =	sdelay $0x4  }
0x30: {  	vm2 =	vgt.s32 v0, $0x0  }
0x31: {  	v0 =	vnsel vm2, $0x0, v0  }
0x32: {  	v0 =	vmin.u32 v0, $0x270F  }
0x33: {  	v0 =	vshll.u32 v0, $0x4  }
0x34: {  	s14 =	smul.u32 $0x19000, s14  }
0x35: {  	s31 =	sand.u32 $0x1, s12  }
0x36: {  	s17 =	smul.u32 $0x320, s31;
	s14 =	sshrl.u32 s14, $0x2  }
0x37: {  	s19 =	smul.u32 $0x19000, s31;
	s14 =	sor.u32 $0x190, s14  }
0x38: {  	[tilespmem:s14], [sflag:$0x1] =	stream.indirect_vreg.gather [hbm:s4], $0x80, v0, vm0, $0x38;
	[tilespmem:$0xC990] =	vst v63  }
0x39: {  	s18 =	sshrl.u32 s17, $0x2;
	s20 =	sadd.s32 $0x10, s16;
	s15 =	sadd.s32 $0x400, s14  }
0x3a: {  	[tilespmem:s15], [sflag:$0x1] =	stream.indirect_vreg.gather [hbm:s4], $0x80, v0, vm1, $0x38;
	[tilespmem:$0xC990] =	vst v63  }
0x3b: {  	s17 =	sshrl.u32 s19, $0x2;
	s19 =	smov.u32 s14;
	v0 =	vld.msk [tilespmem:s20+$0x0 ss:$0x1], $0xffff;
	s20 =	simm.s32 $0x80  }
.LBB2_3:
0x3c: {  	p1 =	sne.s32 s20, $0x2C0;
	_ =	sdelay $0x4  }
0x3d: {  	vm2 =	vgt.s32 v0, $0x0  }
0x3e: {  	v0 =	vnsel vm2, $0x0, v0  }
0x3f: {  	v0 =	vmin.u32 v0, $0x270F  }
0x40: {  	v0 =	vshll.u32 v0, $0x4;
	_ =	sdelay $0x3  }
.Ltmp3:
0x41: {  	s21 =	sshra.s32 s20, $0x2;
	s19 =	sadd.s32 $0x800, s19;
	(pc) =	sbr.rel @p1 .LBB2_3-.Ltmp3, $4  }
0x42: {  	[tilespmem:s19], [sflag:$0x1] =	stream.indirect_vreg.gather [hbm:s4], $0x80, v0, vm0, $0x38;
	[tilespmem:$0xC990] =	vst v63  }
0x43: {  	s21 =	sadd.s32 s21, s16;
	s22 =	sadd.s32 $0x400, s19  }
0x44: {  	[tilespmem:s22], [sflag:$0x1] =	stream.indirect_vreg.gather [hbm:s4], $0x80, v0, vm1, $0x38;
	[tilespmem:$0xC990] =	vst v63  }
0x45: {  	s20 =	sadd.s32 $0x40, s20;
	v0 =	vld.msk [tilespmem:s21+$0x0 ss:$0x1], $0xffff  }
0x46: {  	_ =	sdelay $0x3  }
0x47: {  	vm2 =	vgt.s32 v0, $0x0  }
0x48: {  	v0 =	vnsel vm2, $0x0, v0  }
0x49: {  	v0 =	vmin.u32 v0, $0x270F  }
0x4a: {  	v0 =	vshll.u32 v0, $0x4;
	_ =	sdelay $0x3  }
0x4b: {  	s16 =	sadd.s32 $0x800, s19  }
0x4c: {  	[tilespmem:s16], [sflag:$0x1] =	stream.indirect_vreg.gather [hbm:s4], $0x80, v0, vm0, $0x38;
	[tilespmem:$0xC990] =	vst v63  }
0x4d: {  	s16 =	sadd.s32 $0x400, s16  }
0x4e: {  	[tilespmem:s16], [sflag:$0x1] =	stream.indirect_vreg.gather [hbm:s4], $0x80, v0, vm1, $0x38;
	[tilespmem:$0xC990] =	vst v63  }
0x4f: {  	v0 =	vld.msk [tilespmem:s18+$0xC0 ss:$0x1], $0xff;
	_ =	sdelay $0x4  }
0x50: {  	vm2 =	vgt.s32 v0, $0x0  }
0x51: {  	v0 =	vnsel vm2, $0x0, v0  }
0x52: {  	v0 =	vmin.u32 v0, $0x270F  }
0x53: {  	v0 =	vshll.u32 v0, $0x4;
	_ =	sdelay $0x3  }
0x54: {  	s31 =	sadd.s32 $0x6190, s17  }
0x55: {  	[tilespmem:s31], [sflag:$0x1] =	stream.indirect_vreg.gather [hbm:s4], $0x80, v0, vm0, $0x38;
	[tilespmem:$0xC990] =	vst v63  }
0x56: {  	s13 =	sshll.u32 s13, $0x4;
	_ =	swait.ge [sflag:s6], $0x6400  }
0x57: {  	s13 =	sadd.s32 s13, s9;
	[sflag:s6] =	ssyncset.done $0x0  }
0x58: {  	s17 =	sadd.s32 $0x0, s13;
	s16 =	simm.s32 $0x80;
	[sflag:s6] =	ssyncadd.s32 $0xFFFF9C00  }
.LBB2_5:
0x59: {  	[hbm:s17] =	stream.linear.scatter [tilespmem:s14], [sflag:$0x3], $0x400, $0x38;
	[tilespmem:$0xC990] =	vst v63  }
0x5a: {  	s17 =	smov.u32 s16;
	s14 =	smov.u32 s15;
	p1 =	sne.s32 s16, $0xC00  }
.Ltmp4:
0x5b: {  	s16 =	sadd.s32 $0x80, s16;
	(pc) =	sbr.rel @p1 .LBB2_5-.Ltmp4, $2  }
0x5c: {  	_ =	sdelay $0x2  }
0x5d: {  	s15 =	sadd.s32 $0x400, s15;
	s17 =	sadd.s32 s17, s13  }
.Ltmp5:
0x5e: {  	_ = 	snop;
	(pc) =	sbr.rel .LBB2_6-.Ltmp5, $1  }
0x5f: {  	_ =	sdelay $0x3  }
.LBB2_8:
0x60: {  	_ =	sfence.sel $0x180000  }
0x61: {  	s1 =	simm.s32 $0x2;
	[bflag:$0x0] =	sbarrier.arrive $0xFFFF  }
0x62: {  	s30 =	simm.s32 $0x3;
	[sflag:s1] =	ssyncpa.u1 $0x1  }
0x63: {  	s31 =	simm.s32 $0x1;
	[sflag:s30] =	ssyncpa.u1 $0x1  }
0x64: {  	[sflag:s31] =	ssyncpa.u1 $0x1  }
0x65: {  	p0 =	sne.s32 s0, $0x0;
	_ =	strace $0x9000005F  }
0x66: {  	s0 =	sadd.s32 @!p0 $0x100000, s2;
	[bflag:$0x2] =	sbarrier.arrive $0xFFFF  }
0x67: {  	[sflag:s0] =	ssyncadd.tile.s32 @!p0 $0x1;
	_ =	shalt  }
.Lfunc_end2:
_tile_overlayer_lowered:
.L_overlay_start_2:
0x68: {  	(tag) =	ssettag $0x2  }
0x69: {  	s0 =	rddreg [dreg:$0x0];
	s2 =	stileid.u32  }
0x6a: {  	s1 =	rddreg [dreg:$0x1];
	p0 =	sne.s32 s2, $0x0  }
0x6b: {  	s3 =	rddreg [dreg:$0x2];
	[bflag:$0x3] =	sbarrier.arrive $0xFFFF;
	s2 =	simm.s32 @!p0 $0x1C01  }
0x6c: {  	[timem:s3], [sflag:s2] =	dma.local @!p0 [hbm:s0], s1  }
0x6d: {  	s0 =	simm.s32 @!p0 $0x1  }
0x6e: {  	_ =	swait.ge @!p0 [sflag:s0], s1  }
0x6f: {  	s1 =	ssub.s32 @!p0 $0x0, s1;
	[sflag:s0] =	ssyncset.done @!p0 $0x0  }
0x70: {  	[sflag:s0] =	ssyncadd.s32 @!p0 s1  }
0x71: {  	[bflag:$0x3] =	sbarrier.arrive $0xFFFF  }
0x72: {  	_ =	shalt  }

// kernel: gather_offload_async_start
scs
__scs_entry_jumppad:
0x0: {  	(pc) =	sbr.rel $0x88, $3  }
0x1: {  	(tag) =	ssettag $0x0;
	lr =	simm.s32 $0x1  }
0x2: {  	[smem:$0x3F8D] =	sst lr;
	_ =	strace $0xD0000000  }
0x3: {  	_ = 	snop  }
0x4: {  	_ = 	snop  }
0x5: {  	_ = 	snop  }
0x6: {  	_ = 	snop  }
0x7: {  	_ = 	snop  }
__scs_overlays_trampoline_lowered:
0x8: {  	[smem:$0x3F9C] =	sst s0  }
0x9: {  	[smem:$0x3F9D] =	sst s1  }
0xa: {  	[smem:$0x3F9E] =	sst s2  }
0xb: {  	[smem:$0x3F9F] =	sst s3  }
0xc: {  	[smem:$0x3FA0] =	sst s4  }
0xd: {  	[smem:$0x3FA1] =	sst s5  }
0xe: {  	[smem:$0x3FA2] =	sst s6  }
0xf: {  	[smem:$0x3FA3] =	sst s7  }
0x10: {  	[smem:$0x3FA4] =	sst s8  }
0x11: {  	[smem:$0x3FA5] =	sst s9;
	s0 =	simm.s32 @!p0 $0x0  }
0x12: {  	s1 =	sld [smem:$0x3F8B];
	s0 =	simm.s32 @p0 $0x1  }
0x13: {  	[smem:$0x3FA6] =	sst s0;
	s0 =	simm.s32 @!p1 $0x0  }
0x14: {  	s2 =	sld [smem:$0x3F8A];
	s0 =	simm.s32 @p1 $0x1  }
0x15: {  	[smem:$0x3FA7] =	sst s0;
	s0 =	simm.s32 @!p2 $0x0  }
0x16: {  	s3 =	sld [smem:$0x3FDB];
	s0 =	simm.s32 @p2 $0x1  }
0x17: {  	s4 =	simm.s32 $0x1BF5;
	[smem:$0x3FA9] =	sst s0  }
0x18: {  	s0 =	sld [smem:$0x3F8C];
	_ =	swait.ge [sflag:s4], $0x0  }
0x19: {  	s7 =	sld [smem:$0x3F8D]  }
0x1a: {  	s8 =	sadd.s32 $0xFFFFE003, lr  }
0x1b: {  	s9 =	sadd.s32 $0xFFFFFEF7, lr;
	s5 =	simm.s32 $0xFFFFFFFF;
	p2 =	slt.u32 s8, $0xFFFFF086  }
0x1c: {  	p1 =	slt.u32 s9, $0xF7A;
	s5 =	simm.s32 @!p2 $0x0  }
0x1d: {  	s5 =	simm.s32 @p1 $0x1;
	p0 =	seq.s32 s7, s2  }
0x1e: {  	s7 =	smul.u32 @!p0 $0xF7A, s2;
	p2 =	seq.s32 @!p0 s5, $0x0  }
0x1f: {  	s9 =	smul.u32 $0xF7A, s1;
	s8 =	simm.s32 @!p0 $0x1BF5;
	p2 =	por !p2, p0  }
0x20: {  	[sflag:s8] =	ssyncset.s32 @!p0 $0xFFFFF086;
	s6 =	sadd.s32 @!p0 s3, s7;
	s7 =	simm.s32 @!p0 $0x108  }
0x21: {  	s3 =	sadd.s32 s3, s9;
	s6 =	sadd.s32 @!p0 $0x88, s6;
	s7 =	simm.s32 @p2 $0x1082  }
0x22: {  	[simem:s7], [sflag:s8] =	dma.local @!p0 [hbm:s6], $0xF7A  }
0x23: {  	s9 =	sor.u32 $0xD0000000, s2;
	s6 =	simm.s32 $0x108;
	_ =	swait.ge @!p0 [sflag:s8], $0x0  }
0x24: {  	s3 =	sadd.s32 $0x88, s3;
	s6 =	simm.s32 @!p1 $0x1082;
	[sflag:s4] =	ssyncset.s32 $0xFFFFF086  }
0x25: {  	[simem:s6], [sflag:s4] =	dma.local [hbm:s3], $0xF7A  }
0x26: {  	[smem:$0x3F8D] =	sst s1;
	(tag) =	ssettag s2;
	_ =	strace s9  }
0x27: {  	s1 =	sld [smem:$0x3F9D]  }
0x28: {  	s2 =	sld [smem:$0x3F9E]  }
0x29: {  	s4 =	sld [smem:$0x3FA0]  }
0x2a: {  	p0 =	seq.s32 s5, $0x0;
	s5 =	sld [smem:$0x3FA1]  }
0x2b: {  	s6 =	sld [smem:$0x3FA2]  }
0x2c: {  	s7 =	sld [smem:$0x3FA3]  }
0x2d: {  	s3 =	simm.s32 $0x108;
	s8 =	sld [smem:$0x3FA4]  }
0x2e: {  	s3 =	simm.s32 @!p0 $0x1082;
	s9 =	sld [smem:$0x3FA5]  }
0x2f: {  	lr =	sadd.s32 s0, s3;
	s0 =	sld [smem:$0x3F9C]  }
0x30: {  	s3 =	sld [smem:$0x3F9F]  }
0x31: {  	[smem:$0x3FA8] =	sst s10  }
0x32: {  	s10 =	sld [smem:$0x3FA6];
	_ =	sdelay $0x3  }
0x33: {  	p0 =	seq.s32 s10, $0x1;
	s10 =	sld [smem:$0x3FA8];
	_ =	sdelay $0x3  }
0x34: {  	[smem:$0x3FA8] =	sst s10  }
0x35: {  	s10 =	sld [smem:$0x3FA7];
	_ =	sdelay $0x3  }
0x36: {  	p1 =	seq.s32 s10, $0x1;
	s10 =	sld [smem:$0x3FA8];
	_ =	sdelay $0x3  }
0x37: {  	[smem:$0x3FA8] =	sst s10  }
0x38: {  	s10 =	sld [smem:$0x3FA9]  }
0x39: {  	_ = 	snop;
	(pc) =	sbr.ind lr, $3  }
0x3a: {  	_ = 	snop  }
0x3b: {  	_ = 	snop  }
0x3c: {  	p2 =	seq.s32 s10, $0x1;
	s10 =	sld [smem:$0x3FA8]  }
0x3d: {  	_ =	shalt  }
0x3e: {  	_ =	shalt  }
0x3f: {  	_ =	shalt  }
0x40: {  	_ =	shalt  }
0x41: {  	_ =	shalt  }
0x42: {  	_ =	shalt  }
0x43: {  	_ =	shalt  }
0x44: {  	_ =	shalt  }
0x45: {  	_ =	shalt  }
0x46: {  	_ =	shalt  }
0x47: {  	_ =	shalt  }
0x48: {  	_ =	shalt  }
0x49: {  	_ =	shalt  }
0x4a: {  	_ =	shalt  }
0x4b: {  	_ =	shalt  }
0x4c: {  	_ =	shalt  }
0x4d: {  	_ =	shalt  }
0x4e: {  	_ =	shalt  }
0x4f: {  	_ =	shalt  }
0x50: {  	_ =	shalt  }
0x51: {  	_ =	shalt  }
0x52: {  	_ =	shalt  }
0x53: {  	_ =	shalt  }
0x54: {  	_ =	shalt  }
0x55: {  	_ =	shalt  }
0x56: {  	_ =	shalt  }
0x57: {  	_ =	shalt  }
0x58: {  	_ =	shalt  }
0x59: {  	_ =	shalt  }
0x5a: {  	_ =	shalt  }
0x5b: {  	_ =	shalt  }
0x5c: {  	_ =	shalt  }
0x5d: {  	_ =	shalt  }
0x5e: {  	_ =	shalt  }
0x5f: {  	_ =	shalt  }
0x60: {  	_ =	shalt  }
0x61: {  	_ =	shalt  }
0x62: {  	_ =	shalt  }
0x63: {  	_ =	shalt  }
0x64: {  	_ =	shalt  }
0x65: {  	_ =	shalt  }
0x66: {  	_ =	shalt  }
0x67: {  	_ =	shalt  }
0x68: {  	_ =	shalt  }
0x69: {  	_ =	shalt  }
0x6a: {  	_ =	shalt  }
0x6b: {  	_ =	shalt  }
0x6c: {  	_ =	shalt  }
0x6d: {  	_ =	shalt  }
0x6e: {  	_ =	shalt  }
0x6f: {  	_ =	shalt  }
0x70: {  	_ =	shalt  }
0x71: {  	_ =	shalt  }
0x72: {  	_ =	shalt  }
0x73: {  	_ =	shalt  }
0x74: {  	_ =	shalt  }
0x75: {  	_ =	shalt  }
0x76: {  	_ =	shalt  }
0x77: {  	_ =	shalt  }
0x78: {  	_ =	shalt  }
0x79: {  	_ =	shalt  }
0x7a: {  	_ =	shalt  }
0x7b: {  	_ =	shalt  }
0x7c: {  	_ =	shalt  }
0x7d: {  	_ =	shalt  }
0x7e: {  	_ =	shalt  }
0x7f: {  	_ =	shalt  }
0x80: {  	_ =	shalt  }
0x81: {  	_ =	shalt  }
0x82: {  	_ =	shalt  }
0x83: {  	_ =	shalt  }
0x84: {  	_ =	shalt  }
0x85: {  	_ =	shalt  }
0x86: {  	_ =	shalt  }
0x87: {  	_ =	shalt  }
.Lfunc_end0:
.L_simem_size_0:
called_computation.4_lowered:
.L_overlay_start_0:
0x88: {  	s0 =	sld [smem:$0x3FD9]  }
0x89: {  	s1 =	sld [smem:$0x3FFE];
	_ =	sdelay $0x3  }
0x8a: {  	s0 =	sadd.s32 s1, s0  }
0x8b: {  	[smem:$0x3FB4] =	sst s0  }
0x8c: {  	_ = 	snop  }
0x8d: {  	(tm) =	ssettm $0x1  }
0x8e: {  	s15 =	sld [smem:$0x3FFB];
	_ =	sdelay $0x3  }
0x8f: {  	_ =	strace s15  }
0x90: {  	s0 =	sld [smem:$0x3FFC];
	_ =	sdelay $0x3  }
0x91: {  	_ =	strace s0  }
0x92: {  	s0 =	sld [smem:$0x3FFD];
	_ =	sdelay $0x3  }
0x93: {  	_ =	strace s0  }
0x94: {  	_ =	strace $0x8FFFFFFF  }
0x95: {  	s16 =	sld [smem:$0x3FDB];
	_ =	sdelay $0x1  }
0x96: {  	s17 =	simm.s32 $_scs_section_size  }
0x97: {  	s2 =	simm.s32 $_size__tile_overlayer_lowered;
	s3 =	simm.s32 $_tile_overlayer_lowered  }
0x98: {  	s20 =	simm.s32 $0x1BFF;
	s19 =	sshll.u32 s3, $0x1;
	s0 =	sadd.s32 s17, s16  }
0x99: {  	s4 =	simm.s32 $0x0;
	s18 =	sshll.u32 s2, $0x1;
	s2 =	sadd.s32 s19, s0  }
0x9a: {  	[timem:s4], [sflag:s20] =	dma.local [hbm:s2], s18  }
0x9b: {  	_ =	swait.ge [sflag:s20], s18  }
0x9c: {  	s1 =	ssub.s32 $0x0, s18;
	[sflag:s20] =	ssyncset.done $0x0  }
0x9d: {  	[sflag:s20] =	ssyncadd.s32 s1;
	_ =	sdelay $0x1  }
0x9e: {  	s21 =	simm.s32 $0x1B8B  }
0x9f: {  	_ =	swait.ge [sflag:s21], $0x1  }
0xa0: {  	[sflag:s21] =	ssyncset.done $0x0  }
0xa1: {  	s23 =	simm.s32 $0x1B8E;
	s22 =	sld [smem:$0x3FFE];
	[sflag:s21] =	ssyncadd.s32 $0xFFFFFFFF  }
0xa2: {  	s24 =	simm.s32 $execute0_lowered;
	[smem:$0x3FD2] =	sst s23  }
0xa3: {  	s2 =	sshll.u32 s24, $0x1;
	_ =	strace $0x8000005B;
	[dreg:$0x1] =	wrdreg $0xFFFFFFFF  }
0xa4: {  	s25 =	simm.s32 $_size_execute0_lowered;
	s0 =	sadd.s32 s0, s2;
	[dreg:$0x0] =	wrdreg $0x0  }
0xa5: {  	s2 =	sshll.u32 s25, $0x1;
	[dreg:$0x2] =	wrdreg s0  }
0xa6: {  	[dreg:$0x3] =	wrdreg s2  }
0xa7: {  	[dreg:$0x4] =	wrdreg $0xC0  }
0xa8: {  	_ =	task [dreg:s4], $0x5FFFF  }
0xa9: {  	[dreg:$0x1] =	wrdreg $0xFFFFFFFF  }
0xaa: {  	[dreg:$0x0] =	wrdreg $0x60  }
0xab: {  	[dreg:$0x2] =	wrdreg s22  }
0xac: {  	[dreg:$0x3] =	wrdreg $0x9  }
0xad: {  	_ =	task.clear_ibuf [dreg:s4], $0x4FFFF;
	_ =	strace $0x9000005B  }
0xae: {  	s26 =	simm.s32 $0x9;
	_ =	strace $0x8000005D  }
0xaf: {  	_ =	swait.ge [sflag:s26], $0x1  }
0xb0: {  	[sflag:s26] =	ssyncadd.s32 $0xFFFFFFFF  }
0xb1: {  	_ =	strace $0x9000005D  }
0xb2: {  	_ =	sfence  }
0xb3: {  	s28 =	sld [smem:$0x0];
	_ =	sdelay $0x1  }
0xb4: {  	s29 =	srdreg.scid  }
0xb5: {  	s30 =	sshll.u32 s29, $0xD;
	s31 =	sshrl.u32 s29, $0x2  }
0xb6: {  	s1 =	sand.u32 $0x1, s29;
	s2 =	sand.u32 $0x4000, s30;
	s0 =	sadd.s32 s31, s28  }
0xb7: {  	s1 =	sor.u32 s2, s1;
	s0 =	sshll.u32 s0, $0x11  }
0xb8: {  	s0 =	sor.u32 s0, s1  }
0xb9: {  	s0 =	sadd.s32 $0x8F2B, s0  }
0xba: {  	[sflag:s0] =	ssyncadd.remote.s32 $0x1  }
0xbb: {  	_ =	sfence.sel $0xFFFF  }
0xbc: {  	[dreg:$0x0] =	wrdreg $0xFFFFFFFF;
	(pc) =	sbr.abs _section_cstart, $3  }
0xbd: {  	[dreg:$0x1] =	wrdreg $0xFFFFFFFF  }
0xbe: {  	_ =	task.clear_ibuf [dreg:s4], $0x2FFFF;
	_ =	strace $0x9FFFFFFF  }
0xbf: {  	(tm) =	ssettm $0x7FFFFFFF  }
tec
execute0_lowered:
.L_overlay_start_1:
0x0: {  	(tag) =	ssettag $0x1  }
0x1: {  	s0 =	stileid.u32  }
0x2: {  	s1 =	smin.u32 s0, $0x9  }
0x3: {  	s1 =	sadd.s32 s0, s1  }
0x4: {  	s2 =	simm.s32 $0x190;
	p0 =	slt.u32 s0, $0x9;
	s1 =	smul.u32 $0xC8, s1  }
0x5: {  	s2 =	simm.s32 @!p0 $0xC8  }
0x6: {  	s2 =	sadd.s32 s2, s1  }
0x7: {  	s3 =	smin.u32 s2, $0x1388  }
0x8: {  	s7 =	ssub.s32 s3, s1  }
0x9: {  	p0 =	sgt.s32 s7, $0x0  }
0xa: {  	s7 =	simm.s32 @!p0 $0x0  }
0xb: {  	s31 =	sand.u32 $0xFFF8, s7  }
0xc: {  	s2 =	sshrl.u32 s31, $0x3  }
0xd: {  	s2 =	smul.u32 $0x147B, s2  }
0xe: {  	s9 =	rddreg [dreg:$0x0];
	s6 =	simm.s32 $0x1;
	s11 =	simm.s32 $0x3  }
0xf: {  	s13 =	simm.s32 $0x0;
	s12 =	simm.s32 $0x0;
	s8 =	sshrl.u32 s2, $0x11  }
0x10: {  	s4 =	sadd.s32 $0x3AE00, s9;
	s5 =	sadd.s32 $0x89200, s9;
	s10 =	smul.u32 $0xC8, s8  }
.Ltmp0:
0x11: {  	s9 =	sadd.s32 $0x89600, s9;
	s2 =	rddreg [dreg:$0x1];
	(pc) =	sbr.rel .LBB2_1-.Ltmp0, $4  }
0x12: {  	_ =	strace $0x8000005C;
	p0 =	sne.s32 s7, s10;
	s10 =	simm.s32 $0x1  }
0x13: {  	[sflag:s6] =	ssyncpa.u1 $0x0;
	s7 =	simm.s32 $0x2;
	s10 =	simm.s32 @!p0 $0x0  }
0x14: {  	[sflag:s7] =	ssyncpa.u1 $0x0;
	p0 =	por $0x0, $0x0;
	s8 =	sadd.s32 s8, s10  }
0x15: {  	vm0 =	vmmov $0xff;
	vm1 =	vcmask $0x3F20;
	[sflag:s11] =	ssyncpa.u1 $0x0;
	s11 =	smov.u32 s1;
	s10 =	sadd.s32 $0x1, s8  }
.LBB2_6:
0x16: {  	[hbm:s17] =	stream.linear.scatter [tilespmem:s14], [sflag:$0x3], $0x400, $0x38;
	[tilespmem:$0xC990] =	vst v63  }
.LBB2_7:
0x17: {  	s13 =	sadd.s32 $0xC8, s11  }
0x18: {  	s15 =	smov.u32 s1;
	p2 =	slt.s32 s13, s3  }
0x19: {  	s15 =	smov.u32 @p2 s13;
	p2 =	sne.s32 s12, s10  }
.Ltmp1:
0x1a: {  	p1 =	slt.u32 s12, $0x2;
	(pc) =	sbr.rel @!p2 .LBB2_8-.Ltmp1, $4  }
0x1b: {  	s14 =	simm.s32 @!p1 $0x3  }
0x1c: {  	s16 =	sadd.s32 $0x1, s12;
	_ =	swait.ge @!p1 [sflag:s14], $0x6400  }
0x1d: {  	p0 =	por !p0, !p0;
	s13 =	smov.u32 s11;
	[sflag:s14] =	ssyncset.done @!p1 $0x0  }
0x1e: {  	s12 =	smov.u32 s16;
	s11 =	smov.u32 s15;
	[sflag:s14] =	ssyncadd.s32 @!p1 $0xFFFF9C00  }
.LBB2_1:
0x1f: {  	p1 =	sge.u32 s12, s8  }
0x20: {  	s14 =	sxor.u32 @!p1 $0xFFFFFFFF, s12  }
0x21: {  	s14 =	sand.u32 @!p1 $0x1, s14  }
0x22: {  	s14 =	smul.u32 @!p1 $0x320, s14  }
0x23: {  	s31 =	sadd.s32 $0xFFFFFFFF, s12;
	s15 =	sshrl.u32 @!p1 s11, $0x3  }
0x24: {  	s16 =	sand.u32 @!p1 $0x7, s11;
	s15 =	sadd.s32 @!p1 s5, s15;
	s14 =	sshrl.u32 @!p1 s14, $0x2  }
0x25: {  	[tilespmem:s14], [sflag:$0x2] =	stream.linear.gather @!p1 [hbm4b:s15+s16], $0xC8, $0x38;
	[tilespmem:$0xC990] =	vst v63  }
0x26: {  	p1 =	sge.u32 s31, s8  }
.Ltmp2:
0x27: {  	_ = 	snop;
	(pc) =	sbr.rel @p1 .LBB2_7-.Ltmp2, $1  }
0x28: {  	_ =	sdelay $0x3  }
0x29: {  	s14 =	simm.s32 $0x1  }
0x2a: {  	s14 =	simm.s32 @!p0 $0x0  }
0x2b: {  	s15 =	smul.u32 $0x320, s14  }
0x2c: {  	_ =	swait.ge [sflag:s7], $0xC8  }
0x2d: {  	[sflag:s7] =	ssyncset.done $0x0;
	s16 =	sshrl.u32 s15, $0x2  }
0x2e: {  	[sflag:s7] =	ssyncadd.s32 $0xFFFFFF38;
	s15 =	sadd.s32 $0x0, s16  }
0x2f: {  	v0 =	vld.msk [tilespmem:s15+$0x0 ss:$0x1], $0xffff;
	_ =	sdelay $0x4  }
0x30: {  	vm2 =	vgt.s32 v0, $0x0  }
0x31: {  	v0 =	vnsel vm2, $0x0, v0  }
0x32: {  	v0 =	vmin.u32 v0, $0x270F  }
0x33: {  	v0 =	vshll.u32 v0, $0x4  }
0x34: {  	s14 =	smul.u32 $0x19000, s14  }
0x35: {  	s31 =	sand.u32 $0x1, s12  }
0x36: {  	s17 =	smul.u32 $0x320, s31;
	s14 =	sshrl.u32 s14, $0x2  }
0x37: {  	s19 =	smul.u32 $0x19000, s31;
	s14 =	sor.u32 $0x190, s14  }
0x38: {  	[tilespmem:s14], [sflag:$0x1] =	stream.indirect_vreg.gather [hbm:s4], $0x80, v0, vm0, $0x38;
	[tilespmem:$0xC990] =	vst v63  }
0x39: {  	s18 =	sshrl.u32 s17, $0x2;
	s20 =	sadd.s32 $0x10, s16;
	s15 =	sadd.s32 $0x400, s14  }
0x3a: {  	[tilespmem:s15], [sflag:$0x1] =	stream.indirect_vreg.gather [hbm:s4], $0x80, v0, vm1, $0x38;
	[tilespmem:$0xC990] =	vst v63  }
0x3b: {  	s17 =	sshrl.u32 s19, $0x2;
	s19 =	smov.u32 s14;
	v0 =	vld.msk [tilespmem:s20+$0x0 ss:$0x1], $0xffff;
	s20 =	simm.s32 $0x80  }
.LBB2_3:
0x3c: {  	p1 =	sne.s32 s20, $0x2C0;
	_ =	sdelay $0x4  }
0x3d: {  	vm2 =	vgt.s32 v0, $0x0  }
0x3e: {  	v0 =	vnsel vm2, $0x0, v0  }
0x3f: {  	v0 =	vmin.u32 v0, $0x270F  }
0x40: {  	v0 =	vshll.u32 v0, $0x4;
	_ =	sdelay $0x3  }
.Ltmp3:
0x41: {  	s21 =	sshra.s32 s20, $0x2;
	s19 =	sadd.s32 $0x800, s19;
	(pc) =	sbr.rel @p1 .LBB2_3-.Ltmp3, $4  }
0x42: {  	[tilespmem:s19], [sflag:$0x1] =	stream.indirect_vreg.gather [hbm:s4], $0x80, v0, vm0, $0x38;
	[tilespmem:$0xC990] =	vst v63  }
0x43: {  	s21 =	sadd.s32 s21, s16;
	s22 =	sadd.s32 $0x400, s19  }
0x44: {  	[tilespmem:s22], [sflag:$0x1] =	stream.indirect_vreg.gather [hbm:s4], $0x80, v0, vm1, $0x38;
	[tilespmem:$0xC990] =	vst v63  }
0x45: {  	s20 =	sadd.s32 $0x40, s20;
	v0 =	vld.msk [tilespmem:s21+$0x0 ss:$0x1], $0xffff  }
0x46: {  	_ =	sdelay $0x3  }
0x47: {  	vm2 =	vgt.s32 v0, $0x0  }
0x48: {  	v0 =	vnsel vm2, $0x0, v0  }
0x49: {  	v0 =	vmin.u32 v0, $0x270F  }
0x4a: {  	v0 =	vshll.u32 v0, $0x4;
	_ =	sdelay $0x3  }
0x4b: {  	s16 =	sadd.s32 $0x800, s19  }
0x4c: {  	[tilespmem:s16], [sflag:$0x1] =	stream.indirect_vreg.gather [hbm:s4], $0x80, v0, vm0, $0x38;
	[tilespmem:$0xC990] =	vst v63  }
0x4d: {  	s16 =	sadd.s32 $0x400, s16  }
0x4e: {  	[tilespmem:s16], [sflag:$0x1] =	stream.indirect_vreg.gather [hbm:s4], $0x80, v0, vm1, $0x38;
	[tilespmem:$0xC990] =	vst v63  }
0x4f: {  	v0 =	vld.msk [tilespmem:s18+$0xC0 ss:$0x1], $0xff;
	_ =	sdelay $0x4  }
0x50: {  	vm2 =	vgt.s32 v0, $0x0  }
0x51: {  	v0 =	vnsel vm2, $0x0, v0  }
0x52: {  	v0 =	vmin.u32 v0, $0x270F  }
0x53: {  	v0 =	vshll.u32 v0, $0x4;
	_ =	sdelay $0x3  }
0x54: {  	s31 =	sadd.s32 $0x6190, s17  }
0x55: {  	[tilespmem:s31], [sflag:$0x1] =	stream.indirect_vreg.gather [hbm:s4], $0x80, v0, vm0, $0x38;
	[tilespmem:$0xC990] =	vst v63  }
0x56: {  	s13 =	sshll.u32 s13, $0x4;
	_ =	swait.ge [sflag:s6], $0x6400  }
0x57: {  	s13 =	sadd.s32 s13, s9;
	[sflag:s6] =	ssyncset.done $0x0  }
0x58: {  	s17 =	sadd.s32 $0x0, s13;
	s16 =	simm.s32 $0x80;
	[sflag:s6] =	ssyncadd.s32 $0xFFFF9C00  }
.LBB2_5:
0x59: {  	[hbm:s17] =	stream.linear.scatter [tilespmem:s14], [sflag:$0x3], $0x400, $0x38;
	[tilespmem:$0xC990] =	vst v63  }
0x5a: {  	s17 =	smov.u32 s16;
	s14 =	smov.u32 s15;
	p1 =	sne.s32 s16, $0xC00  }
.Ltmp4:
0x5b: {  	s16 =	sadd.s32 $0x80, s16;
	(pc) =	sbr.rel @p1 .LBB2_5-.Ltmp4, $2  }
0x5c: {  	_ =	sdelay $0x2  }
0x5d: {  	s15 =	sadd.s32 $0x400, s15;
	s17 =	sadd.s32 s17, s13  }
.Ltmp5:
0x5e: {  	_ = 	snop;
	(pc) =	sbr.rel .LBB2_6-.Ltmp5, $1  }
0x5f: {  	_ =	sdelay $0x3  }
.LBB2_8:
0x60: {  	_ =	sfence.sel $0x180000  }
0x61: {  	s1 =	simm.s32 $0x2;
	[bflag:$0x0] =	sbarrier.arrive $0xFFFF  }
0x62: {  	s30 =	simm.s32 $0x3;
	[sflag:s1] =	ssyncpa.u1 $0x1  }
0x63: {  	s31 =	simm.s32 $0x1;
	[sflag:s30] =	ssyncpa.u1 $0x1  }
0x64: {  	[sflag:s31] =	ssyncpa.u1 $0x1  }
0x65: {  	p0 =	sne.s32 s0, $0x0;
	_ =	strace $0x9000005C  }
0x66: {  	s0 =	sadd.s32 @!p0 $0x100000, s2;
	[bflag:$0x2] =	sbarrier.arrive $0xFFFF  }
0x67: {  	[sflag:s0] =	ssyncadd.tile.s32 @!p0 $0x1;
	_ =	shalt  }
.Lfunc_end2:
_tile_overlayer_lowered:
.L_overlay_start_2:
0x68: {  	(tag) =	ssettag $0x2  }
0x69: {  	s0 =	rddreg [dreg:$0x0];
	s2 =	stileid.u32  }
0x6a: {  	s1 =	rddreg [dreg:$0x1];
	p0 =	sne.s32 s2, $0x0  }
0x6b: {  	s3 =	rddreg [dreg:$0x2];
	[bflag:$0x3] =	sbarrier.arrive $0xFFFF;
	s2 =	simm.s32 @!p0 $0x1C01  }
0x6c: {  	[timem:s3], [sflag:s2] =	dma.local @!p0 [hbm:s0], s1  }
0x6d: {  	s0 =	simm.s32 @!p0 $0x1  }
0x6e: {  	_ =	swait.ge @!p0 [sflag:s0], s1  }
0x6f: {  	s1 =	ssub.s32 @!p0 $0x0, s1;
	[sflag:s0] =	ssyncset.done @!p0 $0x0  }
0x70: {  	[sflag:s0] =	ssyncadd.s32 @!p0 s1  }
0x71: {  	[bflag:$0x3] =	sbarrier.arrive $0xFFFF  }
0x72: {  	_ =	shalt  }

// kernel: kernel.4.cloned.1.call-start
scs
__scs_entry_jumppad:
0x0: {  	(pc) =	sbr.rel $0x88, $3  }
0x1: {  	(tag) =	ssettag $0x0;
	lr =	simm.s32 $0x1  }
0x2: {  	[smem:$0x3F8D] =	sst lr;
	_ =	strace $0xD0000000  }
0x3: {  	_ = 	snop  }
0x4: {  	_ = 	snop  }
0x5: {  	_ = 	snop  }
0x6: {  	_ = 	snop  }
0x7: {  	_ = 	snop  }
__scs_overlays_trampoline_lowered:
0x8: {  	[smem:$0x3F9C] =	sst s0  }
0x9: {  	[smem:$0x3F9D] =	sst s1  }
0xa: {  	[smem:$0x3F9E] =	sst s2  }
0xb: {  	[smem:$0x3F9F] =	sst s3  }
0xc: {  	[smem:$0x3FA0] =	sst s4  }
0xd: {  	[smem:$0x3FA1] =	sst s5  }
0xe: {  	[smem:$0x3FA2] =	sst s6  }
0xf: {  	[smem:$0x3FA3] =	sst s7  }
0x10: {  	[smem:$0x3FA4] =	sst s8  }
0x11: {  	[smem:$0x3FA5] =	sst s9;
	s0 =	simm.s32 @!p0 $0x0  }
0x12: {  	s1 =	sld [smem:$0x3F8B];
	s0 =	simm.s32 @p0 $0x1  }
0x13: {  	[smem:$0x3FA6] =	sst s0;
	s0 =	simm.s32 @!p1 $0x0  }
0x14: {  	s2 =	sld [smem:$0x3F8A];
	s0 =	simm.s32 @p1 $0x1  }
0x15: {  	[smem:$0x3FA7] =	sst s0;
	s0 =	simm.s32 @!p2 $0x0  }
0x16: {  	s3 =	sld [smem:$0x3FDB];
	s0 =	simm.s32 @p2 $0x1  }
0x17: {  	s4 =	simm.s32 $0x1BF5;
	[smem:$0x3FA9] =	sst s0  }
0x18: {  	s0 =	sld [smem:$0x3F8C];
	_ =	swait.ge [sflag:s4], $0x0  }
0x19: {  	s7 =	sld [smem:$0x3F8D]  }
0x1a: {  	s8 =	sadd.s32 $0xFFFFE003, lr  }
0x1b: {  	s9 =	sadd.s32 $0xFFFFFEF7, lr;
	s5 =	simm.s32 $0xFFFFFFFF;
	p2 =	slt.u32 s8, $0xFFFFF086  }
0x1c: {  	p1 =	slt.u32 s9, $0xF7A;
	s5 =	simm.s32 @!p2 $0x0  }
0x1d: {  	s5 =	simm.s32 @p1 $0x1;
	p0 =	seq.s32 s7, s2  }
0x1e: {  	s7 =	smul.u32 @!p0 $0xF7A, s2;
	p2 =	seq.s32 @!p0 s5, $0x0  }
0x1f: {  	s9 =	smul.u32 $0xF7A, s1;
	s8 =	simm.s32 @!p0 $0x1BF5;
	p2 =	por !p2, p0  }
0x20: {  	[sflag:s8] =	ssyncset.s32 @!p0 $0xFFFFF086;
	s6 =	sadd.s32 @!p0 s3, s7;
	s7 =	simm.s32 @!p0 $0x108  }
0x21: {  	s3 =	sadd.s32 s3, s9;
	s6 =	sadd.s32 @!p0 $0x88, s6;
	s7 =	simm.s32 @p2 $0x1082  }
0x22: {  	[simem:s7], [sflag:s8] =	dma.local @!p0 [hbm:s6], $0xF7A  }
0x23: {  	s9 =	sor.u32 $0xD0000000, s2;
	s6 =	simm.s32 $0x108;
	_ =	swait.ge @!p0 [sflag:s8], $0x0  }
0x24: {  	s3 =	sadd.s32 $0x88, s3;
	s6 =	simm.s32 @!p1 $0x1082;
	[sflag:s4] =	ssyncset.s32 $0xFFFFF086  }
0x25: {  	[simem:s6], [sflag:s4] =	dma.local [hbm:s3], $0xF7A  }
0x26: {  	[smem:$0x3F8D] =	sst s1;
	(tag) =	ssettag s2;
	_ =	strace s9  }
0x27: {  	s1 =	sld [smem:$0x3F9D]  }
0x28: {  	s2 =	sld [smem:$0x3F9E]  }
0x29: {  	s4 =	sld [smem:$0x3FA0]  }
0x2a: {  	p0 =	seq.s32 s5, $0x0;
	s5 =	sld [smem:$0x3FA1]  }
0x2b: {  	s6 =	sld [smem:$0x3FA2]  }
0x2c: {  	s7 =	sld [smem:$0x3FA3]  }
0x2d: {  	s3 =	simm.s32 $0x108;
	s8 =	sld [smem:$0x3FA4]  }
0x2e: {  	s3 =	simm.s32 @!p0 $0x1082;
	s9 =	sld [smem:$0x3FA5]  }
0x2f: {  	lr =	sadd.s32 s0, s3;
	s0 =	sld [smem:$0x3F9C]  }
0x30: {  	s3 =	sld [smem:$0x3F9F]  }
0x31: {  	[smem:$0x3FA8] =	sst s10  }
0x32: {  	s10 =	sld [smem:$0x3FA6];
	_ =	sdelay $0x3  }
0x33: {  	p0 =	seq.s32 s10, $0x1;
	s10 =	sld [smem:$0x3FA8];
	_ =	sdelay $0x3  }
0x34: {  	[smem:$0x3FA8] =	sst s10  }
0x35: {  	s10 =	sld [smem:$0x3FA7];
	_ =	sdelay $0x3  }
0x36: {  	p1 =	seq.s32 s10, $0x1;
	s10 =	sld [smem:$0x3FA8];
	_ =	sdelay $0x3  }
0x37: {  	[smem:$0x3FA8] =	sst s10  }
0x38: {  	s10 =	sld [smem:$0x3FA9]  }
0x39: {  	_ = 	snop;
	(pc) =	sbr.ind lr, $3  }
0x3a: {  	_ = 	snop  }
0x3b: {  	_ = 	snop  }
0x3c: {  	p2 =	seq.s32 s10, $0x1;
	s10 =	sld [smem:$0x3FA8]  }
0x3d: {  	_ =	shalt  }
0x3e: {  	_ =	shalt  }
0x3f: {  	_ =	shalt  }
0x40: {  	_ =	shalt  }
0x41: {  	_ =	shalt  }
0x42: {  	_ =	shalt  }
0x43: {  	_ =	shalt  }
0x44: {  	_ =	shalt  }
0x45: {  	_ =	shalt  }
0x46: {  	_ =	shalt  }
0x47: {  	_ =	shalt  }
0x48: {  	_ =	shalt  }
0x49: {  	_ =	shalt  }
0x4a: {  	_ =	shalt  }
0x4b: {  	_ =	shalt  }
0x4c: {  	_ =	shalt  }
0x4d: {  	_ =	shalt  }
0x4e: {  	_ =	shalt  }
0x4f: {  	_ =	shalt  }
0x50: {  	_ =	shalt  }
0x51: {  	_ =	shalt  }
0x52: {  	_ =	shalt  }
0x53: {  	_ =	shalt  }
0x54: {  	_ =	shalt  }
0x55: {  	_ =	shalt  }
0x56: {  	_ =	shalt  }
0x57: {  	_ =	shalt  }
0x58: {  	_ =	shalt  }
0x59: {  	_ =	shalt  }
0x5a: {  	_ =	shalt  }
0x5b: {  	_ =	shalt  }
0x5c: {  	_ =	shalt  }
0x5d: {  	_ =	shalt  }
0x5e: {  	_ =	shalt  }
0x5f: {  	_ =	shalt  }
0x60: {  	_ =	shalt  }
0x61: {  	_ =	shalt  }
0x62: {  	_ =	shalt  }
0x63: {  	_ =	shalt  }
0x64: {  	_ =	shalt  }
0x65: {  	_ =	shalt  }
0x66: {  	_ =	shalt  }
0x67: {  	_ =	shalt  }
0x68: {  	_ =	shalt  }
0x69: {  	_ =	shalt  }
0x6a: {  	_ =	shalt  }
0x6b: {  	_ =	shalt  }
0x6c: {  	_ =	shalt  }
0x6d: {  	_ =	shalt  }
0x6e: {  	_ =	shalt  }
0x6f: {  	_ =	shalt  }
0x70: {  	_ =	shalt  }
0x71: {  	_ =	shalt  }
0x72: {  	_ =	shalt  }
0x73: {  	_ =	shalt  }
0x74: {  	_ =	shalt  }
0x75: {  	_ =	shalt  }
0x76: {  	_ =	shalt  }
0x77: {  	_ =	shalt  }
0x78: {  	_ =	shalt  }
0x79: {  	_ =	shalt  }
0x7a: {  	_ =	shalt  }
0x7b: {  	_ =	shalt  }
0x7c: {  	_ =	shalt  }
0x7d: {  	_ =	shalt  }
0x7e: {  	_ =	shalt  }
0x7f: {  	_ =	shalt  }
0x80: {  	_ =	shalt  }
0x81: {  	_ =	shalt  }
0x82: {  	_ =	shalt  }
0x83: {  	_ =	shalt  }
0x84: {  	_ =	shalt  }
0x85: {  	_ =	shalt  }
0x86: {  	_ =	shalt  }
0x87: {  	_ =	shalt  }
.Lfunc_end0:
.L_simem_size_0:
called_computation.6_lowered:
.L_overlay_start_0:
0x88: {  	s2 =	sld [smem:$0x3FD9]  }
0x89: {  	s3 =	sld [smem:$0x3FFE];
	_ =	sdelay $0x1  }
0x8a: {  	s1 =	srdreg.scid  }
0x8b: {  	s0 =	sand.u32 $0x1, s1  }
0x8c: {  	s17 =	sshll.u32 s0, $0xA;
	s2 =	sadd.s32 s3, s2  }
0x8d: {  	s2 =	sadd.s32 s2, s17  }
0x8e: {  	[smem:$0x3FB4] =	sst s2  }
0x8f: {  	_ = 	snop  }
0x90: {  	(tm) =	ssettm $0x1  }
0x91: {  	s18 =	sld [smem:$0x3FFB];
	_ =	sdelay $0x3  }
0x92: {  	_ =	strace s18  }
0x93: {  	s2 =	sld [smem:$0x3FFC];
	_ =	sdelay $0x3  }
0x94: {  	_ =	strace s2  }
0x95: {  	s2 =	sld [smem:$0x3FFD];
	_ =	sdelay $0x3  }
0x96: {  	_ =	strace s2  }
0x97: {  	_ =	strace $0x8FFFFFFF  }
0x98: {  	s19 =	sld [smem:$0x3FDB];
	_ =	sdelay $0x1  }
0x99: {  	s20 =	simm.s32 $_scs_section_size  }
0x9a: {  	s4 =	simm.s32 $_size__tile_overlayer_lowered;
	s5 =	simm.s32 $_tile_overlayer_lowered  }
0x9b: {  	s6 =	simm.s32 $0x1BFF;
	s21 =	sshll.u32 s5, $0x1;
	s3 =	sadd.s32 s20, s19  }
0x9c: {  	s22 =	simm.s32 $0x0;
	s4 =	sshll.u32 s4, $0x1;
	s5 =	sadd.s32 s21, s3  }
0x9d: {  	[timem:s22], [sflag:s6] =	dma.local [hbm:s5], s4  }
0x9e: {  	_ =	swait.ge [sflag:s6], s4  }
0x9f: {  	s4 =	ssub.s32 $0x0, s4;
	[sflag:s6] =	ssyncset.done $0x0  }
0xa0: {  	[sflag:s6] =	ssyncadd.s32 s4;
	_ =	sdelay $0x1  }
0xa1: {  	s23 =	simm.s32 $0x1B8B  }
0xa2: {  	_ =	swait.ge [sflag:s23], $0x1  }
0xa3: {  	[sflag:s23] =	ssyncset.done $0x0  }
0xa4: {  	[sflag:s23] =	ssyncadd.s32 $0xFFFFFFFF  }
0xa5: {  	s4 =	sld [smem:$0x0]  }
0xa6: {  	s5 =	sand.u32 $0xFFFFFFFE, s1  }
0xa7: {  	p0 =	sne.s32 s1, s5  }
0xa8: {  	s5 =	sshll.u32 @p0 s5, $0xE  }
0xa9: {  	s5 =	sadd.s32 @p0 $0x11B8D, s5;
	s6 =	sshll.u32 @p0 s4, $0x11  }
0xaa: {  	s5 =	sor.u32 @p0 s6, s5  }
0xab: {  	[sflag:s5] =	ssyncadd.remote.s32 @p0 $0x1;
	_ =	sdelay $0x1  }
0xac: {  	s5 =	simm.s32 @p0 $0x1B8D  }
0xad: {  	_ =	swait.eq @p0 [sflag:s5], $0x1  }
0xae: {  	[sflag:s5] =	ssyncadd.s32 @p0 $0xFFFFFFFF  }
0xaf: {  	s6 =	sshll.u32 @!p0 s1, $0xE  }
0xb0: {  	s6 =	sor.u32 @!p0 $0x4000, s6;
	s5 =	simm.s32 @!p0 $0x1B8D  }
0xb1: {  	s4 =	sshll.u32 @!p0 s4, $0x11;
	s6 =	sadd.s32 @!p0 $0x11B8D, s6;
	_ =	swait.eq @!p0 [sflag:s5], $0x1  }
0xb2: {  	s4 =	sor.u32 @!p0 s4, s6;
	[sflag:s5] =	ssyncadd.s32 @!p0 $0xFFFFFFFF  }
0xb3: {  	s25 =	simm.s32 $0x1B8E;
	s24 =	sld [smem:$0x3FFE];
	[sflag:s4] =	ssyncadd.remote.s32 @!p0 $0x1  }
0xb4: {  	s26 =	simm.s32 $execute0_lowered;
	[smem:$0x3FD2] =	sst s25  }
0xb5: {  	s5 =	sshll.u32 s26, $0x1;
	_ =	strace $0x80000058;
	[dreg:$0x1] =	wrdreg $0xFFFFFFFF  }
0xb6: {  	s28 =	simm.s32 $_size_execute0_lowered;
	s3 =	sadd.s32 s3, s5;
	[dreg:$0x0] =	wrdreg $0x0  }
0xb7: {  	s5 =	sshll.u32 s28, $0x1;
	[dreg:$0x2] =	wrdreg s3  }
0xb8: {  	[dreg:$0x3] =	wrdreg s5  }
0xb9: {  	[dreg:$0x4] =	wrdreg $0xC0  }
0xba: {  	_ =	task [dreg:s22], $0x5FFFF  }
0xbb: {  	[dreg:$0x1] =	wrdreg $0xFFFFFFFF  }
0xbc: {  	[dreg:$0x0] =	wrdreg $0x60  }
0xbd: {  	[dreg:$0x2] =	wrdreg s24  }
0xbe: {  	[dreg:$0x3] =	wrdreg $0x41000  }
0xbf: {  	[dreg:$0x4] =	wrdreg $0xA  }
0xc0: {  	_ =	task.clear_ibuf [dreg:s22], $0x5FFFF;
	_ =	strace $0x90000058  }
0xc1: {  	s29 =	simm.s32 $0xA;
	_ =	strace $0x8000005A  }
0xc2: {  	_ =	swait.ge [sflag:s29], $0x1  }
0xc3: {  	[sflag:s29] =	ssyncadd.s32 $0xFFFFFFFF  }
0xc4: {  	_ =	strace $0x9000005A  }
0xc5: {  	_ =	sfence  }
0xc6: {  	s30 =	sld [smem:$0x0];
	_ =	sdelay $0x2  }
0xc7: {  	s31 =	sshll.u32 s1, $0xD;
	s1 =	sshrl.u32 s1, $0x2  }
0xc8: {  	s4 =	sand.u32 $0x4000, s31;
	s1 =	sadd.s32 s1, s30  }
0xc9: {  	s0 =	sor.u32 s4, s0;
	s1 =	sshll.u32 s1, $0x11  }
0xca: {  	s0 =	sor.u32 s1, s0  }
0xcb: {  	s0 =	sadd.s32 $0x8F2B, s0  }
0xcc: {  	[sflag:s0] =	ssyncadd.remote.s32 $0x1  }
0xcd: {  	_ =	sfence.sel $0xFFFF  }
0xce: {  	[dreg:$0x0] =	wrdreg $0xFFFFFFFF;
	(pc) =	sbr.abs _section_cstart, $3  }
0xcf: {  	[dreg:$0x1] =	wrdreg $0xFFFFFFFF  }
0xd0: {  	_ =	task.clear_ibuf [dreg:s22], $0x2FFFF;
	_ =	strace $0x9FFFFFFF  }
0xd1: {  	(tm) =	ssettm $0x7FFFFFFF  }
tec
execute0_lowered:
.L_overlay_start_1:
0x0: {  	(tag) =	ssettag $0x1  }
0x1: {  	s1 =	rddreg [dreg:$0x0]  }
0x2: {  	s2 =	rddreg [dreg:$0x1]  }
0x3: {  	s0 =	rddreg [dreg:$0x2]  }
0x4: {  	s3 =	simm.s32 $0x0;
	s4 =	srdreg.scid;
	s20 =	simm.s32 $0x2  }
0x5: {  	s21 =	simm.s32 $0x80;
	s22 =	simm.s32 $0x100;
	s23 =	simm.s32 $0x1  }
0x6: {  	s24 =	simm.s32 $0x20;
	[smem:$0x7FF] =	sst s3;
	s11 =	sand.u32 $0x1, s4  }
0x7: {  	s25 =	simm.s32 $0x0;
	s4 =	stileid.u32;
	s12 =	smul.u32 $0x138800, s11  }
0x8: {  	s5 =	sadd.s32 $0xA8A00, s1;
	s6 =	sadd.s32 $0x81800, s1;
	s13 =	smul.u32 $0x1F400, s4  }
0x9: {  	s7 =	sadd.s32 $0x9E00, s1;
	s8 =	sadd.s32 $0x45E00, s1;
	s14 =	smul.u32 $0x7D000, s4  }
0xa: {  	s9 =	sadd.s32 $0x4FC00, s1;
	s10 =	sadd.s32 $0x3AE00, s1;
	s16 =	smul.u32 $0x4E20, s4  }
0xb: {  	_ =	strace $0x80000059;
	s30 =	ssub.s32 $0x2, s11;
	s17 =	smul.u32 $0x9C4, s4  }
0xc: {  	p0 =	seq.s32 s11, $0x1;
	p1 =	sgt.u32 s4, $0x9;
	s15 =	sshrl.u32 s30, $0x1  }
0xd: {  	s18 =	sshll.u32 @!p1 s4, $0x6;
	s12 =	sadd.s32 s13, s12;
	s13 =	ssub.s32 s30, s15  }
.Ltmp0:
0xe: {  	s14 =	sshrl.u32 s14, $0x2;
	s31 =	sshrl.u32 s16, $0x3;
	(pc) =	sbr.rel .LBB2_1-.Ltmp0, $4  }
0xf: {  	s15 =	sadd.s32 s17, s1;
	s16 =	sadd.s32 s17, s9;
	s18 =	sor.u32 @!p1 $0x1C02, s18  }
0x10: {  	s12 =	sshrl.u32 s12, $0x3;
	s19 =	sadd.s32 s14, s2;
	s11 =	sadd.s32 $0x9C0, s31  }
0x11: {  	s13 =	smax.u32 s13, $0x1;
	s14 =	sadd.s32 s17, s7;
	s12 =	sadd.s32 s12, s1  }
0x12: {  	s17 =	sadd.s32 s17, s8;
	s19 =	sshrl.u32 @!p1 s19, $0x3;
	s12 =	sadd.s32 $0xCFC00, s12  }
.LBB2_7:
0x13: {  	s28 =	sadd.s32 s26, s17;
	[sflag:s20] =	ssyncadd.s32 $0xFFFFC000  }
0x14: {  	[tilespmem:s3], [sflag:$0x2] =	stream.linear.gather [hbm4b:s28+s3], $0x80, $0x38;
	[tilespmem:$0x17980] =	vst v63  }
0x15: {  	_ =	swait.ge [sflag:s20], $0x80  }
0x16: {  	[sflag:s20] =	ssyncset.done $0x0  }
0x17: {  	s31 =	sadd.s32 s26, s16;
	[sflag:s20] =	ssyncadd.s32 $0xFFFFFF80  }
0x18: {  	[tilespmem:s21], [sflag:$0x2] =	stream.linear.gather [hbm4b:s31+s3], $0x80, $0x38;
	[tilespmem:$0x17980] =	vst v63  }
0x19: {  	_ =	swait.ge [sflag:s20], $0x80  }
0x1a: {  	[sflag:s20] =	ssyncset.done $0x0  }
0x1b: {  	[sflag:s20] =	ssyncadd.s32 $0xFFFFFF80  }
0x1c: {  	[tilespmem:s22], [sflag:$0x1] =	stream.indirect.gather [hbm4b:s6+s21], $0x80, s3, s21, $0xb8;
	[tilespmem:$0x17980] =	vst v63  }
0x1d: {  	_ =	swait.ge [sflag:s23], $0x4000  }
0x1e: {  	[sflag:s23] =	ssyncset.done $0x0  }
0x1f: {  	[sflag:s23] =	ssyncadd.s32 $0xFFFFC000  }
0x20: {  	[spmem:s2] =	stream.indirect.scatter.add.f32 [tilespmem:s22], [sflag:$0x2], $0x80, s21, s21, $0xb8;
	[tilespmem:$0x17980] =	vst v63  }
0x21: {  	_ =	swait.ge [sflag:s20], $0x4000  }
0x22: {  	s29 =	smov.u32 s8;
	[sflag:s20] =	ssyncset.done $0x0  }
0x23: {  	s26 =	smov.u32 s6;
	s28 =	smov.u32 s9;
	[sflag:s20] =	ssyncadd.s32 $0xFFFFC000  }
.LBB2_8:
0x24: {  	s29 =	sadd.s32 s29, s11  }
0x25: {  	[tilespmem:s3], [sflag:$0x2] =	stream.linear.gather [hbm4b:s29+s3], $0x20, $0x38;
	[tilespmem:$0x17980] =	vst v63  }
0x26: {  	_ =	swait.ge [sflag:s20], $0x20  }
0x27: {  	[sflag:s20] =	ssyncset.done $0x0  }
0x28: {  	s28 =	sadd.s32 s28, s11;
	[sflag:s20] =	ssyncadd.s32 $0xFFFFFFE0  }
0x29: {  	[tilespmem:s21], [sflag:$0x2] =	stream.linear.gather [hbm4b:s28+s3], $0x20, $0x38;
	[tilespmem:$0x17980] =	vst v63  }
0x2a: {  	_ =	swait.ge [sflag:s20], $0x20  }
0x2b: {  	[sflag:s20] =	ssyncset.done $0x0  }
0x2c: {  	[sflag:s20] =	ssyncadd.s32 $0xFFFFFFE0  }
0x2d: {  	[tilespmem:s22], [sflag:$0x1] =	stream.indirect.gather [hbm4b:s26+s24], $0x80, s3, s24, $0xb8;
	[tilespmem:$0x17980] =	vst v63  }
0x2e: {  	_ =	swait.ge [sflag:s23], $0x1000  }
0x2f: {  	[sflag:s23] =	ssyncset.done $0x0  }
0x30: {  	[sflag:s23] =	ssyncadd.s32 $0xFFFFF000  }
0x31: {  	[spmem:s2] =	stream.indirect.scatter.add.f32 [tilespmem:s22], [sflag:$0x2], $0x80, s21, s24, $0xb8;
	[tilespmem:$0x17980] =	vst v63  }
0x32: {  	_ =	swait.ge [sflag:s20], $0x1000  }
0x33: {  	s25 =	sadd.s32 $0x1, s25;
	[sflag:s20] =	ssyncset.done $0x0  }
0x34: {  	p2 =	sne.s32 s25, s13;
	[sflag:s20] =	ssyncadd.s32 $0xFFFFF000  }
.Ltmp1:
0x35: {  	s26 =	simm.s32 @!p1 $0x2;
	[bflag:$0x0] =	sbarrier.arrive $0xFFFF;
	(pc) =	sbr.rel @!p2 .LBB2_9-.Ltmp1, $4  }
0x36: {  	[hbm:s12], [sflag:s18] =	dma.local @!p1 [spmem:s19], $0x3E80  }
0x37: {  	_ =	swait.ge @!p1 [sflag:s26], $0x3E80  }
0x38: {  	[sflag:s26] =	ssyncset.done @!p1 $0x0  }
0x39: {  	[sflag:s26] =	ssyncadd.s32 @!p1 $0xFFFFC180  }
.LBB2_1:
0x3a: {  	[spmem:s19], [sflag:s18] =	dma.local @!p1 [hbm:s10], $0x3E80  }
0x3b: {  	s26 =	simm.s32 @!p1 $0x2  }
.Ltmp2:
0x3c: {  	_ =	swait.ge @!p1 [sflag:s26], $0x3E80;
	(pc) =	sbr.rel @!p0 .LBB2_2-.Ltmp2, $3  }
0x3d: {  	[sflag:s26] =	ssyncset.done @!p1 $0x0  }
0x3e: {  	[sflag:s26] =	ssyncadd.s32 @!p1 $0xFFFFC180  }
0x3f: {  	[bflag:$0x0] =	sbarrier.arrive $0xFFFF;
	_ =	sdelay $0x1  }
0x40: {  	s26 =	sadd.s32 $0x0, s17  }
0x41: {  	[tilespmem:s3], [sflag:$0x2] =	stream.linear.gather [hbm4b:s26+s3], $0x80, $0x38;
	[tilespmem:$0x17980] =	vst v63  }
0x42: {  	_ =	swait.ge [sflag:s20], $0x80  }
0x43: {  	[sflag:s20] =	ssyncset.done $0x0  }
0x44: {  	s31 =	sadd.s32 $0x0, s16;
	[sflag:s20] =	ssyncadd.s32 $0xFFFFFF80  }
0x45: {  	[tilespmem:s21], [sflag:$0x2] =	stream.linear.gather [hbm4b:s31+s3], $0x80, $0x38;
	[tilespmem:$0x17980] =	vst v63  }
0x46: {  	_ =	swait.ge [sflag:s20], $0x80  }
0x47: {  	[sflag:s20] =	ssyncset.done $0x0  }
0x48: {  	[sflag:s20] =	ssyncadd.s32 $0xFFFFFF80  }
0x49: {  	[tilespmem:s22], [sflag:$0x1] =	stream.indirect.gather [hbm4b:s6+s21], $0x80, s3, s21, $0xb8;
	[tilespmem:$0x17980] =	vst v63  }
0x4a: {  	_ =	swait.ge [sflag:s23], $0x4000  }
0x4b: {  	[sflag:s23] =	ssyncset.done $0x0  }
0x4c: {  	[sflag:s23] =	ssyncadd.s32 $0xFFFFC000  }
0x4d: {  	[spmem:s2] =	stream.indirect.scatter.add.f32 [tilespmem:s22], [sflag:$0x2], $0x80, s21, s21, $0xb8;
	[tilespmem:$0x17980] =	vst v63  }
0x4e: {  	_ =	swait.ge [sflag:s20], $0x4000  }
0x4f: {  	s28 =	simm.s32 $0x20;
	s26 =	simm.s32 $0x10;
	[sflag:s20] =	ssyncset.done $0x0  }
.LBB2_6:
0x50: {  	s29 =	sadd.s32 s26, s17  }
0x51: {  	[sflag:s20] =	ssyncadd.s32 $0xFFFFC000;
	s30 =	smov.u32 s28;
	s31 =	sadd.s32 $0x10, s28  }
0x52: {  	[tilespmem:s3], [sflag:$0x2] =	stream.linear.gather [hbm4b:s29+s3], $0x80, $0x38;
	[tilespmem:$0x17980] =	vst v63  }
0x53: {  	p2 =	sne.s32 s28, $0x9B0;
	_ =	swait.ge [sflag:s20], $0x80  }
0x54: {  	[sflag:s20] =	ssyncset.done $0x0  }
0x55: {  	s28 =	sadd.s32 s26, s16;
	s26 =	smov.u32 s30;
	[sflag:s20] =	ssyncadd.s32 $0xFFFFFF80  }
0x56: {  	[tilespmem:s21], [sflag:$0x2] =	stream.linear.gather [hbm4b:s28+s3], $0x80, $0x38;
	[tilespmem:$0x17980] =	vst v63  }
0x57: {  	_ =	swait.ge [sflag:s20], $0x80  }
0x58: {  	[sflag:s20] =	ssyncset.done $0x0  }
0x59: {  	[sflag:s20] =	ssyncadd.s32 $0xFFFFFF80  }
0x5a: {  	[tilespmem:s22], [sflag:$0x1] =	stream.indirect.gather [hbm4b:s6+s21], $0x80, s3, s21, $0xb8;
	[tilespmem:$0x17980] =	vst v63  }
0x5b: {  	_ =	swait.ge [sflag:s23], $0x4000  }
.Ltmp3:
0x5c: {  	[sflag:s23] =	ssyncset.done $0x0;
	(pc) =	sbr.rel @p2 .LBB2_6-.Ltmp3, $4  }
0x5d: {  	[sflag:s23] =	ssyncadd.s32 $0xFFFFC000  }
0x5e: {  	[spmem:s2] =	stream.indirect.scatter.add.f32 [tilespmem:s22], [sflag:$0x2], $0x80, s21, s21, $0xb8;
	[tilespmem:$0x17980] =	vst v63  }
0x5f: {  	_ =	swait.ge [sflag:s20], $0x4000  }
0x60: {  	s28 =	smov.u32 s31;
	[sflag:s20] =	ssyncset.done $0x0  }
.Ltmp4:
0x61: {  	_ = 	snop;
	(pc) =	sbr.rel .LBB2_7-.Ltmp4, $1  }
0x62: {  	_ =	sdelay $0x3  }
.LBB2_2:
0x63: {  	s26 =	sadd.s32 $0x0, s15  }
0x64: {  	[tilespmem:s3], [sflag:$0x2] =	stream.linear.gather [hbm4b:s26+s3], $0x80, $0x38;
	[tilespmem:$0x17980] =	vst v63  }
0x65: {  	_ =	swait.ge [sflag:s20], $0x80  }
0x66: {  	[sflag:s20] =	ssyncset.done $0x0  }
0x67: {  	s31 =	sadd.s32 $0x0, s14;
	[sflag:s20] =	ssyncadd.s32 $0xFFFFFF80  }
0x68: {  	[tilespmem:s21], [sflag:$0x2] =	stream.linear.gather [hbm4b:s31+s3], $0x80, $0x38;
	[tilespmem:$0x17980] =	vst v63  }
0x69: {  	_ =	swait.ge [sflag:s20], $0x80  }
0x6a: {  	[sflag:s20] =	ssyncset.done $0x0  }
0x6b: {  	[sflag:s20] =	ssyncadd.s32 $0xFFFFFF80  }
0x6c: {  	[tilespmem:s22], [sflag:$0x1] =	stream.indirect.gather [hbm4b:s5+s21], $0x80, s3, s21, $0xb8;
	[tilespmem:$0x17980] =	vst v63  }
0x6d: {  	_ =	swait.ge [sflag:s23], $0x4000  }
0x6e: {  	[sflag:s23] =	ssyncset.done $0x0  }
0x6f: {  	[sflag:s23] =	ssyncadd.s32 $0xFFFFC000  }
0x70: {  	[spmem:s2] =	stream.indirect.scatter.add.f32 [tilespmem:s22], [sflag:$0x2], $0x80, s21, s21, $0xb8;
	[tilespmem:$0x17980] =	vst v63  }
0x71: {  	_ =	swait.ge [sflag:s20], $0x4000  }
0x72: {  	s28 =	simm.s32 $0x20;
	s26 =	simm.s32 $0x10;
	[sflag:s20] =	ssyncset.done $0x0  }
.LBB2_3:
0x73: {  	s29 =	sadd.s32 s26, s15  }
0x74: {  	[sflag:s20] =	ssyncadd.s32 $0xFFFFC000;
	s30 =	smov.u32 s28;
	s31 =	sadd.s32 $0x10, s28  }
0x75: {  	[tilespmem:s3], [sflag:$0x2] =	stream.linear.gather [hbm4b:s29+s3], $0x80, $0x38;
	[tilespmem:$0x17980] =	vst v63  }
0x76: {  	p2 =	seq.s32 s28, $0x9B0;
	_ =	swait.ge [sflag:s20], $0x80  }
0x77: {  	[sflag:s20] =	ssyncset.done $0x0  }
0x78: {  	s28 =	sadd.s32 s26, s14;
	s26 =	smov.u32 s30;
	[sflag:s20] =	ssyncadd.s32 $0xFFFFFF80  }
0x79: {  	[tilespmem:s21], [sflag:$0x2] =	stream.linear.gather [hbm4b:s28+s3], $0x80, $0x38;
	[tilespmem:$0x17980] =	vst v63  }
0x7a: {  	_ =	swait.ge [sflag:s20], $0x80  }
0x7b: {  	[sflag:s20] =	ssyncset.done $0x0  }
0x7c: {  	[sflag:s20] =	ssyncadd.s32 $0xFFFFFF80  }
0x7d: {  	[tilespmem:s22], [sflag:$0x1] =	stream.indirect.gather [hbm4b:s5+s21], $0x80, s3, s21, $0xb8;
	[tilespmem:$0x17980] =	vst v63  }
0x7e: {  	_ =	swait.ge [sflag:s23], $0x4000  }
.Ltmp5:
0x7f: {  	[sflag:s23] =	ssyncset.done $0x0;
	(pc) =	sbr.rel @!p2 .LBB2_3-.Ltmp5, $4  }
0x80: {  	[sflag:s23] =	ssyncadd.s32 $0xFFFFC000  }
0x81: {  	[spmem:s2] =	stream.indirect.scatter.add.f32 [tilespmem:s22], [sflag:$0x2], $0x80, s21, s21, $0xb8;
	[tilespmem:$0x17980] =	vst v63  }
0x82: {  	_ =	swait.ge [sflag:s20], $0x4000  }
0x83: {  	s28 =	smov.u32 s31;
	[sflag:s20] =	ssyncset.done $0x0  }
0x84: {  	s28 =	sadd.s32 s26, s15;
	[sflag:s20] =	ssyncadd.s32 $0xFFFFC000  }
0x85: {  	[tilespmem:s3], [sflag:$0x2] =	stream.linear.gather [hbm4b:s28+s3], $0x80, $0x38;
	[tilespmem:$0x17980] =	vst v63  }
0x86: {  	_ =	swait.ge [sflag:s20], $0x80  }
0x87: {  	[sflag:s20] =	ssyncset.done $0x0  }
0x88: {  	s31 =	sadd.s32 s26, s14;
	[sflag:s20] =	ssyncadd.s32 $0xFFFFFF80  }
0x89: {  	[tilespmem:s21], [sflag:$0x2] =	stream.linear.gather [hbm4b:s31+s3], $0x80, $0x38;
	[tilespmem:$0x17980] =	vst v63  }
0x8a: {  	_ =	swait.ge [sflag:s20], $0x80  }
0x8b: {  	[sflag:s20] =	ssyncset.done $0x0  }
0x8c: {  	[sflag:s20] =	ssyncadd.s32 $0xFFFFFF80  }
0x8d: {  	[tilespmem:s22], [sflag:$0x1] =	stream.indirect.gather [hbm4b:s5+s21], $0x80, s3, s21, $0xb8;
	[tilespmem:$0x17980] =	vst v63  }
0x8e: {  	_ =	swait.ge [sflag:s23], $0x4000  }
0x8f: {  	[sflag:s23] =	ssyncset.done $0x0  }
.Ltmp6:
0x90: {  	[sflag:s23] =	ssyncadd.s32 $0xFFFFC000;
	(pc) =	sbr.rel .LBB2_8-.Ltmp6, $4  }
0x91: {  	[spmem:s2] =	stream.indirect.scatter.add.f32 [tilespmem:s22], [sflag:$0x2], $0x80, s21, s21, $0xb8;
	[tilespmem:$0x17980] =	vst v63  }
0x92: {  	_ =	swait.ge [sflag:s20], $0x4000  }
0x93: {  	s29 =	smov.u32 s1;
	[sflag:s20] =	ssyncset.done $0x0  }
0x94: {  	s26 =	smov.u32 s5;
	s28 =	smov.u32 s7;
	[sflag:s20] =	ssyncadd.s32 $0xFFFFC000  }
.LBB2_9:
0x95: {  	_ =	sfence.sel $0x180000  }
0x96: {  	[bflag:$0x0] =	sbarrier.arrive $0xFFFF  }
0x97: {  	p0 =	sne.s32 s4, $0x0;
	_ =	strace $0x90000059  }
0x98: {  	s0 =	sadd.s32 @!p0 $0x100000, s0;
	[bflag:$0x2] =	sbarrier.arrive $0xFFFF  }
0x99: {  	[sflag:s0] =	ssyncadd.tile.s32 @!p0 $0x1;
	_ =	shalt  }
.Lfunc_end2:
_tile_overlayer_lowered:
.L_overlay_start_2:
0x9a: {  	(tag) =	ssettag $0x2  }
0x9b: {  	s0 =	rddreg [dreg:$0x0];
	s2 =	stileid.u32  }
0x9c: {  	s1 =	rddreg [dreg:$0x1];
	p0 =	sne.s32 s2, $0x0  }
0x9d: {  	s3 =	rddreg [dreg:$0x2];
	[bflag:$0x3] =	sbarrier.arrive $0xFFFF;
	s2 =	simm.s32 @!p0 $0x1C02  }
0x9e: {  	[timem:s3], [sflag:s2] =	dma.local @!p0 [hbm:s0], s1  }
0x9f: {  	s0 =	simm.s32 @!p0 $0x2  }
0xa0: {  	_ =	swait.ge @!p0 [sflag:s0], s1  }
0xa1: {  	s1 =	ssub.s32 @!p0 $0x0, s1;
	[sflag:s0] =	ssyncset.done @!p0 $0x0  }
0xa2: {  	[sflag:s0] =	ssyncadd.s32 @!p0 s1  }
0xa3: {  	[bflag:$0x3] =	sbarrier.arrive $0xFFFF  }
0xa4: {  	_ =	shalt  }

// kernel: scatter_offload_async_start.1
scs
__scs_entry_jumppad:
0x0: {  	(pc) =	sbr.rel $0x88, $3  }
0x1: {  	(tag) =	ssettag $0x0;
	lr =	simm.s32 $0x1  }
0x2: {  	[smem:$0x3F8D] =	sst lr;
	_ =	strace $0xD0000000  }
0x3: {  	_ = 	snop  }
0x4: {  	_ = 	snop  }
0x5: {  	_ = 	snop  }
0x6: {  	_ = 	snop  }
0x7: {  	_ = 	snop  }
__scs_overlays_trampoline_lowered:
0x8: {  	[smem:$0x3F9C] =	sst s0  }
0x9: {  	[smem:$0x3F9D] =	sst s1  }
0xa: {  	[smem:$0x3F9E] =	sst s2  }
0xb: {  	[smem:$0x3F9F] =	sst s3  }
0xc: {  	[smem:$0x3FA0] =	sst s4  }
0xd: {  	[smem:$0x3FA1] =	sst s5  }
0xe: {  	[smem:$0x3FA2] =	sst s6  }
0xf: {  	[smem:$0x3FA3] =	sst s7  }
0x10: {  	[smem:$0x3FA4] =	sst s8  }
0x11: {  	[smem:$0x3FA5] =	sst s9;
	s0 =	simm.s32 @!p0 $0x0  }
0x12: {  	s1 =	sld [smem:$0x3F8B];
	s0 =	simm.s32 @p0 $0x1  }
0x13: {  	[smem:$0x3FA6] =	sst s0;
	s0 =	simm.s32 @!p1 $0x0  }
0x14: {  	s2 =	sld [smem:$0x3F8A];
	s0 =	simm.s32 @p1 $0x1  }
0x15: {  	[smem:$0x3FA7] =	sst s0;
	s0 =	simm.s32 @!p2 $0x0  }
0x16: {  	s3 =	sld [smem:$0x3FDB];
	s0 =	simm.s32 @p2 $0x1  }
0x17: {  	s4 =	simm.s32 $0x1BF5;
	[smem:$0x3FA9] =	sst s0  }
0x18: {  	s0 =	sld [smem:$0x3F8C];
	_ =	swait.ge [sflag:s4], $0x0  }
0x19: {  	s7 =	sld [smem:$0x3F8D]  }
0x1a: {  	s8 =	sadd.s32 $0xFFFFE003, lr  }
0x1b: {  	s9 =	sadd.s32 $0xFFFFFEF7, lr;
	s5 =	simm.s32 $0xFFFFFFFF;
	p2 =	slt.u32 s8, $0xFFFFF086  }
0x1c: {  	p1 =	slt.u32 s9, $0xF7A;
	s5 =	simm.s32 @!p2 $0x0  }
0x1d: {  	s5 =	simm.s32 @p1 $0x1;
	p0 =	seq.s32 s7, s2  }
0x1e: {  	s7 =	smul.u32 @!p0 $0xF7A, s2;
	p2 =	seq.s32 @!p0 s5, $0x0  }
0x1f: {  	s9 =	smul.u32 $0xF7A, s1;
	s8 =	simm.s32 @!p0 $0x1BF5;
	p2 =	por !p2, p0  }
0x20: {  	[sflag:s8] =	ssyncset.s32 @!p0 $0xFFFFF086;
	s6 =	sadd.s32 @!p0 s3, s7;
	s7 =	simm.s32 @!p0 $0x108  }
0x21: {  	s3 =	sadd.s32 s3, s9;
	s6 =	sadd.s32 @!p0 $0x88, s6;
	s7 =	simm.s32 @p2 $0x1082  }
0x22: {  	[simem:s7], [sflag:s8] =	dma.local @!p0 [hbm:s6], $0xF7A  }
0x23: {  	s9 =	sor.u32 $0xD0000000, s2;
	s6 =	simm.s32 $0x108;
	_ =	swait.ge @!p0 [sflag:s8], $0x0  }
0x24: {  	s3 =	sadd.s32 $0x88, s3;
	s6 =	simm.s32 @!p1 $0x1082;
	[sflag:s4] =	ssyncset.s32 $0xFFFFF086  }
0x25: {  	[simem:s6], [sflag:s4] =	dma.local [hbm:s3], $0xF7A  }
0x26: {  	[smem:$0x3F8D] =	sst s1;
	(tag) =	ssettag s2;
	_ =	strace s9  }
0x27: {  	s1 =	sld [smem:$0x3F9D]  }
0x28: {  	s2 =	sld [smem:$0x3F9E]  }
0x29: {  	s4 =	sld [smem:$0x3FA0]  }
0x2a: {  	p0 =	seq.s32 s5, $0x0;
	s5 =	sld [smem:$0x3FA1]  }
0x2b: {  	s6 =	sld [smem:$0x3FA2]  }
0x2c: {  	s7 =	sld [smem:$0x3FA3]  }
0x2d: {  	s3 =	simm.s32 $0x108;
	s8 =	sld [smem:$0x3FA4]  }
0x2e: {  	s3 =	simm.s32 @!p0 $0x1082;
	s9 =	sld [smem:$0x3FA5]  }
0x2f: {  	lr =	sadd.s32 s0, s3;
	s0 =	sld [smem:$0x3F9C]  }
0x30: {  	s3 =	sld [smem:$0x3F9F]  }
0x31: {  	[smem:$0x3FA8] =	sst s10  }
0x32: {  	s10 =	sld [smem:$0x3FA6];
	_ =	sdelay $0x3  }
0x33: {  	p0 =	seq.s32 s10, $0x1;
	s10 =	sld [smem:$0x3FA8];
	_ =	sdelay $0x3  }
0x34: {  	[smem:$0x3FA8] =	sst s10  }
0x35: {  	s10 =	sld [smem:$0x3FA7];
	_ =	sdelay $0x3  }
0x36: {  	p1 =	seq.s32 s10, $0x1;
	s10 =	sld [smem:$0x3FA8];
	_ =	sdelay $0x3  }
0x37: {  	[smem:$0x3FA8] =	sst s10  }
0x38: {  	s10 =	sld [smem:$0x3FA9]  }
0x39: {  	_ = 	snop;
	(pc) =	sbr.ind lr, $3  }
0x3a: {  	_ = 	snop  }
0x3b: {  	_ = 	snop  }
0x3c: {  	p2 =	seq.s32 s10, $0x1;
	s10 =	sld [smem:$0x3FA8]  }
0x3d: {  	_ =	shalt  }
0x3e: {  	_ =	shalt  }
0x3f: {  	_ =	shalt  }
0x40: {  	_ =	shalt  }
0x41: {  	_ =	shalt  }
0x42: {  	_ =	shalt  }
0x43: {  	_ =	shalt  }
0x44: {  	_ =	shalt  }
0x45: {  	_ =	shalt  }
0x46: {  	_ =	shalt  }
0x47: {  	_ =	shalt  }
0x48: {  	_ =	shalt  }
0x49: {  	_ =	shalt  }
0x4a: {  	_ =	shalt  }
0x4b: {  	_ =	shalt  }
0x4c: {  	_ =	shalt  }
0x4d: {  	_ =	shalt  }
0x4e: {  	_ =	shalt  }
0x4f: {  	_ =	shalt  }
0x50: {  	_ =	shalt  }
0x51: {  	_ =	shalt  }
0x52: {  	_ =	shalt  }
0x53: {  	_ =	shalt  }
0x54: {  	_ =	shalt  }
0x55: {  	_ =	shalt  }
0x56: {  	_ =	shalt  }
0x57: {  	_ =	shalt  }
0x58: {  	_ =	shalt  }
0x59: {  	_ =	shalt  }
0x5a: {  	_ =	shalt  }
0x5b: {  	_ =	shalt  }
0x5c: {  	_ =	shalt  }
0x5d: {  	_ =	shalt  }
0x5e: {  	_ =	shalt  }
0x5f: {  	_ =	shalt  }
0x60: {  	_ =	shalt  }
0x61: {  	_ =	shalt  }
0x62: {  	_ =	shalt  }
0x63: {  	_ =	shalt  }
0x64: {  	_ =	shalt  }
0x65: {  	_ =	shalt  }
0x66: {  	_ =	shalt  }
0x67: {  	_ =	shalt  }
0x68: {  	_ =	shalt  }
0x69: {  	_ =	shalt  }
0x6a: {  	_ =	shalt  }
0x6b: {  	_ =	shalt  }
0x6c: {  	_ =	shalt  }
0x6d: {  	_ =	shalt  }
0x6e: {  	_ =	shalt  }
0x6f: {  	_ =	shalt  }
0x70: {  	_ =	shalt  }
0x71: {  	_ =	shalt  }
0x72: {  	_ =	shalt  }
0x73: {  	_ =	shalt  }
0x74: {  	_ =	shalt  }
0x75: {  	_ =	shalt  }
0x76: {  	_ =	shalt  }
0x77: {  	_ =	shalt  }
0x78: {  	_ =	shalt  }
0x79: {  	_ =	shalt  }
0x7a: {  	_ =	shalt  }
0x7b: {  	_ =	shalt  }
0x7c: {  	_ =	shalt  }
0x7d: {  	_ =	shalt  }
0x7e: {  	_ =	shalt  }
0x7f: {  	_ =	shalt  }
0x80: {  	_ =	shalt  }
0x81: {  	_ =	shalt  }
0x82: {  	_ =	shalt  }
0x83: {  	_ =	shalt  }
0x84: {  	_ =	shalt  }
0x85: {  	_ =	shalt  }
0x86: {  	_ =	shalt  }
0x87: {  	_ =	shalt  }
.Lfunc_end0:
.L_simem_size_0:
called_computation.1_lowered:
.L_overlay_start_0:
0x88: {  	s2 =	sld [smem:$0x3FD9]  }
0x89: {  	s3 =	sld [smem:$0x3FFE];
	_ =	sdelay $0x1  }
0x8a: {  	s1 =	srdreg.scid  }
0x8b: {  	s0 =	sand.u32 $0x1, s1  }
0x8c: {  	s15 =	sshll.u32 s0, $0xA;
	s2 =	sadd.s32 s3, s2  }
0x8d: {  	s2 =	sadd.s32 s2, s15  }
0x8e: {  	[smem:$0x3FB4] =	sst s2  }
0x8f: {  	_ = 	snop  }
0x90: {  	(tm) =	ssettm $0x1  }
0x91: {  	s16 =	sld [smem:$0x3FFB];
	_ =	sdelay $0x3  }
0x92: {  	_ =	strace s16  }
0x93: {  	s2 =	sld [smem:$0x3FFC];
	_ =	sdelay $0x3  }
0x94: {  	_ =	strace s2  }
0x95: {  	s2 =	sld [smem:$0x3FFD];
	_ =	sdelay $0x3  }
0x96: {  	_ =	strace s2  }
0x97: {  	_ =	strace $0x8FFFFFFF  }
0x98: {  	s17 =	sld [smem:$0x3FDB];
	_ =	sdelay $0x1  }
0x99: {  	s18 =	simm.s32 $_scs_section_size  }
0x9a: {  	s4 =	simm.s32 $_size__tile_overlayer_lowered;
	s5 =	simm.s32 $_tile_overlayer_lowered  }
0x9b: {  	s21 =	simm.s32 $0x1BFF;
	s20 =	sshll.u32 s5, $0x1;
	s2 =	sadd.s32 s18, s17  }
0x9c: {  	s6 =	simm.s32 $0x0;
	s19 =	sshll.u32 s4, $0x1;
	s4 =	sadd.s32 s20, s2  }
0x9d: {  	[timem:s6], [sflag:s21] =	dma.local [hbm:s4], s19  }
0x9e: {  	_ =	swait.ge [sflag:s21], s19  }
0x9f: {  	s3 =	ssub.s32 $0x0, s19;
	[sflag:s21] =	ssyncset.done $0x0  }
0xa0: {  	[sflag:s21] =	ssyncadd.s32 s3;
	_ =	sdelay $0x1  }
0xa1: {  	s22 =	simm.s32 $0x1B8B  }
0xa2: {  	_ =	swait.ge [sflag:s22], $0x1  }
0xa3: {  	[sflag:s22] =	ssyncset.done $0x0  }
0xa4: {  	s23 =	sld [smem:$0x3FFE];
	[sflag:s22] =	ssyncadd.s32 $0xFFFFFFFF  }
0xa5: {  	s25 =	simm.s32 $0x1B8E;
	s24 =	sld [smem:$0x0]  }
0xa6: {  	s26 =	simm.s32 $execute0_lowered;
	[smem:$0x3FD2] =	sst s25  }
0xa7: {  	s5 =	sshll.u32 s26, $0x1;
	_ =	strace $0x80000055;
	[dreg:$0x1] =	wrdreg $0xFFFFFFFF  }
0xa8: {  	s28 =	simm.s32 $_size_execute0_lowered;
	s2 =	sadd.s32 s2, s5;
	[dreg:$0x0] =	wrdreg $0x0  }
0xa9: {  	s5 =	sshll.u32 s28, $0x1;
	[dreg:$0x2] =	wrdreg s2  }
0xaa: {  	[dreg:$0x3] =	wrdreg s5  }
0xab: {  	[dreg:$0x4] =	wrdreg $0xC0  }
0xac: {  	_ =	task [dreg:s6], $0x5FFFF  }
0xad: {  	[dreg:$0x1] =	wrdreg $0xFFFFFFFF  }
0xae: {  	[dreg:$0x0] =	wrdreg $0x60  }
0xaf: {  	[dreg:$0x2] =	wrdreg s23  }
0xb0: {  	[dreg:$0x3] =	wrdreg s1  }
0xb1: {  	[dreg:$0x4] =	wrdreg s24  }
0xb2: {  	[dreg:$0x5] =	wrdreg $0x9  }
0xb3: {  	_ =	task.clear_ibuf [dreg:s6], $0x6FFFF;
	_ =	strace $0x90000055  }
0xb4: {  	s29 =	simm.s32 $0x9;
	_ =	strace $0x80000057  }
0xb5: {  	_ =	swait.ge [sflag:s29], $0x1  }
0xb6: {  	[sflag:s29] =	ssyncadd.s32 $0xFFFFFFFF  }
0xb7: {  	_ =	strace $0x90000057  }
0xb8: {  	_ =	sfence  }
0xb9: {  	s30 =	sld [smem:$0x0];
	_ =	sdelay $0x2  }
0xba: {  	s31 =	sshll.u32 s1, $0xD;
	s1 =	sshrl.u32 s1, $0x2  }
0xbb: {  	s3 =	sand.u32 $0x4000, s31;
	s1 =	sadd.s32 s1, s30  }
0xbc: {  	s0 =	sor.u32 s3, s0;
	s1 =	sshll.u32 s1, $0x11  }
0xbd: {  	s0 =	sor.u32 s1, s0  }
0xbe: {  	s0 =	sadd.s32 $0x8F2B, s0  }
0xbf: {  	[sflag:s0] =	ssyncadd.remote.s32 $0x1  }
0xc0: {  	_ =	sfence.sel $0xFFFF  }
0xc1: {  	[dreg:$0x0] =	wrdreg $0xFFFFFFFF;
	(pc) =	sbr.abs _section_cstart, $3  }
0xc2: {  	[dreg:$0x1] =	wrdreg $0xFFFFFFFF  }
0xc3: {  	_ =	task.clear_ibuf [dreg:s6], $0x2FFFF;
	_ =	strace $0x9FFFFFFF  }
0xc4: {  	(tm) =	ssettm $0x7FFFFFFF  }
0xc5: {  	_ =	shalt  }
tec
execute0_lowered:
.L_overlay_start_1:
0x0: {  	(tag) =	ssettag $0x1  }
0x1: {  	s2 =	rddreg [dreg:$0x0]  }
0x2: {  	s3 =	rddreg [dreg:$0x1];
	_ =	strace $0x80000056;
	s0 =	simm.s32 $0x1  }
0x3: {  	v0 =	vimm.s32 $0x0;
	[sflag:s0] =	ssyncpa.u1 $0x0;
	s0 =	simm.s32 $0x108  }
0x4: {  	[tilespmem:s0+$0x70] =	vst v0  }
0x5: {  	[tilespmem:s0+$0x60] =	vst v0  }
0x6: {  	[tilespmem:s0+$0x50] =	vst v0  }
0x7: {  	[tilespmem:s0+$0x40] =	vst v0  }
0x8: {  	[tilespmem:s0+$0x30] =	vst v0  }
0x9: {  	s1 =	sadd.s32 $0x13C00, s2;
	s15 =	sadd.s32 $0x6DC00, s2;
	s6 =	sadd.s32 $0x11E000, s2;
	[tilespmem:s0+$0x20] =	vst v0  }
0xa: {  	s14 =	sadd.s32 $0x77A00, s2;
	s5 =	sand.u32 $0x1, s3;
	s3 =	simm.s32 $0x40;
	[tilespmem:s0+$0x10] =	vst v0  }
.LBB2_1:
0xb: {  	s3 =	sadd.s32 $0x40, s3;
	[tilespmem:s0+$0x0] =	vst v0;
	s0 =	sadd.s32 $0x80, s0  }
0xc: {  	p0 =	slt.u32 s3, $0x3C40;
	[tilespmem:s0+$0x70] =	vst v0  }
0xd: {  	[tilespmem:s0+$0x60] =	vst v0  }
.Ltmp0:
0xe: {  	[tilespmem:s0+$0x50] =	vst v0;
	(pc) =	sbr.rel @p0 .LBB2_1-.Ltmp0, $4  }
0xf: {  	[tilespmem:s0+$0x40] =	vst v0  }
0x10: {  	[tilespmem:s0+$0x30] =	vst v0  }
0x11: {  	[tilespmem:s0+$0x20] =	vst v0  }
0x12: {  	[tilespmem:s0+$0x10] =	vst v0  }
0x13: {  	s9 =	stileid.u32  }
0x14: {  	s2 =	smul.u32 $0x29, s9  }
0x15: {  	s3 =	smin.u32 s9, $0xB  }
0x16: {  	s2 =	sadd.s32 s3, s2  }
0x17: {  	p0 =	slt.u32 s9, $0xB;
	s7 =	smul.u32 $0xF0, s2;
	s2 =	simm.s32 $0x2760  }
0x18: {  	s2 =	simm.s32 @!p0 $0x2670  }
0x19: {  	s2 =	sadd.s32 s2, s7  }
0x1a: {  	s8 =	smin.u32 s2, $0x27100  }
0x1b: {  	s2 =	ssub.s32 s8, s7  }
0x1c: {  	p0 =	sgt.s32 s2, $0x0  }
0x1d: {  	s29 =	simm.s32 $0x2;
	s10 =	simm.s32 $0x9;
	s2 =	simm.s32 @!p0 $0x0  }
0x1e: {  	s4 =	simm.s32 $0xA;
	s11 =	simm.s32 $0xB;
	s28 =	smulhi.u32 $0x88888889, s2  }
0x1f: {  	[dreg:$0x4] =	wrdreg s5;
	s31 =	smul.u32 $0x4E20, s5;
	s12 =	simm.s32 $0x1  }
0x20: {  	s22 =	simm.s32 $0x0;
	s18 =	simm.s32 $0xC;
	s30 =	sshrl.u32 s28, $0x7  }
0x21: {  	s20 =	simm.s32 $0x0;
	s21 =	simm.s32 $0x0;
	s3 =	smul.u32 $0xF0, s30  }
.Ltmp1:
0x22: {  	[tilespmem:s0+$0x0] =	vst v0;
	v0 =	vimm.s32 $0xFFFFFFFF;
	[sflag:s29] =	ssyncpa.u1 $0x0;
	s16 =	sshll.u32 s9, $0x8;
	(pc) =	sbr.rel .LBB2_3-.Ltmp1, $4  }
0x23: {  	[tilespmem:$0xF208] =	vst v0;
	[sflag:s10] =	ssyncpa.u1 $0x0;
	p0 =	sne.s32 s2, s3;
	s2 =	simm.s32 $0x1  }
0x24: {  	s14 =	sadd.s32 s31, s14;
	[sflag:s4] =	ssyncpa.u1 $0x0;
	s2 =	simm.s32 @!p0 $0x0  }
0x25: {  	s15 =	sadd.s32 s31, s15;
	[sflag:s11] =	ssyncpa.u1 $0x0;
	s13 =	sadd.s32 s2, s30  }
0x26: {  	v0 =	vlaneseq.u32;
	s19 =	smov.u32 s7;
	p0 =	por $0x0, $0x0;
	s17 =	sadd.s32 $0x1, s13  }
.LBB2_18:
0x27: {  	s0 =	sshrl.u32 s31, $0x2  }
.LBB2_20:
0x28: {  	_ =	swait.ge [sflag:s18], s0  }
0x29: {  	s31 =	ssub.s32 $0x0, s0;
	v1 =	vmov s24;
	vm0 =	veq.s32 v0, $0x0;
	[sflag:s18] =	ssyncset.done $0x0  }
0x2a: {  	vm15 =	veq.s32 v0, $0x2;
	v1 =	vsel vm0, s30, v1;
	[sflag:s18] =	ssyncadd.s32 s31  }
0x2b: {  	v1 =	vsel vm15, s22, v1;
	[sflag:s18] =	ssyncpa.u1 $0x1  }
0x2c: {  	[tilespmem:$0xF208] =	vst v1  }
.LBB2_21:
0x2d: {  	s0 =	sadd.s32 $0xF0, s19  }
0x2e: {  	s2 =	smov.u32 s7;
	p1 =	slt.s32 s0, s8  }
0x2f: {  	s2 =	smov.u32 @p1 s0;
	p1 =	sne.s32 s21, s17  }
.Ltmp2:
0x30: {  	_ = 	snop;
	(pc) =	sbr.rel @!p1 .LBB2_22-.Ltmp2, $3  }
0x31: {  	_ =	sdelay $0x1  }
0x32: {  	s22 =	smov.u32 s20;
	s31 =	sadd.s32 $0x1, s21;
	s20 =	smov.u32 s19  }
0x33: {  	p0 =	por !p0, !p0;
	s21 =	smov.u32 s31;
	s19 =	smov.u32 s2  }
.LBB2_3:
0x34: {  	p1 =	sge.u32 s21, s13  }
0x35: {  	s0 =	smulhi.u32 @!p1 $0xAAAAAAAB, s21  }
0x36: {  	s2 =	smov.u32 s19;
	p2 =	sgt.s32 @!p1 s19, $0x27010  }
0x37: {  	s3 =	sshra.s32 @!p1 s19, $0x1F;
	p2 =	por !p2, p1;
	s0 =	sshrl.u32 @!p1 s0, $0x1  }
0x38: {  	s3 =	sand.u32 @!p1 s3, s19;
	s2 =	simm.s32 @p2 $0x27010;
	s0 =	smul.u32 @!p1 $0x3, s0  }
0x39: {  	s2 =	ssub.s32 @!p1 s2, s3  }
0x3a: {  	s2 =	sadd.s32 @!p1 $0xFFFD8FF0, s2;
	s0 =	ssub.s32 @!p1 s21, s0  }
0x3b: {  	s3 =	sshll.u32 @!p1 s2, $0x2;
	p2 =	sgt.s32 @!p1 s2, $0xEF;
	s0 =	smul.u32 @!p1 $0x3C0, s0  }
0x3c: {  	s4 =	sand.u32 @!p1 $0x7, s19;
	s2 =	ssub.s32 @!p1 $0x3C0, s3;
	p2 =	por !p2, p1  }
0x3d: {  	s3 =	sshrl.u32 @!p1 s19, $0x3;
	s2 =	sshrl.u32 @!p1 s2, $0x2;
	s0 =	sshrl.u32 @!p1 s0, $0x2  }
0x3e: {  	s3 =	sadd.s32 @!p1 s3, s14;
	s2 =	simm.s32 @!p2 $0x0;
	s0 =	sadd.s32 @!p1 $0x10248, s0  }
0x3f: {  	[tilespmem:s0], [sflag:$0xA] =	stream.linear.gather @!p1 [hbm4b:s3+s4], s2, $0x38;
	[tilespmem:$0x1F6F8] =	vst v63  }
0x40: {  	s0 =	sadd.s32 $0xFFFFFFFF, s21  }
0x41: {  	p1 =	sge.u32 s0, s13  }
0x42: {  	p2 =	sgt.s32 @!p1 s20, $0x27010  }
0x43: {  	s2 =	smov.u32 s20;
	s3 =	sshra.s32 @!p1 s20, $0x1F;
	p2 =	por !p2, p1  }
0x44: {  	s3 =	sand.u32 @!p1 s3, s20;
	s2 =	simm.s32 @p2 $0x27010  }
0x45: {  	s2 =	ssub.s32 @!p1 s2, s3  }
0x46: {  	s2 =	sadd.s32 @!p1 $0xFFFD8FF0, s2  }
0x47: {  	s4 =	sand.u32 @!p1 $0x1, s0;
	s3 =	sshll.u32 @!p1 s2, $0x2  }
0x48: {  	p2 =	sgt.s32 @!p1 s2, $0xEF;
	s2 =	ssub.s32 @!p1 $0x3C0, s3;
	s3 =	smulhi.u32 @!p1 $0xAAAAAAAB, s0  }
0x49: {  	s23 =	smul.u32 @!p1 $0x3C0, s4;
	p2 =	por !p2, p1;
	s2 =	sshrl.u32 @!p1 s2, $0x2  }
0x4a: {  	s5 =	simm.s32 @!p1 $0xA;
	s2 =	simm.s32 @!p2 $0x0;
	s3 =	sshrl.u32 @!p1 s3, $0x1  }
0x4b: {  	s23 =	sshrl.u32 @!p1 s23, $0x2;
	_ =	swait.ge @!p1 [sflag:s5], s2;
	s3 =	smul.u32 @!p1 $0x3, s3  }
0x4c: {  	s23 =	sadd.s32 @!p1 $0x10518, s23;
	s24 =	ssub.s32 @!p1 $0x0, s2;
	[sflag:s5] =	ssyncset.done @!p1 $0x0  }
0x4d: {  	[sflag:s5] =	ssyncadd.s32 @!p1 s24;
	s5 =	sshrl.u32 @!p1 s20, $0x3;
	s0 =	ssub.s32 @!p1 s0, s3  }
0x4e: {  	s24 =	sand.u32 @!p1 $0x7, s20;
	s5 =	sadd.s32 @!p1 s5, s15;
	s0 =	smul.u32 @!p1 $0x3C0, s0  }
0x4f: {  	[tilespmem:s23], [sflag:$0xB] =	stream.linear.gather @!p1 [hbm4b:s5+s24], s2, $0x38;
	[tilespmem:$0x1F6F8] =	vst v63  }
0x50: {  	s3 =	ssub.s32 @!p1 $0x27100, s20;
	s2 =	smul.u32 @!p1 $0x1E000, s4  }
0x51: {  	p2 =	slt.s32 @!p1 s3, $0xF0  }
0x52: {  	p2 =	por !p2, p1;
	s0 =	sshrl.u32 @!p1 s0, $0x2;
	s2 =	sshrl.u32 @!p1 s2, $0x2  }
0x53: {  	s3 =	simm.s32 @p2 $0xF0;
	s0 =	sadd.s32 @!p1 $0x10248, s0;
	s2 =	sor.u32 @!p1 $0x106F8, s2  }
0x54: {  	[tilespmem:s2], [sflag:$0x9] =	stream.indirect.gather @!p1 [hbm4b:s6+s3], $0x80, s0, s3, $0xb8;
	[tilespmem:$0x1F6F8] =	vst v63  }
0x55: {  	p1 =	slt.u32 s21, $0x2  }
.Ltmp3:
0x56: {  	_ = 	snop;
	(pc) =	sbr.rel @p1 .LBB2_21-.Ltmp3, $1  }
0x57: {  	_ =	sdelay $0x3  }
0x58: {  	p1 =	sgt.s32 s22, $0x27010  }
0x59: {  	s0 =	smov.u32 s22;
	s2 =	sshra.s32 s22, $0x1F;
	s3 =	ssub.s32 $0x27100, s22  }
0x5a: {  	s0 =	simm.s32 @!p1 $0x27010;
	s2 =	sand.u32 s2, s22;
	p1 =	slt.s32 s3, $0xF0  }
0x5b: {  	s0 =	ssub.s32 s0, s2;
	s3 =	simm.s32 @!p1 $0xF0  }
0x5c: {  	s0 =	sadd.s32 $0xFFFD8FF0, s0;
	s25 =	sshll.u32 s3, $0x7  }
0x5d: {  	s26 =	sshll.u32 s0, $0x2;
	s2 =	sand.u32 $0x3FFFFF80, s25  }
0x5e: {  	p1 =	sgt.s32 s0, $0xEF;
	s29 =	ssub.s32 $0x3C0, s26;
	_ =	swait.ge [sflag:s10], s2  }
0x5f: {  	s2 =	ssub.s32 $0x0, s2;
	[sflag:s10] =	ssyncset.done $0x0;
	s0 =	sshrl.u32 s29, $0x2  }
0x60: {  	[sflag:s10] =	ssyncadd.s32 s2;
	s0 =	simm.s32 @p1 $0x0  }
0x61: {  	_ =	swait.ge [sflag:s11], s0  }
0x62: {  	s0 =	ssub.s32 $0x0, s0;
	[sflag:s11] =	ssyncset.done $0x0  }
0x63: {  	[sflag:s11] =	ssyncadd.s32 s0  }
0x64: {  	v1 =	vld [tilespmem:$0xF208];
	_ =	sdelay $0x4  }
0x65: {  	(v2sf) =	vpush v1, $0x0  }
0x66: {  	(v2sf) =	vpush v1, $0x1  }
0x67: {  	(v2sf) =	vpush v1, $0x2;
	_ =	sdelay $0x3  }
0x68: {  	s0 =	sadd.s32 $0xF0, s22  }
0x69: {  	s2 =	ssub.s32 $0x4E200, s22;
	p1 =	slt.s32 s8, s0  }
0x6a: {  	s0 =	smov.u32 @p1 s8;
	p1 =	sgt.s32 s2, $0x0  }
0x6b: {  	s26 =	ssub.s32 s0, s22;
	s2 =	simm.s32 @!p1 $0x0  }
0x6c: {  	p1 =	slt.s32 s2, s26  }
0x6d: {  	s26 =	smov.u32 @p1 s2  }
0x6e: {  	s25 =	simm.s32 $0x1;
	p1 =	slt.s32 s26, $0x1  }
.Ltmp4:
0x6f: {  	s25 =	simm.s32 @!p0 $0x0;
	(pc) =	sbr.rel @p1 .LBB2_8-.Ltmp4, $4  }
0x70: {  	s31 =	smul.u32 $0x3C0, s25  }
0x71: {  	s28 =	spop (v2sf)  }
0x72: {  	s0 =	sshrl.u32 s31, $0x2;
	s30 =	spop (v2sf)  }
0x73: {  	s23 =	sadd.s32 $0x10518, s0;
	s22 =	spop (v2sf)  }
0x74: {  	s0 =	smin.u32 s26, $0x10  }
0x75: {  	v1 =	vmov s0  }
0x76: {  	p2 =	sgt.s32 s26, $0x10;
	vm1 =	vgt.u32 v1, v0  }
.Ltmp5:
0x77: {  	_ = 	snop;
	(pc) =	sbr.rel @!p2 .LBB2_7-.Ltmp5, $2  }
0x78: {  	_ =	sdelay $0x2  }
0x79: {  	s4 =	simm.s32 $0x10;
	s24 =	sadd.s32 $0xFFFFFFF0, s26;
	s0 =	smov.u32 s23;
	vm0 =	vmmov vm1  }
.LBB2_6:
0x7a: {  	s2 =	smin.u32 s24, $0x10;
	s4 =	sadd.s32 $0x10, s4;
	v1 =	vld.msk [tilespmem:s0+$0x0 ss:$0x1], vm1  }
0x7b: {  	v2 =	vmov s2;
	p2 =	slt.s32 s4, s26  }
0x7c: {  	vm1 =	vgt.u32 v2, v0  }
.Ltmp6:
0x7d: {  	(pc) =	sbr.rel @p2 .LBB2_6-.Ltmp6, $3  }
0x7e: {  	_ =	sdelay $0x1  }
0x7f: {  	v1 =	vshll.u32 v1, $0x4  }
0x80: {  	s24 =	sadd.s32 $0xFFFFFFF0, s24;
	[tilespmem:s0+$0x0] =	vst.msk vm0, v1;
	s0 =	sadd.s32 $0x10, s0;
	vm0 =	vmmov vm1  }
.LBB2_7:
0x81: {  	_ =	sdelay $0x4  }
0x82: {  	v1 =	vld.msk [tilespmem:s0+$0x0 ss:$0x1], vm1;
	_ =	sdelay $0x4  }
0x83: {  	v1 =	vshll.u32 v1, $0x4  }
0x84: {  	[tilespmem:s0+$0x0] =	vst.msk vm0, v1  }
.LBB2_8:
0x85: {  	s0 =	sand.u32 $0x1, s21  }
0x86: {  	s0 =	smul.u32 $0xF0, s0  }
0x87: {  	p2 =	sne.s32 s30, $0xFFFFFFFF  }
0x88: {  	v1 =	vld.msk @!p2 [tilespmem:s0+$0x10518], $0x1;
	_ =	sdelay $0x4  }
0x89: {  	(v2sf) =	vpush @!p2 v1, $0x0;
	_ =	sdelay $0xc  }
.Ltmp7:
0x8a: {  	_ = 	snop;
	(pc) =	sbr.rel @p1 .LBB2_19-.Ltmp7, $4  }
0x8b: {  	_ = 	snop  }
0x8c: {  	s29 =	spop @!p2 (v2sf)  }
0x8d: {  	s22 =	simm.s32 @!p2 $0x0;
	s24 =	smov.u32 s29  }
0x8e: {  	[sflag:s18] =	ssyncpa.u1 $0x0;
	s29 =	smov.u32 @p2 s28;
	s24 =	smov.u32 @p2 s30  }
0x8f: {  	v1 =	vld.msk [tilespmem:s23+$0x0], $0x1;
	_ =	sdelay $0x4  }
0x90: {  	(v2sf) =	vpush v1, $0x0;
	_ =	sdelay $0xe  }
0x91: {  	s2 =	smul.u32 $0x1E000, s25;
	s0 =	spop (v2sf)  }
0x92: {  	s26 =	ssub.s32 $0x0, s26;
	p1 =	seq.s32 s29, s0  }
0x93: {  	s30 =	sadd.s32 $0x1, s26;
	s2 =	sshrl.u32 s2, $0x2;
	p2 =	sgt.s32 @!p1 s29, $0x0  }
0x94: {  	s25 =	sor.u32 $0x10738, s2;
	s2 =	smov.u32 s29;
	p2 =	por !p2, p1  }
0x95: {  	s2 =	simm.s32 @p2 $0x0;
	p2 =	seq.s32 s30, $0x0  }
.Ltmp8:
0x96: {  	_ = 	snop;
	(pc) =	sbr.rel @p2 .LBB2_11-.Ltmp8, $4  }
0x97: {  	_ = 	snop  }
0x98: {  	s28 =	simm.s32 $0x0;
	s31 =	sadd.s32 $0x1, s23;
	s2 =	smin.u32 @!p1 s2, $0x270F0  }
0x99: {  	s4 =	simm.s32 @!p1 $0x1;
	s5 =	simm.s32 @!p1 $0x7988;
	s3 =	sand.u32 @!p1 $0x3FFF8, s2  }
0x9a: {  	s4 =	smov.u32 @p1 s28;
	s2 =	sand.u32 @!p1 $0x7, s2;
	s3 =	sadd.s32 @!p1 s1, s3  }
.LBB2_10:
0x9b: {  	s9 =	smov.u32 s4  }
0x9c: {  	[tilespmem:s5], [sflag:$0x2] =	stream.linear.gather @!p1 [hbm4b:s3+s2], $0x80, $0x38;
	[tilespmem:$0x1F6F8] =	vst v63  }
0x9d: {  	s30 =	sadd.s32 $0x1, s30;
	s2 =	smov.u32 s0;
	v1 =	vld.msk [tilespmem:s31+$0x0], $0x1  }
0x9e: {  	p2 =	seq.s32 s30, $0x0;
	_ =	sdelay $0x3  }
0x9f: {  	(v2sf) =	vpush v1, $0x0;
	_ =	sdelay $0xe  }
0xa0: {  	s0 =	spop (v2sf)  }
0xa1: {  	p1 =	seq.s32 s2, s0  }
0xa2: {  	p3 =	sgt.s32 @!p1 s2, $0x0;
	s3 =	sshll.u32 @!p1 s4, $0x9;
	s4 =	sadd.s32 @!p1 $0x1, s4  }
.Ltmp9:
0xa3: {  	p3 =	por !p3, p1;
	s3 =	sshra.s32 @!p1 s3, $0x2;
	(pc) =	sbr.rel @!p2 .LBB2_10-.Ltmp9, $4  }
0xa4: {  	s4 =	smov.u32 @p1 s9;
	s2 =	simm.s32 @p3 $0x0;
	s5 =	sadd.s32 @!p1 $0x7988, s3  }
0xa5: {  	s2 =	smin.u32 @!p1 s2, $0x270F0  }
0xa6: {  	s3 =	sand.u32 @!p1 $0x3FFF8, s2;
	s2 =	sand.u32 @!p1 $0x7, s2  }
0xa7: {  	s31 =	sadd.s32 $0x1, s31;
	s3 =	sadd.s32 @!p1 s1, s3  }
.LBB2_11:
0xa8: {  	[tilespmem:s5], [sflag:$0x2] =	stream.linear.gather @!p1 [hbm4b:s3+s2], $0x80, $0x38;
	[tilespmem:$0x1F6F8] =	vst v63  }
.Ltmp10:
0xa9: {  	s0 =	sshll.u32 s4, $0x7;
	(pc) =	sbr.rel .LBB2_12-.Ltmp10, $4  }
0xaa: {  	s30 =	simm.s32 $0x2;
	s0 =	sand.u32 $0x3FFFFF80, s0  }
0xab: {  	_ =	swait.ge [sflag:s30], s0  }
0xac: {  	s0 =	ssub.s32 $0x0, s0;
	[sflag:s30] =	ssyncset.done $0x0  }
0xad: {  	s31 =	simm.s32 $0x0;
	[sflag:s30] =	ssyncadd.s32 s0  }
.LBB2_13:
0xae: {  	v1 =	vld [tilespmem:s25+$0xFFFFFFC0];
	_ =	sdelay $0x3  }
0xaf: {  	s0 =	sshra.s32 s0, $0x2  }
0xb0: {  	[tilespmem:s0+$0x108] =	vst.add.f32.msk $0xffff, v1  }
0xb1: {  	v1 =	vld [tilespmem:s25+$0xFFFFFFD0];
	_ =	sdelay $0x4  }
0xb2: {  	[tilespmem:s0+$0x118] =	vst.add.f32.msk $0xffff, v1  }
0xb3: {  	v1 =	vld [tilespmem:s25+$0xFFFFFFE0];
	_ =	sdelay $0x4  }
0xb4: {  	[tilespmem:s0+$0x128] =	vst.add.f32.msk $0xffff, v1  }
0xb5: {  	v1 =	vld [tilespmem:s25+$0xFFFFFFF0];
	_ =	sdelay $0x4  }
0xb6: {  	[tilespmem:s0+$0x138] =	vst.add.f32.msk $0xffff, v1  }
0xb7: {  	v1 =	vld [tilespmem:s25+$0x0];
	_ =	sdelay $0x4  }
0xb8: {  	[tilespmem:s0+$0x148] =	vst.add.f32.msk $0xffff, v1  }
0xb9: {  	v1 =	vld [tilespmem:s25+$0x10];
	_ =	sdelay $0x4  }
0xba: {  	[tilespmem:s0+$0x158] =	vst.add.f32.msk $0xffff, v1  }
0xbb: {  	v1 =	vld [tilespmem:s25+$0x20];
	_ =	sdelay $0x4  }
0xbc: {  	[tilespmem:s0+$0x168] =	vst.add.f32.msk $0xffff, v1  }
0xbd: {  	v1 =	vld [tilespmem:s25+$0x30];
	_ =	sdelay $0x4  }
0xbe: {  	[tilespmem:s0+$0x178] =	vst.add.f32.msk $0xffff, v1  }
.LBB2_17:
0xbf: {  	s26 =	sadd.s32 $0x1, s26  }
0xc0: {  	p1 =	seq.s32 s26, $0x0  }
.Ltmp11:
0xc1: {  	_ = 	snop;
	(pc) =	sbr.rel @p1 .LBB2_18-.Ltmp11, $2  }
0xc2: {  	_ =	sdelay $0x2  }
0xc3: {  	s23 =	sadd.s32 $0x1, s23;
	s25 =	sadd.s32 $0x80, s25;
	s29 =	smov.u32 s30  }
.LBB2_12:
0xc4: {  	v1 =	vld.msk [tilespmem:s23+$0x0], $0x1;
	_ =	sdelay $0x4  }
0xc5: {  	(v2sf) =	vpush v1, $0x0;
	_ =	sdelay $0xe  }
0xc6: {  	s30 =	spop (v2sf)  }
0xc7: {  	p1 =	sne.s32 s29, s30  }
.Ltmp12:
0xc8: {  	_ = 	snop;
	(pc) =	sbr.rel @!p1 .LBB2_13-.Ltmp12, $2  }
0xc9: {  	_ =	sdelay $0x2  }
0xca: {  	s0 =	sshll.u32 s22, $0x9  }
0xcb: {  	p1 =	seq.s32 s29, s24  }
.Ltmp13:
0xcc: {  	_ = 	snop;
	(pc) =	sbr.rel @!p1 .LBB2_15-.Ltmp13, $1  }
0xcd: {  	_ =	sdelay $0x3  }
0xce: {  	s0 =	sshra.s32 s0, $0x2  }
.Ltmp14:
0xcf: {  	s0 =	sadd.s32 $0x108, s0;
	(pc) =	sbr.rel .LBB2_16-.Ltmp14, $4  }
0xd0: {  	[spmem:s16] =	stream.linear.scatter [tilespmem:s0], [sflag:$0x1], $0x80, $0x38;
	[tilespmem:$0x1F6F8] =	vst v63  }
0xd1: {  	_ =	swait.ge [sflag:s12], $0x80  }
0xd2: {  	[sflag:s12] =	ssyncset.done $0x0  }
0xd3: {  	[sflag:s12] =	ssyncadd.s32 $0xFFFFFF80  }
.LBB2_15:
0xd4: {  	s2 =	sshll.u32 s28, $0x9  }
0xd5: {  	s2 =	sshra.s32 s2, $0x2  }
0xd6: {  	v1 =	vld [tilespmem:s2+$0x7988];
	_ =	sdelay $0x3  }
0xd7: {  	s0 =	sshra.s32 s0, $0x2  }
0xd8: {  	[tilespmem:s0+$0x108] =	vst.add.f32.msk $0xffff, v1  }
0xd9: {  	v1 =	vld [tilespmem:s2+$0x7998];
	_ =	sdelay $0x4  }
0xda: {  	[tilespmem:s0+$0x118] =	vst.add.f32.msk $0xffff, v1  }
0xdb: {  	v1 =	vld [tilespmem:s2+$0x79A8];
	_ =	sdelay $0x4  }
0xdc: {  	[tilespmem:s0+$0x128] =	vst.add.f32.msk $0xffff, v1  }
0xdd: {  	v1 =	vld [tilespmem:s2+$0x79B8];
	_ =	sdelay $0x4  }
0xde: {  	[tilespmem:s0+$0x138] =	vst.add.f32.msk $0xffff, v1  }
0xdf: {  	v1 =	vld [tilespmem:s2+$0x79C8];
	_ =	sdelay $0x4  }
0xe0: {  	[tilespmem:s0+$0x148] =	vst.add.f32.msk $0xffff, v1  }
0xe1: {  	v1 =	vld [tilespmem:s2+$0x79D8];
	_ =	sdelay $0x4  }
0xe2: {  	[tilespmem:s0+$0x158] =	vst.add.f32.msk $0xffff, v1  }
0xe3: {  	v1 =	vld [tilespmem:s2+$0x79E8];
	_ =	sdelay $0x4  }
0xe4: {  	[tilespmem:s0+$0x168] =	vst.add.f32.msk $0xffff, v1  }
0xe5: {  	v1 =	vld [tilespmem:s2+$0x79F8];
	_ =	sdelay $0x2  }
0xe6: {  	p1 =	sgt.u32 s29, $0x270F0  }
0xe7: {  	s2 =	sand.u32 @!p1 $0x3FFF8, s29  }
0xe8: {  	s3 =	sadd.s32 $0x108, s0;
	[tilespmem:s0+$0x178] =	vst.add.f32.msk $0xffff, v1;
	s0 =	sadd.s32 @!p1 s1, s2;
	s2 =	sand.u32 @!p1 $0x7, s29  }
0xe9: {  	[hbm4b:s0+s2] =	stream.linear.scatter @!p1 [tilespmem:s3], [sflag:$0xC], $0x80, $0x38;
	[tilespmem:$0x1F6F8] =	vst v63  }
0xea: {  	s0 =	simm.s32 $0x0  }
0xeb: {  	s0 =	simm.s32 @!p1 $0x200  }
0xec: {  	s31 =	sadd.s32 s0, s31  }
.LBB2_16:
0xed: {  	s0 =	sadd.s32 $0x1, s22  }
0xee: {  	s2 =	smulhi.u32 $0x88888889, s0;
	_ =	sdelay $0x1  }
0xef: {  	v1 =	vld [tilespmem:s25+$0xFFFFFFC0];
	s2 =	sshrl.u32 s2, $0x7  }
0xf0: {  	s2 =	smul.u32 $0xF0, s2;
	_ =	sdelay $0x1  }
0xf1: {  	s22 =	ssub.s32 s0, s2  }
0xf2: {  	s0 =	sshll.u32 s22, $0x7  }
0xf3: {  	[tilespmem:s0+$0x108] =	vst v1  }
0xf4: {  	v1 =	vld [tilespmem:s25+$0xFFFFFFD0];
	_ =	sdelay $0x4  }
0xf5: {  	[tilespmem:s0+$0x118] =	vst v1  }
0xf6: {  	v1 =	vld [tilespmem:s25+$0xFFFFFFE0];
	_ =	sdelay $0x4  }
0xf7: {  	[tilespmem:s0+$0x128] =	vst v1  }
0xf8: {  	v1 =	vld [tilespmem:s25+$0xFFFFFFF0];
	_ =	sdelay $0x4  }
0xf9: {  	[tilespmem:s0+$0x138] =	vst v1  }
0xfa: {  	v1 =	vld [tilespmem:s25+$0x0];
	_ =	sdelay $0x4  }
0xfb: {  	[tilespmem:s0+$0x148] =	vst v1  }
0xfc: {  	v1 =	vld [tilespmem:s25+$0x10];
	_ =	sdelay $0x4  }
0xfd: {  	[tilespmem:s0+$0x158] =	vst v1  }
0xfe: {  	v1 =	vld [tilespmem:s25+$0x20];
	_ =	sdelay $0x4  }
0xff: {  	[tilespmem:s0+$0x168] =	vst v1  }
0x100: {  	v1 =	vld [tilespmem:s25+$0x30]  }
.Ltmp15:
0x101: {  	_ = 	snop;
	(pc) =	sbr.rel .LBB2_17-.Ltmp15, $2  }
0x102: {  	_ =	sdelay $0x2  }
0x103: {  	s28 =	sadd.s32 $0x1, s28;
	[tilespmem:s0+$0x178] =	vst v1  }
.LBB2_19:
.Ltmp16:
0x104: {  	(pc) =	sbr.rel .LBB2_20-.Ltmp16, $4  }
0x105: {  	_ = 	snop  }
0x106: {  	s0 =	simm.s32 $0x2  }
0x107: {  	_ =	swait.ge [sflag:s0], $0x0  }
0x108: {  	s30 =	smov.u32 s29;
	[sflag:s0] =	ssyncset.done $0x0;
	s0 =	simm.s32 $0x0  }
.LBB2_22:
0x109: {  	_ =	sfence.sel $0x180000  }
0x10a: {  	s0 =	simm.s32 $0x9;
	[bflag:$0x0] =	sbarrier.arrive $0xFFFF  }
0x10b: {  	s24 =	simm.s32 $0xA;
	[sflag:s0] =	ssyncpa.u1 $0x1  }
0x10c: {  	s25 =	simm.s32 $0xB;
	[sflag:s24] =	ssyncpa.u1 $0x1  }
0x10d: {  	s26 =	simm.s32 $0x2;
	[sflag:s25] =	ssyncpa.u1 $0x1  }
0x10e: {  	[sflag:s26] =	ssyncpa.u1 $0x1  }
0x10f: {  	v0 =	vld [tilespmem:$0xF208];
	_ =	sdelay $0x4  }
0x110: {  	(v2sf) =	vpush v0, $0x0  }
0x111: {  	(v2sf) =	vpush v0, $0x1;
	_ =	sdelay $0x1  }
0x112: {  	(v2sf) =	vpush v0, $0x2;
	_ =	sdelay $0xb  }
0x113: {  	s0 =	spop (v2sf)  }
0x114: {  	s2 =	spop (v2sf)  }
0x115: {  	s3 =	smov.u32 s0;
	p0 =	sne.s32 s0, s2  }
0x116: {  	s4 =	spop (v2sf);
	s3 =	simm.s32 @!p0 $0xFFFFFFFF  }
0x117: {  	v2 =	vimm.s32 $0x1;
	v3 =	vlaneseq.u32;
	p0 =	seq.s32 s4, $0xFFFFFFFF;
	v1 =	vmov s3  }
0x118: {  	s16 =	stileid.u32;
	v0 =	vperm.xlane v0, v2;
	p1 =	sne.s32 @!p0 s0, s2;
	v1 =	vperm.xlane v1, v3  }
0x119: {  	vm0 =	vcmask $0x3F04;
	s6 =	simm.s32 $0xF208;
	s0 =	simm.s32 @!p0 $0x1;
	p1 =	por !p1, p0  }
0x11a: {  	s3 =	sshll.u32 s16, $0x1;
	s2 =	sshll.u32 @!p0 s4, $0x9;
	s0 =	simm.s32 @p1 $0x0;
	v0 =	vsel vm0, v1, v0  }
0x11b: {  	s5 =	sor.u32 $0x1000, s3;
	s2 =	sshra.s32 @!p0 s2, $0x2;
	s0 =	sor.u32 @!p0 s0, s3;
	[tilespmem:$0xF208] =	vst v0  }
0x11c: {  	[spmem:s5] =	stream.linear.scatter [tilespmem:s6], [sflag:$0x1], $0x2, $0x38;
	[tilespmem:$0x1F6F8] =	vst v63  }
0x11d: {  	s2 =	sadd.s32 @!p0 $0x108, s2;
	s0 =	sshll.u32 @!p0 s0, $0x7  }
0x11e: {  	[spmem:s0] =	stream.linear.scatter @!p0 [tilespmem:s2], [sflag:$0x1], $0x80, $0x38;
	[tilespmem:$0x1F6F8] =	vst v63  }
0x11f: {  	s0 =	simm.s32 @!p0 $0x82  }
0x120: {  	s28 =	simm.s32 $0x1;
	s0 =	simm.s32 @p0 $0x2  }
0x121: {  	_ =	swait.ge [sflag:s28], s0  }
0x122: {  	s0 =	ssub.s32 $0x0, s0;
	[sflag:s28] =	ssyncset.done $0x0  }
0x123: {  	p0 =	sne.s32 s16, $0x0;
	[sflag:s28] =	ssyncadd.s32 s0  }
.Ltmp17:
0x124: {  	_ =	sfence.stream.spmem;
	(pc) =	sbr.rel @p0 .LBB2_39-.Ltmp17, $4  }
0x125: {  	s29 =	simm.s32 $0x3;
	[bflag:$0x0] =	sbarrier.arrive $0xFFFF  }
0x126: {  	s30 =	simm.s32 $0x4;
	[sflag:s29] =	ssyncpa.u1 $0x1  }
0x127: {  	s31 =	simm.s32 $0x3C;
	[sflag:s30] =	ssyncpa.u1 $0x1  }
0x128: {  	s15 =	rddreg [dreg:$0x4];
	[sflag:s31] =	ssyncpa.u1 $0x1  }
0x129: {  	_ =	sfence.stream.spmem;
	s0 =	simm.s32 $0x5  }
0x12a: {  	s2 =	simm.s32 $0x1000;
	s3 =	simm.s32 $0xF218;
	[sflag:s0] =	ssyncpa.u1 $0x0  }
0x12b: {  	[tilespmem:s3], [sflag:$0x5] =	stream.linear.gather [spmem:s2], $0x20, $0x38;
	[tilespmem:$0x1F6F8] =	vst v63  }
0x12c: {  	s26 =	simm.s32 $0x0;
	s28 =	simm.s32 $0xF238  }
0x12d: {  	[tilespmem:s28], [sflag:$0x5] =	stream.linear.gather [spmem:s26], $0x1000, $0x38;
	[tilespmem:$0x1F6F8] =	vst v63  }
0x12e: {  	_ =	swait.ge [sflag:s0], $0x1020  }
0x12f: {  	[sflag:s0] =	ssyncset.done $0x0  }
0x130: {  	s29 =	simm.s32 $0x0;
	[sflag:s0] =	ssyncadd.s32 $0xFFFFEFE0  }
0x131: {  	v0 =	vld.msk [tilespmem:s29+$0xF218], $0x1;
	_ =	sdelay $0x1  }
0x132: {  	s30 =	simm.s32 $0x1  }
0x133: {  	v1 =	vld.msk [tilespmem:s30+$0xF218], $0x1;
	_ =	sdelay $0x1  }
0x134: {  	(v2sf) =	vpush v0, $0x0;
	_ =	sdelay $0x2  }
0x135: {  	(v2sf) =	vpush v1, $0x0;
	_ =	sdelay $0x2  }
0x136: {  	s31 =	simm.s32 $0x2  }
0x137: {  	v0 =	vld.msk [tilespmem:s31+$0xF218], $0x1;
	_ =	sdelay $0x2  }
0x138: {  	s4 =	simm.s32 $0xFFFFFFFF;
	s5 =	simm.s32 $0xFFFFFFFF;
	s0 =	simm.s32 $0xC  }
.LBB2_24:
0x139: {  	s2 =	smov.u32 s5;
	s3 =	smov.u32 s4  }
0x13a: {  	s4 =	sshra.s32 s0, $0x2;
	p1 =	sne.s32 s0, $0x7C;
	s0 =	sadd.s32 $0x4, s0;
	(v2sf) =	vpush v0, $0x0  }
0x13b: {  	v0 =	vld.msk [tilespmem:s4+$0xF218], $0x1  }
.Ltmp18:
0x13c: {  	(pc) =	sbr.rel @p1 .LBB2_24-.Ltmp18, $4  }
0x13d: {  	s5 =	spop (v2sf)  }
0x13e: {  	p2 =	sne.s32 s3, $0xFFFFFFFF;
	s4 =	smov.u32 s5  }
0x13f: {  	p3 =	seq.s32 s5, $0xFFFFFFFF;
	s4 =	smov.u32 @p2 s3  }
0x140: {  	s5 =	smov.u32 @p3 s2;
	s4 =	smov.u32 @p3 s3  }
0x141: {  	(v2sf) =	vpush v0, $0x0;
	_ =	sdelay $0x8  }
0x142: {  	s0 =	spop (v2sf)  }
0x143: {  	p1 =	sne.s32 s4, $0xFFFFFFFF;
	s2 =	smov.u32 s0  }
0x144: {  	s9 =	simm.s32 $0x6;
	p2 =	seq.s32 s0, $0xFFFFFFFF;
	s2 =	smov.u32 @p1 s4  }
0x145: {  	s6 =	simm.s32 $0x0;
	s2 =	smov.u32 @p2 s4;
	s3 =	spop (v2sf)  }
0x146: {  	s0 =	smov.u32 @p2 s5;
	p1 =	sne.s32 s2, $0xFFFFFFFF;
	s4 =	smov.u32 s3  }
.Ltmp19:
0x147: {  	p2 =	seq.s32 s3, $0xFFFFFFFF;
	s4 =	smov.u32 @p1 s2;
	(pc) =	sbr.rel .LBB2_26-.Ltmp19, $4  }
0x148: {  	s10 =	simm.s32 $0xF188;
	s4 =	smov.u32 @p2 s2;
	s7 =	spop (v2sf)  }
0x149: {  	s11 =	simm.s32 $0x0;
	p1 =	sne.s32 s4, $0xFFFFFFFF;
	s8 =	smov.u32 s7  }
0x14a: {  	s3 =	smov.u32 @p2 s0;
	p2 =	seq.s32 s7, $0xFFFFFFFF;
	s8 =	smov.u32 @p1 s4  }
0x14b: {  	[sflag:s9] =	ssyncpa.u1 $0x0;
	s7 =	smov.u32 @p2 s3;
	s8 =	smov.u32 @p2 s4  }
.LBB2_32:
0x14c: {  	p1 =	sgt.u32 s12, $0x270F0  }
0x14d: {  	p2 =	seq.s32 @!p1 s12, s8  }
0x14e: {  	p1 =	por p1, p2  }
0x14f: {  	p2 =	sne.s32 @!p1 s12, s7  }
0x150: {  	p1 =	por p1, !p2  }
0x151: {  	s0 =	sshll.u32 @p1 s11, $0x9  }
0x152: {  	s0 =	sand.u32 @!p1 $0x3FFF8, s12  }
0x153: {  	s2 =	sand.u32 @!p1 $0x7, s12;
	s0 =	sadd.s32 @!p1 s1, s0  }
0x154: {  	[tilespmem:s10], [sflag:$0x6] =	stream.linear.gather @!p1 [hbm4b:s0+s2], $0x80, $0x38;
	[tilespmem:$0x1F6F8] =	vst v63  }
0x155: {  	_ =	swait.ge @!p1 [sflag:s9], $0x80  }
0x156: {  	[sflag:s9] =	ssyncset.done @!p1 $0x0  }
0x157: {  	[sflag:s9] =	ssyncadd.s32 @!p1 $0xFFFFFF80  }
0x158: {  	v1 =	vld @!p1 [tilespmem:$0xF188];
	_ =	sdelay $0x2  }
0x159: {  	s0 =	sshll.u32 @!p1 s11, $0x9  }
0x15a: {  	s2 =	sshrl.u32 @!p1 s0, $0x2  }
0x15b: {  	[tilespmem:s2+$0xF238] =	vst.add.f32.msk @!p1 $0xffff, v1  }
0x15c: {  	v1 =	vld @!p1 [tilespmem:$0xF198];
	_ =	sdelay $0x4  }
0x15d: {  	[tilespmem:s2+$0xF248] =	vst.add.f32.msk @!p1 $0xffff, v1  }
0x15e: {  	v1 =	vld @!p1 [tilespmem:$0xF1A8];
	_ =	sdelay $0x4  }
0x15f: {  	[tilespmem:s2+$0xF258] =	vst.add.f32.msk @!p1 $0xffff, v1  }
0x160: {  	v1 =	vld @!p1 [tilespmem:$0xF1B8];
	_ =	sdelay $0x4  }
0x161: {  	[tilespmem:s2+$0xF268] =	vst.add.f32.msk @!p1 $0xffff, v1  }
0x162: {  	v1 =	vld @!p1 [tilespmem:$0xF1C8];
	_ =	sdelay $0x4  }
0x163: {  	[tilespmem:s2+$0xF278] =	vst.add.f32.msk @!p1 $0xffff, v1  }
0x164: {  	v1 =	vld @!p1 [tilespmem:$0xF1D8];
	_ =	sdelay $0x4  }
0x165: {  	[tilespmem:s2+$0xF288] =	vst.add.f32.msk @!p1 $0xffff, v1  }
0x166: {  	v1 =	vld @!p1 [tilespmem:$0xF1E8];
	_ =	sdelay $0x4  }
0x167: {  	[tilespmem:s2+$0xF298] =	vst.add.f32.msk @!p1 $0xffff, v1  }
0x168: {  	v1 =	vld @!p1 [tilespmem:$0xF1F8];
	_ =	sdelay $0x4  }
0x169: {  	[tilespmem:s2+$0xF2A8] =	vst.add.f32.msk @!p1 $0xffff, v1  }
0x16a: {  	s0 =	sshrl.u32 s0, $0x2;
	[tilespmem:s6+$0xF218] =	vst.msk $0x1, v0  }
0x16b: {  	v0 =	vld [tilespmem:s0+$0xF238];
	_ =	sdelay $0x2  }
0x16c: {  	s31 =	sshll.u32 s6, $0x9  }
0x16d: {  	s2 =	sshra.s32 s31, $0x2  }
0x16e: {  	[tilespmem:s2+$0xF238] =	vst v0  }
0x16f: {  	v0 =	vld [tilespmem:s0+$0xF248];
	_ =	sdelay $0x4  }
0x170: {  	[tilespmem:s2+$0xF248] =	vst v0  }
0x171: {  	v0 =	vld [tilespmem:s0+$0xF258];
	_ =	sdelay $0x4  }
0x172: {  	[tilespmem:s2+$0xF258] =	vst v0  }
0x173: {  	v0 =	vld [tilespmem:s0+$0xF268];
	_ =	sdelay $0x4  }
0x174: {  	[tilespmem:s2+$0xF268] =	vst v0  }
0x175: {  	v0 =	vld [tilespmem:s0+$0xF278];
	_ =	sdelay $0x4  }
0x176: {  	[tilespmem:s2+$0xF278] =	vst v0  }
0x177: {  	v0 =	vld [tilespmem:s0+$0xF288];
	_ =	sdelay $0x4  }
0x178: {  	[tilespmem:s2+$0xF288] =	vst v0  }
0x179: {  	v0 =	vld [tilespmem:s0+$0xF298];
	_ =	sdelay $0x4  }
0x17a: {  	[tilespmem:s2+$0xF298] =	vst v0  }
0x17b: {  	v0 =	vld [tilespmem:s0+$0xF2A8];
	_ =	sdelay $0x4  }
0x17c: {  	s6 =	sadd.s32 $0x1, s6;
	[tilespmem:s2+$0xF2A8] =	vst v0  }
.LBB2_33:
0x17d: {  	s11 =	sadd.s32 $0x1, s11  }
0x17e: {  	p1 =	sne.s32 s11, $0x20  }
.Ltmp20:
0x17f: {  	_ = 	snop;
	(pc) =	sbr.rel @!p1 .LBB2_34-.Ltmp20, $1  }
0x180: {  	_ =	sdelay $0x3  }
.LBB2_26:
0x181: {  	v0 =	vld.msk [tilespmem:s11+$0xF218], $0x1;
	_ =	sdelay $0x4  }
0x182: {  	(v2sf) =	vpush v0, $0x0;
	_ =	sdelay $0xe  }
0x183: {  	s12 =	spop (v2sf)  }
0x184: {  	p1 =	seq.s32 s12, $0xFFFFFFFF  }
.Ltmp21:
0x185: {  	_ = 	snop;
	(pc) =	sbr.rel @p1 .LBB2_33-.Ltmp21, $1  }
0x186: {  	_ =	sdelay $0x3  }
0x187: {  	p1 =	slt.s32 s6, $0x1  }
.Ltmp22:
0x188: {  	_ = 	snop;
	(pc) =	sbr.rel @p1 .LBB2_32-.Ltmp22, $1  }
0x189: {  	_ =	sdelay $0x3  }
0x18a: {  	s13 =	simm.s32 $0xF218;
	p1 =	por $0x0, $0x0  }
0x18b: {  	v1 =	vld.msk @!p1 [tilespmem:s13+$0x0], $0x1;
	_ =	sdelay $0x4  }
0x18c: {  	(v2sf) =	vpush @!p1 v1, $0x0;
	_ =	sdelay $0xd  }
0x18d: {  	p3 =	sne.s32 s6, $0x1  }
.Ltmp23:
0x18e: {  	s0 =	spop @!p1 (v2sf);
	(pc) =	sbr.rel @!p3 .LBB2_30-.Ltmp23, $4  }
0x18f: {  	p2 =	seq.s32 @!p1 s12, s0  }
0x190: {  	s14 =	simm.s32 $0x0;
	p2 =	por !p2, p1  }
0x191: {  	s2 =	simm.s32 $0xFFFFFFFF;
	s14 =	simm.s32 @p2 $0xFFFFFFFF  }
0x192: {  	s0 =	simm.s32 $0x1;
	s14 =	smov.u32 @p1 s2  }
.LBB2_29:
0x193: {  	s2 =	smov.u32 s14;
	p1 =	sne.s32 s14, $0xFFFFFFFF  }
0x194: {  	s13 =	sadd.s32 $0x1, s13;
	s14 =	smov.u32 s0;
	s0 =	sadd.s32 $0x1, s0  }
0x195: {  	p2 =	sne.s32 s6, s0;
	v1 =	vld.msk @!p1 [tilespmem:s13+$0x0], $0x1;
	_ =	sdelay $0x4  }
0x196: {  	(v2sf) =	vpush @!p1 v1, $0x0;
	_ =	sdelay $0xe  }
.Ltmp24:
0x197: {  	s3 =	spop @!p1 (v2sf);
	(pc) =	sbr.rel @p2 .LBB2_29-.Ltmp24, $4  }
0x198: {  	p3 =	seq.s32 @!p1 s12, s3  }
0x199: {  	p3 =	por !p3, p1  }
0x19a: {  	s14 =	simm.s32 @p3 $0xFFFFFFFF  }
0x19b: {  	s14 =	smov.u32 @p1 s2  }
.LBB2_30:
0x19c: {  	p1 =	seq.s32 s14, $0xFFFFFFFF  }
.Ltmp25:
0x19d: {  	_ = 	snop;
	(pc) =	sbr.rel @p1 .LBB2_32-.Ltmp25, $1  }
0x19e: {  	_ =	sdelay $0x3  }
0x19f: {  	s0 =	sshll.u32 s11, $0x7  }
0x1a0: {  	s0 =	sand.u32 $0x3FFFFF80, s0  }
0x1a1: {  	v0 =	vld [tilespmem:s0+$0xF238];
	_ =	sdelay $0x2  }
0x1a2: {  	s2 =	sshll.u32 s14, $0x9  }
0x1a3: {  	s2 =	sshra.s32 s2, $0x2  }
0x1a4: {  	[tilespmem:s2+$0xF238] =	vst.add.f32.msk $0xffff, v0  }
0x1a5: {  	v0 =	vld [tilespmem:s0+$0xF248];
	_ =	sdelay $0x4  }
0x1a6: {  	[tilespmem:s2+$0xF248] =	vst.add.f32.msk $0xffff, v0  }
0x1a7: {  	v0 =	vld [tilespmem:s0+$0xF258];
	_ =	sdelay $0x4  }
0x1a8: {  	[tilespmem:s2+$0xF258] =	vst.add.f32.msk $0xffff, v0  }
0x1a9: {  	v0 =	vld [tilespmem:s0+$0xF268];
	_ =	sdelay $0x4  }
0x1aa: {  	[tilespmem:s2+$0xF268] =	vst.add.f32.msk $0xffff, v0  }
0x1ab: {  	v0 =	vld [tilespmem:s0+$0xF278];
	_ =	sdelay $0x4  }
0x1ac: {  	[tilespmem:s2+$0xF278] =	vst.add.f32.msk $0xffff, v0  }
0x1ad: {  	v0 =	vld [tilespmem:s0+$0xF288];
	_ =	sdelay $0x4  }
0x1ae: {  	[tilespmem:s2+$0xF288] =	vst.add.f32.msk $0xffff, v0  }
0x1af: {  	v0 =	vld [tilespmem:s0+$0xF298];
	_ =	sdelay $0x4  }
0x1b0: {  	[tilespmem:s2+$0xF298] =	vst.add.f32.msk $0xffff, v0  }
0x1b1: {  	v0 =	vld [tilespmem:s0+$0xF2A8]  }
.Ltmp26:
0x1b2: {  	_ = 	snop;
	(pc) =	sbr.rel .LBB2_33-.Ltmp26, $2  }
0x1b3: {  	_ =	sdelay $0x2  }
0x1b4: {  	[tilespmem:s2+$0xF2A8] =	vst.add.f32.msk $0xffff, v0  }
.LBB2_34:
0x1b5: {  	s0 =	simm.s32 $0x6;
	p1 =	seq.s32 s6, $0x0  }
0x1b6: {  	[sflag:s0] =	ssyncpa.u1 $0x1;
	v0 =	vimm.s32 @p1 $0xFFFFFFFF  }
0x1b7: {  	s9 =	sadd.s32 $0xFFFFFFFF, s6;
	[tilespmem:$0x10238] =	vst @p1 v0  }
0x1b8: {  	v0 =	vld.msk @!p1 [tilespmem:s9+$0xF218], $0x1;
	_ =	sdelay $0x1  }
0x1b9: {  	v1 =	vld.msk @!p1 [tilespmem:$0xF218], $0x1;
	_ =	sdelay $0x2  }
0x1ba: {  	p2 =	seq.s32 @!p1 s9, $0x0;
	v0 =	vbroadcast @!p1 v0, $0x0  }
0x1bb: {  	vm0 =	vmmov @!p1 $0x1;
	p2 =	por !p2, p1  }
0x1bc: {  	v1 =	vnsel @!p1 vm0, $0xFFFFFFFF, v1;
	vm0 =	vcmask @!p1 $0x308;
	v0 =	vpsel !p2, $0xFFFFFFFF, v0  }
0x1bd: {  	p2 =	sne.s32 @!p1 s8, s7;
	v0 =	vsel @!p1 vm0, v1, v0  }
0x1be: {  	s0 =	simm.s32 @!p1 $0xF238;
	s2 =	simm.s32 @!p1 $0x0;
	p3 =	por !p2, p1;
	[tilespmem:$0x10238] =	vst @!p1 v0  }
0x1bf: {  	[spmem:s2] =	stream.linear.scatter @!p1 [tilespmem:s0], [sflag:$0x1], $0x80, $0x38;
	[tilespmem:$0x1F6F8] =	vst v63  }
0x1c0: {  	s0 =	sshll.u32 @!p3 s9, $0x9  }
0x1c1: {  	s0 =	sshra.s32 @!p3 s0, $0x2  }
0x1c2: {  	s2 =	simm.s32 @!p3 $0x80;
	s0 =	sadd.s32 @!p3 $0xF238, s0  }
0x1c3: {  	[spmem:s2] =	stream.linear.scatter @!p3 [tilespmem:s0], [sflag:$0x1], $0x80, $0x38;
	[tilespmem:$0x1F6F8] =	vst v63  }
0x1c4: {  	s0 =	simm.s32 @!p3 $0x1  }
0x1c5: {  	_ =	swait.ge @!p3 [sflag:s0], $0x100  }
0x1c6: {  	p1 =	por p2, p1;
	[sflag:s0] =	ssyncset.done @!p3 $0x0  }
0x1c7: {  	[sflag:s0] =	ssyncadd.s32 @!p3 $0xFFFFFF00;
	s0 =	simm.s32 @!p1 $0x1  }
0x1c8: {  	_ =	swait.ge @!p1 [sflag:s0], $0x80  }
0x1c9: {  	s29 =	simm.s32 $0x10238;
	[sflag:s0] =	ssyncset.done @!p1 $0x0  }
0x1ca: {  	s30 =	simm.s32 $0x1000;
	s31 =	simm.s32 $0x1;
	[sflag:s0] =	ssyncadd.s32 @!p1 $0xFFFFFF80  }
0x1cb: {  	[spmem:s30] =	stream.linear.scatter [tilespmem:s29], [sflag:$0x1], $0x10, $0x38;
	[tilespmem:$0x1F6F8] =	vst v63  }
0x1cc: {  	_ =	swait.ge [sflag:s31], $0x10  }
0x1cd: {  	[sflag:s31] =	ssyncset.done $0x0  }
0x1ce: {  	p1 =	seq.s32 s15, $0x0;
	s8 =	rddreg [dreg:$0x1];
	[sflag:s31] =	ssyncadd.s32 $0xFFFFFFF0  }
0x1cf: {  	s2 =	sshll.u32 @p1 s8, $0xE;
	s7 =	rddreg [dreg:$0x2]  }
0x1d0: {  	s0 =	sadd.s32 @p1 $0x15C3C, s2;
	s2 =	sshll.u32 @p1 s7, $0x11  }
0x1d1: {  	_ =	sfence.stream.spmem;
	s0 =	sor.u32 @p1 s2, s0  }
0x1d2: {  	[sflag:s0] =	ssyncadd.remote.s32 @p1 $0x1;
	s0 =	simm.s32 @p1 $0x4  }
0x1d3: {  	s3 =	simm.s32 @!p1 $0x3C;
	s2 =	sand.u32 $0xFFFFFFFE, s8;
	_ =	swait.ge @p1 [sflag:s0], $0x22  }
0x1d4: {  	s4 =	simm.s32 @!p1 $0x0;
	s2 =	sadd.s32 @!p1 $0x4, s2;
	[sflag:s0] =	ssyncset.done @p1 $0x0  }
0x1d5: {  	s5 =	simm.s32 @!p1 $0x100;
	[sflag:s0] =	ssyncadd.s32 @p1 $0xFFFFFFDE;
	s0 =	sshll.u32 @!p1 s2, $0x1A  }
0x1d6: {  	s2 =	sshll.u32 @!p1 s2, $0xD;
	s0 =	sor.u32 @!p1 s0, s7;
	_ =	swait.eq @!p1 [sflag:s3], $0x1  }
0x1d7: {  	s2 =	sor.u32 @!p1 $0x1C04, s2;
	s3 =	simm.s32 @!p1 $0x1C03;
	s0 =	sor.u32 @!p1 $0x80004000, s0  }
0x1d8: {  	[spmem:s5], [sflag:s2] =	dma.general @!p1 [spmem:s4], [sflag:s3], length:$0x20, [dreg:$0x0], stride_count:$0x0, ici_dest:s0, dma_misc:DstOpCode:WRITE  }
0x1d9: {  	p2 =	slt.s32 s9, $0x2;
	s4 =	simm.s32 @!p1 $0x200;
	s5 =	simm.s32 @!p1 $0x202  }
0x1da: {  	[spmem:s5], [sflag:s2] =	dma.general @!p1 [spmem:s4], [sflag:s3], length:$0x2, [dreg:$0x0], stride_count:$0x0, ici_dest:s0, dma_misc:DstOpCode:WRITE  }
.Ltmp27:
0x1db: {  	s0 =	simm.s32 @!p1 $0x3;
	(pc) =	sbr.rel @p2 .LBB2_38-.Ltmp27, $4  }
0x1dc: {  	s2 =	sshll.u32 @!p1 s8, $0xE;
	_ =	swait.ge @!p1 [sflag:s0], $0x22  }
0x1dd: {  	s3 =	sshll.u32 @!p1 s7, $0x11;
	s2 =	sadd.s32 @!p1 $0x11C3C, s2;
	[sflag:s0] =	ssyncset.done @!p1 $0x0  }
0x1de: {  	[sflag:s0] =	ssyncadd.s32 @!p1 $0xFFFFFFDE;
	s0 =	sor.u32 @!p1 s3, s2  }
0x1df: {  	[sflag:s0] =	ssyncadd.remote.s32 @!p1 $0xFFFFFFFF;
	s0 =	simm.s32 $0x0  }
0x1e0: {  	s0 =	simm.s32 $0xF219  }
0x1e1: {  	v0 =	vld.msk [tilespmem:s0+$0x0], $0x1;
	_ =	sdelay $0x4  }
0x1e2: {  	(v2sf) =	vpush v0, $0x0;
	_ =	sdelay $0xb  }
0x1e3: {  	s31 =	sadd.s32 $0xFFFFFFFE, s6  }
0x1e4: {  	s0 =	sadd.s32 $0xFFFFFFFF, s31  }
0x1e5: {  	p2 =	sne.s32 s0, $0x0  }
.Ltmp28:
0x1e6: {  	s2 =	spop (v2sf);
	(pc) =	sbr.rel @!p2 .LBB2_37-.Ltmp28, $4  }
0x1e7: {  	s4 =	simm.s32 $0xF2B8;
	s7 =	simm.s32 $0x0;
	p1 =	sgt.u32 s2, $0x270F0  }
0x1e8: {  	s5 =	simm.s32 $0x0;
	s6 =	simm.s32 $0xF21A;
	s3 =	sand.u32 @!p1 $0x3FFF8, s2  }
0x1e9: {  	s2 =	sand.u32 @!p1 $0x7, s2;
	s7 =	simm.s32 @!p1 $0x200;
	s3 =	sadd.s32 @!p1 s1, s3  }
0x1ea: {  	[hbm4b:s3+s2] =	stream.linear.scatter @!p1 [tilespmem:s4], [sflag:$0x5], $0x80, $0x38;
	[tilespmem:$0x1F6F8] =	vst v63  }
.LBB2_36:
0x1eb: {  	v0 =	vld.msk [tilespmem:s6+$0x0], $0x1;
	s0 =	sadd.s32 $0xFFFFFFFF, s0;
	s5 =	sadd.s32 s5, s7  }
0x1ec: {  	p1 =	sne.s32 s0, $0x0;
	_ =	sdelay $0x3  }
0x1ed: {  	(v2sf) =	vpush v0, $0x0;
	_ =	sdelay $0xe  }
.Ltmp29:
0x1ee: {  	s2 =	spop (v2sf);
	(pc) =	sbr.rel @p1 .LBB2_36-.Ltmp29, $4  }
0x1ef: {  	s7 =	simm.s32 $0x0;
	p2 =	sgt.u32 s2, $0x270F0  }
0x1f0: {  	s4 =	sadd.s32 $0x80, s4;
	s7 =	simm.s32 @!p2 $0x200;
	s3 =	sand.u32 @!p2 $0x3FFF8, s2  }
0x1f1: {  	s6 =	sadd.s32 $0x1, s6;
	s2 =	sand.u32 @!p2 $0x7, s2;
	s3 =	sadd.s32 @!p2 s1, s3  }
0x1f2: {  	[hbm4b:s3+s2] =	stream.linear.scatter @!p2 [tilespmem:s4], [sflag:$0x5], $0x80, $0x38;
	[tilespmem:$0x1F6F8] =	vst v63  }
.LBB2_37:
0x1f3: {  	s0 =	sadd.s32 s5, s7  }
0x1f4: {  	s0 =	sshrl.u32 s0, $0x2  }
.LBB2_38:
0x1f5: {  	s2 =	simm.s32 $0x5  }
0x1f6: {  	_ =	swait.ge [sflag:s2], s0  }
0x1f7: {  	s31 =	ssub.s32 $0x0, s0;
	[sflag:s2] =	ssyncset.done $0x0  }
0x1f8: {  	[sflag:s2] =	ssyncadd.s32 s31  }
0x1f9: {  	[sflag:s2] =	ssyncpa.u1 $0x1  }
.LBB2_39:
0x1fa: {  	s0 =	sor.u32 s15, s16  }
0x1fb: {  	p1 =	sne.s32 s0, $0x0  }
.Ltmp30:
0x1fc: {  	_ = 	snop;
	(pc) =	sbr.rel @p1 .LBB2_54-.Ltmp30, $3  }
0x1fd: {  	_ =	sdelay $0x1  }
0x1fe: {  	[bflag:$0x0] =	sbarrier.arrive $0xFFFF  }
0x1ff: {  	_ =	sfence  }
0x200: {  	s0 =	simm.s32 $0x7  }
0x201: {  	s2 =	simm.s32 $0x1000;
	s3 =	simm.s32 $0xF218;
	[sflag:s0] =	ssyncpa.u1 $0x0  }
0x202: {  	[tilespmem:s3], [sflag:$0x7] =	stream.linear.gather [spmem:s2], $0x20, $0x38;
	[tilespmem:$0x1F6F8] =	vst v63  }
0x203: {  	s30 =	simm.s32 $0xF238;
	s2 =	simm.s32 $0x0  }
0x204: {  	[tilespmem:s30], [sflag:$0x7] =	stream.linear.gather [spmem:s2], $0x1000, $0x38;
	[tilespmem:$0x1F6F8] =	vst v63  }
.Ltmp31:
0x205: {  	_ = 	snop;
	(pc) =	sbr.rel .LBB2_41-.Ltmp31, $4  }
0x206: {  	_ =	swait.ge [sflag:s0], $0x1020  }
0x207: {  	[sflag:s0] =	ssyncset.done $0x0  }
0x208: {  	s31 =	simm.s32 $0x8;
	[sflag:s0] =	ssyncadd.s32 $0xFFFFEFE0  }
0x209: {  	s3 =	simm.s32 $0x0;
	[sflag:s31] =	ssyncpa.u1 $0x0  }
.LBB2_47:
0x20a: {  	p1 =	slt.u32 s4, $0x270F1  }
0x20b: {  	s0 =	sand.u32 @p1 $0x3FFF8, s4  }
0x20c: {  	s4 =	sand.u32 @p1 $0x7, s4;
	s5 =	simm.s32 @p1 $0xF188;
	s0 =	sadd.s32 @p1 s1, s0  }
0x20d: {  	[tilespmem:s5], [sflag:$0x8] =	stream.linear.gather @p1 [hbm4b:s0+s4], $0x80, $0x38;
	[tilespmem:$0x1F6F8] =	vst v63  }
0x20e: {  	s0 =	simm.s32 @p1 $0x8  }
0x20f: {  	_ =	swait.ge @p1 [sflag:s0], $0x80  }
0x210: {  	[sflag:s0] =	ssyncset.done @p1 $0x0  }
0x211: {  	[sflag:s0] =	ssyncadd.s32 @p1 $0xFFFFFF80  }
0x212: {  	v1 =	vld @p1 [tilespmem:$0xF188];
	_ =	sdelay $0x2  }
0x213: {  	s0 =	sshll.u32 @p1 s3, $0x9  }
0x214: {  	s4 =	sshrl.u32 @p1 s0, $0x2  }
0x215: {  	[tilespmem:s4+$0xF238] =	vst.add.f32.msk @p1 $0xffff, v1  }
0x216: {  	v1 =	vld @p1 [tilespmem:$0xF198];
	_ =	sdelay $0x4  }
0x217: {  	[tilespmem:s4+$0xF248] =	vst.add.f32.msk @p1 $0xffff, v1  }
0x218: {  	v1 =	vld @p1 [tilespmem:$0xF1A8];
	_ =	sdelay $0x4  }
0x219: {  	[tilespmem:s4+$0xF258] =	vst.add.f32.msk @p1 $0xffff, v1  }
0x21a: {  	v1 =	vld @p1 [tilespmem:$0xF1B8];
	_ =	sdelay $0x4  }
0x21b: {  	[tilespmem:s4+$0xF268] =	vst.add.f32.msk @p1 $0xffff, v1  }
0x21c: {  	v1 =	vld @p1 [tilespmem:$0xF1C8];
	_ =	sdelay $0x4  }
0x21d: {  	[tilespmem:s4+$0xF278] =	vst.add.f32.msk @p1 $0xffff, v1  }
0x21e: {  	v1 =	vld @p1 [tilespmem:$0xF1D8];
	_ =	sdelay $0x4  }
0x21f: {  	[tilespmem:s4+$0xF288] =	vst.add.f32.msk @p1 $0xffff, v1  }
0x220: {  	v1 =	vld @p1 [tilespmem:$0xF1E8];
	_ =	sdelay $0x4  }
0x221: {  	[tilespmem:s4+$0xF298] =	vst.add.f32.msk @p1 $0xffff, v1  }
0x222: {  	v1 =	vld @p1 [tilespmem:$0xF1F8];
	_ =	sdelay $0x3  }
0x223: {  	s5 =	sshll.u32 @!p1 s3, $0x9  }
0x224: {  	s5 =	smov.u32 @p1 s0;
	[tilespmem:s4+$0xF2A8] =	vst.add.f32.msk @p1 $0xffff, v1  }
0x225: {  	s0 =	sshrl.u32 s5, $0x2;
	[tilespmem:s2+$0xF218] =	vst.msk $0x1, v0  }
0x226: {  	v0 =	vld [tilespmem:s0+$0xF238];
	_ =	sdelay $0x2  }
0x227: {  	s31 =	sshll.u32 s2, $0x9  }
0x228: {  	s4 =	sshra.s32 s31, $0x2  }
0x229: {  	[tilespmem:s4+$0xF238] =	vst v0  }
0x22a: {  	v0 =	vld [tilespmem:s0+$0xF248];
	_ =	sdelay $0x4  }
0x22b: {  	[tilespmem:s4+$0xF248] =	vst v0  }
0x22c: {  	v0 =	vld [tilespmem:s0+$0xF258];
	_ =	sdelay $0x4  }
0x22d: {  	[tilespmem:s4+$0xF258] =	vst v0  }
0x22e: {  	v0 =	vld [tilespmem:s0+$0xF268];
	_ =	sdelay $0x4  }
0x22f: {  	[tilespmem:s4+$0xF268] =	vst v0  }
0x230: {  	v0 =	vld [tilespmem:s0+$0xF278];
	_ =	sdelay $0x4  }
0x231: {  	[tilespmem:s4+$0xF278] =	vst v0  }
0x232: {  	v0 =	vld [tilespmem:s0+$0xF288];
	_ =	sdelay $0x4  }
0x233: {  	[tilespmem:s4+$0xF288] =	vst v0  }
0x234: {  	v0 =	vld [tilespmem:s0+$0xF298];
	_ =	sdelay $0x4  }
0x235: {  	[tilespmem:s4+$0xF298] =	vst v0  }
0x236: {  	v0 =	vld [tilespmem:s0+$0xF2A8];
	_ =	sdelay $0x4  }
0x237: {  	s2 =	sadd.s32 $0x1, s2;
	[tilespmem:s4+$0xF2A8] =	vst v0  }
.LBB2_48:
0x238: {  	s3 =	sadd.s32 $0x1, s3  }
0x239: {  	p1 =	sne.s32 s3, $0x20  }
.Ltmp32:
0x23a: {  	_ = 	snop;
	(pc) =	sbr.rel @!p1 .LBB2_49-.Ltmp32, $1  }
0x23b: {  	_ =	sdelay $0x3  }
.LBB2_41:
0x23c: {  	v0 =	vld.msk [tilespmem:s3+$0xF218], $0x1;
	_ =	sdelay $0x4  }
0x23d: {  	(v2sf) =	vpush v0, $0x0;
	_ =	sdelay $0xe  }
0x23e: {  	s4 =	spop (v2sf)  }
0x23f: {  	p1 =	seq.s32 s4, $0xFFFFFFFF  }
.Ltmp33:
0x240: {  	_ = 	snop;
	(pc) =	sbr.rel @p1 .LBB2_48-.Ltmp33, $1  }
0x241: {  	_ =	sdelay $0x3  }
0x242: {  	p1 =	slt.s32 s2, $0x1  }
.Ltmp34:
0x243: {  	_ = 	snop;
	(pc) =	sbr.rel @p1 .LBB2_47-.Ltmp34, $1  }
0x244: {  	_ =	sdelay $0x3  }
0x245: {  	s5 =	simm.s32 $0xF218;
	p1 =	por $0x0, $0x0  }
0x246: {  	v1 =	vld.msk @!p1 [tilespmem:s5+$0x0], $0x1;
	_ =	sdelay $0x4  }
0x247: {  	(v2sf) =	vpush @!p1 v1, $0x0;
	_ =	sdelay $0xd  }
0x248: {  	p3 =	sne.s32 s2, $0x1  }
.Ltmp35:
0x249: {  	s0 =	spop @!p1 (v2sf);
	(pc) =	sbr.rel @!p3 .LBB2_45-.Ltmp35, $4  }
0x24a: {  	p2 =	seq.s32 @!p1 s4, s0  }
0x24b: {  	s6 =	simm.s32 $0x0;
	p2 =	por !p2, p1  }
0x24c: {  	s7 =	simm.s32 $0xFFFFFFFF;
	s6 =	simm.s32 @p2 $0xFFFFFFFF  }
0x24d: {  	s0 =	simm.s32 $0x1;
	s6 =	smov.u32 @p1 s7  }
.LBB2_44:
0x24e: {  	s7 =	smov.u32 s6;
	p1 =	sne.s32 s6, $0xFFFFFFFF  }
0x24f: {  	s5 =	sadd.s32 $0x1, s5;
	s6 =	smov.u32 s0;
	s0 =	sadd.s32 $0x1, s0  }
0x250: {  	p2 =	sne.s32 s2, s0;
	v1 =	vld.msk @!p1 [tilespmem:s5+$0x0], $0x1;
	_ =	sdelay $0x4  }
0x251: {  	(v2sf) =	vpush @!p1 v1, $0x0;
	_ =	sdelay $0xe  }
.Ltmp36:
0x252: {  	s8 =	spop @!p1 (v2sf);
	(pc) =	sbr.rel @p2 .LBB2_44-.Ltmp36, $4  }
0x253: {  	p3 =	seq.s32 @!p1 s4, s8  }
0x254: {  	p3 =	por !p3, p1  }
0x255: {  	s6 =	simm.s32 @p3 $0xFFFFFFFF  }
0x256: {  	s6 =	smov.u32 @p1 s7  }
.LBB2_45:
0x257: {  	p1 =	seq.s32 s6, $0xFFFFFFFF  }
.Ltmp37:
0x258: {  	_ = 	snop;
	(pc) =	sbr.rel @p1 .LBB2_47-.Ltmp37, $1  }
0x259: {  	_ =	sdelay $0x3  }
0x25a: {  	s0 =	sshll.u32 s3, $0x7  }
0x25b: {  	s0 =	sand.u32 $0x3FFFFF80, s0  }
0x25c: {  	v0 =	vld [tilespmem:s0+$0xF238];
	_ =	sdelay $0x2  }
0x25d: {  	s4 =	sshll.u32 s6, $0x9  }
0x25e: {  	s4 =	sshra.s32 s4, $0x2  }
0x25f: {  	[tilespmem:s4+$0xF238] =	vst.add.f32.msk $0xffff, v0  }
0x260: {  	v0 =	vld [tilespmem:s0+$0xF248];
	_ =	sdelay $0x4  }
0x261: {  	[tilespmem:s4+$0xF248] =	vst.add.f32.msk $0xffff, v0  }
0x262: {  	v0 =	vld [tilespmem:s0+$0xF258];
	_ =	sdelay $0x4  }
0x263: {  	[tilespmem:s4+$0xF258] =	vst.add.f32.msk $0xffff, v0  }
0x264: {  	v0 =	vld [tilespmem:s0+$0xF268];
	_ =	sdelay $0x4  }
0x265: {  	[tilespmem:s4+$0xF268] =	vst.add.f32.msk $0xffff, v0  }
0x266: {  	v0 =	vld [tilespmem:s0+$0xF278];
	_ =	sdelay $0x4  }
0x267: {  	[tilespmem:s4+$0xF278] =	vst.add.f32.msk $0xffff, v0  }
0x268: {  	v0 =	vld [tilespmem:s0+$0xF288];
	_ =	sdelay $0x4  }
0x269: {  	[tilespmem:s4+$0xF288] =	vst.add.f32.msk $0xffff, v0  }
0x26a: {  	v0 =	vld [tilespmem:s0+$0xF298];
	_ =	sdelay $0x4  }
0x26b: {  	[tilespmem:s4+$0xF298] =	vst.add.f32.msk $0xffff, v0  }
0x26c: {  	v0 =	vld [tilespmem:s0+$0xF2A8]  }
.Ltmp38:
0x26d: {  	_ = 	snop;
	(pc) =	sbr.rel .LBB2_48-.Ltmp38, $2  }
0x26e: {  	_ =	sdelay $0x2  }
0x26f: {  	[tilespmem:s4+$0xF2A8] =	vst.add.f32.msk $0xffff, v0  }
.LBB2_49:
0x270: {  	p1 =	slt.s32 s2, $0x1  }
.Ltmp39:
0x271: {  	_ = 	snop;
	(pc) =	sbr.rel @p1 .LBB2_53-.Ltmp39, $3  }
0x272: {  	_ =	sdelay $0x1  }
0x273: {  	s0 =	simm.s32 $0x8  }
0x274: {  	s3 =	simm.s32 $0x0;
	[sflag:s0] =	ssyncpa.u1 $0x1  }
0x275: {  	s0 =	simm.s32 $0xF218  }
0x276: {  	v0 =	vld.msk [tilespmem:s0+$0x0], $0x1;
	_ =	sdelay $0x4  }
0x277: {  	(v2sf) =	vpush v0, $0x0;
	_ =	sdelay $0xe  }
0x278: {  	s0 =	sadd.s32 $0xFFFFFFFF, s2;
	s5 =	spop (v2sf)  }
0x279: {  	p2 =	sne.s32 s0, $0x0;
	p1 =	sgt.u32 s5, $0x270F0  }
.Ltmp40:
0x27a: {  	s6 =	sand.u32 @!p1 $0x3FFF8, s5;
	(pc) =	sbr.rel @!p2 .LBB2_52-.Ltmp40, $4  }
0x27b: {  	s4 =	simm.s32 $0xF238;
	s5 =	sand.u32 @!p1 $0x7, s5;
	s2 =	sadd.s32 @!p1 s1, s6  }
0x27c: {  	[hbm4b:s2+s5] =	stream.linear.scatter @!p1 [tilespmem:s4], [sflag:$0x7], $0x80, $0x38;
	[tilespmem:$0x1F6F8] =	vst v63  }
0x27d: {  	s5 =	simm.s32 $0x0  }
0x27e: {  	s2 =	simm.s32 $0xF219;
	s5 =	simm.s32 @!p1 $0x200  }
.LBB2_51:
0x27f: {  	v0 =	vld.msk [tilespmem:s2+$0x0], $0x1;
	s0 =	sadd.s32 $0xFFFFFFFF, s0;
	s3 =	sadd.s32 s3, s5  }
0x280: {  	p1 =	sne.s32 s0, $0x0;
	_ =	sdelay $0x3  }
0x281: {  	(v2sf) =	vpush v0, $0x0;
	_ =	sdelay $0xe  }
.Ltmp41:
0x282: {  	s6 =	spop (v2sf);
	(pc) =	sbr.rel @p1 .LBB2_51-.Ltmp41, $4  }
0x283: {  	s5 =	simm.s32 $0x0;
	p2 =	sgt.u32 s6, $0x270F0  }
0x284: {  	s4 =	sadd.s32 $0x80, s4;
	s5 =	simm.s32 @!p2 $0x200;
	s7 =	sand.u32 @!p2 $0x3FFF8, s6  }
0x285: {  	s2 =	sadd.s32 $0x1, s2;
	s6 =	sand.u32 @!p2 $0x7, s6;
	s7 =	sadd.s32 @!p2 s1, s7  }
0x286: {  	[hbm4b:s7+s6] =	stream.linear.scatter @!p2 [tilespmem:s4], [sflag:$0x7], $0x80, $0x38;
	[tilespmem:$0x1F6F8] =	vst v63  }
.LBB2_52:
0x287: {  	s0 =	sadd.s32 s3, s5  }
0x288: {  	s3 =	sshrl.u32 s0, $0x2  }
.LBB2_53:
0x289: {  	s0 =	simm.s32 $0x7  }
0x28a: {  	_ =	swait.ge [sflag:s0], s3  }
0x28b: {  	s1 =	ssub.s32 $0x0, s3;
	[sflag:s0] =	ssyncset.done $0x0  }
0x28c: {  	[sflag:s0] =	ssyncadd.s32 s1  }
0x28d: {  	[sflag:s0] =	ssyncpa.u1 $0x1  }
.LBB2_54:
0x28e: {  	_ =	sfence;
	s0 =	simm.s32 $0x1  }
0x28f: {  	[sflag:s0] =	ssyncpa.u1 $0x1  }
0x290: {  	_ =	strace $0x90000056  }
0x291: {  	[bflag:$0x2] =	sbarrier.arrive $0xFFFF  }
0x292: {  	s0 =	rddreg [dreg:$0x3]  }
0x293: {  	s0 =	sadd.s32 @!p0 $0x100000, s0  }
0x294: {  	[sflag:s0] =	ssyncadd.tile.s32 @!p0 $0x1;
	_ =	shalt  }
.Lfunc_end2:
_tile_overlayer_lowered:
.L_overlay_start_2:
0x295: {  	(tag) =	ssettag $0x2  }
0x296: {  	s0 =	rddreg [dreg:$0x0];
	s2 =	stileid.u32  }
0x297: {  	s1 =	rddreg [dreg:$0x1];
	p0 =	sne.s32 s2, $0x0  }
0x298: {  	s3 =	rddreg [dreg:$0x2];
	[bflag:$0x3] =	sbarrier.arrive $0xFFFF;
	s2 =	simm.s32 @!p0 $0x1C01  }
0x299: {  	[timem:s3], [sflag:s2] =	dma.local @!p0 [hbm:s0], s1  }
0x29a: {  	s0 =	simm.s32 @!p0 $0x1  }
0x29b: {  	_ =	swait.ge @!p0 [sflag:s0], s1  }
0x29c: {  	s1 =	ssub.s32 @!p0 $0x0, s1;
	[sflag:s0] =	ssyncset.done @!p0 $0x0  }
0x29d: {  	[sflag:s0] =	ssyncadd.s32 @!p0 s1  }
0x29e: {  	[bflag:$0x3] =	sbarrier.arrive $0xFFFF  }
0x29f: {  	_ =	shalt  }

// kernel: scatter_offload_async_start.2
scs
__scs_entry_jumppad:
0x0: {  	(pc) =	sbr.rel $0x88, $3  }
0x1: {  	(tag) =	ssettag $0x0;
	lr =	simm.s32 $0x1  }
0x2: {  	[smem:$0x3F8D] =	sst lr;
	_ =	strace $0xD0000000  }
0x3: {  	_ = 	snop  }
0x4: {  	_ = 	snop  }
0x5: {  	_ = 	snop  }
0x6: {  	_ = 	snop  }
0x7: {  	_ = 	snop  }
__scs_overlays_trampoline_lowered:
0x8: {  	[smem:$0x3F9C] =	sst s0  }
0x9: {  	[smem:$0x3F9D] =	sst s1  }
0xa: {  	[smem:$0x3F9E] =	sst s2  }
0xb: {  	[smem:$0x3F9F] =	sst s3  }
0xc: {  	[smem:$0x3FA0] =	sst s4  }
0xd: {  	[smem:$0x3FA1] =	sst s5  }
0xe: {  	[smem:$0x3FA2] =	sst s6  }
0xf: {  	[smem:$0x3FA3] =	sst s7  }
0x10: {  	[smem:$0x3FA4] =	sst s8  }
0x11: {  	[smem:$0x3FA5] =	sst s9;
	s0 =	simm.s32 @!p0 $0x0  }
0x12: {  	s1 =	sld [smem:$0x3F8B];
	s0 =	simm.s32 @p0 $0x1  }
0x13: {  	[smem:$0x3FA6] =	sst s0;
	s0 =	simm.s32 @!p1 $0x0  }
0x14: {  	s2 =	sld [smem:$0x3F8A];
	s0 =	simm.s32 @p1 $0x1  }
0x15: {  	[smem:$0x3FA7] =	sst s0;
	s0 =	simm.s32 @!p2 $0x0  }
0x16: {  	s3 =	sld [smem:$0x3FDB];
	s0 =	simm.s32 @p2 $0x1  }
0x17: {  	s4 =	simm.s32 $0x1BF5;
	[smem:$0x3FA9] =	sst s0  }
0x18: {  	s0 =	sld [smem:$0x3F8C];
	_ =	swait.ge [sflag:s4], $0x0  }
0x19: {  	s7 =	sld [smem:$0x3F8D]  }
0x1a: {  	s8 =	sadd.s32 $0xFFFFE003, lr  }
0x1b: {  	s9 =	sadd.s32 $0xFFFFFEF7, lr;
	s5 =	simm.s32 $0xFFFFFFFF;
	p2 =	slt.u32 s8, $0xFFFFF086  }
0x1c: {  	p1 =	slt.u32 s9, $0xF7A;
	s5 =	simm.s32 @!p2 $0x0  }
0x1d: {  	s5 =	simm.s32 @p1 $0x1;
	p0 =	seq.s32 s7, s2  }
0x1e: {  	s7 =	smul.u32 @!p0 $0xF7A, s2;
	p2 =	seq.s32 @!p0 s5, $0x0  }
0x1f: {  	s9 =	smul.u32 $0xF7A, s1;
	s8 =	simm.s32 @!p0 $0x1BF5;
	p2 =	por !p2, p0  }
0x20: {  	[sflag:s8] =	ssyncset.s32 @!p0 $0xFFFFF086;
	s6 =	sadd.s32 @!p0 s3, s7;
	s7 =	simm.s32 @!p0 $0x108  }
0x21: {  	s3 =	sadd.s32 s3, s9;
	s6 =	sadd.s32 @!p0 $0x88, s6;
	s7 =	simm.s32 @p2 $0x1082  }
0x22: {  	[simem:s7], [sflag:s8] =	dma.local @!p0 [hbm:s6], $0xF7A  }
0x23: {  	s9 =	sor.u32 $0xD0000000, s2;
	s6 =	simm.s32 $0x108;
	_ =	swait.ge @!p0 [sflag:s8], $0x0  }
0x24: {  	s3 =	sadd.s32 $0x88, s3;
	s6 =	simm.s32 @!p1 $0x1082;
	[sflag:s4] =	ssyncset.s32 $0xFFFFF086  }
0x25: {  	[simem:s6], [sflag:s4] =	dma.local [hbm:s3], $0xF7A  }
0x26: {  	[smem:$0x3F8D] =	sst s1;
	(tag) =	ssettag s2;
	_ =	strace s9  }
0x27: {  	s1 =	sld [smem:$0x3F9D]  }
0x28: {  	s2 =	sld [smem:$0x3F9E]  }
0x29: {  	s4 =	sld [smem:$0x3FA0]  }
0x2a: {  	p0 =	seq.s32 s5, $0x0;
	s5 =	sld [smem:$0x3FA1]  }
0x2b: {  	s6 =	sld [smem:$0x3FA2]  }
0x2c: {  	s7 =	sld [smem:$0x3FA3]  }
0x2d: {  	s3 =	simm.s32 $0x108;
	s8 =	sld [smem:$0x3FA4]  }
0x2e: {  	s3 =	simm.s32 @!p0 $0x1082;
	s9 =	sld [smem:$0x3FA5]  }
0x2f: {  	lr =	sadd.s32 s0, s3;
	s0 =	sld [smem:$0x3F9C]  }
0x30: {  	s3 =	sld [smem:$0x3F9F]  }
0x31: {  	[smem:$0x3FA8] =	sst s10  }
0x32: {  	s10 =	sld [smem:$0x3FA6];
	_ =	sdelay $0x3  }
0x33: {  	p0 =	seq.s32 s10, $0x1;
	s10 =	sld [smem:$0x3FA8];
	_ =	sdelay $0x3  }
0x34: {  	[smem:$0x3FA8] =	sst s10  }
0x35: {  	s10 =	sld [smem:$0x3FA7];
	_ =	sdelay $0x3  }
0x36: {  	p1 =	seq.s32 s10, $0x1;
	s10 =	sld [smem:$0x3FA8];
	_ =	sdelay $0x3  }
0x37: {  	[smem:$0x3FA8] =	sst s10  }
0x38: {  	s10 =	sld [smem:$0x3FA9]  }
0x39: {  	_ = 	snop;
	(pc) =	sbr.ind lr, $3  }
0x3a: {  	_ = 	snop  }
0x3b: {  	_ = 	snop  }
0x3c: {  	p2 =	seq.s32 s10, $0x1;
	s10 =	sld [smem:$0x3FA8]  }
0x3d: {  	_ =	shalt  }
0x3e: {  	_ =	shalt  }
0x3f: {  	_ =	shalt  }
0x40: {  	_ =	shalt  }
0x41: {  	_ =	shalt  }
0x42: {  	_ =	shalt  }
0x43: {  	_ =	shalt  }
0x44: {  	_ =	shalt  }
0x45: {  	_ =	shalt  }
0x46: {  	_ =	shalt  }
0x47: {  	_ =	shalt  }
0x48: {  	_ =	shalt  }
0x49: {  	_ =	shalt  }
0x4a: {  	_ =	shalt  }
0x4b: {  	_ =	shalt  }
0x4c: {  	_ =	shalt  }
0x4d: {  	_ =	shalt  }
0x4e: {  	_ =	shalt  }
0x4f: {  	_ =	shalt  }
0x50: {  	_ =	shalt  }
0x51: {  	_ =	shalt  }
0x52: {  	_ =	shalt  }
0x53: {  	_ =	shalt  }
0x54: {  	_ =	shalt  }
0x55: {  	_ =	shalt  }
0x56: {  	_ =	shalt  }
0x57: {  	_ =	shalt  }
0x58: {  	_ =	shalt  }
0x59: {  	_ =	shalt  }
0x5a: {  	_ =	shalt  }
0x5b: {  	_ =	shalt  }
0x5c: {  	_ =	shalt  }
0x5d: {  	_ =	shalt  }
0x5e: {  	_ =	shalt  }
0x5f: {  	_ =	shalt  }
0x60: {  	_ =	shalt  }
0x61: {  	_ =	shalt  }
0x62: {  	_ =	shalt  }
0x63: {  	_ =	shalt  }
0x64: {  	_ =	shalt  }
0x65: {  	_ =	shalt  }
0x66: {  	_ =	shalt  }
0x67: {  	_ =	shalt  }
0x68: {  	_ =	shalt  }
0x69: {  	_ =	shalt  }
0x6a: {  	_ =	shalt  }
0x6b: {  	_ =	shalt  }
0x6c: {  	_ =	shalt  }
0x6d: {  	_ =	shalt  }
0x6e: {  	_ =	shalt  }
0x6f: {  	_ =	shalt  }
0x70: {  	_ =	shalt  }
0x71: {  	_ =	shalt  }
0x72: {  	_ =	shalt  }
0x73: {  	_ =	shalt  }
0x74: {  	_ =	shalt  }
0x75: {  	_ =	shalt  }
0x76: {  	_ =	shalt  }
0x77: {  	_ =	shalt  }
0x78: {  	_ =	shalt  }
0x79: {  	_ =	shalt  }
0x7a: {  	_ =	shalt  }
0x7b: {  	_ =	shalt  }
0x7c: {  	_ =	shalt  }
0x7d: {  	_ =	shalt  }
0x7e: {  	_ =	shalt  }
0x7f: {  	_ =	shalt  }
0x80: {  	_ =	shalt  }
0x81: {  	_ =	shalt  }
0x82: {  	_ =	shalt  }
0x83: {  	_ =	shalt  }
0x84: {  	_ =	shalt  }
0x85: {  	_ =	shalt  }
0x86: {  	_ =	shalt  }
0x87: {  	_ =	shalt  }
.Lfunc_end0:
.L_simem_size_0:
called_computation.2_lowered:
.L_overlay_start_0:
0x88: {  	s0 =	sld [smem:$0x3FD9]  }
0x89: {  	s1 =	sld [smem:$0x3FFE];
	_ =	sdelay $0x3  }
0x8a: {  	s0 =	sadd.s32 s1, s0  }
0x8b: {  	[smem:$0x3FB4] =	sst s0  }
0x8c: {  	_ = 	snop  }
0x8d: {  	(tm) =	ssettm $0x1  }
0x8e: {  	s14 =	sld [smem:$0x3FFB];
	_ =	sdelay $0x3  }
0x8f: {  	_ =	strace s14  }
0x90: {  	s0 =	sld [smem:$0x3FFC];
	_ =	sdelay $0x3  }
0x91: {  	_ =	strace s0  }
0x92: {  	s0 =	sld [smem:$0x3FFD];
	_ =	sdelay $0x3  }
0x93: {  	_ =	strace s0  }
0x94: {  	_ =	strace $0x8FFFFFFF  }
0x95: {  	s15 =	sld [smem:$0x3FDB];
	_ =	sdelay $0x1  }
0x96: {  	s16 =	simm.s32 $_scs_section_size  }
0x97: {  	s2 =	simm.s32 $_size__tile_overlayer_lowered;
	s3 =	simm.s32 $_tile_overlayer_lowered  }
0x98: {  	s4 =	simm.s32 $0x1BFF;
	s17 =	sshll.u32 s3, $0x1;
	s1 =	sadd.s32 s16, s15  }
0x99: {  	s18 =	simm.s32 $0x0;
	s2 =	sshll.u32 s2, $0x1;
	s3 =	sadd.s32 s17, s1  }
0x9a: {  	[timem:s18], [sflag:s4] =	dma.local [hbm:s3], s2  }
0x9b: {  	_ =	swait.ge [sflag:s4], s2  }
0x9c: {  	s2 =	ssub.s32 $0x0, s2;
	[sflag:s4] =	ssyncset.done $0x0  }
0x9d: {  	[sflag:s4] =	ssyncadd.s32 s2;
	_ =	sdelay $0x1  }
0x9e: {  	s19 =	simm.s32 $0x1B8B  }
0x9f: {  	_ =	swait.ge [sflag:s19], $0x1  }
0xa0: {  	[sflag:s19] =	ssyncset.done $0x0  }
0xa1: {  	s21 =	simm.s32 $0x1B8E;
	s20 =	sld [smem:$0x3FFE];
	[sflag:s19] =	ssyncadd.s32 $0xFFFFFFFF  }
0xa2: {  	s22 =	simm.s32 $execute0_lowered;
	[smem:$0x3FD2] =	sst s21  }
0xa3: {  	s3 =	sshll.u32 s22, $0x1;
	_ =	strace $0x80000046;
	[dreg:$0x1] =	wrdreg $0xFFFFFFFF  }
0xa4: {  	s23 =	simm.s32 $_size_execute0_lowered;
	s3 =	sadd.s32 s1, s3;
	[dreg:$0x0] =	wrdreg $0x0  }
0xa5: {  	s4 =	sshll.u32 s23, $0x1;
	[dreg:$0x2] =	wrdreg s3  }
0xa6: {  	[dreg:$0x3] =	wrdreg s4  }
0xa7: {  	[dreg:$0x4] =	wrdreg $0xC0  }
0xa8: {  	s24 =	simm.s32 $execute1_lowered;
	_ =	task [dreg:s18], $0x5FFFF  }
0xa9: {  	s3 =	sshll.u32 s24, $0x1;
	[dreg:$0x1] =	wrdreg $0xFFFFFFFF  }
0xaa: {  	s1 =	sadd.s32 s1, s3;
	[dreg:$0x0] =	wrdreg $0x60  }
0xab: {  	[dreg:$0x2] =	wrdreg s1  }
0xac: {  	[dreg:$0x3] =	wrdreg s20  }
0xad: {  	[dreg:$0x4] =	wrdreg $0x9  }
0xae: {  	_ =	task.clear_ibuf [dreg:s18], $0x5FFFF;
	_ =	strace $0x90000046  }
0xaf: {  	s25 =	simm.s32 $0x9;
	_ =	strace $0x80000048  }
0xb0: {  	_ =	swait.ge [sflag:s25], $0x1  }
0xb1: {  	[sflag:s25] =	ssyncadd.s32 $0xFFFFFFFF  }
0xb2: {  	_ =	strace $0x90000048  }
0xb3: {  	_ =	strace $0x80000049;
	[dreg:$0x1] =	wrdreg $0xFFFFFFFF  }
0xb4: {  	[dreg:$0x0] =	wrdreg $0x2030  }
0xb5: {  	[dreg:$0x2] =	wrdreg s20  }
0xb6: {  	[dreg:$0x3] =	wrdreg $0xA  }
0xb7: {  	_ =	task.clear_ibuf [dreg:s18], $0x4FFFF;
	_ =	strace $0x90000049  }
0xb8: {  	s26 =	simm.s32 $0xA;
	_ =	strace $0x8000004B  }
0xb9: {  	_ =	swait.ge [sflag:s26], $0x1  }
0xba: {  	[sflag:s26] =	ssyncadd.s32 $0xFFFFFFFF  }
0xbb: {  	_ =	strace $0x9000004B  }
0xbc: {  	_ =	sfence  }
0xbd: {  	s28 =	sld [smem:$0x0];
	_ =	sdelay $0x1  }
0xbe: {  	s29 =	srdreg.scid  }
0xbf: {  	s30 =	sshll.u32 s29, $0xD;
	s31 =	sshrl.u32 s29, $0x2  }
0xc0: {  	s2 =	sand.u32 $0x1, s29;
	s3 =	sand.u32 $0x4000, s30;
	s1 =	sadd.s32 s31, s28  }
0xc1: {  	s2 =	sor.u32 s3, s2;
	s1 =	sshll.u32 s1, $0x11  }
0xc2: {  	s1 =	sor.u32 s1, s2  }
0xc3: {  	s1 =	sadd.s32 $0x8F2B, s1  }
0xc4: {  	[sflag:s1] =	ssyncadd.remote.s32 $0x1  }
0xc5: {  	_ =	sfence.sel $0xFFFF  }
0xc6: {  	[dreg:$0x0] =	wrdreg $0xFFFFFFFF;
	(pc) =	sbr.abs _section_cstart, $3  }
0xc7: {  	[dreg:$0x1] =	wrdreg $0xFFFFFFFF  }
0xc8: {  	_ =	task.clear_ibuf [dreg:s18], $0x2FFFF;
	_ =	strace $0x9FFFFFFF  }
0xc9: {  	(tm) =	ssettm $0x7FFFFFFF  }
tec
execute0_lowered:
.L_overlay_start_1:
0x0: {  	(tag) =	ssettag $0x1  }
0x1: {  	s2 =	rddreg [dreg:$0x0]  }
0x2: {  	s4 =	rddreg [dreg:$0x1]  }
0x3: {  	s0 =	rddreg [dreg:$0x2];
	s3 =	stileid.u32  }
0x4: {  	[bflag:$0x3] =	sbarrier.arrive $0xFFFF;
	s1 =	simm.s32 $_size_execute1_lowered;
	p0 =	sne.s32 s3, $0x0  }
0x5: {  	s1 =	sshll.u32 s1, $0x1;
	s5 =	simm.s32 @!p0 $0x1C3F;
	s6 =	simm.s32 @!p0 $0x4060  }
0x6: {  	[timem:s6], [sflag:s5] =	dma.local @!p0 [hbm:s2], s1  }
0x7: {  	s2 =	smul.u32 $0x280, s3  }
.Ltmp0:
0x8: {  	s31 =	simm.s32 $0x2;
	s7 =	simm.s32 $0x280;
	(pc) =	sbr.rel .LBB2_1-.Ltmp0, $4  }
0x9: {  	s8 =	simm.s32 $0x780;
	s10 =	simm.s32 $0x0;
	s9 =	simm.s32 $0x0  }
0xa: {  	s3 =	simm.s32 $0x1;
	_ =	strace $0x80000047;
	s30 =	sshrl.u32 s2, $0x3  }
0xb: {  	s6 =	simm.s32 $0x0;
	[sflag:s3] =	ssyncpa.u1 $0x0;
	s5 =	sadd.s32 s30, s4  }
0xc: {  	s4 =	sadd.s32 $0x45800, s4;
	[sflag:s31] =	ssyncpa.u1 $0x0;
	s5 =	sadd.s32 $0x45200, s5  }
.LBB2_8:
0xd: {  	p1 =	seq.s32 s9, $0x2  }
.Ltmp1:
0xe: {  	_ = 	snop;
	(pc) =	sbr.rel @p1 .LBB2_10-.Ltmp1, $1  }
0xf: {  	_ =	sdelay $0x3  }
.LBB2_9:
0x10: {  	s9 =	sadd.s32 $0x1, s9;
	s10 =	smov.u32 s2  }
.LBB2_1:
0x11: {  	p1 =	sne.s32 s9, $0x0  }
.Ltmp2:
0x12: {  	_ = 	snop;
	(pc) =	sbr.rel @!p1 .LBB2_2-.Ltmp2, $1  }
0x13: {  	_ =	sdelay $0x3  }
0x14: {  	s11 =	sand.u32 $0x1, s9  }
0x15: {  	p1 =	seq.s32 s11, $0x0  }
.Ltmp3:
0x16: {  	_ = 	snop;
	(pc) =	sbr.rel @p1 .LBB2_8-.Ltmp3, $1  }
0x17: {  	_ =	sdelay $0x3  }
0x18: {  	_ =	swait.ge [sflag:s3], $0x280  }
0x19: {  	[sflag:s3] =	ssyncset.done $0x0  }
0x1a: {  	s11 =	simm.s32 $0x0;
	p1 =	por $0x1, $0x1;
	[sflag:s3] =	ssyncadd.s32 $0xFFFFFD80  }
.LBB2_5:
0x1b: {  	v0 =	vld [tilespmem:s11+$0x280]  }
0x1c: {  	v1 =	vld [tilespmem:s11+$0x290]  }
0x1d: {  	v2 =	vld [tilespmem:s11+$0x2A0]  }
0x1e: {  	v3 =	vld [tilespmem:s11+$0x2B0]  }
0x1f: {  	v4 =	vld [tilespmem:s11+$0x2C0]  }
0x20: {  	v53 =	vld [tilespmem:s11+$0x2D0];
	[tilespmem:s11+$0x780] =	vst v0  }
0x21: {  	v54 =	vld [tilespmem:s11+$0x2E0];
	[tilespmem:s11+$0x790] =	vst v1  }
0x22: {  	v55 =	vld [tilespmem:s11+$0x2F0];
	[tilespmem:s11+$0x7A0] =	vst v2  }
0x23: {  	v56 =	vld [tilespmem:s11+$0x300];
	[tilespmem:s11+$0x7B0] =	vst v3  }
0x24: {  	v57 =	vld [tilespmem:s11+$0x310];
	[tilespmem:s11+$0x7C0] =	vst v4  }
0x25: {  	v58 =	vld [tilespmem:s11+$0x320];
	[tilespmem:s11+$0x7D0] =	vst v53  }
0x26: {  	v59 =	vld [tilespmem:s11+$0x330];
	[tilespmem:s11+$0x7E0] =	vst v54  }
0x27: {  	v60 =	vld [tilespmem:s11+$0x340];
	[tilespmem:s11+$0x7F0] =	vst v55  }
0x28: {  	v61 =	vld [tilespmem:s11+$0x350];
	[tilespmem:s11+$0x800] =	vst v56  }
0x29: {  	v62 =	vld [tilespmem:s11+$0x360];
	[tilespmem:s11+$0x810] =	vst v57  }
0x2a: {  	v63 =	vld [tilespmem:s11+$0x370];
	p2 =	por p1, p1;
	[tilespmem:s11+$0x820] =	vst v58  }
.Ltmp4:
0x2b: {  	[tilespmem:s11+$0x830] =	vst v59;
	(pc) =	sbr.rel @p2 .LBB2_5-.Ltmp4, $4  }
0x2c: {  	[tilespmem:s11+$0x840] =	vst v60  }
0x2d: {  	[tilespmem:s11+$0x850] =	vst v61  }
0x2e: {  	s12 =	simm.s32 $0x1F0;
	s13 =	simm.s32 $0x980;
	[tilespmem:s11+$0x860] =	vst v62  }
0x2f: {  	s14 =	simm.s32 $0x480;
	p1 =	por $0x0, $0x0;
	[tilespmem:s11+$0x870] =	vst v63;
	s11 =	simm.s32 $0x100  }
.LBB2_6:
0x30: {  	s12 =	sadd.s32 $0x10, s12  }
0x31: {  	v0 =	vld [tilespmem:s14+$0x0];
	p1 =	slt.u32 s12, $0x270  }
.Ltmp5:
0x32: {  	_ = 	snop;
	(pc) =	sbr.rel @p1 .LBB2_6-.Ltmp5, $2  }
0x33: {  	_ =	sdelay $0x2  }
0x34: {  	s14 =	sadd.s32 $0x10, s14;
	[tilespmem:s13+$0x0] =	vst v0;
	s13 =	sadd.s32 $0x10, s13  }
.Ltmp6:
0x35: {  	(pc) =	sbr.rel .LBB2_8-.Ltmp6, $4  }
0x36: {  	_ = 	snop  }
0x37: {  	s10 =	sshrl.u32 s10, $0x3  }
0x38: {  	s10 =	sadd.s32 s4, s10  }
0x39: {  	[hbm4b:s10+s6] =	stream.linear.scatter [tilespmem:s8], [sflag:$0x2], $0x280, $0x38;
	[tilespmem:$0xA00] =	vst v63  }
.LBB2_2:
.Ltmp7:
0x3a: {  	(pc) =	sbr.rel .LBB2_9-.Ltmp7, $2  }
0x3b: {  	_ =	sdelay $0x2  }
0x3c: {  	[tilespmem:s7], [sflag:$0x1] =	stream.linear.gather [hbm4b:s5+s6], $0x280, $0x38;
	[tilespmem:$0xA00] =	vst v63  }
.LBB2_10:
0x3d: {  	s2 =	simm.s32 $0x2  }
0x3e: {  	_ =	swait.ge [sflag:s2], $0x280  }
0x3f: {  	[sflag:s2] =	ssyncset.done $0x0  }
0x40: {  	[sflag:s2] =	ssyncadd.s32 $0xFFFFFD80  }
0x41: {  	_ =	sfence.sel $0x180000  }
0x42: {  	s3 =	simm.s32 $0x1;
	[bflag:$0x0] =	sbarrier.arrive $0xFFFF  }
0x43: {  	[sflag:s3] =	ssyncpa.u1 $0x1  }
0x44: {  	[sflag:s2] =	ssyncpa.u1 $0x1  }
0x45: {  	_ =	strace $0x90000047  }
0x46: {  	s0 =	sadd.s32 @!p0 $0x100000, s0;
	[bflag:$0x2] =	sbarrier.arrive $0xFFFF  }
0x47: {  	[sflag:s0] =	ssyncadd.tile.s32 @!p0 $0x1;
	s0 =	simm.s32 @!p0 $0x3F  }
0x48: {  	_ =	swait.ge @!p0 [sflag:s0], s1  }
0x49: {  	s1 =	ssub.s32 @!p0 $0x0, s1;
	[sflag:s0] =	ssyncset.done @!p0 $0x0  }
0x4a: {  	[sflag:s0] =	ssyncadd.s32 @!p0 s1  }
0x4b: {  	[bflag:$0x3] =	sbarrier.arrive $0xFFFF  }
0x4c: {  	_ =	shalt  }
.Lfunc_end2:
execute1_lowered:
.L_overlay_start_2:
0x4d: {  	(tag) =	ssettag $0x2  }
0x4e: {  	s0 =	rddreg [dreg:$0x0];
	_ =	strace $0x8000004A;
	s15 =	stileid.u32  }
0x4f: {  	s2 =	simm.s32 $0x1;
	s1 =	smin.u32 s15, $0x8;
	s3 =	sshll.u32 s15, $0x1  }
0x50: {  	v1 =	vimm.s32 $0xFFFFFFFF;
	[sflag:s2] =	ssyncpa.u1 $0x0;
	s1 =	sadd.s32 s1, s3  }
0x51: {  	p0 =	slt.u32 s15, $0x8;
	[tilespmem:$0x10] =	vst v1;
	s4 =	smul.u32 $0x1F40, s1;
	s1 =	simm.s32 $0x5DC0  }
0x52: {  	v0 =	vimm.f32 $0.0e+00;
	[tilespmem:$0x20] =	vst v1;
	s1 =	simm.s32 @!p0 $0x3E80  }
0x53: {  	[tilespmem:$0x30] =	vst v0;
	s1 =	sadd.s32 s1, s4  }
0x54: {  	[tilespmem:$0x40] =	vst v0;
	s5 =	smin.u32 s1, $0x4E200  }
0x55: {  	s7 =	simm.s32 $0x2;
	s8 =	simm.s32 $0x8;
	[tilespmem:$0x50] =	vst v0;
	s9 =	ssub.s32 s5, s4  }
0x56: {  	s31 =	simm.s32 $0x9;
	s16 =	simm.s32 $0x0;
	[tilespmem:$0x60] =	vst v1;
	p0 =	sgt.s32 s9, $0x0  }
0x57: {  	s17 =	simm.s32 $0xF0;
	s18 =	simm.s32 $0xFFFFFFFF;
	[tilespmem:$0x70] =	vst v1;
	s9 =	simm.s32 @!p0 $0x0  }
0x58: {  	s19 =	simm.s32 $0xFFFFC280;
	s20 =	simm.s32 $0xFFFFFFFE;
	[tilespmem:$0x80] =	vst v1;
	s30 =	smulhi.u32 $0x10624DD3, s9  }
0x59: {  	s21 =	simm.s32 $0xF;
	s25 =	simm.s32 $0x0;
	s24 =	simm.s32 $0x0;
	v1 =	vimm.s32 $0x0;
	[tilespmem:$0xB0] =	vst v0  }
0x5a: {  	s6 =	sadd.s32 $0x1DA00, s0;
	s15 =	sshllo.u32 s15, $0x1;
	[tilespmem:$0x90] =	vst v1;
	s10 =	sshrl.u32 s30, $0x9  }
0x5b: {  	[tilespmem:$0xA0] =	vst v1;
	[sflag:s7] =	ssyncpa.u1 $0x0;
	s7 =	simm.s32 $0x7;
	s11 =	smul.u32 $0x1F40, s10  }
.Ltmp8:
0x5c: {  	s13 =	sor.u32 $0x80, s3;
	[sflag:s7] =	ssyncpa.u1 $0x0;
	(pc) =	sbr.rel .LBB3_1-.Ltmp8, $4  }
0x5d: {  	s14 =	sor.u32 $0x81, s3;
	[sflag:s8] =	ssyncpa.u1 $0x0;
	p0 =	sne.s32 s9, s11  }
0x5e: {  	s23 =	smov.u32 s4;
	s1 =	sadd.s32 $0x45800, s0;
	s2 =	simm.s32 @!p0 $0x0  }
0x5f: {  	vm0 =	vmmov $0xffff;
	v2 =	vlaneseq.u32;
	[sflag:s31] =	ssyncpa.u1 $0x0;
	s9 =	sadd.s32 $0x27800, s0;
	s10 =	sadd.s32 s2, s10  }
0x60: {  	vm1 =	vmxor vm1, vm1;
	vm2 =	vmmov $0x1;
	vm3 =	vcmask $0x3F3C;
	p0 =	por $0x0, $0x0;
	s11 =	sadd.s32 $0x1, s10;
	s12 =	sadd.s32 $0x2, s10  }
.LBB3_9:
0x61: {  	p1 =	slt.u32 s24, $0x3  }
0x62: {  	s0 =	simm.s32 @!p1 $0x2  }
0x63: {  	_ =	swait.ge @!p1 [sflag:s0], $0x1F40  }
0x64: {  	[sflag:s0] =	ssyncset.done @!p1 $0x0  }
0x65: {  	[sflag:s0] =	ssyncadd.s32 @!p1 $0xFFFFE0C0;
	s0 =	simm.s32 @!p1 $0x9  }
0x66: {  	_ =	swait.ge @!p1 [sflag:s0], $0x10  }
0x67: {  	[sflag:s0] =	ssyncset.done @!p1 $0x0  }
0x68: {  	[sflag:s0] =	ssyncadd.s32 @!p1 $0xFFFFFFF0;
	p1 =	sne.s32 s24, s12  }
.Ltmp9:
0x69: {  	s2 =	sadd.s32 $0x1F40, s23;
	(pc) =	sbr.rel @!p1 .LBB3_10-.Ltmp9, $4  }
0x6a: {  	s22 =	smov.u32 s4;
	s31 =	sadd.s32 $0x1, s24;
	s17 =	sadd.s32 $0x1F40, s17  }
0x6b: {  	s18 =	sadd.s32 $0x1, s18;
	s25 =	smov.u32 s23;
	p2 =	slt.s32 s2, s5  }
0x6c: {  	p0 =	por !p0, !p0;
	s19 =	sadd.s32 $0x1F40, s19;
	s22 =	smov.u32 @p2 s2  }
0x6d: {  	s20 =	sadd.s32 $0x1, s20;
	s23 =	smov.u32 s22;
	s24 =	smov.u32 s31  }
.LBB3_1:
0x6e: {  	p1 =	sge.u32 s24, s10  }
0x6f: {  	s0 =	smulhi.u32 @!p1 $0xAAAAAAAB, s24;
	_ =	sdelay $0x1  }
0x70: {  	s0 =	sshrl.u32 @!p1 s0, $0x1  }
0x71: {  	s0 =	smul.u32 @!p1 $0x3, s0;
	_ =	sdelay $0x1  }
0x72: {  	s0 =	ssub.s32 @!p1 s24, s0  }
0x73: {  	s0 =	smul.u32 @!p1 $0x7D00, s0;
	_ =	sdelay $0x1  }
0x74: {  	s2 =	sshrl.u32 @!p1 s23, $0x3;
	s0 =	sshrl.u32 @!p1 s0, $0x2  }
0x75: {  	s22 =	sand.u32 @!p1 $0x7, s23;
	s2 =	sadd.s32 @!p1 s6, s2;
	s0 =	sadd.s32 @!p1 $0x100, s0  }
0x76: {  	[tilespmem:s0], [sflag:$0x7] =	stream.linear.gather @!p1 [hbm4b:s2+s22], $0x1F40, $0x38;
	[tilespmem:$0x11A60] =	vst v63  }
0x77: {  	s0 =	sadd.s32 $0xFFFFFFFF, s24  }
0x78: {  	p1 =	sge.u32 s0, s10  }
.Ltmp10:
0x79: {  	_ = 	snop;
	(pc) =	sbr.rel @p1 .LBB3_5-.Ltmp10, $1  }
0x7a: {  	_ =	sdelay $0x3  }
0x7b: {  	s2 =	smulhi.u32 $0xAAAAAAAB, s0;
	_ =	sdelay $0x1  }
0x7c: {  	s2 =	sshrl.u32 s2, $0x1  }
0x7d: {  	s2 =	smul.u32 $0x3, s2;
	_ =	sdelay $0x1  }
0x7e: {  	s2 =	ssub.s32 s0, s2  }
0x7f: {  	s2 =	smul.u32 $0x7D00, s2  }
0x80: {  	_ =	swait.ge [sflag:s7], $0x1F40  }
0x81: {  	[sflag:s7] =	ssyncset.done $0x0;
	s2 =	sshrl.u32 s2, $0x2  }
0x82: {  	[sflag:s7] =	ssyncadd.s32 $0xFFFFE0C0;
	(ifvalue) =	ssetifvalue $0xFFFFFFFF;
	v3 =	vld.msk [tilespmem:s2+$0x100 ss:$0x1], $0xffff;
	_ =	sdelay $0x2  }
0x83: {  	s30 =	smulhi.u32 $0xAAAAAAAB, s18;
	p1 =	sne.s32 s24, $0x1  }
0x84: {  	v4 =	vimm.s32 @!p1 $0x0  }
0x85: {  	s2 =	sshrl.u32 s30, $0x1;
	v4 =	vperm.xlane @!p1 v3, v4  }
0x86: {  	s22 =	sshll.u32 s24, $0x4;
	s2 =	smul.u32 $0xFFFE8900, s2;
	vm4 =	vlt.u32 v3, $0x2800  }
0x87: {  	s22 =	sand.u32 $0x10, s22;
	v3 =	vnsel vm4, $0xFFFFFFFE, v3;
	vm4 =	vlt.u32 @!p1 v4, $0x2800  }
0x88: {  	s2 =	sshra.s32 s2, $0x2;
	[tilespmem:s22+$0x60] =	vst v3;
	v3 =	vnsel @!p1 vm4, $0xFFFFFFFE, v4  }
0x89: {  	s28 =	sadd.s32 s2, s17;
	[tilespmem:$0x80] =	vst @!p1 v3  }
0x8a: {  	v3 =	vld.msk [tilespmem:s28+$0x0 ss:$0x1], $0xffff;
	_ =	sdelay $0x4  }
0x8b: {  	(xrf1) =	vunique.msk.u32 $0xffff, v3;
	_ =	sdelay $0xd  }
0x8c: {  	v4 =	vimm.s32 $0xFFFFFFFF;
	v5, _, _ =	vpop (xrf1)  }
0x8d: {  	vm5 =	vne.s32 v3, v4;
	vm4 =	veq.s32 v5, v2  }
0x8e: {  	vm6 =	vlt.u32 v3, $0x2800;
	vm4 =	vmand vm5, vm4  }
0x8f: {  	vm4 =	vmand vm6, vm4  }
0x90: {  	v4 =	vnsel vm4, $0xFFFFFFFF, v3  }
0x91: {  	s31 =	sand.u32 $0x1, s0  }
0x92: {  	s0 =	simm.s32 $0x1F40;
	p1 =	seq.s32 s31, $0x1  }
0x93: {  	s0 =	simm.s32 @!p1 $0x0  }
0x94: {  	s26 =	sadd.s32 $0x7DF0, s0;
	(ifvalue) =	ssetifvalue $0xFFFFFFFF  }
0x95: {  	v3 =	vperm.xlane v3, v1;
	[tilespmem:s26], [sflag:$0x8] =	stream.indirect_vreg.gather [hbm4b:s1+s16], $0x1, v4, vm0, $0x4038;
	v4 =	vnsel vm6, $0xFFFFFFFE, v4;
	[tilespmem:$0x11A60] =	vst v63  }
0x96: {  	s2 =	simm.s32 $0x0;
	s22 =	sadd.s32 $0xFFFFFFF0, s28;
	[tilespmem:s28+$0x0] =	vst v4  }
.LBB3_3:
0x97: {  	v4 =	vld.msk [tilespmem:s22+$0x0 ss:$0x1], $0xffff;
	s2 =	sadd.s32 $0x10, s2;
	v5 =	vmov v3;
	s28 =	smov.u32 s22  }
0x98: {  	p1 =	slt.u32 s2, $0x1F30;
	_ =	sdelay $0x4  }
0x99: {  	v3 =	vperm.xlane v4, v1;
	(xrf1) =	vunique.msk.u32 $0xffff, v4;
	_ =	sdelay $0xd  }
0x9a: {  	v6, _, _ =	vpop (xrf1)  }
0x9b: {  	vm5 =	vne.s32 v4, v5;
	vm4 =	veq.s32 v6, v2  }
0x9c: {  	vm6 =	vlt.u32 v4, $0x2800;
	vm4 =	vmand vm5, vm4  }
0x9d: {  	vm4 =	vmand vm6, vm4  }
0x9e: {  	v4 =	vnsel vm4, $0xFFFFFFFF, v4  }
.Ltmp11:
0x9f: {  	v5 =	vnsel vm6, $0xFFFFFFFE, v4;
	(pc) =	sbr.rel @p1 .LBB3_3-.Ltmp11, $3  }
0xa0: {  	_ =	sdelay $0x1  }
0xa1: {  	s22 =	sadd.s32 $0xFFFFFFF0, s22;
	s26 =	sadd.s32 $0xFFFFFFF0, s26;
	(ifvalue) =	ssetifvalue $0xFFFFFFFF  }
0xa2: {  	[tilespmem:s26], [sflag:$0x8] =	stream.indirect_vreg.gather [hbm4b:s1+s16], $0x1, v4, vm0, $0x4038;
	[tilespmem:s28+$0x0] =	vst v5  }
0xa3: {  	s2 =	sshrl.u32 s25, $0x3  }
0xa4: {  	s0 =	sadd.s32 $0x9D40, s0;
	s2 =	sadd.s32 s9, s2  }
0xa5: {  	[tilespmem:s0], [sflag:$0x8] =	stream.linear.gather [hbm:s2], $0x1F40, $0x38;
	[tilespmem:$0x11A60] =	vst v63  }
.LBB3_5:
0xa6: {  	p1 =	slt.u32 s24, $0x2  }
0xa7: {  	p2 =	sge.u32 @!p1 s24, s12  }
0xa8: {  	p1 =	por p1, p2  }
.Ltmp12:
0xa9: {  	_ = 	snop;
	(pc) =	sbr.rel @p1 .LBB3_9-.Ltmp12, $1  }
0xaa: {  	_ =	sdelay $0x3  }
0xab: {  	s0 =	sadd.s32 $0xFFFFFFFE, s24  }
0xac: {  	s2 =	smulhi.u32 $0xAAAAAAAB, s0;
	_ =	sdelay $0x1  }
0xad: {  	s2 =	sshrl.u32 s2, $0x1  }
0xae: {  	s2 =	smul.u32 $0x3, s2;
	_ =	sdelay $0x1  }
0xaf: {  	s0 =	ssub.s32 s0, s2  }
0xb0: {  	_ =	swait.ge [sflag:s8], $0x3E80;
	s0 =	smul.u32 $0x1F40, s0  }
0xb1: {  	p1 =	sne.s32 s24, s11;
	[sflag:s8] =	ssyncset.done $0x0  }
0xb2: {  	[sflag:s8] =	ssyncadd.s32 $0xFFFFC180;
	s2 =	sadd.s32 @!p1 $0x203F, s0  }
0xb3: {  	[spmem:s14] =	stream.linear.scatter @!p1 [tilespmem:s2], [sflag:$0x1], $0x1, $0x38;
	[tilespmem:$0x11A60] =	vst v63  }
0xb4: {  	s2 =	simm.s32 @!p1 $0x1  }
0xb5: {  	_ =	swait.ge @!p1 [sflag:s2], $0x1  }
0xb6: {  	s22 =	sshll.u32 s24, $0x4;
	[sflag:s2] =	ssyncset.done @!p1 $0x0  }
0xb7: {  	s25 =	sand.u32 $0x10, s22;
	[sflag:s2] =	ssyncadd.s32 @!p1 $0xFFFFFFFF  }
0xb8: {  	s2 =	sxor.u32 $0x10, s25;
	v4 =	vld [tilespmem:s25+$0x10]  }
0xb9: {  	v5 =	vld [tilespmem:s2+$0x60]  }
0xba: {  	v3 =	vld [tilespmem:$0x80];
	_ =	sdelay $0x2  }
0xbb: {  	(v2sf) =	vpush v4, $0x0  }
0xbc: {  	(v2sf) =	vpush v5, $0x0  }
0xbd: {  	(v2sf) =	vpush v3, $0x0;
	_ =	sdelay $0xc  }
0xbe: {  	s22 =	spop (v2sf)  }
0xbf: {  	s26 =	spop (v2sf)  }
0xc0: {  	s28 =	spop (v2sf)  }
0xc1: {  	p2 =	seq.s32 s22, s26;
	p3 =	seq.s32 s28, s22  }
0xc2: {  	p3 =	por p2, p3  }
0xc3: {  	s26 =	sand.u32 $0x1, s24;
	v4 =	vpsel p3, $0xFFFFFFFF, v4  }
0xc4: {  	s29 =	smul.u32 $0x1F40, s26;
	[tilespmem:s25+$0x10] =	vst.msk $0x1, v4  }
0xc5: {  	v4 =	vld [tilespmem:$0x30]  }
0xc6: {  	v5 =	vld [tilespmem:s29+$0x9D40]  }
0xc7: {  	v6 =	vld [tilespmem:s25+$0x40];
	_ =	sdelay $0x3  }
0xc8: {  	vm4 =	vmmov vm1;
	v5 =	vadd.f32 v5, v4  }
0xc9: {  	vm5 =	vmmov vm2;
	vm4 =	vmmov @p2 vm2;
	s22 =	sshll.u32 s26, $0x4;
	v4 =	vadd.f32 v6, v4  }
0xca: {  	s26 =	sor.u32 $0x11A40, s22;
	vm5 =	vmmov @p3 vm1;
	[tilespmem:s29+$0x9D40] =	vst.msk vm4, v5  }
0xcb: {  	[tilespmem:s26+$0x0] =	vst.msk vm5, v4  }
0xcc: {  	v4 =	vld [tilespmem:s29+$0x7DF0];
	_ =	sdelay $0x3  }
0xcd: {  	v5 =	vimm.f32 $0.0e+00  }
0xce: {  	v4 =	vshift.insert v4, v5, s21  }
0xcf: {  	s22 =	sor.u32 $0x40, s2  }
0xd0: {  	[tilespmem:s22+$0x0] =	vst.msk $0x1, v4  }
0xd1: {  	[tilespmem:s29+$0x7DFF] =	vst.msk $0x1, v5  }
0xd2: {  	v4 =	vld [tilespmem:s0+$0x2030];
	_ =	sdelay $0x1  }
0xd3: {  	s22 =	smulhi.u32 $0xAAAAAAAB, s20;
	s0 =	simm.s32 $0x1  }
0xd4: {  	s0 =	simm.s32 @!p0 $0x0  }
0xd5: {  	s22 =	sshrl.u32 s22, $0x1;
	s0 =	smul.u32 $0x7D00, s0  }
0xd6: {  	s22 =	smul.u32 $0xFFFE8900, s22;
	v4 =	vshift.insert v4, v1, s21  }
0xd7: {  	s0 =	sshrl.u32 s0, $0x2  }
0xd8: {  	s22 =	sshra.s32 s22, $0x2;
	s30 =	sadd.s32 $0x9D40, s0;
	[tilespmem:s2+$0x10] =	vst.msk $0x1, v4  }
0xd9: {  	s22 =	sadd.s32 s22, s19;
	v6 =	vld [tilespmem:s30+$0x0]  }
0xda: {  	v7 =	vld [tilespmem:s22+$0x0];
	_ =	sdelay $0x3  }
0xdb: {  	v5 =	vadd.f32 v6, v5  }
0xdc: {  	vm4 =	vne.s32 v7, $0xFFFFFFFF  }
0xdd: {  	(xrf2) =	vadd.seg.scan.f32 vm4, v5;
	_ =	sdelay $0x3  }
0xde: {  	s31 =	sadd.s32 $0x5EC0, s0;
	v5 =	vperm.xlane v4, v1  }
0xdf: {  	v6 =	vld [tilespmem:s31+$0x0]  }
0xe0: {  	vm5 =	veq.s32 v7, v3;
	vm6 =	veq.s32 v7, v5  }
0xe1: {  	vm7 =	vgt.u32 v7, $0xFFFFFFFD;
	vm6 =	vmor vm6, vm5  }
0xe2: {  	vm6 =	vmor vm6, vm7  }
0xe3: {  	v9 =	vld [tilespmem:$0xA0];
	v7 =	vsel vm6, $0xFFFFFFFF, v7  }
0xe4: {  	v10 =	vld [tilespmem:$0x90];
	v6 =	vsel vm5, $0x0, v6;
	v8, _, _ =	vpop (xrf2)  }
0xe5: {  	v6 =	vadd.f32 v8, v6  }
0xe6: {  	s0 =	sadd.s32 $0xDBC0, s0  }
0xe7: {  	vm4 =	vmand vm4, vm3;
	[tilespmem:s0+$0x0] =	vst v6;
	(ifvalue) =	ssetifvalue $0xFFFFFFFF  }
0xe8: {  	vm6 =	veq.s32 v9, $0x1;
	[hbm4b:s1+s16] =	stream.indirect_vreg.scatter [tilespmem:s0], [sflag:$0x2], $0x1, v7, vm0, $0x4038;
	v7 =	vsel vm4, $0x0, v8;
	[tilespmem:$0x11A60] =	vst v63  }
0xe9: {  	s2 =	simm.s32 $0x0;
	s22 =	sadd.s32 $0x10, s22;
	vm4 =	vmor vm6, vm5;
	v6 =	vsel vm5, v8, v10;
	v7 =	vshift.insert v7, v0, s21  }
.LBB3_7:
0xea: {  	v8 =	vld [tilespmem:s22+$0x0];
	s30 =	sadd.s32 $0x10, s30  }
0xeb: {  	s31 =	sadd.s32 $0x10, s31;
	v9 =	vld [tilespmem:s30+$0x0]  }
0xec: {  	s2 =	sadd.s32 $0x10, s2;
	v10 =	vld [tilespmem:s31+$0x0]  }
0xed: {  	p2 =	slt.u32 s2, $0x1F30;
	_ =	sdelay $0x2  }
0xee: {  	v7 =	vadd.f32 v9, v7  }
0xef: {  	vm5 =	vne.s32 v8, $0xFFFFFFFF  }
0xf0: {  	vm6 =	vmand vm5, vm3;
	(xrf2) =	vadd.seg.scan.f32 vm5, v7;
	_ =	sdelay $0x5  }
0xf1: {  	vm7 =	veq.s32 v8, v5;
	vm5 =	veq.s32 v8, v3  }
0xf2: {  	vm8 =	vgt.u32 v8, $0xFFFFFFFD;
	vm4 =	vmor vm4, vm5;
	vm7 =	vmor vm7, vm5  }
0xf3: {  	vm7 =	vmor vm7, vm8  }
0xf4: {  	v8 =	vsel vm7, $0xFFFFFFFF, v8  }
.Ltmp13:
0xf5: {  	v7 =	vsel vm5, $0x0, v10;
	v9, _, _ =	vpop (xrf2);
	(pc) =	sbr.rel @p2 .LBB3_7-.Ltmp13, $4  }
0xf6: {  	v6 =	vsel vm5, v9, v6;
	v10 =	vadd.f32 v9, v7;
	v7 =	vsel vm6, $0x0, v9  }
0xf7: {  	s0 =	sadd.s32 $0x10, s0;
	v7 =	vshift.insert v7, v0, s21  }
0xf8: {  	s22 =	sadd.s32 $0x10, s22;
	[tilespmem:s0+$0x0] =	vst v10;
	(ifvalue) =	ssetifvalue $0xFFFFFFFF  }
0xf9: {  	[hbm4b:s1+s16] =	stream.indirect_vreg.scatter [tilespmem:s0], [sflag:$0x2], $0x1, v8, vm0, $0x4038;
	[tilespmem:$0x11A60] =	vst v63  }
0xfa: {  	v3 =	vld [tilespmem:s29+$0xFAF0];
	_ =	sdelay $0x4  }
0xfb: {  	v3 =	vshift.insert v3, v0, s21  }
0xfc: {  	s0 =	simm.s32 $0x30  }
0xfd: {  	[tilespmem:s0+$0x0] =	vst.msk $0x1, v3  }
0xfe: {  	v3 =	vsel vm4, $0x1, v1;
	[tilespmem:$0x90] =	vst v6  }
0xff: {  	s0 =	sadd.s32 @!p1 $0xFAFF, s29;
	[tilespmem:$0xA0] =	vst v3  }
0x100: {  	[spmem:s15] =	stream.linear.scatter @!p1 [tilespmem:s0], [sflag:$0x1], $0x1, $0x38;
	[tilespmem:$0x11A60] =	vst v63  }
0x101: {  	s0 =	simm.s32 @!p1 $0x1  }
0x102: {  	v3 =	vmctz.xlane @!p1 vm4;
	_ =	swait.ge @!p1 [sflag:s0], $0x1  }
0x103: {  	(v2sf) =	vpush @!p1 v4, $0x0  }
0x104: {  	(v2sf) =	vpush @!p1 v3, $0x0;
	_ =	sdelay $0xd  }
0x105: {  	s2 =	spop @!p1 (v2sf)  }
0x106: {  	s22 =	spop @!p1 (v2sf)  }
0x107: {  	p2 =	sne.s32 @!p1 s28, s2;
	p3 =	slt.s32 @!p1 s22, $0xF  }
0x108: {  	[sflag:s0] =	ssyncset.done @!p1 $0x0;
	p2 =	por p2, p1;
	p3 =	por !p3, p1  }
0x109: {  	[sflag:s0] =	ssyncadd.s32 @!p1 $0xFFFFFFFF;
	v3 =	vimm.s32 @!p2 $0xFFFFFFFF;
	s22 =	simm.s32 @p3 $0xF  }
0x10a: {  	[tilespmem:$0x80] =	vst @!p2 v3;
	s2 =	sadd.s32 @!p1 $0x90, s22  }
0x10b: {  	[spmem:s3] =	stream.linear.scatter @!p1 [tilespmem:s2], [sflag:$0x1], $0x1, $0x38;
	[tilespmem:$0x11A60] =	vst v63  }
0x10c: {  	_ =	swait.ge @!p1 [sflag:s0], $0x1  }
0x10d: {  	[sflag:s0] =	ssyncset.done @!p1 $0x0  }
0x10e: {  	s2 =	simm.s32 @!p1 $0x80;
	[sflag:s0] =	ssyncadd.s32 @!p1 $0xFFFFFFFF  }
0x10f: {  	[spmem:s13] =	stream.linear.scatter @!p1 [tilespmem:s2], [sflag:$0x1], $0x1, $0x38;
	[tilespmem:$0x11A60] =	vst v63  }
0x110: {  	_ =	swait.ge @!p1 [sflag:s0], $0x1  }
0x111: {  	[sflag:s0] =	ssyncset.done @!p1 $0x0  }
0x112: {  	[sflag:s0] =	ssyncadd.s32 @!p1 $0xFFFFFFFF;
	(ifvalue) =	ssetifvalue $0xFFFFFFFF;
	v3 =	vld [tilespmem:s25+$0x10];
	_ =	sdelay $0x3  }
.Ltmp14:
0x113: {  	_ = 	snop;
	(pc) =	sbr.rel .LBB3_9-.Ltmp14, $3  }
0x114: {  	_ =	sdelay $0x1  }
0x115: {  	(ifvalue) =	ssetifvalue $0xFFFFFFFF  }
0x116: {  	[hbm4b:s1+s16] =	stream.indirect_vreg.scatter [tilespmem:s26], [sflag:$0x9], $0x1, v3, vm0, $0x4038;
	[tilespmem:$0x11A60] =	vst v63  }
.LBB3_10:
0x117: {  	_ =	sfence.sel $0x180000  }
0x118: {  	s0 =	simm.s32 $0x7;
	[bflag:$0x0] =	sbarrier.arrive $0xFFFF  }
0x119: {  	s26 =	simm.s32 $0x8;
	[sflag:s0] =	ssyncpa.u1 $0x1  }
0x11a: {  	s28 =	simm.s32 $0x9;
	[sflag:s26] =	ssyncpa.u1 $0x1  }
0x11b: {  	[sflag:s28] =	ssyncpa.u1 $0x1  }
0x11c: {  	_ =	sfence.stream.spmem  }
0x11d: {  	s29 =	simm.s32 $0x3;
	[bflag:$0x0] =	sbarrier.arrive $0xFFFF  }
0x11e: {  	s30 =	simm.s32 $0x4;
	[sflag:s29] =	ssyncpa.u1 $0x1  }
0x11f: {  	s31 =	simm.s32 $0x3C;
	s2 =	stileid.u32;
	[sflag:s30] =	ssyncpa.u1 $0x1  }
0x120: {  	p0 =	sne.s32 s2, $0x0;
	[sflag:s31] =	ssyncpa.u1 $0x1  }
0x121: {  	s0 =	simm.s32 @p0 $0x1;
	_ =	sfence @p0  }
0x122: {  	[sflag:s0] =	ssyncpa.u1 @p0 $0x1;
	s0 =	simm.s32 @p0 $0x2  }
0x123: {  	[sflag:s0] =	ssyncpa.u1 @p0 $0x1  }
0x124: {  	_ =	strace @p0 $0x9000004A  }
0x125: {  	[bflag:$0x2] =	sbarrier.arrive @p0 $0xFFFF  }
0x126: {  	_ =	shalt @p0  }
.LBB3_11:
0x127: {  	_ =	sfence.stream.spmem;
	s0 =	simm.s32 $0x5  }
0x128: {  	s2 =	simm.s32 $0x80;
	s3 =	simm.s32 $0xC0;
	[sflag:s0] =	ssyncpa.u1 $0x0  }
0x129: {  	[tilespmem:s3], [sflag:$0x5] =	stream.linear.gather [spmem:s2], $0x20, $0x38;
	[tilespmem:$0x11A60] =	vst v63  }
0x12a: {  	s2 =	simm.s32 $0x0;
	s3 =	simm.s32 $0xE0  }
0x12b: {  	[tilespmem:s3], [sflag:$0x5] =	stream.linear.gather [spmem:s2], $0x20, $0x38;
	[tilespmem:$0x11A60] =	vst v63  }
.Ltmp15:
0x12c: {  	_ = 	snop;
	(pc) =	sbr.rel .LBB3_12-.Ltmp15, $4  }
0x12d: {  	_ =	swait.ge [sflag:s0], $0x40  }
0x12e: {  	[sflag:s0] =	ssyncset.done $0x0  }
0x12f: {  	s31 =	simm.s32 $0x6;
	[sflag:s0] =	ssyncadd.s32 $0xFFFFFFC0  }
0x130: {  	s4 =	simm.s32 $0x0;
	[sflag:s31] =	ssyncpa.u1 $0x0  }
.LBB3_17:
0x131: {  	p0 =	sgt.u32 s5, $0x27FF  }
0x132: {  	s0 =	sshrl.u32 @!p0 s5, $0x3  }
0x133: {  	s5 =	sand.u32 @!p0 $0x7, s5;
	s6 =	simm.s32 @!p0 $0xB0;
	s0 =	sadd.s32 @!p0 s1, s0  }
0x134: {  	[tilespmem:s6], [sflag:$0x6] =	stream.linear.gather @!p0 [hbm4b:s0+s5], $0x1, $0x38;
	[tilespmem:$0x11A60] =	vst v63  }
0x135: {  	s0 =	simm.s32 @!p0 $0x6  }
0x136: {  	_ =	swait.ge @!p0 [sflag:s0], $0x1  }
0x137: {  	[sflag:s0] =	ssyncset.done @!p0 $0x0  }
0x138: {  	[sflag:s0] =	ssyncadd.s32 @!p0 $0xFFFFFFFF  }
0x139: {  	v2 =	vmov @!p0 s4;
	v1 =	vld.msk @!p0 [tilespmem:$0xB0], $0x1;
	_ =	sdelay $0x3  }
0x13a: {  	s0 =	simm.s32 @!p0 $0xE0  }
0x13b: {  	[tilespmem:v2+s0+$0x0], v1 =	vst.idx.ret.add.f32.msk @!p0 $0x1, v1  }
0x13c: {  	[tilespmem:s2+$0xC0] =	vst.msk $0x1, v0  }
0x13d: {  	v0 =	vld.msk [tilespmem:s4+$0xE0], $0x1;
	_ =	sdelay $0x4  }
0x13e: {  	[tilespmem:s2+$0xE0] =	vst.msk $0x1, v0;
	s2 =	sadd.s32 $0x1, s2  }
.LBB3_19:
0x13f: {  	s4 =	sadd.s32 $0x1, s4  }
0x140: {  	p0 =	sne.s32 s4, $0x20  }
.Ltmp16:
0x141: {  	_ = 	snop;
	(pc) =	sbr.rel @!p0 .LBB3_20-.Ltmp16, $1  }
0x142: {  	_ =	sdelay $0x3  }
.LBB3_12:
0x143: {  	v0 =	vld.msk [tilespmem:s4+$0xC0], $0x1;
	_ =	sdelay $0x4  }
0x144: {  	(v2sf) =	vpush v0, $0x0;
	_ =	sdelay $0xe  }
0x145: {  	s5 =	spop (v2sf)  }
0x146: {  	p0 =	seq.s32 s5, $0xFFFFFFFF  }
.Ltmp17:
0x147: {  	_ = 	snop;
	(pc) =	sbr.rel @p0 .LBB3_19-.Ltmp17, $1  }
0x148: {  	_ =	sdelay $0x3  }
0x149: {  	p0 =	slt.s32 s2, $0x1  }
.Ltmp18:
0x14a: {  	_ = 	snop;
	(pc) =	sbr.rel @p0 .LBB3_17-.Ltmp18, $1  }
0x14b: {  	_ =	sdelay $0x3  }
0x14c: {  	s0 =	simm.s32 $0xC0;
	p0 =	por $0x0, $0x0  }
0x14d: {  	v1 =	vld.msk @!p0 [tilespmem:s0+$0x0], $0x1;
	_ =	sdelay $0x4  }
0x14e: {  	(v2sf) =	vpush @!p0 v1, $0x0;
	_ =	sdelay $0xd  }
0x14f: {  	p2 =	sne.s32 s2, $0x1  }
.Ltmp19:
0x150: {  	s6 =	spop @!p0 (v2sf);
	(pc) =	sbr.rel @!p2 .LBB3_16-.Ltmp19, $4  }
0x151: {  	p1 =	seq.s32 @!p0 s5, s6  }
0x152: {  	s6 =	simm.s32 $0x0;
	p1 =	por !p1, p0  }
0x153: {  	s8 =	simm.s32 $0xFFFFFFFF;
	s6 =	simm.s32 @p1 $0xFFFFFFFF  }
0x154: {  	s7 =	simm.s32 $0x1;
	s6 =	smov.u32 @p0 s8  }
.LBB3_15:
0x155: {  	s8 =	smov.u32 s6;
	p0 =	sne.s32 s6, $0xFFFFFFFF  }
0x156: {  	s0 =	sadd.s32 $0x1, s0;
	s6 =	smov.u32 s7;
	s7 =	sadd.s32 $0x1, s7  }
0x157: {  	p1 =	sne.s32 s2, s7;
	v1 =	vld.msk @!p0 [tilespmem:s0+$0x0], $0x1;
	_ =	sdelay $0x4  }
0x158: {  	(v2sf) =	vpush @!p0 v1, $0x0;
	_ =	sdelay $0xe  }
.Ltmp20:
0x159: {  	s9 =	spop @!p0 (v2sf);
	(pc) =	sbr.rel @p1 .LBB3_15-.Ltmp20, $4  }
0x15a: {  	p2 =	seq.s32 @!p0 s5, s9  }
0x15b: {  	p2 =	por !p2, p0  }
0x15c: {  	s6 =	simm.s32 @p2 $0xFFFFFFFF  }
0x15d: {  	s6 =	smov.u32 @p0 s8  }
.LBB3_16:
0x15e: {  	p0 =	sne.s32 s6, $0xFFFFFFFF  }
.Ltmp21:
0x15f: {  	_ = 	snop;
	(pc) =	sbr.rel @!p0 .LBB3_17-.Ltmp21, $1  }
0x160: {  	_ =	sdelay $0x3  }
0x161: {  	v0 =	vld.msk [tilespmem:s4+$0xE0], $0x1;
	v1 =	vmov s6  }
.Ltmp22:
0x162: {  	_ = 	snop;
	(pc) =	sbr.rel .LBB3_19-.Ltmp22, $2  }
0x163: {  	_ =	sdelay $0x2  }
0x164: {  	[tilespmem:v1+s3+$0x0], v0 =	vst.idx.ret.add.f32.msk $0x1, v0  }
.LBB3_20:
0x165: {  	p0 =	slt.s32 s2, $0x1  }
.Ltmp23:
0x166: {  	_ = 	snop;
	(pc) =	sbr.rel @p0 .LBB3_24-.Ltmp23, $3  }
0x167: {  	_ =	sdelay $0x1  }
0x168: {  	s0 =	simm.s32 $0x6  }
0x169: {  	s3 =	simm.s32 $0x0;
	[sflag:s0] =	ssyncpa.u1 $0x1  }
0x16a: {  	s0 =	simm.s32 $0xC0  }
0x16b: {  	v0 =	vld.msk [tilespmem:s0+$0x0], $0x1;
	_ =	sdelay $0x4  }
0x16c: {  	(v2sf) =	vpush v0, $0x0;
	_ =	sdelay $0xe  }
0x16d: {  	s2 =	sadd.s32 $0xFFFFFFFF, s2;
	s4 =	spop (v2sf)  }
0x16e: {  	p1 =	sne.s32 s2, $0x0;
	p0 =	sgt.u32 s4, $0x27FF  }
.Ltmp24:
0x16f: {  	s5 =	sshrl.u32 @!p0 s4, $0x3;
	(pc) =	sbr.rel @!p1 .LBB3_23-.Ltmp24, $4  }
0x170: {  	s0 =	simm.s32 $0xE0;
	s4 =	sand.u32 @!p0 $0x7, s4;
	s5 =	sadd.s32 @!p0 s1, s5  }
0x171: {  	[hbm4b:s5+s4] =	stream.linear.scatter @!p0 [tilespmem:s0], [sflag:$0x5], $0x1, $0x38;
	[tilespmem:$0x11A60] =	vst v63  }
0x172: {  	s5 =	simm.s32 $0x0  }
0x173: {  	s4 =	simm.s32 $0xC1;
	s5 =	simm.s32 @!p0 $0x4  }
.LBB3_22:
0x174: {  	v0 =	vld.msk [tilespmem:s4+$0x0], $0x1;
	s2 =	sadd.s32 $0xFFFFFFFF, s2;
	s3 =	sadd.s32 s3, s5  }
0x175: {  	p0 =	sne.s32 s2, $0x0;
	_ =	sdelay $0x3  }
0x176: {  	(v2sf) =	vpush v0, $0x0;
	_ =	sdelay $0xe  }
.Ltmp25:
0x177: {  	s6 =	spop (v2sf);
	(pc) =	sbr.rel @p0 .LBB3_22-.Ltmp25, $4  }
0x178: {  	s5 =	simm.s32 $0x0;
	p1 =	sgt.u32 s6, $0x27FF  }
0x179: {  	s0 =	sadd.s32 $0x1, s0;
	s5 =	simm.s32 @!p1 $0x4;
	s7 =	sshrl.u32 @!p1 s6, $0x3  }
0x17a: {  	s4 =	sadd.s32 $0x1, s4;
	s6 =	sand.u32 @!p1 $0x7, s6;
	s7 =	sadd.s32 @!p1 s1, s7  }
0x17b: {  	[hbm4b:s7+s6] =	stream.linear.scatter @!p1 [tilespmem:s0], [sflag:$0x5], $0x1, $0x38;
	[tilespmem:$0x11A60] =	vst v63  }
.LBB3_23:
0x17c: {  	s0 =	sadd.s32 s3, s5  }
0x17d: {  	s3 =	sshrl.u32 s0, $0x2  }
.LBB3_24:
0x17e: {  	s0 =	simm.s32 $0x5  }
0x17f: {  	_ =	swait.ge [sflag:s0], s3  }
0x180: {  	s1 =	ssub.s32 $0x0, s3;
	[sflag:s0] =	ssyncset.done $0x0  }
0x181: {  	[sflag:s0] =	ssyncadd.s32 s1  }
0x182: {  	[sflag:s0] =	ssyncpa.u1 $0x1  }
0x183: {  	s29 =	simm.s32 $0x1;
	_ =	sfence  }
0x184: {  	s30 =	simm.s32 $0x2;
	[sflag:s29] =	ssyncpa.u1 $0x1  }
0x185: {  	[sflag:s30] =	ssyncpa.u1 $0x1  }
0x186: {  	_ =	strace $0x9000004A  }
0x187: {  	[bflag:$0x2] =	sbarrier.arrive $0xFFFF  }
0x188: {  	s31 =	rddreg [dreg:$0x1]  }
0x189: {  	s0 =	sadd.s32 $0x100000, s31  }
0x18a: {  	[sflag:s0] =	ssyncadd.tile.s32 $0x1;
	_ =	shalt  }
.Lfunc_end3:
_tile_overlayer_lowered:
.L_overlay_start_3:
0x18b: {  	(tag) =	ssettag $0x3  }
0x18c: {  	s0 =	rddreg [dreg:$0x0];
	s2 =	stileid.u32  }
0x18d: {  	s1 =	rddreg [dreg:$0x1];
	p0 =	sne.s32 s2, $0x0  }
0x18e: {  	s3 =	rddreg [dreg:$0x2];
	[bflag:$0x3] =	sbarrier.arrive $0xFFFF;
	s2 =	simm.s32 @!p0 $0x1C01  }
0x18f: {  	[timem:s3], [sflag:s2] =	dma.local @!p0 [hbm:s0], s1  }
0x190: {  	s0 =	simm.s32 @!p0 $0x1  }
0x191: {  	_ =	swait.ge @!p0 [sflag:s0], s1  }
0x192: {  	s1 =	ssub.s32 @!p0 $0x0, s1;
	[sflag:s0] =	ssyncset.done @!p0 $0x0  }
0x193: {  	[sflag:s0] =	ssyncadd.s32 @!p0 s1  }
0x194: {  	[bflag:$0x3] =	sbarrier.arrive $0xFFFF  }
0x195: {  	_ =	shalt  }

// kernel: scatter_offload_async_start.3
scs
__scs_entry_jumppad:
0x0: {  	(pc) =	sbr.rel $0x88, $3  }
0x1: {  	(tag) =	ssettag $0x0;
	lr =	simm.s32 $0x1  }
0x2: {  	[smem:$0x3F8D] =	sst lr;
	_ =	strace $0xD0000000  }
0x3: {  	_ = 	snop  }
0x4: {  	_ = 	snop  }
0x5: {  	_ = 	snop  }
0x6: {  	_ = 	snop  }
0x7: {  	_ = 	snop  }
__scs_overlays_trampoline_lowered:
0x8: {  	[smem:$0x3F9C] =	sst s0  }
0x9: {  	[smem:$0x3F9D] =	sst s1  }
0xa: {  	[smem:$0x3F9E] =	sst s2  }
0xb: {  	[smem:$0x3F9F] =	sst s3  }
0xc: {  	[smem:$0x3FA0] =	sst s4  }
0xd: {  	[smem:$0x3FA1] =	sst s5  }
0xe: {  	[smem:$0x3FA2] =	sst s6  }
0xf: {  	[smem:$0x3FA3] =	sst s7  }
0x10: {  	[smem:$0x3FA4] =	sst s8  }
0x11: {  	[smem:$0x3FA5] =	sst s9;
	s0 =	simm.s32 @!p0 $0x0  }
0x12: {  	s1 =	sld [smem:$0x3F8B];
	s0 =	simm.s32 @p0 $0x1  }
0x13: {  	[smem:$0x3FA6] =	sst s0;
	s0 =	simm.s32 @!p1 $0x0  }
0x14: {  	s2 =	sld [smem:$0x3F8A];
	s0 =	simm.s32 @p1 $0x1  }
0x15: {  	[smem:$0x3FA7] =	sst s0;
	s0 =	simm.s32 @!p2 $0x0  }
0x16: {  	s3 =	sld [smem:$0x3FDB];
	s0 =	simm.s32 @p2 $0x1  }
0x17: {  	s4 =	simm.s32 $0x1BF5;
	[smem:$0x3FA9] =	sst s0  }
0x18: {  	s0 =	sld [smem:$0x3F8C];
	_ =	swait.ge [sflag:s4], $0x0  }
0x19: {  	s7 =	sld [smem:$0x3F8D]  }
0x1a: {  	s8 =	sadd.s32 $0xFFFFE003, lr  }
0x1b: {  	s9 =	sadd.s32 $0xFFFFFEF7, lr;
	s5 =	simm.s32 $0xFFFFFFFF;
	p2 =	slt.u32 s8, $0xFFFFF086  }
0x1c: {  	p1 =	slt.u32 s9, $0xF7A;
	s5 =	simm.s32 @!p2 $0x0  }
0x1d: {  	s5 =	simm.s32 @p1 $0x1;
	p0 =	seq.s32 s7, s2  }
0x1e: {  	s7 =	smul.u32 @!p0 $0xF7A, s2;
	p2 =	seq.s32 @!p0 s5, $0x0  }
0x1f: {  	s9 =	smul.u32 $0xF7A, s1;
	s8 =	simm.s32 @!p0 $0x1BF5;
	p2 =	por !p2, p0  }
0x20: {  	[sflag:s8] =	ssyncset.s32 @!p0 $0xFFFFF086;
	s6 =	sadd.s32 @!p0 s3, s7;
	s7 =	simm.s32 @!p0 $0x108  }
0x21: {  	s3 =	sadd.s32 s3, s9;
	s6 =	sadd.s32 @!p0 $0x88, s6;
	s7 =	simm.s32 @p2 $0x1082  }
0x22: {  	[simem:s7], [sflag:s8] =	dma.local @!p0 [hbm:s6], $0xF7A  }
0x23: {  	s9 =	sor.u32 $0xD0000000, s2;
	s6 =	simm.s32 $0x108;
	_ =	swait.ge @!p0 [sflag:s8], $0x0  }
0x24: {  	s3 =	sadd.s32 $0x88, s3;
	s6 =	simm.s32 @!p1 $0x1082;
	[sflag:s4] =	ssyncset.s32 $0xFFFFF086  }
0x25: {  	[simem:s6], [sflag:s4] =	dma.local [hbm:s3], $0xF7A  }
0x26: {  	[smem:$0x3F8D] =	sst s1;
	(tag) =	ssettag s2;
	_ =	strace s9  }
0x27: {  	s1 =	sld [smem:$0x3F9D]  }
0x28: {  	s2 =	sld [smem:$0x3F9E]  }
0x29: {  	s4 =	sld [smem:$0x3FA0]  }
0x2a: {  	p0 =	seq.s32 s5, $0x0;
	s5 =	sld [smem:$0x3FA1]  }
0x2b: {  	s6 =	sld [smem:$0x3FA2]  }
0x2c: {  	s7 =	sld [smem:$0x3FA3]  }
0x2d: {  	s3 =	simm.s32 $0x108;
	s8 =	sld [smem:$0x3FA4]  }
0x2e: {  	s3 =	simm.s32 @!p0 $0x1082;
	s9 =	sld [smem:$0x3FA5]  }
0x2f: {  	lr =	sadd.s32 s0, s3;
	s0 =	sld [smem:$0x3F9C]  }
0x30: {  	s3 =	sld [smem:$0x3F9F]  }
0x31: {  	[smem:$0x3FA8] =	sst s10  }
0x32: {  	s10 =	sld [smem:$0x3FA6];
	_ =	sdelay $0x3  }
0x33: {  	p0 =	seq.s32 s10, $0x1;
	s10 =	sld [smem:$0x3FA8];
	_ =	sdelay $0x3  }
0x34: {  	[smem:$0x3FA8] =	sst s10  }
0x35: {  	s10 =	sld [smem:$0x3FA7];
	_ =	sdelay $0x3  }
0x36: {  	p1 =	seq.s32 s10, $0x1;
	s10 =	sld [smem:$0x3FA8];
	_ =	sdelay $0x3  }
0x37: {  	[smem:$0x3FA8] =	sst s10  }
0x38: {  	s10 =	sld [smem:$0x3FA9]  }
0x39: {  	_ = 	snop;
	(pc) =	sbr.ind lr, $3  }
0x3a: {  	_ = 	snop  }
0x3b: {  	_ = 	snop  }
0x3c: {  	p2 =	seq.s32 s10, $0x1;
	s10 =	sld [smem:$0x3FA8]  }
0x3d: {  	_ =	shalt  }
0x3e: {  	_ =	shalt  }
0x3f: {  	_ =	shalt  }
0x40: {  	_ =	shalt  }
0x41: {  	_ =	shalt  }
0x42: {  	_ =	shalt  }
0x43: {  	_ =	shalt  }
0x44: {  	_ =	shalt  }
0x45: {  	_ =	shalt  }
0x46: {  	_ =	shalt  }
0x47: {  	_ =	shalt  }
0x48: {  	_ =	shalt  }
0x49: {  	_ =	shalt  }
0x4a: {  	_ =	shalt  }
0x4b: {  	_ =	shalt  }
0x4c: {  	_ =	shalt  }
0x4d: {  	_ =	shalt  }
0x4e: {  	_ =	shalt  }
0x4f: {  	_ =	shalt  }
0x50: {  	_ =	shalt  }
0x51: {  	_ =	shalt  }
0x52: {  	_ =	shalt  }
0x53: {  	_ =	shalt  }
0x54: {  	_ =	shalt  }
0x55: {  	_ =	shalt  }
0x56: {  	_ =	shalt  }
0x57: {  	_ =	shalt  }
0x58: {  	_ =	shalt  }
0x59: {  	_ =	shalt  }
0x5a: {  	_ =	shalt  }
0x5b: {  	_ =	shalt  }
0x5c: {  	_ =	shalt  }
0x5d: {  	_ =	shalt  }
0x5e: {  	_ =	shalt  }
0x5f: {  	_ =	shalt  }
0x60: {  	_ =	shalt  }
0x61: {  	_ =	shalt  }
0x62: {  	_ =	shalt  }
0x63: {  	_ =	shalt  }
0x64: {  	_ =	shalt  }
0x65: {  	_ =	shalt  }
0x66: {  	_ =	shalt  }
0x67: {  	_ =	shalt  }
0x68: {  	_ =	shalt  }
0x69: {  	_ =	shalt  }
0x6a: {  	_ =	shalt  }
0x6b: {  	_ =	shalt  }
0x6c: {  	_ =	shalt  }
0x6d: {  	_ =	shalt  }
0x6e: {  	_ =	shalt  }
0x6f: {  	_ =	shalt  }
0x70: {  	_ =	shalt  }
0x71: {  	_ =	shalt  }
0x72: {  	_ =	shalt  }
0x73: {  	_ =	shalt  }
0x74: {  	_ =	shalt  }
0x75: {  	_ =	shalt  }
0x76: {  	_ =	shalt  }
0x77: {  	_ =	shalt  }
0x78: {  	_ =	shalt  }
0x79: {  	_ =	shalt  }
0x7a: {  	_ =	shalt  }
0x7b: {  	_ =	shalt  }
0x7c: {  	_ =	shalt  }
0x7d: {  	_ =	shalt  }
0x7e: {  	_ =	shalt  }
0x7f: {  	_ =	shalt  }
0x80: {  	_ =	shalt  }
0x81: {  	_ =	shalt  }
0x82: {  	_ =	shalt  }
0x83: {  	_ =	shalt  }
0x84: {  	_ =	shalt  }
0x85: {  	_ =	shalt  }
0x86: {  	_ =	shalt  }
0x87: {  	_ =	shalt  }
.Lfunc_end0:
.L_simem_size_0:
called_computation.3_lowered:
.L_overlay_start_0:
0x88: {  	s0 =	sld [smem:$0x3FD9]  }
0x89: {  	s1 =	sld [smem:$0x3FFE];
	_ =	sdelay $0x3  }
0x8a: {  	s0 =	sadd.s32 s1, s0  }
0x8b: {  	[smem:$0x3FB4] =	sst s0  }
0x8c: {  	_ = 	snop  }
0x8d: {  	(tm) =	ssettm $0x1  }
0x8e: {  	s14 =	sld [smem:$0x3FFB];
	_ =	sdelay $0x3  }
0x8f: {  	_ =	strace s14  }
0x90: {  	s0 =	sld [smem:$0x3FFC];
	_ =	sdelay $0x3  }
0x91: {  	_ =	strace s0  }
0x92: {  	s0 =	sld [smem:$0x3FFD];
	_ =	sdelay $0x3  }
0x93: {  	_ =	strace s0  }
0x94: {  	_ =	strace $0x8FFFFFFF  }
0x95: {  	s15 =	sld [smem:$0x3FDB];
	_ =	sdelay $0x1  }
0x96: {  	s16 =	simm.s32 $_scs_section_size  }
0x97: {  	s2 =	simm.s32 $_size__tile_overlayer_lowered;
	s3 =	simm.s32 $_tile_overlayer_lowered  }
0x98: {  	s4 =	simm.s32 $0x1BFF;
	s17 =	sshll.u32 s3, $0x1;
	s1 =	sadd.s32 s16, s15  }
0x99: {  	s18 =	simm.s32 $0x0;
	s2 =	sshll.u32 s2, $0x1;
	s3 =	sadd.s32 s17, s1  }
0x9a: {  	[timem:s18], [sflag:s4] =	dma.local [hbm:s3], s2  }
0x9b: {  	_ =	swait.ge [sflag:s4], s2  }
0x9c: {  	s2 =	ssub.s32 $0x0, s2;
	[sflag:s4] =	ssyncset.done $0x0  }
0x9d: {  	[sflag:s4] =	ssyncadd.s32 s2;
	_ =	sdelay $0x1  }
0x9e: {  	s19 =	simm.s32 $0x1B8B  }
0x9f: {  	_ =	swait.ge [sflag:s19], $0x1  }
0xa0: {  	[sflag:s19] =	ssyncset.done $0x0  }
0xa1: {  	s21 =	simm.s32 $0x1B8E;
	s20 =	sld [smem:$0x3FFE];
	[sflag:s19] =	ssyncadd.s32 $0xFFFFFFFF  }
0xa2: {  	s22 =	simm.s32 $execute0_lowered;
	[smem:$0x3FD2] =	sst s21  }
0xa3: {  	s3 =	sshll.u32 s22, $0x1;
	_ =	strace $0x8000004C;
	[dreg:$0x1] =	wrdreg $0xFFFFFFFF  }
0xa4: {  	s23 =	simm.s32 $_size_execute0_lowered;
	s3 =	sadd.s32 s1, s3;
	[dreg:$0x0] =	wrdreg $0x0  }
0xa5: {  	s4 =	sshll.u32 s23, $0x1;
	[dreg:$0x2] =	wrdreg s3  }
0xa6: {  	[dreg:$0x3] =	wrdreg s4  }
0xa7: {  	[dreg:$0x4] =	wrdreg $0xC0  }
0xa8: {  	s24 =	simm.s32 $execute1_lowered;
	_ =	task [dreg:s18], $0x5FFFF  }
0xa9: {  	s3 =	sshll.u32 s24, $0x1;
	[dreg:$0x1] =	wrdreg $0xFFFFFFFF  }
0xaa: {  	s1 =	sadd.s32 s1, s3;
	[dreg:$0x0] =	wrdreg $0x60  }
0xab: {  	[dreg:$0x2] =	wrdreg s1  }
0xac: {  	[dreg:$0x3] =	wrdreg s20  }
0xad: {  	[dreg:$0x4] =	wrdreg $0xB  }
0xae: {  	_ =	task.clear_ibuf [dreg:s18], $0x5FFFF;
	_ =	strace $0x9000004C  }
0xaf: {  	s25 =	simm.s32 $0xB;
	_ =	strace $0x8000004E  }
0xb0: {  	_ =	swait.ge [sflag:s25], $0x1  }
0xb1: {  	[sflag:s25] =	ssyncadd.s32 $0xFFFFFFFF  }
0xb2: {  	_ =	strace $0x9000004E  }
0xb3: {  	_ =	strace $0x8000004F;
	[dreg:$0x1] =	wrdreg $0xFFFFFFFF  }
0xb4: {  	[dreg:$0x0] =	wrdreg $0x2030  }
0xb5: {  	[dreg:$0x2] =	wrdreg s20  }
0xb6: {  	[dreg:$0x3] =	wrdreg $0xC  }
0xb7: {  	_ =	task.clear_ibuf [dreg:s18], $0x4FFFF;
	_ =	strace $0x9000004F  }
0xb8: {  	s26 =	simm.s32 $0xC;
	_ =	strace $0x80000051  }
0xb9: {  	_ =	swait.ge [sflag:s26], $0x1  }
0xba: {  	[sflag:s26] =	ssyncadd.s32 $0xFFFFFFFF  }
0xbb: {  	_ =	strace $0x90000051  }
0xbc: {  	_ =	sfence  }
0xbd: {  	s28 =	sld [smem:$0x0];
	_ =	sdelay $0x1  }
0xbe: {  	s29 =	srdreg.scid  }
0xbf: {  	s30 =	sshll.u32 s29, $0xD;
	s31 =	sshrl.u32 s29, $0x2  }
0xc0: {  	s2 =	sand.u32 $0x1, s29;
	s3 =	sand.u32 $0x4000, s30;
	s1 =	sadd.s32 s31, s28  }
0xc1: {  	s2 =	sor.u32 s3, s2;
	s1 =	sshll.u32 s1, $0x11  }
0xc2: {  	s1 =	sor.u32 s1, s2  }
0xc3: {  	s1 =	sadd.s32 $0x8F2B, s1  }
0xc4: {  	[sflag:s1] =	ssyncadd.remote.s32 $0x1  }
0xc5: {  	_ =	sfence.sel $0xFFFF  }
0xc6: {  	[dreg:$0x0] =	wrdreg $0xFFFFFFFF;
	(pc) =	sbr.abs _section_cstart, $3  }
0xc7: {  	[dreg:$0x1] =	wrdreg $0xFFFFFFFF  }
0xc8: {  	_ =	task.clear_ibuf [dreg:s18], $0x2FFFF;
	_ =	strace $0x9FFFFFFF  }
0xc9: {  	(tm) =	ssettm $0x7FFFFFFF  }
tec
execute0_lowered:
.L_overlay_start_1:
0x0: {  	(tag) =	ssettag $0x1  }
0x1: {  	s2 =	rddreg [dreg:$0x0]  }
0x2: {  	s4 =	rddreg [dreg:$0x1]  }
0x3: {  	s0 =	rddreg [dreg:$0x2];
	s3 =	stileid.u32  }
0x4: {  	[bflag:$0x3] =	sbarrier.arrive $0xFFFF;
	s1 =	simm.s32 $_size_execute1_lowered;
	p0 =	sne.s32 s3, $0x0  }
0x5: {  	s1 =	sshll.u32 s1, $0x1;
	s5 =	simm.s32 @!p0 $0x1C3F;
	s6 =	simm.s32 @!p0 $0x4060  }
0x6: {  	[timem:s6], [sflag:s5] =	dma.local @!p0 [hbm:s2], s1  }
0x7: {  	s2 =	smul.u32 $0x280, s3  }
.Ltmp0:
0x8: {  	s31 =	simm.s32 $0x2;
	s7 =	simm.s32 $0x280;
	(pc) =	sbr.rel .LBB2_1-.Ltmp0, $4  }
0x9: {  	s8 =	simm.s32 $0x780;
	s10 =	simm.s32 $0x0;
	s9 =	simm.s32 $0x0  }
0xa: {  	s3 =	simm.s32 $0x1;
	_ =	strace $0x8000004D;
	s30 =	sshrl.u32 s2, $0x3  }
0xb: {  	s6 =	simm.s32 $0x0;
	[sflag:s3] =	ssyncpa.u1 $0x0;
	s5 =	sadd.s32 s30, s4  }
0xc: {  	s4 =	sadd.s32 $0x63800, s4;
	[sflag:s31] =	ssyncpa.u1 $0x0;
	s5 =	sadd.s32 $0x45200, s5  }
.LBB2_8:
0xd: {  	p1 =	seq.s32 s9, $0x2  }
.Ltmp1:
0xe: {  	_ = 	snop;
	(pc) =	sbr.rel @p1 .LBB2_10-.Ltmp1, $1  }
0xf: {  	_ =	sdelay $0x3  }
.LBB2_9:
0x10: {  	s9 =	sadd.s32 $0x1, s9;
	s10 =	smov.u32 s2  }
.LBB2_1:
0x11: {  	p1 =	sne.s32 s9, $0x0  }
.Ltmp2:
0x12: {  	_ = 	snop;
	(pc) =	sbr.rel @!p1 .LBB2_2-.Ltmp2, $1  }
0x13: {  	_ =	sdelay $0x3  }
0x14: {  	s11 =	sand.u32 $0x1, s9  }
0x15: {  	p1 =	seq.s32 s11, $0x0  }
.Ltmp3:
0x16: {  	_ = 	snop;
	(pc) =	sbr.rel @p1 .LBB2_8-.Ltmp3, $1  }
0x17: {  	_ =	sdelay $0x3  }
0x18: {  	_ =	swait.ge [sflag:s3], $0x280  }
0x19: {  	[sflag:s3] =	ssyncset.done $0x0  }
0x1a: {  	s11 =	simm.s32 $0x0;
	p1 =	por $0x1, $0x1;
	[sflag:s3] =	ssyncadd.s32 $0xFFFFFD80  }
.LBB2_5:
0x1b: {  	v0 =	vld [tilespmem:s11+$0x280]  }
0x1c: {  	v1 =	vld [tilespmem:s11+$0x290]  }
0x1d: {  	v2 =	vld [tilespmem:s11+$0x2A0]  }
0x1e: {  	v3 =	vld [tilespmem:s11+$0x2B0]  }
0x1f: {  	v4 =	vld [tilespmem:s11+$0x2C0]  }
0x20: {  	v53 =	vld [tilespmem:s11+$0x2D0];
	[tilespmem:s11+$0x780] =	vst v0  }
0x21: {  	v54 =	vld [tilespmem:s11+$0x2E0];
	[tilespmem:s11+$0x790] =	vst v1  }
0x22: {  	v55 =	vld [tilespmem:s11+$0x2F0];
	[tilespmem:s11+$0x7A0] =	vst v2  }
0x23: {  	v56 =	vld [tilespmem:s11+$0x300];
	[tilespmem:s11+$0x7B0] =	vst v3  }
0x24: {  	v57 =	vld [tilespmem:s11+$0x310];
	[tilespmem:s11+$0x7C0] =	vst v4  }
0x25: {  	v58 =	vld [tilespmem:s11+$0x320];
	[tilespmem:s11+$0x7D0] =	vst v53  }
0x26: {  	v59 =	vld [tilespmem:s11+$0x330];
	[tilespmem:s11+$0x7E0] =	vst v54  }
0x27: {  	v60 =	vld [tilespmem:s11+$0x340];
	[tilespmem:s11+$0x7F0] =	vst v55  }
0x28: {  	v61 =	vld [tilespmem:s11+$0x350];
	[tilespmem:s11+$0x800] =	vst v56  }
0x29: {  	v62 =	vld [tilespmem:s11+$0x360];
	[tilespmem:s11+$0x810] =	vst v57  }
0x2a: {  	v63 =	vld [tilespmem:s11+$0x370];
	p2 =	por p1, p1;
	[tilespmem:s11+$0x820] =	vst v58  }
.Ltmp4:
0x2b: {  	[tilespmem:s11+$0x830] =	vst v59;
	(pc) =	sbr.rel @p2 .LBB2_5-.Ltmp4, $4  }
0x2c: {  	[tilespmem:s11+$0x840] =	vst v60  }
0x2d: {  	[tilespmem:s11+$0x850] =	vst v61  }
0x2e: {  	s12 =	simm.s32 $0x1F0;
	s13 =	simm.s32 $0x980;
	[tilespmem:s11+$0x860] =	vst v62  }
0x2f: {  	s14 =	simm.s32 $0x480;
	p1 =	por $0x0, $0x0;
	[tilespmem:s11+$0x870] =	vst v63;
	s11 =	simm.s32 $0x100  }
.LBB2_6:
0x30: {  	s12 =	sadd.s32 $0x10, s12  }
0x31: {  	v0 =	vld [tilespmem:s14+$0x0];
	p1 =	slt.u32 s12, $0x270  }
.Ltmp5:
0x32: {  	_ = 	snop;
	(pc) =	sbr.rel @p1 .LBB2_6-.Ltmp5, $2  }
0x33: {  	_ =	sdelay $0x2  }
0x34: {  	s14 =	sadd.s32 $0x10, s14;
	[tilespmem:s13+$0x0] =	vst v0;
	s13 =	sadd.s32 $0x10, s13  }
.Ltmp6:
0x35: {  	(pc) =	sbr.rel .LBB2_8-.Ltmp6, $4  }
0x36: {  	_ = 	snop  }
0x37: {  	s10 =	sshrl.u32 s10, $0x3  }
0x38: {  	s10 =	sadd.s32 s4, s10  }
0x39: {  	[hbm4b:s10+s6] =	stream.linear.scatter [tilespmem:s8], [sflag:$0x2], $0x280, $0x38;
	[tilespmem:$0xA00] =	vst v63  }
.LBB2_2:
.Ltmp7:
0x3a: {  	(pc) =	sbr.rel .LBB2_9-.Ltmp7, $2  }
0x3b: {  	_ =	sdelay $0x2  }
0x3c: {  	[tilespmem:s7], [sflag:$0x1] =	stream.linear.gather [hbm4b:s5+s6], $0x280, $0x38;
	[tilespmem:$0xA00] =	vst v63  }
.LBB2_10:
0x3d: {  	s2 =	simm.s32 $0x2  }
0x3e: {  	_ =	swait.ge [sflag:s2], $0x280  }
0x3f: {  	[sflag:s2] =	ssyncset.done $0x0  }
0x40: {  	[sflag:s2] =	ssyncadd.s32 $0xFFFFFD80  }
0x41: {  	_ =	sfence.sel $0x180000  }
0x42: {  	s3 =	simm.s32 $0x1;
	[bflag:$0x0] =	sbarrier.arrive $0xFFFF  }
0x43: {  	[sflag:s3] =	ssyncpa.u1 $0x1  }
0x44: {  	[sflag:s2] =	ssyncpa.u1 $0x1  }
0x45: {  	_ =	strace $0x9000004D  }
0x46: {  	s0 =	sadd.s32 @!p0 $0x100000, s0;
	[bflag:$0x2] =	sbarrier.arrive $0xFFFF  }
0x47: {  	[sflag:s0] =	ssyncadd.tile.s32 @!p0 $0x1;
	s0 =	simm.s32 @!p0 $0x3F  }
0x48: {  	_ =	swait.ge @!p0 [sflag:s0], s1  }
0x49: {  	s1 =	ssub.s32 @!p0 $0x0, s1;
	[sflag:s0] =	ssyncset.done @!p0 $0x0  }
0x4a: {  	[sflag:s0] =	ssyncadd.s32 @!p0 s1  }
0x4b: {  	[bflag:$0x3] =	sbarrier.arrive $0xFFFF  }
0x4c: {  	_ =	shalt  }
.Lfunc_end2:
execute1_lowered:
.L_overlay_start_2:
0x4d: {  	(tag) =	ssettag $0x2  }
0x4e: {  	s0 =	rddreg [dreg:$0x0];
	_ =	strace $0x80000050;
	s15 =	stileid.u32  }
0x4f: {  	s2 =	simm.s32 $0x1;
	s1 =	smin.u32 s15, $0x8;
	s3 =	sshll.u32 s15, $0x1  }
0x50: {  	v1 =	vimm.s32 $0xFFFFFFFF;
	[sflag:s2] =	ssyncpa.u1 $0x0;
	s1 =	sadd.s32 s1, s3  }
0x51: {  	p0 =	slt.u32 s15, $0x8;
	[tilespmem:$0x10] =	vst v1;
	s4 =	smul.u32 $0x1F40, s1;
	s1 =	simm.s32 $0x5DC0  }
0x52: {  	v0 =	vimm.f32 $0.0e+00;
	[tilespmem:$0x20] =	vst v1;
	s1 =	simm.s32 @!p0 $0x3E80  }
0x53: {  	[tilespmem:$0x30] =	vst v0;
	s1 =	sadd.s32 s1, s4  }
0x54: {  	[tilespmem:$0x40] =	vst v0;
	s5 =	smin.u32 s1, $0x4E200  }
0x55: {  	s7 =	simm.s32 $0x2;
	s8 =	simm.s32 $0x8;
	[tilespmem:$0x50] =	vst v0;
	s9 =	ssub.s32 s5, s4  }
0x56: {  	s31 =	simm.s32 $0x9;
	s16 =	simm.s32 $0x0;
	[tilespmem:$0x60] =	vst v1;
	p0 =	sgt.s32 s9, $0x0  }
0x57: {  	s17 =	simm.s32 $0xF0;
	s18 =	simm.s32 $0xFFFFFFFF;
	[tilespmem:$0x70] =	vst v1;
	s9 =	simm.s32 @!p0 $0x0  }
0x58: {  	s19 =	simm.s32 $0xFFFFC280;
	s20 =	simm.s32 $0xFFFFFFFE;
	[tilespmem:$0x80] =	vst v1;
	s30 =	smulhi.u32 $0x10624DD3, s9  }
0x59: {  	s21 =	simm.s32 $0xF;
	s25 =	simm.s32 $0x0;
	s24 =	simm.s32 $0x0;
	v1 =	vimm.s32 $0x0;
	[tilespmem:$0xB0] =	vst v0  }
0x5a: {  	s6 =	sadd.s32 $0x13C00, s0;
	s15 =	sshllo.u32 s15, $0x1;
	[tilespmem:$0x90] =	vst v1;
	s10 =	sshrl.u32 s30, $0x9  }
0x5b: {  	[tilespmem:$0xA0] =	vst v1;
	[sflag:s7] =	ssyncpa.u1 $0x0;
	s7 =	simm.s32 $0x7;
	s11 =	smul.u32 $0x1F40, s10  }
.Ltmp8:
0x5c: {  	s13 =	sor.u32 $0x80, s3;
	[sflag:s7] =	ssyncpa.u1 $0x0;
	(pc) =	sbr.rel .LBB3_1-.Ltmp8, $4  }
0x5d: {  	s14 =	sor.u32 $0x81, s3;
	[sflag:s8] =	ssyncpa.u1 $0x0;
	p0 =	sne.s32 s9, s11  }
0x5e: {  	s23 =	smov.u32 s4;
	s1 =	sadd.s32 $0x63800, s0;
	s2 =	simm.s32 @!p0 $0x0  }
0x5f: {  	vm0 =	vmmov $0xffff;
	v2 =	vlaneseq.u32;
	[sflag:s31] =	ssyncpa.u1 $0x0;
	s9 =	sadd.s32 $0x59A00, s0;
	s10 =	sadd.s32 s2, s10  }
0x60: {  	vm1 =	vmxor vm1, vm1;
	vm2 =	vmmov $0x1;
	vm3 =	vcmask $0x3F3C;
	p0 =	por $0x0, $0x0;
	s11 =	sadd.s32 $0x1, s10;
	s12 =	sadd.s32 $0x2, s10  }
.LBB3_9:
0x61: {  	p1 =	slt.u32 s24, $0x3  }
0x62: {  	s0 =	simm.s32 @!p1 $0x2  }
0x63: {  	_ =	swait.ge @!p1 [sflag:s0], $0x1F40  }
0x64: {  	[sflag:s0] =	ssyncset.done @!p1 $0x0  }
0x65: {  	[sflag:s0] =	ssyncadd.s32 @!p1 $0xFFFFE0C0;
	s0 =	simm.s32 @!p1 $0x9  }
0x66: {  	_ =	swait.ge @!p1 [sflag:s0], $0x10  }
0x67: {  	[sflag:s0] =	ssyncset.done @!p1 $0x0  }
0x68: {  	[sflag:s0] =	ssyncadd.s32 @!p1 $0xFFFFFFF0;
	p1 =	sne.s32 s24, s12  }
.Ltmp9:
0x69: {  	s2 =	sadd.s32 $0x1F40, s23;
	(pc) =	sbr.rel @!p1 .LBB3_10-.Ltmp9, $4  }
0x6a: {  	s22 =	smov.u32 s4;
	s31 =	sadd.s32 $0x1, s24;
	s17 =	sadd.s32 $0x1F40, s17  }
0x6b: {  	s18 =	sadd.s32 $0x1, s18;
	s25 =	smov.u32 s23;
	p2 =	slt.s32 s2, s5  }
0x6c: {  	p0 =	por !p0, !p0;
	s19 =	sadd.s32 $0x1F40, s19;
	s22 =	smov.u32 @p2 s2  }
0x6d: {  	s20 =	sadd.s32 $0x1, s20;
	s23 =	smov.u32 s22;
	s24 =	smov.u32 s31  }
.LBB3_1:
0x6e: {  	p1 =	sge.u32 s24, s10  }
0x6f: {  	s0 =	smulhi.u32 @!p1 $0xAAAAAAAB, s24;
	_ =	sdelay $0x1  }
0x70: {  	s0 =	sshrl.u32 @!p1 s0, $0x1  }
0x71: {  	s0 =	smul.u32 @!p1 $0x3, s0;
	_ =	sdelay $0x1  }
0x72: {  	s0 =	ssub.s32 @!p1 s24, s0  }
0x73: {  	s0 =	smul.u32 @!p1 $0x7D00, s0;
	_ =	sdelay $0x1  }
0x74: {  	s2 =	sshrl.u32 @!p1 s23, $0x3;
	s0 =	sshrl.u32 @!p1 s0, $0x2  }
0x75: {  	s22 =	sand.u32 @!p1 $0x7, s23;
	s2 =	sadd.s32 @!p1 s6, s2;
	s0 =	sadd.s32 @!p1 $0x100, s0  }
0x76: {  	[tilespmem:s0], [sflag:$0x7] =	stream.linear.gather @!p1 [hbm4b:s2+s22], $0x1F40, $0x38;
	[tilespmem:$0x11A60] =	vst v63  }
0x77: {  	s0 =	sadd.s32 $0xFFFFFFFF, s24  }
0x78: {  	p1 =	sge.u32 s0, s10  }
.Ltmp10:
0x79: {  	_ = 	snop;
	(pc) =	sbr.rel @p1 .LBB3_5-.Ltmp10, $1  }
0x7a: {  	_ =	sdelay $0x3  }
0x7b: {  	s2 =	smulhi.u32 $0xAAAAAAAB, s0;
	_ =	sdelay $0x1  }
0x7c: {  	s2 =	sshrl.u32 s2, $0x1  }
0x7d: {  	s2 =	smul.u32 $0x3, s2;
	_ =	sdelay $0x1  }
0x7e: {  	s2 =	ssub.s32 s0, s2  }
0x7f: {  	s2 =	smul.u32 $0x7D00, s2  }
0x80: {  	_ =	swait.ge [sflag:s7], $0x1F40  }
0x81: {  	[sflag:s7] =	ssyncset.done $0x0;
	s2 =	sshrl.u32 s2, $0x2  }
0x82: {  	[sflag:s7] =	ssyncadd.s32 $0xFFFFE0C0;
	(ifvalue) =	ssetifvalue $0xFFFFFFFF;
	v3 =	vld.msk [tilespmem:s2+$0x100 ss:$0x1], $0xffff;
	_ =	sdelay $0x2  }
0x83: {  	s30 =	smulhi.u32 $0xAAAAAAAB, s18;
	p1 =	sne.s32 s24, $0x1  }
0x84: {  	v4 =	vimm.s32 @!p1 $0x0  }
0x85: {  	s2 =	sshrl.u32 s30, $0x1;
	v4 =	vperm.xlane @!p1 v3, v4  }
0x86: {  	s22 =	sshll.u32 s24, $0x4;
	s2 =	smul.u32 $0xFFFE8900, s2;
	vm4 =	vlt.u32 v3, $0x2800  }
0x87: {  	s22 =	sand.u32 $0x10, s22;
	v3 =	vnsel vm4, $0xFFFFFFFE, v3;
	vm4 =	vlt.u32 @!p1 v4, $0x2800  }
0x88: {  	s2 =	sshra.s32 s2, $0x2;
	[tilespmem:s22+$0x60] =	vst v3;
	v3 =	vnsel @!p1 vm4, $0xFFFFFFFE, v4  }
0x89: {  	s28 =	sadd.s32 s2, s17;
	[tilespmem:$0x80] =	vst @!p1 v3  }
0x8a: {  	v3 =	vld.msk [tilespmem:s28+$0x0 ss:$0x1], $0xffff;
	_ =	sdelay $0x4  }
0x8b: {  	(xrf1) =	vunique.msk.u32 $0xffff, v3;
	_ =	sdelay $0xd  }
0x8c: {  	v4 =	vimm.s32 $0xFFFFFFFF;
	v5, _, _ =	vpop (xrf1)  }
0x8d: {  	vm5 =	vne.s32 v3, v4;
	vm4 =	veq.s32 v5, v2  }
0x8e: {  	vm6 =	vlt.u32 v3, $0x2800;
	vm4 =	vmand vm5, vm4  }
0x8f: {  	vm4 =	vmand vm6, vm4  }
0x90: {  	v4 =	vnsel vm4, $0xFFFFFFFF, v3  }
0x91: {  	s31 =	sand.u32 $0x1, s0  }
0x92: {  	s0 =	simm.s32 $0x1F40;
	p1 =	seq.s32 s31, $0x1  }
0x93: {  	s0 =	simm.s32 @!p1 $0x0  }
0x94: {  	s26 =	sadd.s32 $0x7DF0, s0;
	(ifvalue) =	ssetifvalue $0xFFFFFFFF  }
0x95: {  	v3 =	vperm.xlane v3, v1;
	[tilespmem:s26], [sflag:$0x8] =	stream.indirect_vreg.gather [hbm4b:s1+s16], $0x1, v4, vm0, $0x4038;
	v4 =	vnsel vm6, $0xFFFFFFFE, v4;
	[tilespmem:$0x11A60] =	vst v63  }
0x96: {  	s2 =	simm.s32 $0x0;
	s22 =	sadd.s32 $0xFFFFFFF0, s28;
	[tilespmem:s28+$0x0] =	vst v4  }
.LBB3_3:
0x97: {  	v4 =	vld.msk [tilespmem:s22+$0x0 ss:$0x1], $0xffff;
	s2 =	sadd.s32 $0x10, s2;
	v5 =	vmov v3;
	s28 =	smov.u32 s22  }
0x98: {  	p1 =	slt.u32 s2, $0x1F30;
	_ =	sdelay $0x4  }
0x99: {  	v3 =	vperm.xlane v4, v1;
	(xrf1) =	vunique.msk.u32 $0xffff, v4;
	_ =	sdelay $0xd  }
0x9a: {  	v6, _, _ =	vpop (xrf1)  }
0x9b: {  	vm5 =	vne.s32 v4, v5;
	vm4 =	veq.s32 v6, v2  }
0x9c: {  	vm6 =	vlt.u32 v4, $0x2800;
	vm4 =	vmand vm5, vm4  }
0x9d: {  	vm4 =	vmand vm6, vm4  }
0x9e: {  	v4 =	vnsel vm4, $0xFFFFFFFF, v4  }
.Ltmp11:
0x9f: {  	v5 =	vnsel vm6, $0xFFFFFFFE, v4;
	(pc) =	sbr.rel @p1 .LBB3_3-.Ltmp11, $3  }
0xa0: {  	_ =	sdelay $0x1  }
0xa1: {  	s22 =	sadd.s32 $0xFFFFFFF0, s22;
	s26 =	sadd.s32 $0xFFFFFFF0, s26;
	(ifvalue) =	ssetifvalue $0xFFFFFFFF  }
0xa2: {  	[tilespmem:s26], [sflag:$0x8] =	stream.indirect_vreg.gather [hbm4b:s1+s16], $0x1, v4, vm0, $0x4038;
	[tilespmem:s28+$0x0] =	vst v5  }
0xa3: {  	s2 =	sshrl.u32 s25, $0x3  }
0xa4: {  	s0 =	sadd.s32 $0x9D40, s0;
	s2 =	sadd.s32 s9, s2  }
0xa5: {  	[tilespmem:s0], [sflag:$0x8] =	stream.linear.gather [hbm:s2], $0x1F40, $0x38;
	[tilespmem:$0x11A60] =	vst v63  }
.LBB3_5:
0xa6: {  	p1 =	slt.u32 s24, $0x2  }
0xa7: {  	p2 =	sge.u32 @!p1 s24, s12  }
0xa8: {  	p1 =	por p1, p2  }
.Ltmp12:
0xa9: {  	_ = 	snop;
	(pc) =	sbr.rel @p1 .LBB3_9-.Ltmp12, $1  }
0xaa: {  	_ =	sdelay $0x3  }
0xab: {  	s0 =	sadd.s32 $0xFFFFFFFE, s24  }
0xac: {  	s2 =	smulhi.u32 $0xAAAAAAAB, s0;
	_ =	sdelay $0x1  }
0xad: {  	s2 =	sshrl.u32 s2, $0x1  }
0xae: {  	s2 =	smul.u32 $0x3, s2;
	_ =	sdelay $0x1  }
0xaf: {  	s0 =	ssub.s32 s0, s2  }
0xb0: {  	_ =	swait.ge [sflag:s8], $0x3E80;
	s0 =	smul.u32 $0x1F40, s0  }
0xb1: {  	p1 =	sne.s32 s24, s11;
	[sflag:s8] =	ssyncset.done $0x0  }
0xb2: {  	[sflag:s8] =	ssyncadd.s32 $0xFFFFC180;
	s2 =	sadd.s32 @!p1 $0x203F, s0  }
0xb3: {  	[spmem:s14] =	stream.linear.scatter @!p1 [tilespmem:s2], [sflag:$0x1], $0x1, $0x38;
	[tilespmem:$0x11A60] =	vst v63  }
0xb4: {  	s2 =	simm.s32 @!p1 $0x1  }
0xb5: {  	_ =	swait.ge @!p1 [sflag:s2], $0x1  }
0xb6: {  	s22 =	sshll.u32 s24, $0x4;
	[sflag:s2] =	ssyncset.done @!p1 $0x0  }
0xb7: {  	s25 =	sand.u32 $0x10, s22;
	[sflag:s2] =	ssyncadd.s32 @!p1 $0xFFFFFFFF  }
0xb8: {  	s2 =	sxor.u32 $0x10, s25;
	v4 =	vld [tilespmem:s25+$0x10]  }
0xb9: {  	v5 =	vld [tilespmem:s2+$0x60]  }
0xba: {  	v3 =	vld [tilespmem:$0x80];
	_ =	sdelay $0x2  }
0xbb: {  	(v2sf) =	vpush v4, $0x0  }
0xbc: {  	(v2sf) =	vpush v5, $0x0  }
0xbd: {  	(v2sf) =	vpush v3, $0x0;
	_ =	sdelay $0xc  }
0xbe: {  	s22 =	spop (v2sf)  }
0xbf: {  	s26 =	spop (v2sf)  }
0xc0: {  	s28 =	spop (v2sf)  }
0xc1: {  	p2 =	seq.s32 s22, s26;
	p3 =	seq.s32 s28, s22  }
0xc2: {  	p3 =	por p2, p3  }
0xc3: {  	s26 =	sand.u32 $0x1, s24;
	v4 =	vpsel p3, $0xFFFFFFFF, v4  }
0xc4: {  	s29 =	smul.u32 $0x1F40, s26;
	[tilespmem:s25+$0x10] =	vst.msk $0x1, v4  }
0xc5: {  	v4 =	vld [tilespmem:$0x30]  }
0xc6: {  	v5 =	vld [tilespmem:s29+$0x9D40]  }
0xc7: {  	v6 =	vld [tilespmem:s25+$0x40];
	_ =	sdelay $0x3  }
0xc8: {  	vm4 =	vmmov vm1;
	v5 =	vadd.f32 v5, v4  }
0xc9: {  	vm5 =	vmmov vm2;
	vm4 =	vmmov @p2 vm2;
	s22 =	sshll.u32 s26, $0x4;
	v4 =	vadd.f32 v6, v4  }
0xca: {  	s26 =	sor.u32 $0x11A40, s22;
	vm5 =	vmmov @p3 vm1;
	[tilespmem:s29+$0x9D40] =	vst.msk vm4, v5  }
0xcb: {  	[tilespmem:s26+$0x0] =	vst.msk vm5, v4  }
0xcc: {  	v4 =	vld [tilespmem:s29+$0x7DF0];
	_ =	sdelay $0x3  }
0xcd: {  	v5 =	vimm.f32 $0.0e+00  }
0xce: {  	v4 =	vshift.insert v4, v5, s21  }
0xcf: {  	s22 =	sor.u32 $0x40, s2  }
0xd0: {  	[tilespmem:s22+$0x0] =	vst.msk $0x1, v4  }
0xd1: {  	[tilespmem:s29+$0x7DFF] =	vst.msk $0x1, v5  }
0xd2: {  	v4 =	vld [tilespmem:s0+$0x2030];
	_ =	sdelay $0x1  }
0xd3: {  	s22 =	smulhi.u32 $0xAAAAAAAB, s20;
	s0 =	simm.s32 $0x1  }
0xd4: {  	s0 =	simm.s32 @!p0 $0x0  }
0xd5: {  	s22 =	sshrl.u32 s22, $0x1;
	s0 =	smul.u32 $0x7D00, s0  }
0xd6: {  	s22 =	smul.u32 $0xFFFE8900, s22;
	v4 =	vshift.insert v4, v1, s21  }
0xd7: {  	s0 =	sshrl.u32 s0, $0x2  }
0xd8: {  	s22 =	sshra.s32 s22, $0x2;
	s30 =	sadd.s32 $0x9D40, s0;
	[tilespmem:s2+$0x10] =	vst.msk $0x1, v4  }
0xd9: {  	s22 =	sadd.s32 s22, s19;
	v6 =	vld [tilespmem:s30+$0x0]  }
0xda: {  	v7 =	vld [tilespmem:s22+$0x0];
	_ =	sdelay $0x3  }
0xdb: {  	v5 =	vadd.f32 v6, v5  }
0xdc: {  	vm4 =	vne.s32 v7, $0xFFFFFFFF  }
0xdd: {  	(xrf2) =	vadd.seg.scan.f32 vm4, v5;
	_ =	sdelay $0x3  }
0xde: {  	s31 =	sadd.s32 $0x5EC0, s0;
	v5 =	vperm.xlane v4, v1  }
0xdf: {  	v6 =	vld [tilespmem:s31+$0x0]  }
0xe0: {  	vm5 =	veq.s32 v7, v3;
	vm6 =	veq.s32 v7, v5  }
0xe1: {  	vm7 =	vgt.u32 v7, $0xFFFFFFFD;
	vm6 =	vmor vm6, vm5  }
0xe2: {  	vm6 =	vmor vm6, vm7  }
0xe3: {  	v9 =	vld [tilespmem:$0xA0];
	v7 =	vsel vm6, $0xFFFFFFFF, v7  }
0xe4: {  	v10 =	vld [tilespmem:$0x90];
	v6 =	vsel vm5, $0x0, v6;
	v8, _, _ =	vpop (xrf2)  }
0xe5: {  	v6 =	vadd.f32 v8, v6  }
0xe6: {  	s0 =	sadd.s32 $0xDBC0, s0  }
0xe7: {  	vm4 =	vmand vm4, vm3;
	[tilespmem:s0+$0x0] =	vst v6;
	(ifvalue) =	ssetifvalue $0xFFFFFFFF  }
0xe8: {  	vm6 =	veq.s32 v9, $0x1;
	[hbm4b:s1+s16] =	stream.indirect_vreg.scatter [tilespmem:s0], [sflag:$0x2], $0x1, v7, vm0, $0x4038;
	v7 =	vsel vm4, $0x0, v8;
	[tilespmem:$0x11A60] =	vst v63  }
0xe9: {  	s2 =	simm.s32 $0x0;
	s22 =	sadd.s32 $0x10, s22;
	vm4 =	vmor vm6, vm5;
	v6 =	vsel vm5, v8, v10;
	v7 =	vshift.insert v7, v0, s21  }
.LBB3_7:
0xea: {  	v8 =	vld [tilespmem:s22+$0x0];
	s30 =	sadd.s32 $0x10, s30  }
0xeb: {  	s31 =	sadd.s32 $0x10, s31;
	v9 =	vld [tilespmem:s30+$0x0]  }
0xec: {  	s2 =	sadd.s32 $0x10, s2;
	v10 =	vld [tilespmem:s31+$0x0]  }
0xed: {  	p2 =	slt.u32 s2, $0x1F30;
	_ =	sdelay $0x2  }
0xee: {  	v7 =	vadd.f32 v9, v7  }
0xef: {  	vm5 =	vne.s32 v8, $0xFFFFFFFF  }
0xf0: {  	vm6 =	vmand vm5, vm3;
	(xrf2) =	vadd.seg.scan.f32 vm5, v7;
	_ =	sdelay $0x5  }
0xf1: {  	vm7 =	veq.s32 v8, v5;
	vm5 =	veq.s32 v8, v3  }
0xf2: {  	vm8 =	vgt.u32 v8, $0xFFFFFFFD;
	vm4 =	vmor vm4, vm5;
	vm7 =	vmor vm7, vm5  }
0xf3: {  	vm7 =	vmor vm7, vm8  }
0xf4: {  	v8 =	vsel vm7, $0xFFFFFFFF, v8  }
.Ltmp13:
0xf5: {  	v7 =	vsel vm5, $0x0, v10;
	v9, _, _ =	vpop (xrf2);
	(pc) =	sbr.rel @p2 .LBB3_7-.Ltmp13, $4  }
0xf6: {  	v6 =	vsel vm5, v9, v6;
	v10 =	vadd.f32 v9, v7;
	v7 =	vsel vm6, $0x0, v9  }
0xf7: {  	s0 =	sadd.s32 $0x10, s0;
	v7 =	vshift.insert v7, v0, s21  }
0xf8: {  	s22 =	sadd.s32 $0x10, s22;
	[tilespmem:s0+$0x0] =	vst v10;
	(ifvalue) =	ssetifvalue $0xFFFFFFFF  }
0xf9: {  	[hbm4b:s1+s16] =	stream.indirect_vreg.scatter [tilespmem:s0], [sflag:$0x2], $0x1, v8, vm0, $0x4038;
	[tilespmem:$0x11A60] =	vst v63  }
0xfa: {  	v3 =	vld [tilespmem:s29+$0xFAF0];
	_ =	sdelay $0x4  }
0xfb: {  	v3 =	vshift.insert v3, v0, s21  }
0xfc: {  	s0 =	simm.s32 $0x30  }
0xfd: {  	[tilespmem:s0+$0x0] =	vst.msk $0x1, v3  }
0xfe: {  	v3 =	vsel vm4, $0x1, v1;
	[tilespmem:$0x90] =	vst v6  }
0xff: {  	s0 =	sadd.s32 @!p1 $0xFAFF, s29;
	[tilespmem:$0xA0] =	vst v3  }
0x100: {  	[spmem:s15] =	stream.linear.scatter @!p1 [tilespmem:s0], [sflag:$0x1], $0x1, $0x38;
	[tilespmem:$0x11A60] =	vst v63  }
0x101: {  	s0 =	simm.s32 @!p1 $0x1  }
0x102: {  	v3 =	vmctz.xlane @!p1 vm4;
	_ =	swait.ge @!p1 [sflag:s0], $0x1  }
0x103: {  	(v2sf) =	vpush @!p1 v4, $0x0  }
0x104: {  	(v2sf) =	vpush @!p1 v3, $0x0;
	_ =	sdelay $0xd  }
0x105: {  	s2 =	spop @!p1 (v2sf)  }
0x106: {  	s22 =	spop @!p1 (v2sf)  }
0x107: {  	p2 =	sne.s32 @!p1 s28, s2;
	p3 =	slt.s32 @!p1 s22, $0xF  }
0x108: {  	[sflag:s0] =	ssyncset.done @!p1 $0x0;
	p2 =	por p2, p1;
	p3 =	por !p3, p1  }
0x109: {  	[sflag:s0] =	ssyncadd.s32 @!p1 $0xFFFFFFFF;
	v3 =	vimm.s32 @!p2 $0xFFFFFFFF;
	s22 =	simm.s32 @p3 $0xF  }
0x10a: {  	[tilespmem:$0x80] =	vst @!p2 v3;
	s2 =	sadd.s32 @!p1 $0x90, s22  }
0x10b: {  	[spmem:s3] =	stream.linear.scatter @!p1 [tilespmem:s2], [sflag:$0x1], $0x1, $0x38;
	[tilespmem:$0x11A60] =	vst v63  }
0x10c: {  	_ =	swait.ge @!p1 [sflag:s0], $0x1  }
0x10d: {  	[sflag:s0] =	ssyncset.done @!p1 $0x0  }
0x10e: {  	s2 =	simm.s32 @!p1 $0x80;
	[sflag:s0] =	ssyncadd.s32 @!p1 $0xFFFFFFFF  }
0x10f: {  	[spmem:s13] =	stream.linear.scatter @!p1 [tilespmem:s2], [sflag:$0x1], $0x1, $0x38;
	[tilespmem:$0x11A60] =	vst v63  }
0x110: {  	_ =	swait.ge @!p1 [sflag:s0], $0x1  }
0x111: {  	[sflag:s0] =	ssyncset.done @!p1 $0x0  }
0x112: {  	[sflag:s0] =	ssyncadd.s32 @!p1 $0xFFFFFFFF;
	(ifvalue) =	ssetifvalue $0xFFFFFFFF;
	v3 =	vld [tilespmem:s25+$0x10];
	_ =	sdelay $0x3  }
.Ltmp14:
0x113: {  	_ = 	snop;
	(pc) =	sbr.rel .LBB3_9-.Ltmp14, $3  }
0x114: {  	_ =	sdelay $0x1  }
0x115: {  	(ifvalue) =	ssetifvalue $0xFFFFFFFF  }
0x116: {  	[hbm4b:s1+s16] =	stream.indirect_vreg.scatter [tilespmem:s26], [sflag:$0x9], $0x1, v3, vm0, $0x4038;
	[tilespmem:$0x11A60] =	vst v63  }
.LBB3_10:
0x117: {  	_ =	sfence.sel $0x180000  }
0x118: {  	s0 =	simm.s32 $0x7;
	[bflag:$0x0] =	sbarrier.arrive $0xFFFF  }
0x119: {  	s26 =	simm.s32 $0x8;
	[sflag:s0] =	ssyncpa.u1 $0x1  }
0x11a: {  	s28 =	simm.s32 $0x9;
	[sflag:s26] =	ssyncpa.u1 $0x1  }
0x11b: {  	[sflag:s28] =	ssyncpa.u1 $0x1  }
0x11c: {  	_ =	sfence.stream.spmem  }
0x11d: {  	s29 =	simm.s32 $0x3;
	[bflag:$0x0] =	sbarrier.arrive $0xFFFF  }
0x11e: {  	s30 =	simm.s32 $0x4;
	[sflag:s29] =	ssyncpa.u1 $0x1  }
0x11f: {  	s31 =	simm.s32 $0x3C;
	s2 =	stileid.u32;
	[sflag:s30] =	ssyncpa.u1 $0x1  }
0x120: {  	p0 =	sne.s32 s2, $0x0;
	[sflag:s31] =	ssyncpa.u1 $0x1  }
0x121: {  	s0 =	simm.s32 @p0 $0x1;
	_ =	sfence @p0  }
0x122: {  	[sflag:s0] =	ssyncpa.u1 @p0 $0x1;
	s0 =	simm.s32 @p0 $0x2  }
0x123: {  	[sflag:s0] =	ssyncpa.u1 @p0 $0x1  }
0x124: {  	_ =	strace @p0 $0x90000050  }
0x125: {  	[bflag:$0x2] =	sbarrier.arrive @p0 $0xFFFF  }
0x126: {  	_ =	shalt @p0  }
.LBB3_11:
0x127: {  	_ =	sfence.stream.spmem;
	s0 =	simm.s32 $0x5  }
0x128: {  	s2 =	simm.s32 $0x80;
	s3 =	simm.s32 $0xC0;
	[sflag:s0] =	ssyncpa.u1 $0x0  }
0x129: {  	[tilespmem:s3], [sflag:$0x5] =	stream.linear.gather [spmem:s2], $0x20, $0x38;
	[tilespmem:$0x11A60] =	vst v63  }
0x12a: {  	s2 =	simm.s32 $0x0;
	s3 =	simm.s32 $0xE0  }
0x12b: {  	[tilespmem:s3], [sflag:$0x5] =	stream.linear.gather [spmem:s2], $0x20, $0x38;
	[tilespmem:$0x11A60] =	vst v63  }
.Ltmp15:
0x12c: {  	_ = 	snop;
	(pc) =	sbr.rel .LBB3_12-.Ltmp15, $4  }
0x12d: {  	_ =	swait.ge [sflag:s0], $0x40  }
0x12e: {  	[sflag:s0] =	ssyncset.done $0x0  }
0x12f: {  	s31 =	simm.s32 $0x6;
	[sflag:s0] =	ssyncadd.s32 $0xFFFFFFC0  }
0x130: {  	s4 =	simm.s32 $0x0;
	[sflag:s31] =	ssyncpa.u1 $0x0  }
.LBB3_17:
0x131: {  	p0 =	sgt.u32 s5, $0x27FF  }
0x132: {  	s0 =	sshrl.u32 @!p0 s5, $0x3  }
0x133: {  	s5 =	sand.u32 @!p0 $0x7, s5;
	s6 =	simm.s32 @!p0 $0xB0;
	s0 =	sadd.s32 @!p0 s1, s0  }
0x134: {  	[tilespmem:s6], [sflag:$0x6] =	stream.linear.gather @!p0 [hbm4b:s0+s5], $0x1, $0x38;
	[tilespmem:$0x11A60] =	vst v63  }
0x135: {  	s0 =	simm.s32 @!p0 $0x6  }
0x136: {  	_ =	swait.ge @!p0 [sflag:s0], $0x1  }
0x137: {  	[sflag:s0] =	ssyncset.done @!p0 $0x0  }
0x138: {  	[sflag:s0] =	ssyncadd.s32 @!p0 $0xFFFFFFFF  }
0x139: {  	v2 =	vmov @!p0 s4;
	v1 =	vld.msk @!p0 [tilespmem:$0xB0], $0x1;
	_ =	sdelay $0x3  }
0x13a: {  	s0 =	simm.s32 @!p0 $0xE0  }
0x13b: {  	[tilespmem:v2+s0+$0x0], v1 =	vst.idx.ret.add.f32.msk @!p0 $0x1, v1  }
0x13c: {  	[tilespmem:s2+$0xC0] =	vst.msk $0x1, v0  }
0x13d: {  	v0 =	vld.msk [tilespmem:s4+$0xE0], $0x1;
	_ =	sdelay $0x4  }
0x13e: {  	[tilespmem:s2+$0xE0] =	vst.msk $0x1, v0;
	s2 =	sadd.s32 $0x1, s2  }
.LBB3_19:
0x13f: {  	s4 =	sadd.s32 $0x1, s4  }
0x140: {  	p0 =	sne.s32 s4, $0x20  }
.Ltmp16:
0x141: {  	_ = 	snop;
	(pc) =	sbr.rel @!p0 .LBB3_20-.Ltmp16, $1  }
0x142: {  	_ =	sdelay $0x3  }
.LBB3_12:
0x143: {  	v0 =	vld.msk [tilespmem:s4+$0xC0], $0x1;
	_ =	sdelay $0x4  }
0x144: {  	(v2sf) =	vpush v0, $0x0;
	_ =	sdelay $0xe  }
0x145: {  	s5 =	spop (v2sf)  }
0x146: {  	p0 =	seq.s32 s5, $0xFFFFFFFF  }
.Ltmp17:
0x147: {  	_ = 	snop;
	(pc) =	sbr.rel @p0 .LBB3_19-.Ltmp17, $1  }
0x148: {  	_ =	sdelay $0x3  }
0x149: {  	p0 =	slt.s32 s2, $0x1  }
.Ltmp18:
0x14a: {  	_ = 	snop;
	(pc) =	sbr.rel @p0 .LBB3_17-.Ltmp18, $1  }
0x14b: {  	_ =	sdelay $0x3  }
0x14c: {  	s0 =	simm.s32 $0xC0;
	p0 =	por $0x0, $0x0  }
0x14d: {  	v1 =	vld.msk @!p0 [tilespmem:s0+$0x0], $0x1;
	_ =	sdelay $0x4  }
0x14e: {  	(v2sf) =	vpush @!p0 v1, $0x0;
	_ =	sdelay $0xd  }
0x14f: {  	p2 =	sne.s32 s2, $0x1  }
.Ltmp19:
0x150: {  	s6 =	spop @!p0 (v2sf);
	(pc) =	sbr.rel @!p2 .LBB3_16-.Ltmp19, $4  }
0x151: {  	p1 =	seq.s32 @!p0 s5, s6  }
0x152: {  	s6 =	simm.s32 $0x0;
	p1 =	por !p1, p0  }
0x153: {  	s8 =	simm.s32 $0xFFFFFFFF;
	s6 =	simm.s32 @p1 $0xFFFFFFFF  }
0x154: {  	s7 =	simm.s32 $0x1;
	s6 =	smov.u32 @p0 s8  }
.LBB3_15:
0x155: {  	s8 =	smov.u32 s6;
	p0 =	sne.s32 s6, $0xFFFFFFFF  }
0x156: {  	s0 =	sadd.s32 $0x1, s0;
	s6 =	smov.u32 s7;
	s7 =	sadd.s32 $0x1, s7  }
0x157: {  	p1 =	sne.s32 s2, s7;
	v1 =	vld.msk @!p0 [tilespmem:s0+$0x0], $0x1;
	_ =	sdelay $0x4  }
0x158: {  	(v2sf) =	vpush @!p0 v1, $0x0;
	_ =	sdelay $0xe  }
.Ltmp20:
0x159: {  	s9 =	spop @!p0 (v2sf);
	(pc) =	sbr.rel @p1 .LBB3_15-.Ltmp20, $4  }
0x15a: {  	p2 =	seq.s32 @!p0 s5, s9  }
0x15b: {  	p2 =	por !p2, p0  }
0x15c: {  	s6 =	simm.s32 @p2 $0xFFFFFFFF  }
0x15d: {  	s6 =	smov.u32 @p0 s8  }
.LBB3_16:
0x15e: {  	p0 =	sne.s32 s6, $0xFFFFFFFF  }
.Ltmp21:
0x15f: {  	_ = 	snop;
	(pc) =	sbr.rel @!p0 .LBB3_17-.Ltmp21, $1  }
0x160: {  	_ =	sdelay $0x3  }
0x161: {  	v0 =	vld.msk [tilespmem:s4+$0xE0], $0x1;
	v1 =	vmov s6  }
.Ltmp22:
0x162: {  	_ = 	snop;
	(pc) =	sbr.rel .LBB3_19-.Ltmp22, $2  }
0x163: {  	_ =	sdelay $0x2  }
0x164: {  	[tilespmem:v1+s3+$0x0], v0 =	vst.idx.ret.add.f32.msk $0x1, v0  }
.LBB3_20:
0x165: {  	p0 =	slt.s32 s2, $0x1  }
.Ltmp23:
0x166: {  	_ = 	snop;
	(pc) =	sbr.rel @p0 .LBB3_24-.Ltmp23, $3  }
0x167: {  	_ =	sdelay $0x1  }
0x168: {  	s0 =	simm.s32 $0x6  }
0x169: {  	s3 =	simm.s32 $0x0;
	[sflag:s0] =	ssyncpa.u1 $0x1  }
0x16a: {  	s0 =	simm.s32 $0xC0  }
0x16b: {  	v0 =	vld.msk [tilespmem:s0+$0x0], $0x1;
	_ =	sdelay $0x4  }
0x16c: {  	(v2sf) =	vpush v0, $0x0;
	_ =	sdelay $0xe  }
0x16d: {  	s2 =	sadd.s32 $0xFFFFFFFF, s2;
	s4 =	spop (v2sf)  }
0x16e: {  	p1 =	sne.s32 s2, $0x0;
	p0 =	sgt.u32 s4, $0x27FF  }
.Ltmp24:
0x16f: {  	s5 =	sshrl.u32 @!p0 s4, $0x3;
	(pc) =	sbr.rel @!p1 .LBB3_23-.Ltmp24, $4  }
0x170: {  	s0 =	simm.s32 $0xE0;
	s4 =	sand.u32 @!p0 $0x7, s4;
	s5 =	sadd.s32 @!p0 s1, s5  }
0x171: {  	[hbm4b:s5+s4] =	stream.linear.scatter @!p0 [tilespmem:s0], [sflag:$0x5], $0x1, $0x38;
	[tilespmem:$0x11A60] =	vst v63  }
0x172: {  	s5 =	simm.s32 $0x0  }
0x173: {  	s4 =	simm.s32 $0xC1;
	s5 =	simm.s32 @!p0 $0x4  }
.LBB3_22:
0x174: {  	v0 =	vld.msk [tilespmem:s4+$0x0], $0x1;
	s2 =	sadd.s32 $0xFFFFFFFF, s2;
	s3 =	sadd.s32 s3, s5  }
0x175: {  	p0 =	sne.s32 s2, $0x0;
	_ =	sdelay $0x3  }
0x176: {  	(v2sf) =	vpush v0, $0x0;
	_ =	sdelay $0xe  }
.Ltmp25:
0x177: {  	s6 =	spop (v2sf);
	(pc) =	sbr.rel @p0 .LBB3_22-.Ltmp25, $4  }
0x178: {  	s5 =	simm.s32 $0x0;
	p1 =	sgt.u32 s6, $0x27FF  }
0x179: {  	s0 =	sadd.s32 $0x1, s0;
	s5 =	simm.s32 @!p1 $0x4;
	s7 =	sshrl.u32 @!p1 s6, $0x3  }
0x17a: {  	s4 =	sadd.s32 $0x1, s4;
	s6 =	sand.u32 @!p1 $0x7, s6;
	s7 =	sadd.s32 @!p1 s1, s7  }
0x17b: {  	[hbm4b:s7+s6] =	stream.linear.scatter @!p1 [tilespmem:s0], [sflag:$0x5], $0x1, $0x38;
	[tilespmem:$0x11A60] =	vst v63  }
.LBB3_23:
0x17c: {  	s0 =	sadd.s32 s3, s5  }
0x17d: {  	s3 =	sshrl.u32 s0, $0x2  }
.LBB3_24:
0x17e: {  	s0 =	simm.s32 $0x5  }
0x17f: {  	_ =	swait.ge [sflag:s0], s3  }
0x180: {  	s1 =	ssub.s32 $0x0, s3;
	[sflag:s0] =	ssyncset.done $0x0  }
0x181: {  	[sflag:s0] =	ssyncadd.s32 s1  }
0x182: {  	[sflag:s0] =	ssyncpa.u1 $0x1  }
0x183: {  	s29 =	simm.s32 $0x1;
	_ =	sfence  }
0x184: {  	s30 =	simm.s32 $0x2;
	[sflag:s29] =	ssyncpa.u1 $0x1  }
0x185: {  	[sflag:s30] =	ssyncpa.u1 $0x1  }
0x186: {  	_ =	strace $0x90000050  }
0x187: {  	[bflag:$0x2] =	sbarrier.arrive $0xFFFF  }
0x188: {  	s31 =	rddreg [dreg:$0x1]  }
0x189: {  	s0 =	sadd.s32 $0x100000, s31  }
0x18a: {  	[sflag:s0] =	ssyncadd.tile.s32 $0x1;
	_ =	shalt  }
.Lfunc_end3:
_tile_overlayer_lowered:
.L_overlay_start_3:
0x18b: {  	(tag) =	ssettag $0x3  }
0x18c: {  	s0 =	rddreg [dreg:$0x0];
	s2 =	stileid.u32  }
0x18d: {  	s1 =	rddreg [dreg:$0x1];
	p0 =	sne.s32 s2, $0x0  }
0x18e: {  	s3 =	rddreg [dreg:$0x2];
	[bflag:$0x3] =	sbarrier.arrive $0xFFFF;
	s2 =	simm.s32 @!p0 $0x1C01  }
0x18f: {  	[timem:s3], [sflag:s2] =	dma.local @!p0 [hbm:s0], s1  }
0x190: {  	s0 =	simm.s32 @!p0 $0x1  }
0x191: {  	_ =	swait.ge @!p0 [sflag:s0], s1  }
0x192: {  	s1 =	ssub.s32 @!p0 $0x0, s1;
	[sflag:s0] =	ssyncset.done @!p0 $0x0  }
0x193: {  	[sflag:s0] =	ssyncadd.s32 @!p0 s1  }
0x194: {  	[bflag:$0x3] =	sbarrier.arrive $0xFFFF  }
0x195: {  	_ =	shalt  }

// kernel: scatter_offload_async_start
scs
__scs_entry_jumppad:
0x0: {  	(pc) =	sbr.rel $0x88, $3  }
0x1: {  	(tag) =	ssettag $0x0;
	lr =	simm.s32 $0x1  }
0x2: {  	[smem:$0x3F8D] =	sst lr;
	_ =	strace $0xD0000000  }
0x3: {  	_ = 	snop  }
0x4: {  	_ = 	snop  }
0x5: {  	_ = 	snop  }
0x6: {  	_ = 	snop  }
0x7: {  	_ = 	snop  }
__scs_overlays_trampoline_lowered:
0x8: {  	[smem:$0x3F9C] =	sst s0  }
0x9: {  	[smem:$0x3F9D] =	sst s1  }
0xa: {  	[smem:$0x3F9E] =	sst s2  }
0xb: {  	[smem:$0x3F9F] =	sst s3  }
0xc: {  	[smem:$0x3FA0] =	sst s4  }
0xd: {  	[smem:$0x3FA1] =	sst s5  }
0xe: {  	[smem:$0x3FA2] =	sst s6  }
0xf: {  	[smem:$0x3FA3] =	sst s7  }
0x10: {  	[smem:$0x3FA4] =	sst s8  }
0x11: {  	[smem:$0x3FA5] =	sst s9;
	s0 =	simm.s32 @!p0 $0x0  }
0x12: {  	s1 =	sld [smem:$0x3F8B];
	s0 =	simm.s32 @p0 $0x1  }
0x13: {  	[smem:$0x3FA6] =	sst s0;
	s0 =	simm.s32 @!p1 $0x0  }
0x14: {  	s2 =	sld [smem:$0x3F8A];
	s0 =	simm.s32 @p1 $0x1  }
0x15: {  	[smem:$0x3FA7] =	sst s0;
	s0 =	simm.s32 @!p2 $0x0  }
0x16: {  	s3 =	sld [smem:$0x3FDB];
	s0 =	simm.s32 @p2 $0x1  }
0x17: {  	s4 =	simm.s32 $0x1BF5;
	[smem:$0x3FA9] =	sst s0  }
0x18: {  	s0 =	sld [smem:$0x3F8C];
	_ =	swait.ge [sflag:s4], $0x0  }
0x19: {  	s7 =	sld [smem:$0x3F8D]  }
0x1a: {  	s8 =	sadd.s32 $0xFFFFE003, lr  }
0x1b: {  	s9 =	sadd.s32 $0xFFFFFEF7, lr;
	s5 =	simm.s32 $0xFFFFFFFF;
	p2 =	slt.u32 s8, $0xFFFFF086  }
0x1c: {  	p1 =	slt.u32 s9, $0xF7A;
	s5 =	simm.s32 @!p2 $0x0  }
0x1d: {  	s5 =	simm.s32 @p1 $0x1;
	p0 =	seq.s32 s7, s2  }
0x1e: {  	s7 =	smul.u32 @!p0 $0xF7A, s2;
	p2 =	seq.s32 @!p0 s5, $0x0  }
0x1f: {  	s9 =	smul.u32 $0xF7A, s1;
	s8 =	simm.s32 @!p0 $0x1BF5;
	p2 =	por !p2, p0  }
0x20: {  	[sflag:s8] =	ssyncset.s32 @!p0 $0xFFFFF086;
	s6 =	sadd.s32 @!p0 s3, s7;
	s7 =	simm.s32 @!p0 $0x108  }
0x21: {  	s3 =	sadd.s32 s3, s9;
	s6 =	sadd.s32 @!p0 $0x88, s6;
	s7 =	simm.s32 @p2 $0x1082  }
0x22: {  	[simem:s7], [sflag:s8] =	dma.local @!p0 [hbm:s6], $0xF7A  }
0x23: {  	s9 =	sor.u32 $0xD0000000, s2;
	s6 =	simm.s32 $0x108;
	_ =	swait.ge @!p0 [sflag:s8], $0x0  }
0x24: {  	s3 =	sadd.s32 $0x88, s3;
	s6 =	simm.s32 @!p1 $0x1082;
	[sflag:s4] =	ssyncset.s32 $0xFFFFF086  }
0x25: {  	[simem:s6], [sflag:s4] =	dma.local [hbm:s3], $0xF7A  }
0x26: {  	[smem:$0x3F8D] =	sst s1;
	(tag) =	ssettag s2;
	_ =	strace s9  }
0x27: {  	s1 =	sld [smem:$0x3F9D]  }
0x28: {  	s2 =	sld [smem:$0x3F9E]  }
0x29: {  	s4 =	sld [smem:$0x3FA0]  }
0x2a: {  	p0 =	seq.s32 s5, $0x0;
	s5 =	sld [smem:$0x3FA1]  }
0x2b: {  	s6 =	sld [smem:$0x3FA2]  }
0x2c: {  	s7 =	sld [smem:$0x3FA3]  }
0x2d: {  	s3 =	simm.s32 $0x108;
	s8 =	sld [smem:$0x3FA4]  }
0x2e: {  	s3 =	simm.s32 @!p0 $0x1082;
	s9 =	sld [smem:$0x3FA5]  }
0x2f: {  	lr =	sadd.s32 s0, s3;
	s0 =	sld [smem:$0x3F9C]  }
0x30: {  	s3 =	sld [smem:$0x3F9F]  }
0x31: {  	[smem:$0x3FA8] =	sst s10  }
0x32: {  	s10 =	sld [smem:$0x3FA6];
	_ =	sdelay $0x3  }
0x33: {  	p0 =	seq.s32 s10, $0x1;
	s10 =	sld [smem:$0x3FA8];
	_ =	sdelay $0x3  }
0x34: {  	[smem:$0x3FA8] =	sst s10  }
0x35: {  	s10 =	sld [smem:$0x3FA7];
	_ =	sdelay $0x3  }
0x36: {  	p1 =	seq.s32 s10, $0x1;
	s10 =	sld [smem:$0x3FA8];
	_ =	sdelay $0x3  }
0x37: {  	[smem:$0x3FA8] =	sst s10  }
0x38: {  	s10 =	sld [smem:$0x3FA9]  }
0x39: {  	_ = 	snop;
	(pc) =	sbr.ind lr, $3  }
0x3a: {  	_ = 	snop  }
0x3b: {  	_ = 	snop  }
0x3c: {  	p2 =	seq.s32 s10, $0x1;
	s10 =	sld [smem:$0x3FA8]  }
0x3d: {  	_ =	shalt  }
0x3e: {  	_ =	shalt  }
0x3f: {  	_ =	shalt  }
0x40: {  	_ =	shalt  }
0x41: {  	_ =	shalt  }
0x42: {  	_ =	shalt  }
0x43: {  	_ =	shalt  }
0x44: {  	_ =	shalt  }
0x45: {  	_ =	shalt  }
0x46: {  	_ =	shalt  }
0x47: {  	_ =	shalt  }
0x48: {  	_ =	shalt  }
0x49: {  	_ =	shalt  }
0x4a: {  	_ =	shalt  }
0x4b: {  	_ =	shalt  }
0x4c: {  	_ =	shalt  }
0x4d: {  	_ =	shalt  }
0x4e: {  	_ =	shalt  }
0x4f: {  	_ =	shalt  }
0x50: {  	_ =	shalt  }
0x51: {  	_ =	shalt  }
0x52: {  	_ =	shalt  }
0x53: {  	_ =	shalt  }
0x54: {  	_ =	shalt  }
0x55: {  	_ =	shalt  }
0x56: {  	_ =	shalt  }
0x57: {  	_ =	shalt  }
0x58: {  	_ =	shalt  }
0x59: {  	_ =	shalt  }
0x5a: {  	_ =	shalt  }
0x5b: {  	_ =	shalt  }
0x5c: {  	_ =	shalt  }
0x5d: {  	_ =	shalt  }
0x5e: {  	_ =	shalt  }
0x5f: {  	_ =	shalt  }
0x60: {  	_ =	shalt  }
0x61: {  	_ =	shalt  }
0x62: {  	_ =	shalt  }
0x63: {  	_ =	shalt  }
0x64: {  	_ =	shalt  }
0x65: {  	_ =	shalt  }
0x66: {  	_ =	shalt  }
0x67: {  	_ =	shalt  }
0x68: {  	_ =	shalt  }
0x69: {  	_ =	shalt  }
0x6a: {  	_ =	shalt  }
0x6b: {  	_ =	shalt  }
0x6c: {  	_ =	shalt  }
0x6d: {  	_ =	shalt  }
0x6e: {  	_ =	shalt  }
0x6f: {  	_ =	shalt  }
0x70: {  	_ =	shalt  }
0x71: {  	_ =	shalt  }
0x72: {  	_ =	shalt  }
0x73: {  	_ =	shalt  }
0x74: {  	_ =	shalt  }
0x75: {  	_ =	shalt  }
0x76: {  	_ =	shalt  }
0x77: {  	_ =	shalt  }
0x78: {  	_ =	shalt  }
0x79: {  	_ =	shalt  }
0x7a: {  	_ =	shalt  }
0x7b: {  	_ =	shalt  }
0x7c: {  	_ =	shalt  }
0x7d: {  	_ =	shalt  }
0x7e: {  	_ =	shalt  }
0x7f: {  	_ =	shalt  }
0x80: {  	_ =	shalt  }
0x81: {  	_ =	shalt  }
0x82: {  	_ =	shalt  }
0x83: {  	_ =	shalt  }
0x84: {  	_ =	shalt  }
0x85: {  	_ =	shalt  }
0x86: {  	_ =	shalt  }
0x87: {  	_ =	shalt  }
.Lfunc_end0:
.L_simem_size_0:
called_computation_lowered:
.L_overlay_start_0:
0x88: {  	s0 =	sld [smem:$0x3FD9]  }
0x89: {  	s1 =	sld [smem:$0x3FFE];
	_ =	sdelay $0x3  }
0x8a: {  	s0 =	sadd.s32 s1, s0  }
0x8b: {  	[smem:$0x3FB4] =	sst s0  }
0x8c: {  	_ = 	snop  }
0x8d: {  	(tm) =	ssettm $0x1  }
0x8e: {  	s15 =	sld [smem:$0x3FFB];
	_ =	sdelay $0x3  }
0x8f: {  	_ =	strace s15  }
0x90: {  	s0 =	sld [smem:$0x3FFC];
	_ =	sdelay $0x3  }
0x91: {  	_ =	strace s0  }
0x92: {  	s0 =	sld [smem:$0x3FFD];
	_ =	sdelay $0x3  }
0x93: {  	_ =	strace s0  }
0x94: {  	_ =	strace $0x8FFFFFFF  }
0x95: {  	s16 =	sld [smem:$0x3FDB];
	_ =	sdelay $0x1  }
0x96: {  	s17 =	simm.s32 $_scs_section_size  }
0x97: {  	s2 =	simm.s32 $_size__tile_overlayer_lowered;
	s3 =	simm.s32 $_tile_overlayer_lowered  }
0x98: {  	s20 =	simm.s32 $0x1BFF;
	s19 =	sshll.u32 s3, $0x1;
	s0 =	sadd.s32 s17, s16  }
0x99: {  	s4 =	simm.s32 $0x0;
	s18 =	sshll.u32 s2, $0x1;
	s2 =	sadd.s32 s19, s0  }
0x9a: {  	[timem:s4], [sflag:s20] =	dma.local [hbm:s2], s18  }
0x9b: {  	_ =	swait.ge [sflag:s20], s18  }
0x9c: {  	s1 =	ssub.s32 $0x0, s18;
	[sflag:s20] =	ssyncset.done $0x0  }
0x9d: {  	[sflag:s20] =	ssyncadd.s32 s1;
	_ =	sdelay $0x1  }
0x9e: {  	s21 =	simm.s32 $0x1B8B  }
0x9f: {  	_ =	swait.ge [sflag:s21], $0x1  }
0xa0: {  	[sflag:s21] =	ssyncset.done $0x0  }
0xa1: {  	s23 =	simm.s32 $0x1B8E;
	s22 =	sld [smem:$0x3FFE];
	[sflag:s21] =	ssyncadd.s32 $0xFFFFFFFF  }
0xa2: {  	s24 =	simm.s32 $execute0_lowered;
	[smem:$0x3FD2] =	sst s23  }
0xa3: {  	s2 =	sshll.u32 s24, $0x1;
	_ =	strace $0x80000052;
	[dreg:$0x1] =	wrdreg $0xFFFFFFFF  }
0xa4: {  	s25 =	simm.s32 $_size_execute0_lowered;
	s0 =	sadd.s32 s0, s2;
	[dreg:$0x0] =	wrdreg $0x0  }
0xa5: {  	s2 =	sshll.u32 s25, $0x1;
	[dreg:$0x2] =	wrdreg s0  }
0xa6: {  	[dreg:$0x3] =	wrdreg s2  }
0xa7: {  	[dreg:$0x4] =	wrdreg $0xC0  }
0xa8: {  	_ =	task [dreg:s4], $0x5FFFF  }
0xa9: {  	[dreg:$0x1] =	wrdreg $0xFFFFFFFF  }
0xaa: {  	[dreg:$0x0] =	wrdreg $0x60  }
0xab: {  	[dreg:$0x2] =	wrdreg s22  }
0xac: {  	[dreg:$0x3] =	wrdreg $0x9  }
0xad: {  	_ =	task.clear_ibuf [dreg:s4], $0x4FFFF;
	_ =	strace $0x90000052  }
0xae: {  	s26 =	simm.s32 $0x9;
	_ =	strace $0x80000054  }
0xaf: {  	_ =	swait.ge [sflag:s26], $0x1  }
0xb0: {  	[sflag:s26] =	ssyncadd.s32 $0xFFFFFFFF  }
0xb1: {  	_ =	strace $0x90000054  }
0xb2: {  	_ =	sfence  }
0xb3: {  	s28 =	sld [smem:$0x0];
	_ =	sdelay $0x1  }
0xb4: {  	s29 =	srdreg.scid  }
0xb5: {  	s30 =	sshll.u32 s29, $0xD;
	s31 =	sshrl.u32 s29, $0x2  }
0xb6: {  	s1 =	sand.u32 $0x1, s29;
	s2 =	sand.u32 $0x4000, s30;
	s0 =	sadd.s32 s31, s28  }
0xb7: {  	s1 =	sor.u32 s2, s1;
	s0 =	sshll.u32 s0, $0x11  }
0xb8: {  	s0 =	sor.u32 s0, s1  }
0xb9: {  	s0 =	sadd.s32 $0x8F2B, s0  }
0xba: {  	[sflag:s0] =	ssyncadd.remote.s32 $0x1  }
0xbb: {  	_ =	sfence.sel $0xFFFF  }
0xbc: {  	[dreg:$0x0] =	wrdreg $0xFFFFFFFF;
	(pc) =	sbr.abs _section_cstart, $3  }
0xbd: {  	[dreg:$0x1] =	wrdreg $0xFFFFFFFF  }
0xbe: {  	_ =	task.clear_ibuf [dreg:s4], $0x2FFFF;
	_ =	strace $0x9FFFFFFF  }
0xbf: {  	(tm) =	ssettm $0x7FFFFFFF  }
tec
execute0_lowered:
.L_overlay_start_1:
0x0: {  	(tag) =	ssettag $0x1  }
0x1: {  	s0 =	rddreg [dreg:$0x0];
	_ =	strace $0x80000053;
	s15 =	stileid.u32  }
0x2: {  	s2 =	simm.s32 $0x1;
	s1 =	smin.u32 s15, $0x8;
	s3 =	sshll.u32 s15, $0x1  }
0x3: {  	v1 =	vimm.s32 $0xFFFFFFFF;
	[sflag:s2] =	ssyncpa.u1 $0x0;
	s1 =	sadd.s32 s1, s3  }
0x4: {  	p0 =	slt.u32 s15, $0x8;
	[tilespmem:$0x10] =	vst v1;
	s4 =	smul.u32 $0x1F40, s1;
	s1 =	simm.s32 $0x5DC0  }
0x5: {  	v0 =	vimm.f32 $0.0e+00;
	[tilespmem:$0x20] =	vst v1;
	s1 =	simm.s32 @!p0 $0x3E80  }
0x6: {  	[tilespmem:$0x30] =	vst v0;
	s1 =	sadd.s32 s1, s4  }
0x7: {  	[tilespmem:$0x40] =	vst v0;
	s5 =	smin.u32 s1, $0x4E200  }
0x8: {  	s7 =	simm.s32 $0x2;
	s8 =	simm.s32 $0x8;
	[tilespmem:$0x50] =	vst v0;
	s9 =	ssub.s32 s5, s4  }
0x9: {  	s31 =	simm.s32 $0x9;
	s16 =	simm.s32 $0x0;
	[tilespmem:$0x60] =	vst v1;
	p0 =	sgt.s32 s9, $0x0  }
0xa: {  	s17 =	simm.s32 $0xF0;
	s18 =	simm.s32 $0xFFFFFFFF;
	[tilespmem:$0x70] =	vst v1;
	s9 =	simm.s32 @!p0 $0x0  }
0xb: {  	s19 =	simm.s32 $0xFFFFC280;
	s20 =	simm.s32 $0xFFFFFFFE;
	[tilespmem:$0x80] =	vst v1;
	s30 =	smulhi.u32 $0x10624DD3, s9  }
0xc: {  	s21 =	simm.s32 $0xF;
	s25 =	simm.s32 $0x0;
	s24 =	simm.s32 $0x0;
	v1 =	vimm.s32 $0x0;
	[tilespmem:$0xB0] =	vst v0  }
0xd: {  	s6 =	sadd.s32 $0x63E00, s0;
	s15 =	sshllo.u32 s15, $0x1;
	[tilespmem:$0x90] =	vst v1;
	s10 =	sshrl.u32 s30, $0x9  }
0xe: {  	[tilespmem:$0xA0] =	vst v1;
	[sflag:s7] =	ssyncpa.u1 $0x0;
	s7 =	simm.s32 $0x7;
	s11 =	smul.u32 $0x1F40, s10  }
.Ltmp0:
0xf: {  	s13 =	sor.u32 $0x80, s3;
	[sflag:s7] =	ssyncpa.u1 $0x0;
	(pc) =	sbr.rel .LBB2_1-.Ltmp0, $4  }
0x10: {  	s14 =	sor.u32 $0x81, s3;
	[sflag:s8] =	ssyncpa.u1 $0x0;
	p0 =	sne.s32 s9, s11  }
0x11: {  	s23 =	smov.u32 s4;
	s1 =	sadd.s32 $0x45200, s0;
	s2 =	simm.s32 @!p0 $0x0  }
0x12: {  	vm0 =	vmmov $0xffff;
	v2 =	vlaneseq.u32;
	[sflag:s31] =	ssyncpa.u1 $0x0;
	s9 =	sadd.s32 $0x13C00, s0;
	s10 =	sadd.s32 s2, s10  }
0x13: {  	vm1 =	vmxor vm1, vm1;
	vm2 =	vmmov $0x1;
	vm3 =	vcmask $0x3F3C;
	p0 =	por $0x0, $0x0;
	s11 =	sadd.s32 $0x1, s10;
	s12 =	sadd.s32 $0x2, s10  }
.LBB2_9:
0x14: {  	p1 =	slt.u32 s24, $0x3  }
0x15: {  	s0 =	simm.s32 @!p1 $0x2  }
0x16: {  	_ =	swait.ge @!p1 [sflag:s0], $0x1F40  }
0x17: {  	[sflag:s0] =	ssyncset.done @!p1 $0x0  }
0x18: {  	[sflag:s0] =	ssyncadd.s32 @!p1 $0xFFFFE0C0;
	s0 =	simm.s32 @!p1 $0x9  }
0x19: {  	_ =	swait.ge @!p1 [sflag:s0], $0x10  }
0x1a: {  	[sflag:s0] =	ssyncset.done @!p1 $0x0  }
0x1b: {  	[sflag:s0] =	ssyncadd.s32 @!p1 $0xFFFFFFF0;
	p1 =	sne.s32 s24, s12  }
.Ltmp1:
0x1c: {  	s2 =	sadd.s32 $0x1F40, s23;
	(pc) =	sbr.rel @!p1 .LBB2_10-.Ltmp1, $4  }
0x1d: {  	s22 =	smov.u32 s4;
	s31 =	sadd.s32 $0x1, s24;
	s17 =	sadd.s32 $0x1F40, s17  }
0x1e: {  	s18 =	sadd.s32 $0x1, s18;
	s25 =	smov.u32 s23;
	p2 =	slt.s32 s2, s5  }
0x1f: {  	p0 =	por !p0, !p0;
	s19 =	sadd.s32 $0x1F40, s19;
	s22 =	smov.u32 @p2 s2  }
0x20: {  	s20 =	sadd.s32 $0x1, s20;
	s23 =	smov.u32 s22;
	s24 =	smov.u32 s31  }
.LBB2_1:
0x21: {  	p1 =	sge.u32 s24, s10  }
0x22: {  	s0 =	smulhi.u32 @!p1 $0xAAAAAAAB, s24;
	_ =	sdelay $0x1  }
0x23: {  	s0 =	sshrl.u32 @!p1 s0, $0x1  }
0x24: {  	s0 =	smul.u32 @!p1 $0x3, s0;
	_ =	sdelay $0x1  }
0x25: {  	s0 =	ssub.s32 @!p1 s24, s0  }
0x26: {  	s0 =	smul.u32 @!p1 $0x7D00, s0;
	_ =	sdelay $0x1  }
0x27: {  	s2 =	sshrl.u32 @!p1 s23, $0x3;
	s0 =	sshrl.u32 @!p1 s0, $0x2  }
0x28: {  	s22 =	sand.u32 @!p1 $0x7, s23;
	s2 =	sadd.s32 @!p1 s6, s2;
	s0 =	sadd.s32 @!p1 $0x100, s0  }
0x29: {  	[tilespmem:s0], [sflag:$0x7] =	stream.linear.gather @!p1 [hbm4b:s2+s22], $0x1F40, $0x38;
	[tilespmem:$0x11A60] =	vst v63  }
0x2a: {  	s0 =	sadd.s32 $0xFFFFFFFF, s24  }
0x2b: {  	p1 =	sge.u32 s0, s10  }
.Ltmp2:
0x2c: {  	_ = 	snop;
	(pc) =	sbr.rel @p1 .LBB2_5-.Ltmp2, $1  }
0x2d: {  	_ =	sdelay $0x3  }
0x2e: {  	s2 =	smulhi.u32 $0xAAAAAAAB, s0;
	_ =	sdelay $0x1  }
0x2f: {  	s2 =	sshrl.u32 s2, $0x1  }
0x30: {  	s2 =	smul.u32 $0x3, s2;
	_ =	sdelay $0x1  }
0x31: {  	s2 =	ssub.s32 s0, s2  }
0x32: {  	s2 =	smul.u32 $0x7D00, s2  }
0x33: {  	_ =	swait.ge [sflag:s7], $0x1F40  }
0x34: {  	[sflag:s7] =	ssyncset.done $0x0;
	s2 =	sshrl.u32 s2, $0x2  }
0x35: {  	[sflag:s7] =	ssyncadd.s32 $0xFFFFE0C0;
	(ifvalue) =	ssetifvalue $0xFFFFFFFF;
	v3 =	vld.msk [tilespmem:s2+$0x100 ss:$0x1], $0xffff;
	_ =	sdelay $0x2  }
0x36: {  	s30 =	smulhi.u32 $0xAAAAAAAB, s18;
	p1 =	sne.s32 s24, $0x1  }
0x37: {  	v4 =	vimm.s32 @!p1 $0x0  }
0x38: {  	s2 =	sshrl.u32 s30, $0x1;
	v4 =	vperm.xlane @!p1 v3, v4  }
0x39: {  	s22 =	sshll.u32 s24, $0x4;
	s2 =	smul.u32 $0xFFFE8900, s2;
	vm4 =	vlt.u32 v3, $0x2800  }
0x3a: {  	s22 =	sand.u32 $0x10, s22;
	v3 =	vnsel vm4, $0xFFFFFFFE, v3;
	vm4 =	vlt.u32 @!p1 v4, $0x2800  }
0x3b: {  	s2 =	sshra.s32 s2, $0x2;
	[tilespmem:s22+$0x60] =	vst v3;
	v3 =	vnsel @!p1 vm4, $0xFFFFFFFE, v4  }
0x3c: {  	s28 =	sadd.s32 s2, s17;
	[tilespmem:$0x80] =	vst @!p1 v3  }
0x3d: {  	v3 =	vld.msk [tilespmem:s28+$0x0 ss:$0x1], $0xffff;
	_ =	sdelay $0x4  }
0x3e: {  	(xrf1) =	vunique.msk.u32 $0xffff, v3;
	_ =	sdelay $0xd  }
0x3f: {  	v4 =	vimm.s32 $0xFFFFFFFF;
	v5, _, _ =	vpop (xrf1)  }
0x40: {  	vm5 =	vne.s32 v3, v4;
	vm4 =	veq.s32 v5, v2  }
0x41: {  	vm6 =	vlt.u32 v3, $0x2800;
	vm4 =	vmand vm5, vm4  }
0x42: {  	vm4 =	vmand vm6, vm4  }
0x43: {  	v4 =	vnsel vm4, $0xFFFFFFFF, v3  }
0x44: {  	s31 =	sand.u32 $0x1, s0  }
0x45: {  	s0 =	simm.s32 $0x1F40;
	p1 =	seq.s32 s31, $0x1  }
0x46: {  	s0 =	simm.s32 @!p1 $0x0  }
0x47: {  	s26 =	sadd.s32 $0x7DF0, s0;
	(ifvalue) =	ssetifvalue $0xFFFFFFFF  }
0x48: {  	v3 =	vperm.xlane v3, v1;
	[tilespmem:s26], [sflag:$0x8] =	stream.indirect_vreg.gather [hbm4b:s1+s16], $0x1, v4, vm0, $0x4038;
	v4 =	vnsel vm6, $0xFFFFFFFE, v4;
	[tilespmem:$0x11A60] =	vst v63  }
0x49: {  	s2 =	simm.s32 $0x0;
	s22 =	sadd.s32 $0xFFFFFFF0, s28;
	[tilespmem:s28+$0x0] =	vst v4  }
.LBB2_3:
0x4a: {  	v4 =	vld.msk [tilespmem:s22+$0x0 ss:$0x1], $0xffff;
	s2 =	sadd.s32 $0x10, s2;
	v5 =	vmov v3;
	s28 =	smov.u32 s22  }
0x4b: {  	p1 =	slt.u32 s2, $0x1F30;
	_ =	sdelay $0x4  }
0x4c: {  	v3 =	vperm.xlane v4, v1;
	(xrf1) =	vunique.msk.u32 $0xffff, v4;
	_ =	sdelay $0xd  }
0x4d: {  	v6, _, _ =	vpop (xrf1)  }
0x4e: {  	vm5 =	vne.s32 v4, v5;
	vm4 =	veq.s32 v6, v2  }
0x4f: {  	vm6 =	vlt.u32 v4, $0x2800;
	vm4 =	vmand vm5, vm4  }
0x50: {  	vm4 =	vmand vm6, vm4  }
0x51: {  	v4 =	vnsel vm4, $0xFFFFFFFF, v4  }
.Ltmp3:
0x52: {  	v5 =	vnsel vm6, $0xFFFFFFFE, v4;
	(pc) =	sbr.rel @p1 .LBB2_3-.Ltmp3, $3  }
0x53: {  	_ =	sdelay $0x1  }
0x54: {  	s22 =	sadd.s32 $0xFFFFFFF0, s22;
	s26 =	sadd.s32 $0xFFFFFFF0, s26;
	(ifvalue) =	ssetifvalue $0xFFFFFFFF  }
0x55: {  	[tilespmem:s26], [sflag:$0x8] =	stream.indirect_vreg.gather [hbm4b:s1+s16], $0x1, v4, vm0, $0x4038;
	[tilespmem:s28+$0x0] =	vst v5  }
0x56: {  	s2 =	sshrl.u32 s25, $0x3  }
0x57: {  	s0 =	sadd.s32 $0x9D40, s0;
	s2 =	sadd.s32 s9, s2  }
0x58: {  	[tilespmem:s0], [sflag:$0x8] =	stream.linear.gather [hbm:s2], $0x1F40, $0x38;
	[tilespmem:$0x11A60] =	vst v63  }
.LBB2_5:
0x59: {  	p1 =	slt.u32 s24, $0x2  }
0x5a: {  	p2 =	sge.u32 @!p1 s24, s12  }
0x5b: {  	p1 =	por p1, p2  }
.Ltmp4:
0x5c: {  	_ = 	snop;
	(pc) =	sbr.rel @p1 .LBB2_9-.Ltmp4, $1  }
0x5d: {  	_ =	sdelay $0x3  }
0x5e: {  	s0 =	sadd.s32 $0xFFFFFFFE, s24  }
0x5f: {  	s2 =	smulhi.u32 $0xAAAAAAAB, s0;
	_ =	sdelay $0x1  }
0x60: {  	s2 =	sshrl.u32 s2, $0x1  }
0x61: {  	s2 =	smul.u32 $0x3, s2;
	_ =	sdelay $0x1  }
0x62: {  	s0 =	ssub.s32 s0, s2  }
0x63: {  	_ =	swait.ge [sflag:s8], $0x3E80;
	s0 =	smul.u32 $0x1F40, s0  }
0x64: {  	p1 =	sne.s32 s24, s11;
	[sflag:s8] =	ssyncset.done $0x0  }
0x65: {  	[sflag:s8] =	ssyncadd.s32 $0xFFFFC180;
	s2 =	sadd.s32 @!p1 $0x203F, s0  }
0x66: {  	[spmem:s14] =	stream.linear.scatter @!p1 [tilespmem:s2], [sflag:$0x1], $0x1, $0x38;
	[tilespmem:$0x11A60] =	vst v63  }
0x67: {  	s2 =	simm.s32 @!p1 $0x1  }
0x68: {  	_ =	swait.ge @!p1 [sflag:s2], $0x1  }
0x69: {  	s22 =	sshll.u32 s24, $0x4;
	[sflag:s2] =	ssyncset.done @!p1 $0x0  }
0x6a: {  	s25 =	sand.u32 $0x10, s22;
	[sflag:s2] =	ssyncadd.s32 @!p1 $0xFFFFFFFF  }
0x6b: {  	s2 =	sxor.u32 $0x10, s25;
	v4 =	vld [tilespmem:s25+$0x10]  }
0x6c: {  	v5 =	vld [tilespmem:s2+$0x60]  }
0x6d: {  	v3 =	vld [tilespmem:$0x80];
	_ =	sdelay $0x2  }
0x6e: {  	(v2sf) =	vpush v4, $0x0  }
0x6f: {  	(v2sf) =	vpush v5, $0x0  }
0x70: {  	(v2sf) =	vpush v3, $0x0;
	_ =	sdelay $0xc  }
0x71: {  	s22 =	spop (v2sf)  }
0x72: {  	s26 =	spop (v2sf)  }
0x73: {  	s28 =	spop (v2sf)  }
0x74: {  	p2 =	seq.s32 s22, s26;
	p3 =	seq.s32 s28, s22  }
0x75: {  	p3 =	por p2, p3  }
0x76: {  	s26 =	sand.u32 $0x1, s24;
	v4 =	vpsel p3, $0xFFFFFFFF, v4  }
0x77: {  	s29 =	smul.u32 $0x1F40, s26;
	[tilespmem:s25+$0x10] =	vst.msk $0x1, v4  }
0x78: {  	v4 =	vld [tilespmem:$0x30]  }
0x79: {  	v5 =	vld [tilespmem:s29+$0x9D40]  }
0x7a: {  	v6 =	vld [tilespmem:s25+$0x40];
	_ =	sdelay $0x3  }
0x7b: {  	vm4 =	vmmov vm1;
	v5 =	vadd.f32 v5, v4  }
0x7c: {  	vm5 =	vmmov vm2;
	vm4 =	vmmov @p2 vm2;
	s22 =	sshll.u32 s26, $0x4;
	v4 =	vadd.f32 v6, v4  }
0x7d: {  	s26 =	sor.u32 $0x11A40, s22;
	vm5 =	vmmov @p3 vm1;
	[tilespmem:s29+$0x9D40] =	vst.msk vm4, v5  }
0x7e: {  	[tilespmem:s26+$0x0] =	vst.msk vm5, v4  }
0x7f: {  	v4 =	vld [tilespmem:s29+$0x7DF0];
	_ =	sdelay $0x3  }
0x80: {  	v5 =	vimm.f32 $0.0e+00  }
0x81: {  	v4 =	vshift.insert v4, v5, s21  }
0x82: {  	s22 =	sor.u32 $0x40, s2  }
0x83: {  	[tilespmem:s22+$0x0] =	vst.msk $0x1, v4  }
0x84: {  	[tilespmem:s29+$0x7DFF] =	vst.msk $0x1, v5  }
0x85: {  	v4 =	vld [tilespmem:s0+$0x2030];
	_ =	sdelay $0x1  }
0x86: {  	s22 =	smulhi.u32 $0xAAAAAAAB, s20;
	s0 =	simm.s32 $0x1  }
0x87: {  	s0 =	simm.s32 @!p0 $0x0  }
0x88: {  	s22 =	sshrl.u32 s22, $0x1;
	s0 =	smul.u32 $0x7D00, s0  }
0x89: {  	s22 =	smul.u32 $0xFFFE8900, s22;
	v4 =	vshift.insert v4, v1, s21  }
0x8a: {  	s0 =	sshrl.u32 s0, $0x2  }
0x8b: {  	s22 =	sshra.s32 s22, $0x2;
	s30 =	sadd.s32 $0x9D40, s0;
	[tilespmem:s2+$0x10] =	vst.msk $0x1, v4  }
0x8c: {  	s22 =	sadd.s32 s22, s19;
	v6 =	vld [tilespmem:s30+$0x0]  }
0x8d: {  	v7 =	vld [tilespmem:s22+$0x0];
	_ =	sdelay $0x3  }
0x8e: {  	v5 =	vadd.f32 v6, v5  }
0x8f: {  	vm4 =	vne.s32 v7, $0xFFFFFFFF  }
0x90: {  	(xrf2) =	vadd.seg.scan.f32 vm4, v5;
	_ =	sdelay $0x3  }
0x91: {  	s31 =	sadd.s32 $0x5EC0, s0;
	v5 =	vperm.xlane v4, v1  }
0x92: {  	v6 =	vld [tilespmem:s31+$0x0]  }
0x93: {  	vm5 =	veq.s32 v7, v3;
	vm6 =	veq.s32 v7, v5  }
0x94: {  	vm7 =	vgt.u32 v7, $0xFFFFFFFD;
	vm6 =	vmor vm6, vm5  }
0x95: {  	vm6 =	vmor vm6, vm7  }
0x96: {  	v9 =	vld [tilespmem:$0xA0];
	v7 =	vsel vm6, $0xFFFFFFFF, v7  }
0x97: {  	v10 =	vld [tilespmem:$0x90];
	v6 =	vsel vm5, $0x0, v6;
	v8, _, _ =	vpop (xrf2)  }
0x98: {  	v6 =	vadd.f32 v8, v6  }
0x99: {  	s0 =	sadd.s32 $0xDBC0, s0  }
0x9a: {  	vm4 =	vmand vm4, vm3;
	[tilespmem:s0+$0x0] =	vst v6;
	(ifvalue) =	ssetifvalue $0xFFFFFFFF  }
0x9b: {  	vm6 =	veq.s32 v9, $0x1;
	[hbm4b:s1+s16] =	stream.indirect_vreg.scatter [tilespmem:s0], [sflag:$0x2], $0x1, v7, vm0, $0x4038;
	v7 =	vsel vm4, $0x0, v8;
	[tilespmem:$0x11A60] =	vst v63  }
0x9c: {  	s2 =	simm.s32 $0x0;
	s22 =	sadd.s32 $0x10, s22;
	vm4 =	vmor vm6, vm5;
	v6 =	vsel vm5, v8, v10;
	v7 =	vshift.insert v7, v0, s21  }
.LBB2_7:
0x9d: {  	v8 =	vld [tilespmem:s22+$0x0];
	s30 =	sadd.s32 $0x10, s30  }
0x9e: {  	s31 =	sadd.s32 $0x10, s31;
	v9 =	vld [tilespmem:s30+$0x0]  }
0x9f: {  	s2 =	sadd.s32 $0x10, s2;
	v10 =	vld [tilespmem:s31+$0x0]  }
0xa0: {  	p2 =	slt.u32 s2, $0x1F30;
	_ =	sdelay $0x2  }
0xa1: {  	v7 =	vadd.f32 v9, v7  }
0xa2: {  	vm5 =	vne.s32 v8, $0xFFFFFFFF  }
0xa3: {  	vm6 =	vmand vm5, vm3;
	(xrf2) =	vadd.seg.scan.f32 vm5, v7;
	_ =	sdelay $0x5  }
0xa4: {  	vm7 =	veq.s32 v8, v5;
	vm5 =	veq.s32 v8, v3  }
0xa5: {  	vm8 =	vgt.u32 v8, $0xFFFFFFFD;
	vm4 =	vmor vm4, vm5;
	vm7 =	vmor vm7, vm5  }
0xa6: {  	vm7 =	vmor vm7, vm8  }
0xa7: {  	v8 =	vsel vm7, $0xFFFFFFFF, v8  }
.Ltmp5:
0xa8: {  	v7 =	vsel vm5, $0x0, v10;
	v9, _, _ =	vpop (xrf2);
	(pc) =	sbr.rel @p2 .LBB2_7-.Ltmp5, $4  }
0xa9: {  	v6 =	vsel vm5, v9, v6;
	v10 =	vadd.f32 v9, v7;
	v7 =	vsel vm6, $0x0, v9  }
0xaa: {  	s0 =	sadd.s32 $0x10, s0;
	v7 =	vshift.insert v7, v0, s21  }
0xab: {  	s22 =	sadd.s32 $0x10, s22;
	[tilespmem:s0+$0x0] =	vst v10;
	(ifvalue) =	ssetifvalue $0xFFFFFFFF  }
0xac: {  	[hbm4b:s1+s16] =	stream.indirect_vreg.scatter [tilespmem:s0], [sflag:$0x2], $0x1, v8, vm0, $0x4038;
	[tilespmem:$0x11A60] =	vst v63  }
0xad: {  	v3 =	vld [tilespmem:s29+$0xFAF0];
	_ =	sdelay $0x4  }
0xae: {  	v3 =	vshift.insert v3, v0, s21  }
0xaf: {  	s0 =	simm.s32 $0x30  }
0xb0: {  	[tilespmem:s0+$0x0] =	vst.msk $0x1, v3  }
0xb1: {  	v3 =	vsel vm4, $0x1, v1;
	[tilespmem:$0x90] =	vst v6  }
0xb2: {  	s0 =	sadd.s32 @!p1 $0xFAFF, s29;
	[tilespmem:$0xA0] =	vst v3  }
0xb3: {  	[spmem:s15] =	stream.linear.scatter @!p1 [tilespmem:s0], [sflag:$0x1], $0x1, $0x38;
	[tilespmem:$0x11A60] =	vst v63  }
0xb4: {  	s0 =	simm.s32 @!p1 $0x1  }
0xb5: {  	v3 =	vmctz.xlane @!p1 vm4;
	_ =	swait.ge @!p1 [sflag:s0], $0x1  }
0xb6: {  	(v2sf) =	vpush @!p1 v4, $0x0  }
0xb7: {  	(v2sf) =	vpush @!p1 v3, $0x0;
	_ =	sdelay $0xd  }
0xb8: {  	s2 =	spop @!p1 (v2sf)  }
0xb9: {  	s22 =	spop @!p1 (v2sf)  }
0xba: {  	p2 =	sne.s32 @!p1 s28, s2;
	p3 =	slt.s32 @!p1 s22, $0xF  }
0xbb: {  	[sflag:s0] =	ssyncset.done @!p1 $0x0;
	p2 =	por p2, p1;
	p3 =	por !p3, p1  }
0xbc: {  	[sflag:s0] =	ssyncadd.s32 @!p1 $0xFFFFFFFF;
	v3 =	vimm.s32 @!p2 $0xFFFFFFFF;
	s22 =	simm.s32 @p3 $0xF  }
0xbd: {  	[tilespmem:$0x80] =	vst @!p2 v3;
	s2 =	sadd.s32 @!p1 $0x90, s22  }
0xbe: {  	[spmem:s3] =	stream.linear.scatter @!p1 [tilespmem:s2], [sflag:$0x1], $0x1, $0x38;
	[tilespmem:$0x11A60] =	vst v63  }
0xbf: {  	_ =	swait.ge @!p1 [sflag:s0], $0x1  }
0xc0: {  	[sflag:s0] =	ssyncset.done @!p1 $0x0  }
0xc1: {  	s2 =	simm.s32 @!p1 $0x80;
	[sflag:s0] =	ssyncadd.s32 @!p1 $0xFFFFFFFF  }
0xc2: {  	[spmem:s13] =	stream.linear.scatter @!p1 [tilespmem:s2], [sflag:$0x1], $0x1, $0x38;
	[tilespmem:$0x11A60] =	vst v63  }
0xc3: {  	_ =	swait.ge @!p1 [sflag:s0], $0x1  }
0xc4: {  	[sflag:s0] =	ssyncset.done @!p1 $0x0  }
0xc5: {  	[sflag:s0] =	ssyncadd.s32 @!p1 $0xFFFFFFFF;
	(ifvalue) =	ssetifvalue $0xFFFFFFFF;
	v3 =	vld [tilespmem:s25+$0x10];
	_ =	sdelay $0x3  }
.Ltmp6:
0xc6: {  	_ = 	snop;
	(pc) =	sbr.rel .LBB2_9-.Ltmp6, $3  }
0xc7: {  	_ =	sdelay $0x1  }
0xc8: {  	(ifvalue) =	ssetifvalue $0xFFFFFFFF  }
0xc9: {  	[hbm4b:s1+s16] =	stream.indirect_vreg.scatter [tilespmem:s26], [sflag:$0x9], $0x1, v3, vm0, $0x4038;
	[tilespmem:$0x11A60] =	vst v63  }
.LBB2_10:
0xca: {  	_ =	sfence.sel $0x180000  }
0xcb: {  	s0 =	simm.s32 $0x7;
	[bflag:$0x0] =	sbarrier.arrive $0xFFFF  }
0xcc: {  	s26 =	simm.s32 $0x8;
	[sflag:s0] =	ssyncpa.u1 $0x1  }
0xcd: {  	s28 =	simm.s32 $0x9;
	[sflag:s26] =	ssyncpa.u1 $0x1  }
0xce: {  	[sflag:s28] =	ssyncpa.u1 $0x1  }
0xcf: {  	_ =	sfence.stream.spmem  }
0xd0: {  	s29 =	simm.s32 $0x3;
	[bflag:$0x0] =	sbarrier.arrive $0xFFFF  }
0xd1: {  	s30 =	simm.s32 $0x4;
	[sflag:s29] =	ssyncpa.u1 $0x1  }
0xd2: {  	s31 =	simm.s32 $0x3C;
	s2 =	stileid.u32;
	[sflag:s30] =	ssyncpa.u1 $0x1  }
0xd3: {  	p0 =	sne.s32 s2, $0x0;
	[sflag:s31] =	ssyncpa.u1 $0x1  }
0xd4: {  	s0 =	simm.s32 @p0 $0x1;
	_ =	sfence @p0  }
0xd5: {  	[sflag:s0] =	ssyncpa.u1 @p0 $0x1;
	s0 =	simm.s32 @p0 $0x2  }
0xd6: {  	[sflag:s0] =	ssyncpa.u1 @p0 $0x1  }
0xd7: {  	_ =	strace @p0 $0x90000053  }
0xd8: {  	[bflag:$0x2] =	sbarrier.arrive @p0 $0xFFFF  }
0xd9: {  	_ =	shalt @p0  }
.LBB2_11:
0xda: {  	_ =	sfence.stream.spmem;
	s0 =	simm.s32 $0x5  }
0xdb: {  	s2 =	simm.s32 $0x80;
	s3 =	simm.s32 $0xC0;
	[sflag:s0] =	ssyncpa.u1 $0x0  }
0xdc: {  	[tilespmem:s3], [sflag:$0x5] =	stream.linear.gather [spmem:s2], $0x20, $0x38;
	[tilespmem:$0x11A60] =	vst v63  }
0xdd: {  	s2 =	simm.s32 $0x0;
	s3 =	simm.s32 $0xE0  }
0xde: {  	[tilespmem:s3], [sflag:$0x5] =	stream.linear.gather [spmem:s2], $0x20, $0x38;
	[tilespmem:$0x11A60] =	vst v63  }
.Ltmp7:
0xdf: {  	_ = 	snop;
	(pc) =	sbr.rel .LBB2_12-.Ltmp7, $4  }
0xe0: {  	_ =	swait.ge [sflag:s0], $0x40  }
0xe1: {  	[sflag:s0] =	ssyncset.done $0x0  }
0xe2: {  	s31 =	simm.s32 $0x6;
	[sflag:s0] =	ssyncadd.s32 $0xFFFFFFC0  }
0xe3: {  	s4 =	simm.s32 $0x0;
	[sflag:s31] =	ssyncpa.u1 $0x0  }
.LBB2_17:
0xe4: {  	p0 =	sgt.u32 s5, $0x27FF  }
0xe5: {  	s0 =	sshrl.u32 @!p0 s5, $0x3  }
0xe6: {  	s5 =	sand.u32 @!p0 $0x7, s5;
	s6 =	simm.s32 @!p0 $0xB0;
	s0 =	sadd.s32 @!p0 s1, s0  }
0xe7: {  	[tilespmem:s6], [sflag:$0x6] =	stream.linear.gather @!p0 [hbm4b:s0+s5], $0x1, $0x38;
	[tilespmem:$0x11A60] =	vst v63  }
0xe8: {  	s0 =	simm.s32 @!p0 $0x6  }
0xe9: {  	_ =	swait.ge @!p0 [sflag:s0], $0x1  }
0xea: {  	[sflag:s0] =	ssyncset.done @!p0 $0x0  }
0xeb: {  	[sflag:s0] =	ssyncadd.s32 @!p0 $0xFFFFFFFF  }
0xec: {  	v2 =	vmov @!p0 s4;
	v1 =	vld.msk @!p0 [tilespmem:$0xB0], $0x1;
	_ =	sdelay $0x3  }
0xed: {  	s0 =	simm.s32 @!p0 $0xE0  }
0xee: {  	[tilespmem:v2+s0+$0x0], v1 =	vst.idx.ret.add.f32.msk @!p0 $0x1, v1  }
0xef: {  	[tilespmem:s2+$0xC0] =	vst.msk $0x1, v0  }
0xf0: {  	v0 =	vld.msk [tilespmem:s4+$0xE0], $0x1;
	_ =	sdelay $0x4  }
0xf1: {  	[tilespmem:s2+$0xE0] =	vst.msk $0x1, v0;
	s2 =	sadd.s32 $0x1, s2  }
.LBB2_19:
0xf2: {  	s4 =	sadd.s32 $0x1, s4  }
0xf3: {  	p0 =	sne.s32 s4, $0x20  }
.Ltmp8:
0xf4: {  	_ = 	snop;
	(pc) =	sbr.rel @!p0 .LBB2_20-.Ltmp8, $1  }
0xf5: {  	_ =	sdelay $0x3  }
.LBB2_12:
0xf6: {  	v0 =	vld.msk [tilespmem:s4+$0xC0], $0x1;
	_ =	sdelay $0x4  }
0xf7: {  	(v2sf) =	vpush v0, $0x0;
	_ =	sdelay $0xe  }
0xf8: {  	s5 =	spop (v2sf)  }
0xf9: {  	p0 =	seq.s32 s5, $0xFFFFFFFF  }
.Ltmp9:
0xfa: {  	_ = 	snop;
	(pc) =	sbr.rel @p0 .LBB2_19-.Ltmp9, $1  }
0xfb: {  	_ =	sdelay $0x3  }
0xfc: {  	p0 =	slt.s32 s2, $0x1  }
.Ltmp10:
0xfd: {  	_ = 	snop;
	(pc) =	sbr.rel @p0 .LBB2_17-.Ltmp10, $1  }
0xfe: {  	_ =	sdelay $0x3  }
0xff: {  	s0 =	simm.s32 $0xC0;
	p0 =	por $0x0, $0x0  }
0x100: {  	v1 =	vld.msk @!p0 [tilespmem:s0+$0x0], $0x1;
	_ =	sdelay $0x4  }
0x101: {  	(v2sf) =	vpush @!p0 v1, $0x0;
	_ =	sdelay $0xd  }
0x102: {  	p2 =	sne.s32 s2, $0x1  }
.Ltmp11:
0x103: {  	s6 =	spop @!p0 (v2sf);
	(pc) =	sbr.rel @!p2 .LBB2_16-.Ltmp11, $4  }
0x104: {  	p1 =	seq.s32 @!p0 s5, s6  }
0x105: {  	s6 =	simm.s32 $0x0;
	p1 =	por !p1, p0  }
0x106: {  	s8 =	simm.s32 $0xFFFFFFFF;
	s6 =	simm.s32 @p1 $0xFFFFFFFF  }
0x107: {  	s7 =	simm.s32 $0x1;
	s6 =	smov.u32 @p0 s8  }
.LBB2_15:
0x108: {  	s8 =	smov.u32 s6;
	p0 =	sne.s32 s6, $0xFFFFFFFF  }
0x109: {  	s0 =	sadd.s32 $0x1, s0;
	s6 =	smov.u32 s7;
	s7 =	sadd.s32 $0x1, s7  }
0x10a: {  	p1 =	sne.s32 s2, s7;
	v1 =	vld.msk @!p0 [tilespmem:s0+$0x0], $0x1;
	_ =	sdelay $0x4  }
0x10b: {  	(v2sf) =	vpush @!p0 v1, $0x0;
	_ =	sdelay $0xe  }
.Ltmp12:
0x10c: {  	s9 =	spop @!p0 (v2sf);
	(pc) =	sbr.rel @p1 .LBB2_15-.Ltmp12, $4  }
0x10d: {  	p2 =	seq.s32 @!p0 s5, s9  }
0x10e: {  	p2 =	por !p2, p0  }
0x10f: {  	s6 =	simm.s32 @p2 $0xFFFFFFFF  }
0x110: {  	s6 =	smov.u32 @p0 s8  }
.LBB2_16:
0x111: {  	p0 =	sne.s32 s6, $0xFFFFFFFF  }
.Ltmp13:
0x112: {  	_ = 	snop;
	(pc) =	sbr.rel @!p0 .LBB2_17-.Ltmp13, $1  }
0x113: {  	_ =	sdelay $0x3  }
0x114: {  	v0 =	vld.msk [tilespmem:s4+$0xE0], $0x1;
	v1 =	vmov s6  }
.Ltmp14:
0x115: {  	_ = 	snop;
	(pc) =	sbr.rel .LBB2_19-.Ltmp14, $2  }
0x116: {  	_ =	sdelay $0x2  }
0x117: {  	[tilespmem:v1+s3+$0x0], v0 =	vst.idx.ret.add.f32.msk $0x1, v0  }
.LBB2_20:
0x118: {  	p0 =	slt.s32 s2, $0x1  }
.Ltmp15:
0x119: {  	_ = 	snop;
	(pc) =	sbr.rel @p0 .LBB2_24-.Ltmp15, $3  }
0x11a: {  	_ =	sdelay $0x1  }
0x11b: {  	s0 =	simm.s32 $0x6  }
0x11c: {  	s3 =	simm.s32 $0x0;
	[sflag:s0] =	ssyncpa.u1 $0x1  }
0x11d: {  	s0 =	simm.s32 $0xC0  }
0x11e: {  	v0 =	vld.msk [tilespmem:s0+$0x0], $0x1;
	_ =	sdelay $0x4  }
0x11f: {  	(v2sf) =	vpush v0, $0x0;
	_ =	sdelay $0xe  }
0x120: {  	s2 =	sadd.s32 $0xFFFFFFFF, s2;
	s4 =	spop (v2sf)  }
0x121: {  	p1 =	sne.s32 s2, $0x0;
	p0 =	sgt.u32 s4, $0x27FF  }
.Ltmp16:
0x122: {  	s5 =	sshrl.u32 @!p0 s4, $0x3;
	(pc) =	sbr.rel @!p1 .LBB2_23-.Ltmp16, $4  }
0x123: {  	s0 =	simm.s32 $0xE0;
	s4 =	sand.u32 @!p0 $0x7, s4;
	s5 =	sadd.s32 @!p0 s1, s5  }
0x124: {  	[hbm4b:s5+s4] =	stream.linear.scatter @!p0 [tilespmem:s0], [sflag:$0x5], $0x1, $0x38;
	[tilespmem:$0x11A60] =	vst v63  }
0x125: {  	s5 =	simm.s32 $0x0  }
0x126: {  	s4 =	simm.s32 $0xC1;
	s5 =	simm.s32 @!p0 $0x4  }
.LBB2_22:
0x127: {  	v0 =	vld.msk [tilespmem:s4+$0x0], $0x1;
	s2 =	sadd.s32 $0xFFFFFFFF, s2;
	s3 =	sadd.s32 s3, s5  }
0x128: {  	p0 =	sne.s32 s2, $0x0;
	_ =	sdelay $0x3  }
0x129: {  	(v2sf) =	vpush v0, $0x0;
	_ =	sdelay $0xe  }
.Ltmp17:
0x12a: {  	s6 =	spop (v2sf);
	(pc) =	sbr.rel @p0 .LBB2_22-.Ltmp17, $4  }
0x12b: {  	s5 =	simm.s32 $0x0;
	p1 =	sgt.u32 s6, $0x27FF  }
0x12c: {  	s0 =	sadd.s32 $0x1, s0;
	s5 =	simm.s32 @!p1 $0x4;
	s7 =	sshrl.u32 @!p1 s6, $0x3  }
0x12d: {  	s4 =	sadd.s32 $0x1, s4;
	s6 =	sand.u32 @!p1 $0x7, s6;
	s7 =	sadd.s32 @!p1 s1, s7  }
0x12e: {  	[hbm4b:s7+s6] =	stream.linear.scatter @!p1 [tilespmem:s0], [sflag:$0x5], $0x1, $0x38;
	[tilespmem:$0x11A60] =	vst v63  }
.LBB2_23:
0x12f: {  	s0 =	sadd.s32 s3, s5  }
0x130: {  	s3 =	sshrl.u32 s0, $0x2  }
.LBB2_24:
0x131: {  	s0 =	simm.s32 $0x5  }
0x132: {  	_ =	swait.ge [sflag:s0], s3  }
0x133: {  	s1 =	ssub.s32 $0x0, s3;
	[sflag:s0] =	ssyncset.done $0x0  }
0x134: {  	[sflag:s0] =	ssyncadd.s32 s1  }
0x135: {  	[sflag:s0] =	ssyncpa.u1 $0x1  }
0x136: {  	s29 =	simm.s32 $0x1;
	_ =	sfence  }
0x137: {  	s30 =	simm.s32 $0x2;
	[sflag:s29] =	ssyncpa.u1 $0x1  }
0x138: {  	[sflag:s30] =	ssyncpa.u1 $0x1  }
0x139: {  	_ =	strace $0x90000053  }
0x13a: {  	[bflag:$0x2] =	sbarrier.arrive $0xFFFF  }
0x13b: {  	s31 =	rddreg [dreg:$0x1]  }
0x13c: {  	s0 =	sadd.s32 $0x100000, s31  }
0x13d: {  	[sflag:s0] =	ssyncadd.tile.s32 $0x1;
	_ =	shalt  }
.Lfunc_end2:
_tile_overlayer_lowered:
.L_overlay_start_2:
0x13e: {  	(tag) =	ssettag $0x2  }
0x13f: {  	s0 =	rddreg [dreg:$0x0];
	s2 =	stileid.u32  }
0x140: {  	s1 =	rddreg [dreg:$0x1];
	p0 =	sne.s32 s2, $0x0  }
0x141: {  	s3 =	rddreg [dreg:$0x2];
	[bflag:$0x3] =	sbarrier.arrive $0xFFFF;
	s2 =	simm.s32 @!p0 $0x1C01  }
0x142: {  	[timem:s3], [sflag:s2] =	dma.local @!p0 [hbm:s0], s1  }
0x143: {  	s0 =	simm.s32 @!p0 $0x1  }
0x144: {  	_ =	swait.ge @!p0 [sflag:s0], s1  }
0x145: {  	s1 =	ssub.s32 @!p0 $0x0, s1;
	[sflag:s0] =	ssyncset.done @!p0 $0x0  }
0x146: {  	[sflag:s0] =	ssyncadd.s32 @!p0 s1  }
0x147: {  	[bflag:$0x3] =	sbarrier.arrive $0xFFFF  }
0x148: {  	_ =	shalt  }

</sc_bundles>
